<compile_context>
chip_gen: v7x
topology: tpu7x:2x2x1
jax: 0.10.2.dev20260603
libtpu: 0.0.44.dev20260713+nightly
codegen_flags: <defaults>
</compile_context>

<pallas_src>
import functools
import jax
import jax.numpy as jnp
from jax import lax
from jax.experimental import pallas as pl
from jax.experimental.pallas import tpu as pltpu
from jax.experimental.pallas import tpu_sc as plsc

EPS = 1e-06
CHI2 = 9.0
DIST_SCALE = 3.0


def _normalize_rows(x, eps=EPS):
    n = jnp.linalg.norm(x, axis=1, keepdims=True)
    return x / jnp.maximum(n, eps)


def _skew_rows(k):
    kx, ky, kz = k[:, 0], k[:, 1], k[:, 2]
    O = jnp.zeros_like(kx)
    row0 = jnp.stack([O, -kz, ky], axis=1)
    row1 = jnp.stack([kz, O, -kx], axis=1)
    row2 = jnp.stack([-ky, kx, O], axis=1)
    return jnp.stack([row0, row1, row2], axis=1)


def _align_rotation(g_src, g_tgt, eps=EPS):
    u = _normalize_rows(g_src, eps)
    v = _normalize_rows(g_tgt, eps)
    axis = jnp.cross(u, v)
    axis_norm = jnp.linalg.norm(axis, axis=1, keepdims=True)
    dot = jnp.clip(jnp.sum(u * v, axis=1, keepdims=True), -1.0, 1.0)
    parallel = axis_norm < 1e-06
    k = axis / (axis_norm + eps)
    theta = jnp.arccos(dot)
    sin_t = jnp.sin(theta)
    cos_t = jnp.cos(theta)
    K = _skew_rows(k)
    I = jnp.eye(3, dtype=g_src.dtype)[None]
    R = I + sin_t[:, :, None] * K + (1.0 - cos_t)[:, :, None] * (K @ K)
    antipar = parallel & (dot < 0.0)
    B = u.shape[0]
    ex = jnp.tile(jnp.array([1.0, 0.0, 0.0], dtype=u.dtype)[None, :], (B, 1))
    ey = jnp.tile(jnp.array([0.0, 1.0, 0.0], dtype=u.dtype)[None, :], (B, 1))
    use_ex = jnp.abs(u[:, 0:1]) < 0.9
    basis = jnp.where(use_ex, ex, ey)
    axis2 = _normalize_rows(jnp.cross(u, basis), eps)
    K2 = _skew_rows(axis2)
    R_anti = I + 2.0 * (K2 @ K2)
    R = jnp.where(antipar[:, :, None], R_anti, R)
    R = jnp.where((parallel & (dot > 0.0))[:, :, None], I, R)
    return R


def _ght_tc_kernel(src_ref, tgt_ref, srcn_ref, tgtn_ref,
                   r9_ref, c3_ref, gq_ref, xxr_ref,
                   idxp_ref, idxq_ref, incp_ref, incq_ref,
                   geomp_ref, geomq_ref, *, n):
    f32 = jnp.float32
    bf16 = jnp.bfloat16
    N = n

    R3 = jnp.concatenate(
        [jnp.concatenate([jnp.full((1, 1), r9_ref[0, 0, 3 * i + j], f32)
                          for j in range(3)], axis=1) for i in range(3)],
        axis=0)
    R3_bf = R3.astype(bf16)
    c = jnp.concatenate([jnp.full((1, 1), c3_ref[0, 0, i], f32)
                         for i in range(3)], axis=0)
    gqx, gqy, gqz = gq_ref[0, 0, 0], gq_ref[0, 0, 1], gq_ref[0, 0, 2]

    mmdims = (((1,), (0,)), ((), ()))
    cdims = (((0,), (0,)), ((), ()))

    src3 = src_ref[0]
    tgt3 = tgt_ref[0]
    src_rot = lax.dot_general(R3_bf, src3.astype(bf16), mmdims,
                              preferred_element_type=f32)
    si3 = src_rot + c

    mm = lax.dot_general(si3.astype(bf16), tgt3.astype(bf16), cdims,
                         preferred_element_type=f32)
    inner = -2.0 * mm
    t0, t1, t2 = tgt3[0:1, :], tgt3[1:2, :], tgt3[2:3, :]
    xx_row = xxr_ref[0]
    yy_row = t0 * t0 + t1 * t1 + t2 * t2
    dist = (jnp.transpose(xx_row) + inner) + yy_row

    iota0 = lax.broadcasted_iota(jnp.int32, (N, N), 0)
    iota1 = lax.broadcasted_iota(jnp.int32, (N, N), 1)
    BIGI = jnp.int32(N)

    minp_col = jnp.min(dist, axis=1, keepdims=True)
    idxp_col = jnp.min(jnp.where(dist == minp_col, iota1, BIGI), axis=1,
                       keepdims=True)
    minq_row = jnp.min(dist, axis=0, keepdims=True)
    idxq_row = jnp.min(jnp.where(dist == minq_row, iota0, BIGI), axis=0,
                       keepdims=True)

    tn3 = tgtn_ref[0]
    sn3 = srcn_ref[0]
    snr3 = lax.dot_general(R3_bf, sn3.astype(bf16), mmdims,
                           preferred_element_type=f32)
    inc_p_row = (snr3[0:1, :] * gqx + snr3[1:2, :] * gqy + snr3[2:3, :] * gqz)
    inc_q_row = (tn3[0:1, :] * gqx + tn3[1:2, :] * gqy + tn3[2:3, :] * gqz)

    minp_row = jnp.transpose(minp_col)
    nnp_row = jnp.sqrt(jnp.maximum(minp_row, 0.0) + EPS)
    nnq_row = jnp.sqrt(jnp.maximum(minq_row, 0.0) + EPS)

    K_RANK = (N - 1) // 2 + 1
    C = N // 128

    def rank_select(m_row):
        u = lax.bitcast_convert_type(m_row, jnp.int32).reshape(C, 128)
        res = jnp.int32(0)
        for bit in range(30, -1, -1):
            trial = res | jnp.int32(1 << bit)
            cnt = jnp.sum((u >= trial).astype(jnp.int32))
            res = jnp.where(cnt >= N - K_RANK + 1, trial, res)
        return lax.bitcast_convert_type(res, f32)

    mp_row = jnp.maximum(minp_row, 0.0) + EPS
    mq_row = jnp.maximum(minq_row, 0.0) + EPS
    med_p = jnp.sqrt(rank_select(mp_row))
    med_q = jnp.sqrt(rank_select(mq_row))

    geom_p = (nnp_row <= DIST_SCALE * med_p).astype(f32)
    geom_q = (nnq_row <= DIST_SCALE * med_q).astype(f32)

    b = pl.program_id(0)
    off = (b * N).astype(jnp.int32)
    idxp_ref[0, :, :] = jnp.transpose(idxp_col) + off
    idxq_ref[0, :, :] = idxq_row + off
    incp_ref[0, :, :] = inc_p_row
    incq_ref[0, :, :] = inc_q_row
    geomp_ref[0, :, :] = geom_p
    geomq_ref[0, :, :] = geom_q


def _make_sc_gate(BN):
    f32 = jnp.float32
    info = plsc.get_sparse_core_info()
    NC, NS, L = info.num_cores, info.num_subcores, info.num_lanes
    NW = NC * NS
    per_w = BN // NW
    CHUNK = 128
    n_chunks = per_w // CHUNK
    mesh = plsc.VectorSubcoreMesh(core_axis_name="c", subcore_axis_name="s")

    @functools.partial(
        pl.kernel, mesh=mesh,
        out_type=[jax.ShapeDtypeStruct((BN,), f32),
                  jax.ShapeDtypeStruct((BN,), f32)],
        scratch_types=[
            pltpu.VMEM((CHUNK,), jnp.int32),
            pltpu.VMEM((CHUNK,), f32),
            pltpu.VMEM((per_w,), f32),
            pltpu.VMEM((per_w,), f32),
            pltpu.VMEM((per_w,), f32),
            pltpu.VMEM((per_w,), f32),
            pltpu.SemaphoreType.DMA,
        ],
    )
    def sc_gate(incp_hbm, incq_hbm, gidxp_hbm, gidxq_hbm,
                geomp_hbm, geomq_hbm, kef_hbm,
                wp_hbm, wq_hbm,
                idx_v, val_v, inc_v, geom_v, kef_v, out_v, sem):
        wid = lax.axis_index("s") * NC + lax.axis_index("c")
        base = wid * per_w
        pltpu.sync_copy(kef_hbm.at[pl.ds(base, per_w)], kef_v)

        def side(table_hbm, gidx_hbm, inc_hbm, geom_hbm, w_hbm):
            pltpu.sync_copy(inc_hbm.at[pl.ds(base, per_w)], inc_v)
            pltpu.sync_copy(geom_hbm.at[pl.ds(base, per_w)], geom_v)
            for ci in range(n_chunks):
                o = ci * CHUNK
                pltpu.sync_copy(gidx_hbm.at[pl.ds(base + o, CHUNK)], idx_v)
                pltpu.async_copy(table_hbm.at[idx_v], val_v, sem).wait()
                for v in range(CHUNK // L):
                    s = v * L
                    inc = inc_v[pl.ds(o + s, L)]
                    ref = val_v[pl.ds(s, L)]
                    kef = kef_v[pl.ds(o + s, L)]
                    geom = geom_v[pl.ds(o + s, L)]
                    d = inc - ref
                    w = geom / (1.0 + jnp.exp(kef * d * d - CHI2))
                    out_v[pl.ds(o + s, L)] = w
            pltpu.sync_copy(out_v, w_hbm.at[pl.ds(base, per_w)])

        side(incq_hbm, gidxp_hbm, incp_hbm, geomp_hbm, wp_hbm)
        side(incp_hbm, gidxq_hbm, incq_hbm, geomq_hbm, wq_hbm)

    return sc_gate


@jax.jit
def kernel(src, tgt, src_n, tgt_n, g_p, k_p, g_q, k_q):
    B, _, N = src.shape
    f32 = jnp.float32

    Rg = _align_rotation(g_p, g_q)
    src_rot_o = jnp.matmul(Rg, src)
    t_center = (jnp.mean(tgt, axis=2, keepdims=True)
                - jnp.mean(src_rot_o, axis=2, keepdims=True))
    src_init_o = src_rot_o + t_center
    xx_o = jnp.sum(src_init_o ** 2, axis=1, keepdims=True)
    k_eff = k_p * k_q / (k_p + k_q + EPS)

    vec_spec = pl.BlockSpec((1, 3, N), lambda b: (b, 0, 0))
    row_spec = pl.BlockSpec((1, 1, N), lambda b: (b, 0, 0))
    smem9 = pl.BlockSpec((1, 1, 9), lambda b: (b, 0, 0), memory_space=pltpu.SMEM)
    smem3 = pl.BlockSpec((1, 1, 3), lambda b: (b, 0, 0), memory_space=pltpu.SMEM)

    outs = pl.pallas_call(
        functools.partial(_ght_tc_kernel, n=N),
        grid=(B,),
        in_specs=[vec_spec, vec_spec, vec_spec, vec_spec,
                  smem9, smem3, smem3, row_spec],
        out_specs=[row_spec] * 6,
        out_shape=[jax.ShapeDtypeStruct((B, 1, N), jnp.int32),
                   jax.ShapeDtypeStruct((B, 1, N), jnp.int32),
                   jax.ShapeDtypeStruct((B, 1, N), f32),
                   jax.ShapeDtypeStruct((B, 1, N), f32),
                   jax.ShapeDtypeStruct((B, 1, N), f32),
                   jax.ShapeDtypeStruct((B, 1, N), f32)],
        compiler_params=pltpu.CompilerParams(
            dimension_semantics=("arbitrary",),
        ),
    )(src, tgt, src_n, tgt_n,
      Rg.reshape(B, 1, 9), t_center.reshape(B, 1, 3),
      g_q.reshape(B, 1, 3), xx_o)
    gidxp, gidxq, incp, incq, geomp, geomq = outs

    BN = B * N
    kef_flat = jnp.broadcast_to(k_eff.reshape(B, 1), (B, N)).reshape(BN)
    sc_gate = _make_sc_gate(BN)
    wp_flat, wq_flat = sc_gate(
        incp.reshape(BN), incq.reshape(BN),
        gidxp.reshape(BN), gidxq.reshape(BN),
        geomp.reshape(BN), geomq.reshape(BN), kef_flat)
    return (wp_flat.reshape(B, 1, N), wq_flat.reshape(B, 1, N))

# --- scband reference (transcript-rebuilt; emitter-appended) ---
"""Pipeline reference for scband-gravity-hypothesis-tester-63376537419914 (READ-ONLY COPY).

The authoritative reference and input builder live on the scoring server;
editing this copy changes nothing except your own understanding.
"""

import jax, jax.numpy as jnp
import numpy as np

EPS = 1e-06
CHI2 = 9.0
DIST_SCALE = 3.0

def _normalize(x, eps=EPS):
    n = jnp.linalg.norm(x, axis=1, keepdims=True)
    return x / jnp.maximum(n, eps)

def _skew(k):
    kx, ky, kz = k[:, 0], k[:, 1], k[:, 2]
    O = jnp.zeros_like(kx)
    row0 = jnp.stack([O, -kz, ky], axis=1)
    row1 = jnp.stack([kz, O, -kx], axis=1)
    row2 = jnp.stack([-ky, kx, O], axis=1)
    return jnp.stack([row0, row1, row2], axis=1)

def _align(g_src, g_tgt, eps=EPS):
    u = _normalize(g_src, eps)
    v = _normalize(g_tgt, eps)
    axis = jnp.cross(u, v)
    axis_norm = jnp.linalg.norm(axis, axis=1, keepdims=True)
    dot = jnp.clip(jnp.sum(u * v, axis=1, keepdims=True), -1.0, 1.0)
    parallel = axis_norm < 1e-06
    k = axis / (axis_norm + eps)
    theta = jnp.arccos(dot)
    sin_t = jnp.sin(theta)
    cos_t = jnp.cos(theta)
    K = _skew(k)
    I = jnp.eye(3, dtype=g_src.dtype)[None]
    R = I + sin_t[:, :, None] * K + (1.0 - cos_t)[:, :, None] * (K @ K)
    antipar = parallel & (dot < 0.0)
    B = u.shape[0]
    ex = jnp.tile(jnp.array([1.0, 0.0, 0.0], dtype=u.dtype)[None, :], (B, 1))
    ey = jnp.tile(jnp.array([0.0, 1.0, 0.0], dtype=u.dtype)[None, :], (B, 1))
    use_ex = jnp.abs(u[:, 0:1]) < 0.9
    basis = jnp.where(use_ex, ex, ey)
    axis2 = _normalize(jnp.cross(u, basis), eps)
    K2 = _skew(axis2)
    R_anti = I + 2.0 * (K2 @ K2)
    R = jnp.where(antipar[:, :, None], R_anti, R)
    R = jnp.where((parallel & (dot > 0.0))[:, :, None], I, R)
    return R

def setup_inputs(seed: int = 0) -> dict:
    key = jax.random.key(seed)
    ks = jax.random.split(key, 8)
    B, N = 8, 2048
    return {
        'src': jax.random.normal(ks[0], (B, 3, N), dtype=jnp.float32),
        'tgt': jax.random.normal(ks[1], (B, 3, N), dtype=jnp.float32),
        'src_n': jax.random.normal(ks[2], (B, 3, N), dtype=jnp.float32),
        'tgt_n': jax.random.normal(ks[3], (B, 3, N), dtype=jnp.float32),
        'g_p': jax.random.normal(ks[4], (B, 3), dtype=jnp.float32),
        'k_p': jax.random.uniform(ks[5], (B, 1), dtype=jnp.float32),
        'g_q': jax.random.normal(ks[6], (B, 3), dtype=jnp.float32),
        'k_q': jax.random.uniform(ks[7], (B, 1), dtype=jnp.float32),
    }

def reference(src, tgt, src_n, tgt_n, g_p, k_p, g_q, k_q):
    B, _, N = src.shape
    R_g = _align(g_p, g_q)
    src_rot = jnp.matmul(R_g, src)
    src_n_rot = jnp.matmul(R_g, src_n)
    t_center = jnp.mean(tgt, axis=2, keepdims=True) - jnp.mean(src_rot, axis=2, keepdims=True)
    src_init = src_rot + t_center
    inner = -2.0 * jnp.matmul(jnp.transpose(src_init, (0, 2, 1)), tgt)
    xx = jnp.transpose(jnp.sum(src_init ** 2, axis=1, keepdims=True), (0, 2, 1))
    yy = jnp.sum(tgt ** 2, axis=1, keepdims=True)
    dist_pq = xx + inner + yy
    min_pq = jnp.min(dist_pq, axis=2)
    corr_p2q = jnp.argmin(dist_pq, axis=2)
    dist_qp = jnp.transpose(dist_pq, (0, 2, 1))
    min_qp = jnp.min(dist_qp, axis=2)
    corr_q2p = jnp.argmin(dist_qp, axis=2)
    nn_d_p = jnp.sqrt(jnp.maximum(min_pq, 0.0) + EPS)
    nn_d_q = jnp.sqrt(jnp.maximum(min_qp, 0.0) + EPS)
    med_p = jnp.sort(nn_d_p, axis=1)[:, (N - 1) // 2][:, None]
    med_q = jnp.sort(nn_d_q, axis=1)[:, (N - 1) // 2][:, None]
    tau_p = DIST_SCALE * med_p
    tau_q = DIST_SCALE * med_q
    geom_p = (nn_d_p <= tau_p).astype(src.dtype)
    geom_q = (nn_d_q <= tau_q).astype(src.dtype)
    tgt_n_matched_for_p = jnp.take_along_axis(tgt_n, corr_p2q[:, None, :], axis=2)
    src_n_matched_for_q = jnp.take_along_axis(src_n_rot, corr_q2p[:, None, :], axis=2)
    inc_p = jnp.sum(src_n_rot * g_q[:, :, None], axis=1)
    inc_p_ref = jnp.sum(tgt_n_matched_for_p * g_q[:, :, None], axis=1)
    inc_q = jnp.sum(tgt_n * g_q[:, :, None], axis=1)
    inc_q_ref = jnp.sum(src_n_matched_for_q * g_q[:, :, None], axis=1)
    k_eff = k_p * k_q / (k_p + k_q + EPS)
    k_eff = jnp.broadcast_to(k_eff, (B, N))
    w_p = jax.nn.sigmoid(CHI2 - k_eff * (inc_p - inc_p_ref) ** 2) * geom_p
    w_q = jax.nn.sigmoid(CHI2 - k_eff * (inc_q - inc_q_ref) ** 2) * geom_q
    return (w_p[:, None, :], w_q[:, None, :])

if __name__ == "__main__":
    import jax
    _d = setup_inputs()
    print(jax.jit(kernel)(*tuple(_d.values())))

</pallas_src>

<mosaic_0001>
#map = affine_map<(d0, d1) -> (0)>
module attributes {stable_mosaic.version = 14 : i64} {
  func.func @sc_gate(%arg0: i32, %arg1: i32, %arg2: memref<16384xf32, #tpu.memory_space<hbm>>, %arg3: memref<16384xf32, #tpu.memory_space<hbm>>, %arg4: memref<16384xi32, #tpu.memory_space<hbm>>, %arg5: memref<16384xi32, #tpu.memory_space<hbm>>, %arg6: memref<16384xf32, #tpu.memory_space<hbm>>, %arg7: memref<16384xf32, #tpu.memory_space<hbm>>, %arg8: memref<16384xf32, #tpu.memory_space<hbm>>, %arg9: memref<16384xf32, #tpu.memory_space<hbm>>, %arg10: memref<16384xf32, #tpu.memory_space<hbm>>, %arg11: memref<128xi32, #tpu.memory_space<vmem>>, %arg12: memref<128xf32, #tpu.memory_space<vmem>>, %arg13: memref<512xf32, #tpu.memory_space<vmem>>, %arg14: memref<512xf32, #tpu.memory_space<vmem>>, %arg15: memref<512xf32, #tpu.memory_space<vmem>>, %arg16: memref<512xf32, #tpu.memory_space<vmem>>, %arg17: memref<!tpu.dma_semaphore, #tpu.memory_space<semaphore_mem>>) attributes {dimension_semantics = [#tpu.dimension_semantics<core_parallel>, #tpu.dimension_semantics<subcore_parallel>], iteration_bounds = array<i64: 2, 16>, scalar_prefetch = 0 : i64, scratch_operands = 7 : i64, tpu.core_type = #tpu.core_type<sc_vector_subcore>, window_params = [{transform_indices = #map}, {transform_indices = #map}, {transform_indices = #map}, {transform_indices = #map}, {transform_indices = #map}, {transform_indices = #map}, {transform_indices = #map}, {transform_indices = #map}, {transform_indices = #map}]} {
    %mul3A = arith.constant 2 : i32
    %mul3A_0 = arith.muli %arg1, %mul3A : i32
    %add3A = arith.addi %mul3A_0, %arg0 : i32
    %mul3A_1 = arith.constant 512 : i32
    %mul3A_2 = arith.muli %add3A, %mul3A_1 : i32
    "tpu.region"() ({
      %run_scoped3A = tpu.sem_alloc : memref<!tpu.dma_semaphore, #tpu.memory_space<semaphore_mem>>
      %dma_start3A_1772 = tpu.memref_slice %arg8[%mul3A_2] : memref<16384xf32, #tpu.memory_space<hbm>> -> memref<512xf32, #tpu.memory_space<hbm>>
      %dma_start3A_1773 = tpu.memref_slice %arg8[%mul3A_2] : memref<16384xf32, #tpu.memory_space<hbm>> -> memref<512xf32, #tpu.memory_space<hbm>>
      tpu.enqueue_dma source(%dma_start3A_1773 : memref<512xf32, #tpu.memory_space<hbm>>) target(%arg15 : memref<512xf32, #tpu.memory_space<vmem>>) target_semaphore(%run_scoped3A : memref<!tpu.dma_semaphore, #tpu.memory_space<semaphore_mem>>)
      %dma_wait3A_1774 = tpu.memref_slice %arg8[%mul3A_2] : memref<16384xf32, #tpu.memory_space<hbm>> -> memref<512xf32, #tpu.memory_space<hbm>>
      %dma_wait3A_1775 = tpu.memref_slice %arg8[%mul3A_2] : memref<16384xf32, #tpu.memory_space<hbm>> -> memref<512xf32, #tpu.memory_space<hbm>>
      tpu.wait_dma2 semaphore(%run_scoped3A : memref<!tpu.dma_semaphore, #tpu.memory_space<semaphore_mem>>) src(%dma_wait3A_1775 : memref<512xf32, #tpu.memory_space<hbm>>) dst(%arg15 : memref<512xf32, #tpu.memory_space<vmem>>)
      tpu.yield
    }) : () -> ()
    "tpu.region"() ({
      %run_scoped3A = tpu.sem_alloc : memref<!tpu.dma_semaphore, #tpu.memory_space<semaphore_mem>>
      %dma_start3A_1772 = tpu.memref_slice %arg2[%mul3A_2] : memref<16384xf32, #tpu.memory_space<hbm>> -> memref<512xf32, #tpu.memory_space<hbm>>
      %dma_start3A_1773 = tpu.memref_slice %arg2[%mul3A_2] : memref<16384xf32, #tpu.memory_space<hbm>> -> memref<512xf32, #tpu.memory_space<hbm>>
      tpu.enqueue_dma source(%dma_start3A_1773 : memref<512xf32, #tpu.memory_space<hbm>>) target(%arg13 : memref<512xf32, #tpu.memory_space<vmem>>) target_semaphore(%run_scoped3A : memref<!tpu.dma_semaphore, #tpu.memory_space<semaphore_mem>>)
      %dma_wait3A_1774 = tpu.memref_slice %arg2[%mul3A_2] : memref<16384xf32, #tpu.memory_space<hbm>> -> memref<512xf32, #tpu.memory_space<hbm>>
      %dma_wait3A_1775 = tpu.memref_slice %arg2[%mul3A_2] : memref<16384xf32, #tpu.memory_space<hbm>> -> memref<512xf32, #tpu.memory_space<hbm>>
      tpu.wait_dma2 semaphore(%run_scoped3A : memref<!tpu.dma_semaphore, #tpu.memory_space<semaphore_mem>>) src(%dma_wait3A_1775 : memref<512xf32, #tpu.memory_space<hbm>>) dst(%arg13 : memref<512xf32, #tpu.memory_space<vmem>>)
      tpu.yield
    }) : () -> ()
    "tpu.region"() ({
      %run_scoped3A = tpu.sem_alloc : memref<!tpu.dma_semaphore, #tpu.memory_space<semaphore_mem>>
      %dma_start3A_1772 = tpu.memref_slice %arg6[%mul3A_2] : memref<16384xf32, #tpu.memory_space<hbm>> -> memref<512xf32, #tpu.memory_space<hbm>>
      %dma_start3A_1773 = tpu.memref_slice %arg6[%mul3A_2] : memref<16384xf32, #tpu.memory_space<hbm>> -> memref<512xf32, #tpu.memory_space<hbm>>
      tpu.enqueue_dma source(%dma_start3A_1773 : memref<512xf32, #tpu.memory_space<hbm>>) target(%arg14 : memref<512xf32, #tpu.memory_space<vmem>>) target_semaphore(%run_scoped3A : memref<!tpu.dma_semaphore, #tpu.memory_space<semaphore_mem>>)
      %dma_wait3A_1774 = tpu.memref_slice %arg6[%mul3A_2] : memref<16384xf32, #tpu.memory_space<hbm>> -> memref<512xf32, #tpu.memory_space<hbm>>
      %dma_wait3A_1775 = tpu.memref_slice %arg6[%mul3A_2] : memref<16384xf32, #tpu.memory_space<hbm>> -> memref<512xf32, #tpu.memory_space<hbm>>
      tpu.wait_dma2 semaphore(%run_scoped3A : memref<!tpu.dma_semaphore, #tpu.memory_space<semaphore_mem>>) src(%dma_wait3A_1775 : memref<512xf32, #tpu.memory_space<hbm>>) dst(%arg14 : memref<512xf32, #tpu.memory_space<vmem>>)
      tpu.yield
    }) : () -> ()
    %add3A_3 = arith.constant 0 : i32
    %add3A_4 = arith.addi %mul3A_2, %add3A_3 : i32
    "tpu.region"() ({
      %run_scoped3A = tpu.sem_alloc : memref<!tpu.dma_semaphore, #tpu.memory_space<semaphore_mem>>
      %dma_start3A_1772 = tpu.memref_slice %arg4[%add3A_4] : memref<16384xi32, #tpu.memory_space<hbm>> -> memref<128xi32, #tpu.memory_space<hbm>>
      %dma_start3A_1773 = tpu.memref_slice %arg4[%add3A_4] : memref<16384xi32, #tpu.memory_space<hbm>> -> memref<128xi32, #tpu.memory_space<hbm>>
      tpu.enqueue_dma source(%dma_start3A_1773 : memref<128xi32, #tpu.memory_space<hbm>>) target(%arg11 : memref<128xi32, #tpu.memory_space<vmem>>) target_semaphore(%run_scoped3A : memref<!tpu.dma_semaphore, #tpu.memory_space<semaphore_mem>>)
      %dma_wait3A_1774 = tpu.memref_slice %arg4[%add3A_4] : memref<16384xi32, #tpu.memory_space<hbm>> -> memref<128xi32, #tpu.memory_space<hbm>>
      %dma_wait3A_1775 = tpu.memref_slice %arg4[%add3A_4] : memref<16384xi32, #tpu.memory_space<hbm>> -> memref<128xi32, #tpu.memory_space<hbm>>
      tpu.wait_dma2 semaphore(%run_scoped3A : memref<!tpu.dma_semaphore, #tpu.memory_space<semaphore_mem>>) src(%dma_wait3A_1775 : memref<128xi32, #tpu.memory_space<hbm>>) dst(%arg11 : memref<128xi32, #tpu.memory_space<vmem>>)
      tpu.yield
    }) : () -> ()
    %dma_start3A = arith.constant 0 : i32
    %dma_start3A_5 = tpu.memref_slice %arg3[%dma_start3A] : memref<16384xf32, #tpu.memory_space<hbm>> -> memref<16384xf32, #tpu.memory_space<hbm>>
    tpu.enqueue_indirect_dma source(%dma_start3A_5 : memref<16384xf32, #tpu.memory_space<hbm>>) target(%arg12 : memref<128xf32, #tpu.memory_space<vmem>>) offsets(%arg11 : memref<128xi32, #tpu.memory_space<vmem>>) semaphore(%arg17 : memref<!tpu.dma_semaphore, #tpu.memory_space<semaphore_mem>>)
    %dma_wait3A = arith.constant 0 : i32
    %dma_wait3A_6 = tpu.memref_slice %arg3[%dma_wait3A] : memref<16384xf32, #tpu.memory_space<hbm>> -> memref<16384xf32, #tpu.memory_space<hbm>>
    tpu.wait_indirect_dma semaphore(%arg17 : memref<!tpu.dma_semaphore, #tpu.memory_space<semaphore_mem>>) src(%dma_wait3A_6 : memref<16384xf32, #tpu.memory_space<hbm>>) dst(%arg12 : memref<128xf32, #tpu.memory_space<vmem>>)
    %get3A = arith.constant 0 : index
    %get3A_7 = tpu.vector_load %arg13[%get3A] {strides = array<i32>} : memref<512xf32, #tpu.memory_space<vmem>>, vector<16xf32>,
    %get3A_8 = vector.shape_cast %get3A_7 : vector<16xf32> to vector<16xf32>
    %get3A_9 = arith.constant 0 : index
    %get3A_10 = tpu.vector_load %arg12[%get3A_9] {strides = array<i32>} : memref<128xf32, #tpu.memory_space<vmem>>, vector<16xf32>,
    %get3A_11 = vector.shape_cast %get3A_10 : vector<16xf32> to vector<16xf32>
    %get3A_12 = arith.constant 0 : index
    %get3A_13 = tpu.vector_load %arg15[%get3A_12] {strides = array<i32>} : memref<512xf32, #tpu.memory_space<vmem>>, vector<16xf32>,
    %get3A_14 = vector.shape_cast %get3A_13 : vector<16xf32> to vector<16xf32>
    %get3A_15 = arith.constant 0 : index
    %get3A_16 = tpu.vector_load %arg14[%get3A_15] {strides = array<i32>} : memref<512xf32, #tpu.memory_space<vmem>>, vector<16xf32>,
    %get3A_17 = vector.shape_cast %get3A_16 : vector<16xf32> to vector<16xf32>
    %sub3A = arith.subf %get3A_8, %get3A_11 : vector<16xf32>
    %mul3A_18 = arith.mulf %get3A_14, %sub3A : vector<16xf32>
    %mul3A_19 = arith.mulf %mul3A_18, %sub3A : vector<16xf32>
    %sub3A_20 = arith.constant 9.000000e+00 : f32
    %sub3A_21 = vector.broadcast %sub3A_20 : f32 to vector<16xf32>
    %sub3A_22 = arith.subf %mul3A_19, %sub3A_21 : vector<16xf32>
    %exp3A = math.exp %sub3A_22 : vector<16xf32>
    %add3A_23 = arith.constant 1.000000e+00 : f32
    %add3A_24 = vector.broadcast %add3A_23 : f32 to vector<16xf32>
    %add3A_25 = arith.addf %add3A_24, %exp3A : vector<16xf32>
    %div3A = arith.divf %get3A_17, %add3A_25 : vector<16xf32>
    %swap3A = arith.constant 0 : index
    %swap3A_26 = tpu.vector_load %arg16[%swap3A] {strides = array<i32>} : memref<512xf32, #tpu.memory_space<vmem>>, vector<16xf32>,
    %swap3A_27 = vector.shape_cast %swap3A_26 : vector<16xf32> to vector<16xf32>
    %swap3A_28 = vector.shape_cast %div3A : vector<16xf32> to vector<16xf32>
    tpu.vector_store %arg16[%swap3A], %swap3A_28 {strides = array<i32>} : memref<512xf32, #tpu.memory_space<vmem>>, vector<16xf32>,
    %get3A_29 = arith.constant 16 : index
    %get3A_30 = tpu.vector_load %arg13[%get3A_29] {strides = array<i32>} : memref<512xf32, #tpu.memory_space<vmem>>, vector<16xf32>,
    %get3A_31 = vector.shape_cast %get3A_30 : vector<16xf32> to vector<16xf32>
    %get3A_32 = arith.constant 16 : index
    %get3A_33 = tpu.vector_load %arg12[%get3A_32] {strides = array<i32>} : memref<128xf32, #tpu.memory_space<vmem>>, vector<16xf32>,
    %get3A_34 = vector.shape_cast %get3A_33 : vector<16xf32> to vector<16xf32>
    %get3A_35 = arith.constant 16 : index
    %get3A_36 = tpu.vector_load %arg15[%get3A_35] {strides = array<i32>} : memref<512xf32, #tpu.memory_space<vmem>>, vector<16xf32>,
    %get3A_37 = vector.shape_cast %get3A_36 : vector<16xf32> to vector<16xf32>
    %get3A_38 = arith.constant 16 : index
    %get3A_39 = tpu.vector_load %arg14[%get3A_38] {strides = array<i32>} : memref<512xf32, #tpu.memory_space<vmem>>, vector<16xf32>,
    %get3A_40 = vector.shape_cast %get3A_39 : vector<16xf32> to vector<16xf32>
    %sub3A_41 = arith.subf %get3A_31, %get3A_34 : vector<16xf32>
    %mul3A_42 = arith.mulf %get3A_37, %sub3A_41 : vector<16xf32>
    %mul3A_43 = arith.mulf %mul3A_42, %sub3A_41 : vector<16xf32>
    %sub3A_44 = arith.constant 9.000000e+00 : f32
    %sub3A_45 = vector.broadcast %sub3A_44 : f32 to vector<16xf32>
    %sub3A_46 = arith.subf %mul3A_43, %sub3A_45 : vector<16xf32>
    %exp3A_47 = math.exp %sub3A_46 : vector<16xf32>
    %add3A_48 = arith.constant 1.000000e+00 : f32
    %add3A_49 = vector.broadcast %add3A_48 : f32 to vector<16xf32>
    %add3A_50 = arith.addf %add3A_49, %exp3A_47 : vector<16xf32>
    %div3A_51 = arith.divf %get3A_40, %add3A_50 : vector<16xf32>
    %swap3A_52 = arith.constant 16 : index
    %swap3A_53 = tpu.vector_load %arg16[%swap3A_52] {strides = array<i32>} : memref<512xf32, #tpu.memory_space<vmem>>, vector<16xf32>,
    %swap3A_54 = vector.shape_cast %swap3A_53 : vector<16xf32> to vector<16xf32>
    %swap3A_55 = vector.shape_cast %div3A_51 : vector<16xf32> to vector<16xf32>
    tpu.vector_store %arg16[%swap3A_52], %swap3A_55 {strides = array<i32>} : memref<512xf32, #tpu.memory_space<vmem>>, vector<16xf32>,
    %get3A_56 = arith.constant 32 : index
    %get3A_57 = tpu.vector_load %arg13[%get3A_56] {strides = array<i32>} : memref<512xf32, #tpu.memory_space<vmem>>, vector<16xf32>,
    %get3A_58 = vector.shape_cast %get3A_57 : vector<16xf32> to vector<16xf32>
    %get3A_59 = arith.constant 32 : index
    %get3A_60 = tpu.vector_load %arg12[%get3A_59] {strides = array<i32>} : memref<128xf32, #tpu.memory_space<vmem>>, vector<16xf32>,
    %get3A_61 = vector.shape_cast %get3A_60 : vector<16xf32> to vector<16xf32>
    %get3A_62 = arith.constant 32 : index
    %get3A_63 = tpu.vector_load %arg15[%get3A_62] {strides = array<i32>} : memref<512xf32, #tpu.memory_space<vmem>>, vector<16xf32>,
    %get3A_64 = vector.shape_cast %get3A_63 : vector<16xf32> to vector<16xf32>
    %get3A_65 = arith.constant 32 : index
    %get3A_66 = tpu.vector_load %arg14[%get3A_65] {strides = array<i32>} : memref<512xf32, #tpu.memory_space<vmem>>, vector<16xf32>,
    %get3A_67 = vector.shape_cast %get3A_66 : vector<16xf32> to vector<16xf32>
    %sub3A_68 = arith.subf %get3A_58, %get3A_61 : vector<16xf32>
    %mul3A_69 = arith.mulf %get3A_64, %sub3A_68 : vector<16xf32>
    %mul3A_70 = arith.mulf %mul3A_69, %sub3A_68 : vector<16xf32>
    %sub3A_71 = arith.constant 9.000000e+00 : f32
    %sub3A_72 = vector.broadcast %sub3A_71 : f32 to vector<16xf32>
    %sub3A_73 = arith.subf %mul3A_70, %sub3A_72 : vector<16xf32>
    %exp3A_74 = math.exp %sub3A_73 : vector<16xf32>
    %add3A_75 = arith.constant 1.000000e+00 : f32
    %add3A_76 = vector.broadcast %add3A_75 : f32 to vector<16xf32>
    %add3A_77 = arith.addf %add3A_76, %exp3A_74 : vector<16xf32>
    %div3A_78 = arith.divf %get3A_67, %add3A_77 : vector<16xf32>
    %swap3A_79 = arith.constant 32 : index
    %swap3A_80 = tpu.vector_load %arg16[%swap3A_79] {strides = array<i32>} : memref<512xf32, #tpu.memory_space<vmem>>, vector<16xf32>,
    %swap3A_81 = vector.shape_cast %swap3A_80 : vector<16xf32> to vector<16xf32>
    %swap3A_82 = vector.shape_cast %div3A_78 : vector<16xf32> to vector<16xf32>
    tpu.vector_store %arg16[%swap3A_79], %swap3A_82 {strides = array<i32>} : memref<512xf32, #tpu.memory_space<vmem>>, vector<16xf32>,
    %get3A_83 = arith.constant 48 : index
    %get3A_84 = tpu.vector_load %arg13[%get3A_83] {strides = array<i32>} : memref<512xf32, #tpu.memory_space<vmem>>, vector<16xf32>,
    %get3A_85 = vector.shape_cast %get3A_84 : vector<16xf32> to vector<16xf32>
    %get3A_86 = arith.constant 48 : index
    %get3A_87 = tpu.vector_load %arg12[%get3A_86] {strides = array<i32>} : memref<128xf32, #tpu.memory_space<vmem>>, vector<16xf32>,
    %get3A_88 = vector.shape_cast %get3A_87 : vector<16xf32> to vector<16xf32>
    %get3A_89 = arith.constant 48 : index
    %get3A_90 = tpu.vector_load %arg15[%get3A_89] {strides = array<i32>} : memref<512xf32, #tpu.memory_space<vmem>>, vector<16xf32>,
    %get3A_91 = vector.shape_cast %get3A_90 : vector<16xf32> to vector<16xf32>
    %get3A_92 = arith.constant 48 : index
    %get3A_93 = tpu.vector_load %arg14[%get3A_92] {strides = array<i32>} : memref<512xf32, #tpu.memory_space<vmem>>, vector<16xf32>,
    %get3A_94 = vector.shape_cast %get3A_93 : vector<16xf32> to vector<16xf32>
    %sub3A_95 = arith.subf %get3A_85, %get3A_88 : vector<16xf32>
    %mul3A_96 = arith.mulf %get3A_91, %sub3A_95 : vector<16xf32>
    %mul3A_97 = arith.mulf %mul3A_96, %sub3A_95 : vector<16xf32>
    %sub3A_98 = arith.constant 9.000000e+00 : f32
    %sub3A_99 = vector.broadcast %sub3A_98 : f32 to vector<16xf32>
    %sub3A_100 = arith.subf %mul3A_97, %sub3A_99 : vector<16xf32>
    %exp3A_101 = math.exp %sub3A_100 : vector<16xf32>
    %add3A_102 = arith.constant 1.000000e+00 : f32
    %add3A_103 = vector.broadcast %add3A_102 : f32 to vector<16xf32>
    %add3A_104 = arith.addf %add3A_103, %exp3A_101 : vector<16xf32>
    %div3A_105 = arith.divf %get3A_94, %add3A_104 : vector<16xf32>
    %swap3A_106 = arith.constant 48 : index
    %swap3A_107 = tpu.vector_load %arg16[%swap3A_106] {strides = array<i32>} : memref<512xf32, #tpu.memory_space<vmem>>, vector<16xf32>,
    %swap3A_108 = vector.shape_cast %swap3A_107 : vector<16xf32> to vector<16xf32>
    %swap3A_109 = vector.shape_cast %div3A_105 : vector<16xf32> to vector<16xf32>
    tpu.vector_store %arg16[%swap3A_106], %swap3A_109 {strides = array<i32>} : memref<512xf32, #tpu.memory_space<vmem>>, vector<16xf32>,
    %get3A_110 = arith.constant 64 : index
    %get3A_111 = tpu.vector_load %arg13[%get3A_110] {strides = array<i32>} : memref<512xf32, #tpu.memory_space<vmem>>, vector<16xf32>,
    %get3A_112 = vector.shape_cast %get3A_111 : vector<16xf32> to vector<16xf32>
    %get3A_113 = arith.constant 64 : index
    %get3A_114 = tpu.vector_load %arg12[%get3A_113] {strides = array<i32>} : memref<128xf32, #tpu.memory_space<vmem>>, vector<16xf32>,
    %get3A_115 = vector.shape_cast %get3A_114 : vector<16xf32> to vector<16xf32>
    %get3A_116 = arith.constant 64 : index
    %get3A_117 = tpu.vector_load %arg15[%get3A_116] {strides = array<i32>} : memref<512xf32, #tpu.memory_space<vmem>>, vector<16xf32>,
    %get3A_118 = vector.shape_cast %get3A_117 : vector<16xf32> to vector<16xf32>
    %get3A_119 = arith.constant 64 : index
    %get3A_120 = tpu.vector_load %arg14[%get3A_119] {strides = array<i32>} : memref<512xf32, #tpu.memory_space<vmem>>, vector<16xf32>,
    %get3A_121 = vector.shape_cast %get3A_120 : vector<16xf32> to vector<16xf32>
    %sub3A_122 = arith.subf %get3A_112, %get3A_115 : vector<16xf32>
    %mul3A_123 = arith.mulf %get3A_118, %sub3A_122 : vector<16xf32>
    %mul3A_124 = arith.mulf %mul3A_123, %sub3A_122 : vector<16xf32>
    %sub3A_125 = arith.constant 9.000000e+00 : f32
    %sub3A_126 = vector.broadcast %sub3A_125 : f32 to vector<16xf32>
    %sub3A_127 = arith.subf %mul3A_124, %sub3A_126 : vector<16xf32>
    %exp3A_128 = math.exp %sub3A_127 : vector<16xf32>
    %add3A_129 = arith.constant 1.000000e+00 : f32
    %add3A_130 = vector.broadcast %add3A_129 : f32 to vector<16xf32>
    %add3A_131 = arith.addf %add3A_130, %exp3A_128 : vector<16xf32>
    %div3A_132 = arith.divf %get3A_121, %add3A_131 : vector<16xf32>
    %swap3A_133 = arith.constant 64 : index
    %swap3A_134 = tpu.vector_load %arg16[%swap3A_133] {strides = array<i32>} : memref<512xf32, #tpu.memory_space<vmem>>, vector<16xf32>,
    %swap3A_135 = vector.shape_cast %swap3A_134 : vector<16xf32> to vector<16xf32>
    %swap3A_136 = vector.shape_cast %div3A_132 : vector<16xf32> to vector<16xf32>
    tpu.vector_store %arg16[%swap3A_133], %swap3A_136 {strides = array<i32>} : memref<512xf32, #tpu.memory_space<vmem>>, vector<16xf32>,
    %get3A_137 = arith.constant 80 : index
    %get3A_138 = tpu.vector_load %arg13[%get3A_137] {strides = array<i32>} : memref<512xf32, #tpu.memory_space<vmem>>, vector<16xf32>,
    %get3A_139 = vector.shape_cast %get3A_138 : vector<16xf32> to vector<16xf32>
    %get3A_140 = arith.constant 80 : index
    %get3A_141 = tpu.vector_load %arg12[%get3A_140] {strides = array<i32>} : memref<128xf32, #tpu.memory_space<vmem>>, vector<16xf32>,
    %get3A_142 = vector.shape_cast %get3A_141 : vector<16xf32> to vector<16xf32>
    %get3A_143 = arith.constant 80 : index
    %get3A_144 = tpu.vector_load %arg15[%get3A_143] {strides = array<i32>} : memref<512xf32, #tpu.memory_space<vmem>>, vector<16xf32>,
    %get3A_145 = vector.shape_cast %get3A_144 : vector<16xf32> to vector<16xf32>
    %get3A_146 = arith.constant 80 : index
    %get3A_147 = tpu.vector_load %arg14[%get3A_146] {strides = array<i32>} : memref<512xf32, #tpu.memory_space<vmem>>, vector<16xf32>,
    %get3A_148 = vector.shape_cast %get3A_147 : vector<16xf32> to vector<16xf32>
    %sub3A_149 = arith.subf %get3A_139, %get3A_142 : vector<16xf32>
    %mul3A_150 = arith.mulf %get3A_145, %sub3A_149 : vector<16xf32>
    %mul3A_151 = arith.mulf %mul3A_150, %sub3A_149 : vector<16xf32>
    %sub3A_152 = arith.constant 9.000000e+00 : f32
    %sub3A_153 = vector.broadcast %sub3A_152 : f32 to vector<16xf32>
    %sub3A_154 = arith.subf %mul3A_151, %sub3A_153 : vector<16xf32>
    %exp3A_155 = math.exp %sub3A_154 : vector<16xf32>
    %add3A_156 = arith.constant 1.000000e+00 : f32
    %add3A_157 = vector.broadcast %add3A_156 : f32 to vector<16xf32>
    %add3A_158 = arith.addf %add3A_157, %exp3A_155 : vector<16xf32>
    %div3A_159 = arith.divf %get3A_148, %add3A_158 : vector<16xf32>
    %swap3A_160 = arith.constant 80 : index
    %swap3A_161 = tpu.vector_load %arg16[%swap3A_160] {strides = array<i32>} : memref<512xf32, #tpu.memory_space<vmem>>, vector<16xf32>,
    %swap3A_162 = vector.shape_cast %swap3A_161 : vector<16xf32> to vector<16xf32>
    %swap3A_163 = vector.shape_cast %div3A_159 : vector<16xf32> to vector<16xf32>
    tpu.vector_store %arg16[%swap3A_160], %swap3A_163 {strides = array<i32>} : memref<512xf32, #tpu.memory_space<vmem>>, vector<16xf32>,
    %get3A_164 = arith.constant 96 : index
    %get3A_165 = tpu.vector_load %arg13[%get3A_164] {strides = array<i32>} : memref<512xf32, #tpu.memory_space<vmem>>, vector<16xf32>,
    %get3A_166 = vector.shape_cast %get3A_165 : vector<16xf32> to vector<16xf32>
    %get3A_167 = arith.constant 96 : index
    %get3A_168 = tpu.vector_load %arg12[%get3A_167] {strides = array<i32>} : memref<128xf32, #tpu.memory_space<vmem>>, vector<16xf32>,
    %get3A_169 = vector.shape_cast %get3A_168 : vector<16xf32> to vector<16xf32>
    %get3A_170 = arith.constant 96 : index
    %get3A_171 = tpu.vector_load %arg15[%get3A_170] {strides = array<i32>} : memref<512xf32, #tpu.memory_space<vmem>>, vector<16xf32>,
    %get3A_172 = vector.shape_cast %get3A_171 : vector<16xf32> to vector<16xf32>
    %get3A_173 = arith.constant 96 : index
    %get3A_174 = tpu.vector_load %arg14[%get3A_173] {strides = array<i32>} : memref<512xf32, #tpu.memory_space<vmem>>, vector<16xf32>,
    %get3A_175 = vector.shape_cast %get3A_174 : vector<16xf32> to vector<16xf32>
    %sub3A_176 = arith.subf %get3A_166, %get3A_169 : vector<16xf32>
    %mul3A_177 = arith.mulf %get3A_172, %sub3A_176 : vector<16xf32>
    %mul3A_178 = arith.mulf %mul3A_177, %sub3A_176 : vector<16xf32>
    %sub3A_179 = arith.constant 9.000000e+00 : f32
    %sub3A_180 = vector.broadcast %sub3A_179 : f32 to vector<16xf32>
    %sub3A_181 = arith.subf %mul3A_178, %sub3A_180 : vector<16xf32>
    %exp3A_182 = math.exp %sub3A_181 : vector<16xf32>
    %add3A_183 = arith.constant 1.000000e+00 : f32
    %add3A_184 = vector.broadcast %add3A_183 : f32 to vector<16xf32>
    %add3A_185 = arith.addf %add3A_184, %exp3A_182 : vector<16xf32>
    %div3A_186 = arith.divf %get3A_175, %add3A_185 : vector<16xf32>
    %swap3A_187 = arith.constant 96 : index
    %swap3A_188 = tpu.vector_load %arg16[%swap3A_187] {strides = array<i32>} : memref<512xf32, #tpu.memory_space<vmem>>, vector<16xf32>,
    %swap3A_189 = vector.shape_cast %swap3A_188 : vector<16xf32> to vector<16xf32>
    %swap3A_190 = vector.shape_cast %div3A_186 : vector<16xf32> to vector<16xf32>
    tpu.vector_store %arg16[%swap3A_187], %swap3A_190 {strides = array<i32>} : memref<512xf32, #tpu.memory_space<vmem>>, vector<16xf32>,
    %get3A_191 = arith.constant 112 : index
    %get3A_192 = tpu.vector_load %arg13[%get3A_191] {strides = array<i32>} : memref<512xf32, #tpu.memory_space<vmem>>, vector<16xf32>,
    %get3A_193 = vector.shape_cast %get3A_192 : vector<16xf32> to vector<16xf32>
    %get3A_194 = arith.constant 112 : index
    %get3A_195 = tpu.vector_load %arg12[%get3A_194] {strides = array<i32>} : memref<128xf32, #tpu.memory_space<vmem>>, vector<16xf32>,
    %get3A_196 = vector.shape_cast %get3A_195 : vector<16xf32> to vector<16xf32>
    %get3A_197 = arith.constant 112 : index
    %get3A_198 = tpu.vector_load %arg15[%get3A_197] {strides = array<i32>} : memref<512xf32, #tpu.memory_space<vmem>>, vector<16xf32>,
    %get3A_199 = vector.shape_cast %get3A_198 : vector<16xf32> to vector<16xf32>
    %get3A_200 = arith.constant 112 : index
    %get3A_201 = tpu.vector_load %arg14[%get3A_200] {strides = array<i32>} : memref<512xf32, #tpu.memory_space<vmem>>, vector<16xf32>,
    %get3A_202 = vector.shape_cast %get3A_201 : vector<16xf32> to vector<16xf32>
    %sub3A_203 = arith.subf %get3A_193, %get3A_196 : vector<16xf32>
    %mul3A_204 = arith.mulf %get3A_199, %sub3A_203 : vector<16xf32>
    %mul3A_205 = arith.mulf %mul3A_204, %sub3A_203 : vector<16xf32>
    %sub3A_206 = arith.constant 9.000000e+00 : f32
    %sub3A_207 = vector.broadcast %sub3A_206 : f32 to vector<16xf32>
    %sub3A_208 = arith.subf %mul3A_205, %sub3A_207 : vector<16xf32>
    %exp3A_209 = math.exp %sub3A_208 : vector<16xf32>
    %add3A_210 = arith.constant 1.000000e+00 : f32
    %add3A_211 = vector.broadcast %add3A_210 : f32 to vector<16xf32>
    %add3A_212 = arith.addf %add3A_211, %exp3A_209 : vector<16xf32>
    %div3A_213 = arith.divf %get3A_202, %add3A_212 : vector<16xf32>
    %swap3A_214 = arith.constant 112 : index
    %swap3A_215 = tpu.vector_load %arg16[%swap3A_214] {strides = array<i32>} : memref<512xf32, #tpu.memory_space<vmem>>, vector<16xf32>,
    %swap3A_216 = vector.shape_cast %swap3A_215 : vector<16xf32> to vector<16xf32>
    %swap3A_217 = vector.shape_cast %div3A_213 : vector<16xf32> to vector<16xf32>
    tpu.vector_store %arg16[%swap3A_214], %swap3A_217 {strides = array<i32>} : memref<512xf32, #tpu.memory_space<vmem>>, vector<16xf32>,
    %add3A_218 = arith.constant 128 : i32
    %add3A_219 = arith.addi %mul3A_2, %add3A_218 : i32
    "tpu.region"() ({
      %run_scoped3A = tpu.sem_alloc : memref<!tpu.dma_semaphore, #tpu.memory_space<semaphore_mem>>
      %dma_start3A_1772 = tpu.memref_slice %arg4[%add3A_219] : memref<16384xi32, #tpu.memory_space<hbm>> -> memref<128xi32, #tpu.memory_space<hbm>>
      %dma_start3A_1773 = tpu.memref_slice %arg4[%add3A_219] : memref<16384xi32, #tpu.memory_space<hbm>> -> memref<128xi32, #tpu.memory_space<hbm>>
      tpu.enqueue_dma source(%dma_start3A_1773 : memref<128xi32, #tpu.memory_space<hbm>>) target(%arg11 : memref<128xi32, #tpu.memory_space<vmem>>) target_semaphore(%run_scoped3A : memref<!tpu.dma_semaphore, #tpu.memory_space<semaphore_mem>>)
      %dma_wait3A_1774 = tpu.memref_slice %arg4[%add3A_219] : memref<16384xi32, #tpu.memory_space<hbm>> -> memref<128xi32, #tpu.memory_space<hbm>>
      %dma_wait3A_1775 = tpu.memref_slice %arg4[%add3A_219] : memref<16384xi32, #tpu.memory_space<hbm>> -> memref<128xi32, #tpu.memory_space<hbm>>
      tpu.wait_dma2 semaphore(%run_scoped3A : memref<!tpu.dma_semaphore, #tpu.memory_space<semaphore_mem>>) src(%dma_wait3A_1775 : memref<128xi32, #tpu.memory_space<hbm>>) dst(%arg11 : memref<128xi32, #tpu.memory_space<vmem>>)
      tpu.yield
    }) : () -> ()
    %dma_start3A_220 = arith.constant 0 : i32
    %dma_start3A_221 = tpu.memref_slice %arg3[%dma_start3A_220] : memref<16384xf32, #tpu.memory_space<hbm>> -> memref<16384xf32, #tpu.memory_space<hbm>>
    tpu.enqueue_indirect_dma source(%dma_start3A_221 : memref<16384xf32, #tpu.memory_space<hbm>>) target(%arg12 : memref<128xf32, #tpu.memory_space<vmem>>) offsets(%arg11 : memref<128xi32, #tpu.memory_space<vmem>>) semaphore(%arg17 : memref<!tpu.dma_semaphore, #tpu.memory_space<semaphore_mem>>)
    %dma_wait3A_222 = arith.constant 0 : i32
    %dma_wait3A_223 = tpu.memref_slice %arg3[%dma_wait3A_222] : memref<16384xf32, #tpu.memory_space<hbm>> -> memref<16384xf32, #tpu.memory_space<hbm>>
    tpu.wait_indirect_dma semaphore(%arg17 : memref<!tpu.dma_semaphore, #tpu.memory_space<semaphore_mem>>) src(%dma_wait3A_223 : memref<16384xf32, #tpu.memory_space<hbm>>) dst(%arg12 : memref<128xf32, #tpu.memory_space<vmem>>)
    %get3A_224 = arith.constant 128 : index
    %get3A_225 = tpu.vector_load %arg13[%get3A_224] {strides = array<i32>} : memref<512xf32, #tpu.memory_space<vmem>>, vector<16xf32>,
    %get3A_226 = vector.shape_cast %get3A_225 : vector<16xf32> to vector<16xf32>
    %get3A_227 = arith.constant 0 : index
    %get3A_228 = tpu.vector_load %arg12[%get3A_227] {strides = array<i32>} : memref<128xf32, #tpu.memory_space<vmem>>, vector<16xf32>,
    %get3A_229 = vector.shape_cast %get3A_228 : vector<16xf32> to vector<16xf32>
    %get3A_230 = arith.constant 128 : index
    %get3A_231 = tpu.vector_load %arg15[%get3A_230] {strides = array<i32>} : memref<512xf32, #tpu.memory_space<vmem>>, vector<16xf32>,
    %get3A_232 = vector.shape_cast %get3A_231 : vector<16xf32> to vector<16xf32>
    %get3A_233 = arith.constant 128 : index
    %get3A_234 = tpu.vector_load %arg14[%get3A_233] {strides = array<i32>} : memref<512xf32, #tpu.memory_space<vmem>>, vector<16xf32>,
    %get3A_235 = vector.shape_cast %get3A_234 : vector<16xf32> to vector<16xf32>
    %sub3A_236 = arith.subf %get3A_226, %get3A_229 : vector<16xf32>
    %mul3A_237 = arith.mulf %get3A_232, %sub3A_236 : vector<16xf32>
    %mul3A_238 = arith.mulf %mul3A_237, %sub3A_236 : vector<16xf32>
    %sub3A_239 = arith.constant 9.000000e+00 : f32
    %sub3A_240 = vector.broadcast %sub3A_239 : f32 to vector<16xf32>
    %sub3A_241 = arith.subf %mul3A_238, %sub3A_240 : vector<16xf32>
    %exp3A_242 = math.exp %sub3A_241 : vector<16xf32>
    %add3A_243 = arith.constant 1.000000e+00 : f32
    %add3A_244 = vector.broadcast %add3A_243 : f32 to vector<16xf32>
    %add3A_245 = arith.addf %add3A_244, %exp3A_242 : vector<16xf32>
    %div3A_246 = arith.divf %get3A_235, %add3A_245 : vector<16xf32>
    %swap3A_247 = arith.constant 128 : index
    %swap3A_248 = tpu.vector_load %arg16[%swap3A_247] {strides = array<i32>} : memref<512xf32, #tpu.memory_space<vmem>>, vector<16xf32>,
    %swap3A_249 = vector.shape_cast %swap3A_248 : vector<16xf32> to vector<16xf32>
    %swap3A_250 = vector.shape_cast %div3A_246 : vector<16xf32> to vector<16xf32>
    tpu.vector_store %arg16[%swap3A_247], %swap3A_250 {strides = array<i32>} : memref<512xf32, #tpu.memory_space<vmem>>, vector<16xf32>,
    %get3A_251 = arith.constant 144 : index
    %get3A_252 = tpu.vector_load %arg13[%get3A_251] {strides = array<i32>} : memref<512xf32, #tpu.memory_space<vmem>>, vector<16xf32>,
    %get3A_253 = vector.shape_cast %get3A_252 : vector<16xf32> to vector<16xf32>
    %get3A_254 = arith.constant 16 : index
    %get3A_255 = tpu.vector_load %arg12[%get3A_254] {strides = array<i32>} : memref<128xf32, #tpu.memory_space<vmem>>, vector<16xf32>,
    %get3A_256 = vector.shape_cast %get3A_255 : vector<16xf32> to vector<16xf32>
    %get3A_257 = arith.constant 144 : index
    %get3A_258 = tpu.vector_load %arg15[%get3A_257] {strides = array<i32>} : memref<512xf32, #tpu.memory_space<vmem>>, vector<16xf32>,
    %get3A_259 = vector.shape_cast %get3A_258 : vector<16xf32> to vector<16xf32>
    %get3A_260 = arith.constant 144 : index
    %get3A_261 = tpu.vector_load %arg14[%get3A_260] {strides = array<i32>} : memref<512xf32, #tpu.memory_space<vmem>>, vector<16xf32>,
    %get3A_262 = vector.shape_cast %get3A_261 : vector<16xf32> to vector<16xf32>
    %sub3A_263 = arith.subf %get3A_253, %get3A_256 : vector<16xf32>
    %mul3A_264 = arith.mulf %get3A_259, %sub3A_263 : vector<16xf32>
    %mul3A_265 = arith.mulf %mul3A_264, %sub3A_263 : vector<16xf32>
    %sub3A_266 = arith.constant 9.000000e+00 : f32
    %sub3A_267 = vector.broadcast %sub3A_266 : f32 to vector<16xf32>
    %sub3A_268 = arith.subf %mul3A_265, %sub3A_267 : vector<16xf32>
    %exp3A_269 = math.exp %sub3A_268 : vector<16xf32>
    %add3A_270 = arith.constant 1.000000e+00 : f32
    %add3A_271 = vector.broadcast %add3A_270 : f32 to vector<16xf32>
    %add3A_272 = arith.addf %add3A_271, %exp3A_269 : vector<16xf32>
    %div3A_273 = arith.divf %get3A_262, %add3A_272 : vector<16xf32>
    %swap3A_274 = arith.constant 144 : index
    %swap3A_275 = tpu.vector_load %arg16[%swap3A_274] {strides = array<i32>} : memref<512xf32, #tpu.memory_space<vmem>>, vector<16xf32>,
    %swap3A_276 = vector.shape_cast %swap3A_275 : vector<16xf32> to vector<16xf32>
    %swap3A_277 = vector.shape_cast %div3A_273 : vector<16xf32> to vector<16xf32>
    tpu.vector_store %arg16[%swap3A_274], %swap3A_277 {strides = array<i32>} : memref<512xf32, #tpu.memory_space<vmem>>, vector<16xf32>,
    %get3A_278 = arith.constant 160 : index
    %get3A_279 = tpu.vector_load %arg13[%get3A_278] {strides = array<i32>} : memref<512xf32, #tpu.memory_space<vmem>>, vector<16xf32>,
    %get3A_280 = vector.shape_cast %get3A_279 : vector<16xf32> to vector<16xf32>
    %get3A_281 = arith.constant 32 : index
    %get3A_282 = tpu.vector_load %arg12[%get3A_281] {strides = array<i32>} : memref<128xf32, #tpu.memory_space<vmem>>, vector<16xf32>,
    %get3A_283 = vector.shape_cast %get3A_282 : vector<16xf32> to vector<16xf32>
    %get3A_284 = arith.constant 160 : index
    %get3A_285 = tpu.vector_load %arg15[%get3A_284] {strides = array<i32>} : memref<512xf32, #tpu.memory_space<vmem>>, vector<16xf32>,
    %get3A_286 = vector.shape_cast %get3A_285 : vector<16xf32> to vector<16xf32>
    %get3A_287 = arith.constant 160 : index
    %get3A_288 = tpu.vector_load %arg14[%get3A_287] {strides = array<i32>} : memref<512xf32, #tpu.memory_space<vmem>>, vector<16xf32>,
    %get3A_289 = vector.shape_cast %get3A_288 : vector<16xf32> to vector<16xf32>
    %sub3A_290 = arith.subf %get3A_280, %get3A_283 : vector<16xf32>
    %mul3A_291 = arith.mulf %get3A_286, %sub3A_290 : vector<16xf32>
    %mul3A_292 = arith.mulf %mul3A_291, %sub3A_290 : vector<16xf32>
    %sub3A_293 = arith.constant 9.000000e+00 : f32
    %sub3A_294 = vector.broadcast %sub3A_293 : f32 to vector<16xf32>
    %sub3A_295 = arith.subf %mul3A_292, %sub3A_294 : vector<16xf32>
    %exp3A_296 = math.exp %sub3A_295 : vector<16xf32>
    %add3A_297 = arith.constant 1.000000e+00 : f32
    %add3A_298 = vector.broadcast %add3A_297 : f32 to vector<16xf32>
    %add3A_299 = arith.addf %add3A_298, %exp3A_296 : vector<16xf32>
    %div3A_300 = arith.divf %get3A_289, %add3A_299 : vector<16xf32>
    %swap3A_301 = arith.constant 160 : index
    %swap3A_302 = tpu.vector_load %arg16[%swap3A_301] {strides = array<i32>} : memref<512xf32, #tpu.memory_space<vmem>>, vector<16xf32>,
    %swap3A_303 = vector.shape_cast %swap3A_302 : vector<16xf32> to vector<16xf32>
    %swap3A_304 = vector.shape_cast %div3A_300 : vector<16xf32> to vector<16xf32>
    tpu.vector_store %arg16[%swap3A_301], %swap3A_304 {strides = array<i32>} : memref<512xf32, #tpu.memory_space<vmem>>, vector<16xf32>,
    %get3A_305 = arith.constant 176 : index
    %get3A_306 = tpu.vector_load %arg13[%get3A_305] {strides = array<i32>} : memref<512xf32, #tpu.memory_space<vmem>>, vector<16xf32>,
    %get3A_307 = vector.shape_cast %get3A_306 : vector<16xf32> to vector<16xf32>
    %get3A_308 = arith.constant 48 : index
    %get3A_309 = tpu.vector_load %arg12[%get3A_308] {strides = array<i32>} : memref<128xf32, #tpu.memory_space<vmem>>, vector<16xf32>,
    %get3A_310 = vector.shape_cast %get3A_309 : vector<16xf32> to vector<16xf32>
    %get3A_311 = arith.constant 176 : index
    %get3A_312 = tpu.vector_load %arg15[%get3A_311] {strides = array<i32>} : memref<512xf32, #tpu.memory_space<vmem>>, vector<16xf32>,
    %get3A_313 = vector.shape_cast %get3A_312 : vector<16xf32> to vector<16xf32>
    %get3A_314 = arith.constant 176 : index
    %get3A_315 = tpu.vector_load %arg14[%get3A_314] {strides = array<i32>} : memref<512xf32, #tpu.memory_space<vmem>>, vector<16xf32>,
    %get3A_316 = vector.shape_cast %get3A_315 : vector<16xf32> to vector<16xf32>
    %sub3A_317 = arith.subf %get3A_307, %get3A_310 : vector<16xf32>
    %mul3A_318 = arith.mulf %get3A_313, %sub3A_317 : vector<16xf32>
    %mul3A_319 = arith.mulf %mul3A_318, %sub3A_317 : vector<16xf32>
    %sub3A_320 = arith.constant 9.000000e+00 : f32
    %sub3A_321 = vector.broadcast %sub3A_320 : f32 to vector<16xf32>
    %sub3A_322 = arith.subf %mul3A_319, %sub3A_321 : vector<16xf32>
    %exp3A_323 = math.exp %sub3A_322 : vector<16xf32>
    %add3A_324 = arith.constant 1.000000e+00 : f32
    %add3A_325 = vector.broadcast %add3A_324 : f32 to vector<16xf32>
    %add3A_326 = arith.addf %add3A_325, %exp3A_323 : vector<16xf32>
    %div3A_327 = arith.divf %get3A_316, %add3A_326 : vector<16xf32>
    %swap3A_328 = arith.constant 176 : index
    %swap3A_329 = tpu.vector_load %arg16[%swap3A_328] {strides = array<i32>} : memref<512xf32, #tpu.memory_space<vmem>>, vector<16xf32>,
    %swap3A_330 = vector.shape_cast %swap3A_329 : vector<16xf32> to vector<16xf32>
    %swap3A_331 = vector.shape_cast %div3A_327 : vector<16xf32> to vector<16xf32>
    tpu.vector_store %arg16[%swap3A_328], %swap3A_331 {strides = array<i32>} : memref<512xf32, #tpu.memory_space<vmem>>, vector<16xf32>,
    %get3A_332 = arith.constant 192 : index
    %get3A_333 = tpu.vector_load %arg13[%get3A_332] {strides = array<i32>} : memref<512xf32, #tpu.memory_space<vmem>>, vector<16xf32>,
    %get3A_334 = vector.shape_cast %get3A_333 : vector<16xf32> to vector<16xf32>
    %get3A_335 = arith.constant 64 : index
    %get3A_336 = tpu.vector_load %arg12[%get3A_335] {strides = array<i32>} : memref<128xf32, #tpu.memory_space<vmem>>, vector<16xf32>,
    %get3A_337 = vector.shape_cast %get3A_336 : vector<16xf32> to vector<16xf32>
    %get3A_338 = arith.constant 192 : index
    %get3A_339 = tpu.vector_load %arg15[%get3A_338] {strides = array<i32>} : memref<512xf32, #tpu.memory_space<vmem>>, vector<16xf32>,
    %get3A_340 = vector.shape_cast %get3A_339 : vector<16xf32> to vector<16xf32>
    %get3A_341 = arith.constant 192 : index
    %get3A_342 = tpu.vector_load %arg14[%get3A_341] {strides = array<i32>} : memref<512xf32, #tpu.memory_space<vmem>>, vector<16xf32>,
    %get3A_343 = vector.shape_cast %get3A_342 : vector<16xf32> to vector<16xf32>
    %sub3A_344 = arith.subf %get3A_334, %get3A_337 : vector<16xf32>
    %mul3A_345 = arith.mulf %get3A_340, %sub3A_344 : vector<16xf32>
    %mul3A_346 = arith.mulf %mul3A_345, %sub3A_344 : vector<16xf32>
    %sub3A_347 = arith.constant 9.000000e+00 : f32
    %sub3A_348 = vector.broadcast %sub3A_347 : f32 to vector<16xf32>
    %sub3A_349 = arith.subf %mul3A_346, %sub3A_348 : vector<16xf32>
    %exp3A_350 = math.exp %sub3A_349 : vector<16xf32>
    %add3A_351 = arith.constant 1.000000e+00 : f32
    %add3A_352 = vector.broadcast %add3A_351 : f32 to vector<16xf32>
    %add3A_353 = arith.addf %add3A_352, %exp3A_350 : vector<16xf32>
    %div3A_354 = arith.divf %get3A_343, %add3A_353 : vector<16xf32>
    %swap3A_355 = arith.constant 192 : index
    %swap3A_356 = tpu.vector_load %arg16[%swap3A_355] {strides = array<i32>} : memref<512xf32, #tpu.memory_space<vmem>>, vector<16xf32>,
    %swap3A_357 = vector.shape_cast %swap3A_356 : vector<16xf32> to vector<16xf32>
    %swap3A_358 = vector.shape_cast %div3A_354 : vector<16xf32> to vector<16xf32>
    tpu.vector_store %arg16[%swap3A_355], %swap3A_358 {strides = array<i32>} : memref<512xf32, #tpu.memory_space<vmem>>, vector<16xf32>,
    %get3A_359 = arith.constant 208 : index
    %get3A_360 = tpu.vector_load %arg13[%get3A_359] {strides = array<i32>} : memref<512xf32, #tpu.memory_space<vmem>>, vector<16xf32>,
    %get3A_361 = vector.shape_cast %get3A_360 : vector<16xf32> to vector<16xf32>
    %get3A_362 = arith.constant 80 : index
    %get3A_363 = tpu.vector_load %arg12[%get3A_362] {strides = array<i32>} : memref<128xf32, #tpu.memory_space<vmem>>, vector<16xf32>,
    %get3A_364 = vector.shape_cast %get3A_363 : vector<16xf32> to vector<16xf32>
    %get3A_365 = arith.constant 208 : index
    %get3A_366 = tpu.vector_load %arg15[%get3A_365] {strides = array<i32>} : memref<512xf32, #tpu.memory_space<vmem>>, vector<16xf32>,
    %get3A_367 = vector.shape_cast %get3A_366 : vector<16xf32> to vector<16xf32>
    %get3A_368 = arith.constant 208 : index
    %get3A_369 = tpu.vector_load %arg14[%get3A_368] {strides = array<i32>} : memref<512xf32, #tpu.memory_space<vmem>>, vector<16xf32>,
    %get3A_370 = vector.shape_cast %get3A_369 : vector<16xf32> to vector<16xf32>
    %sub3A_371 = arith.subf %get3A_361, %get3A_364 : vector<16xf32>
    %mul3A_372 = arith.mulf %get3A_367, %sub3A_371 : vector<16xf32>
    %mul3A_373 = arith.mulf %mul3A_372, %sub3A_371 : vector<16xf32>
    %sub3A_374 = arith.constant 9.000000e+00 : f32
    %sub3A_375 = vector.broadcast %sub3A_374 : f32 to vector<16xf32>
    %sub3A_376 = arith.subf %mul3A_373, %sub3A_375 : vector<16xf32>
    %exp3A_377 = math.exp %sub3A_376 : vector<16xf32>
    %add3A_378 = arith.constant 1.000000e+00 : f32
    %add3A_379 = vector.broadcast %add3A_378 : f32 to vector<16xf32>
    %add3A_380 = arith.addf %add3A_379, %exp3A_377 : vector<16xf32>
    %div3A_381 = arith.divf %get3A_370, %add3A_380 : vector<16xf32>
    %swap3A_382 = arith.constant 208 : index
    %swap3A_383 = tpu.vector_load %arg16[%swap3A_382] {strides = array<i32>} : memref<512xf32, #tpu.memory_space<vmem>>, vector<16xf32>,
    %swap3A_384 = vector.shape_cast %swap3A_383 : vector<16xf32> to vector<16xf32>
    %swap3A_385 = vector.shape_cast %div3A_381 : vector<16xf32> to vector<16xf32>
    tpu.vector_store %arg16[%swap3A_382], %swap3A_385 {strides = array<i32>} : memref<512xf32, #tpu.memory_space<vmem>>, vector<16xf32>,
    %get3A_386 = arith.constant 224 : index
    %get3A_387 = tpu.vector_load %arg13[%get3A_386] {strides = array<i32>} : memref<512xf32, #tpu.memory_space<vmem>>, vector<16xf32>,
    %get3A_388 = vector.shape_cast %get3A_387 : vector<16xf32> to vector<16xf32>
    %get3A_389 = arith.constant 96 : index
    %get3A_390 = tpu.vector_load %arg12[%get3A_389] {strides = array<i32>} : memref<128xf32, #tpu.memory_space<vmem>>, vector<16xf32>,
    %get3A_391 = vector.shape_cast %get3A_390 : vector<16xf32> to vector<16xf32>
    %get3A_392 = arith.constant 224 : index
    %get3A_393 = tpu.vector_load %arg15[%get3A_392] {strides = array<i32>} : memref<512xf32, #tpu.memory_space<vmem>>, vector<16xf32>,
    %get3A_394 = vector.shape_cast %get3A_393 : vector<16xf32> to vector<16xf32>
    %get3A_395 = arith.constant 224 : index
    %get3A_396 = tpu.vector_load %arg14[%get3A_395] {strides = array<i32>} : memref<512xf32, #tpu.memory_space<vmem>>, vector<16xf32>,
    %get3A_397 = vector.shape_cast %get3A_396 : vector<16xf32> to vector<16xf32>
    %sub3A_398 = arith.subf %get3A_388, %get3A_391 : vector<16xf32>
    %mul3A_399 = arith.mulf %get3A_394, %sub3A_398 : vector<16xf32>
    %mul3A_400 = arith.mulf %mul3A_399, %sub3A_398 : vector<16xf32>
    %sub3A_401 = arith.constant 9.000000e+00 : f32
    %sub3A_402 = vector.broadcast %sub3A_401 : f32 to vector<16xf32>
    %sub3A_403 = arith.subf %mul3A_400, %sub3A_402 : vector<16xf32>
    %exp3A_404 = math.exp %sub3A_403 : vector<16xf32>
    %add3A_405 = arith.constant 1.000000e+00 : f32
    %add3A_406 = vector.broadcast %add3A_405 : f32 to vector<16xf32>
    %add3A_407 = arith.addf %add3A_406, %exp3A_404 : vector<16xf32>
    %div3A_408 = arith.divf %get3A_397, %add3A_407 : vector<16xf32>
    %swap3A_409 = arith.constant 224 : index
    %swap3A_410 = tpu.vector_load %arg16[%swap3A_409] {strides = array<i32>} : memref<512xf32, #tpu.memory_space<vmem>>, vector<16xf32>,
    %swap3A_411 = vector.shape_cast %swap3A_410 : vector<16xf32> to vector<16xf32>
    %swap3A_412 = vector.shape_cast %div3A_408 : vector<16xf32> to vector<16xf32>
    tpu.vector_store %arg16[%swap3A_409], %swap3A_412 {strides = array<i32>} : memref<512xf32, #tpu.memory_space<vmem>>, vector<16xf32>,
    %get3A_413 = arith.constant 240 : index
    %get3A_414 = tpu.vector_load %arg13[%get3A_413] {strides = array<i32>} : memref<512xf32, #tpu.memory_space<vmem>>, vector<16xf32>,
    %get3A_415 = vector.shape_cast %get3A_414 : vector<16xf32> to vector<16xf32>
    %get3A_416 = arith.constant 112 : index
    %get3A_417 = tpu.vector_load %arg12[%get3A_416] {strides = array<i32>} : memref<128xf32, #tpu.memory_space<vmem>>, vector<16xf32>,
    %get3A_418 = vector.shape_cast %get3A_417 : vector<16xf32> to vector<16xf32>
    %get3A_419 = arith.constant 240 : index
    %get3A_420 = tpu.vector_load %arg15[%get3A_419] {strides = array<i32>} : memref<512xf32, #tpu.memory_space<vmem>>, vector<16xf32>,
    %get3A_421 = vector.shape_cast %get3A_420 : vector<16xf32> to vector<16xf32>
    %get3A_422 = arith.constant 240 : index
    %get3A_423 = tpu.vector_load %arg14[%get3A_422] {strides = array<i32>} : memref<512xf32, #tpu.memory_space<vmem>>, vector<16xf32>,
    %get3A_424 = vector.shape_cast %get3A_423 : vector<16xf32> to vector<16xf32>
    %sub3A_425 = arith.subf %get3A_415, %get3A_418 : vector<16xf32>
    %mul3A_426 = arith.mulf %get3A_421, %sub3A_425 : vector<16xf32>
    %mul3A_427 = arith.mulf %mul3A_426, %sub3A_425 : vector<16xf32>
    %sub3A_428 = arith.constant 9.000000e+00 : f32
    %sub3A_429 = vector.broadcast %sub3A_428 : f32 to vector<16xf32>
    %sub3A_430 = arith.subf %mul3A_427, %sub3A_429 : vector<16xf32>
    %exp3A_431 = math.exp %sub3A_430 : vector<16xf32>
    %add3A_432 = arith.constant 1.000000e+00 : f32
    %add3A_433 = vector.broadcast %add3A_432 : f32 to vector<16xf32>
    %add3A_434 = arith.addf %add3A_433, %exp3A_431 : vector<16xf32>
    %div3A_435 = arith.divf %get3A_424, %add3A_434 : vector<16xf32>
    %swap3A_436 = arith.constant 240 : index
    %swap3A_437 = tpu.vector_load %arg16[%swap3A_436] {strides = array<i32>} : memref<512xf32, #tpu.memory_space<vmem>>, vector<16xf32>,
    %swap3A_438 = vector.shape_cast %swap3A_437 : vector<16xf32> to vector<16xf32>
    %swap3A_439 = vector.shape_cast %div3A_435 : vector<16xf32> to vector<16xf32>
    tpu.vector_store %arg16[%swap3A_436], %swap3A_439 {strides = array<i32>} : memref<512xf32, #tpu.memory_space<vmem>>, vector<16xf32>,
    %add3A_440 = arith.constant 256 : i32
    %add3A_441 = arith.addi %mul3A_2, %add3A_440 : i32
    "tpu.region"() ({
      %run_scoped3A = tpu.sem_alloc : memref<!tpu.dma_semaphore, #tpu.memory_space<semaphore_mem>>
      %dma_start3A_1772 = tpu.memref_slice %arg4[%add3A_441] : memref<16384xi32, #tpu.memory_space<hbm>> -> memref<128xi32, #tpu.memory_space<hbm>>
      %dma_start3A_1773 = tpu.memref_slice %arg4[%add3A_441] : memref<16384xi32, #tpu.memory_space<hbm>> -> memref<128xi32, #tpu.memory_space<hbm>>
      tpu.enqueue_dma source(%dma_start3A_1773 : memref<128xi32, #tpu.memory_space<hbm>>) target(%arg11 : memref<128xi32, #tpu.memory_space<vmem>>) target_semaphore(%run_scoped3A : memref<!tpu.dma_semaphore, #tpu.memory_space<semaphore_mem>>)
      %dma_wait3A_1774 = tpu.memref_slice %arg4[%add3A_441] : memref<16384xi32, #tpu.memory_space<hbm>> -> memref<128xi32, #tpu.memory_space<hbm>>
      %dma_wait3A_1775 = tpu.memref_slice %arg4[%add3A_441] : memref<16384xi32, #tpu.memory_space<hbm>> -> memref<128xi32, #tpu.memory_space<hbm>>
      tpu.wait_dma2 semaphore(%run_scoped3A : memref<!tpu.dma_semaphore, #tpu.memory_space<semaphore_mem>>) src(%dma_wait3A_1775 : memref<128xi32, #tpu.memory_space<hbm>>) dst(%arg11 : memref<128xi32, #tpu.memory_space<vmem>>)
      tpu.yield
    }) : () -> ()
    %dma_start3A_442 = arith.constant 0 : i32
    %dma_start3A_443 = tpu.memref_slice %arg3[%dma_start3A_442] : memref<16384xf32, #tpu.memory_space<hbm>> -> memref<16384xf32, #tpu.memory_space<hbm>>
    tpu.enqueue_indirect_dma source(%dma_start3A_443 : memref<16384xf32, #tpu.memory_space<hbm>>) target(%arg12 : memref<128xf32, #tpu.memory_space<vmem>>) offsets(%arg11 : memref<128xi32, #tpu.memory_space<vmem>>) semaphore(%arg17 : memref<!tpu.dma_semaphore, #tpu.memory_space<semaphore_mem>>)
    %dma_wait3A_444 = arith.constant 0 : i32
    %dma_wait3A_445 = tpu.memref_slice %arg3[%dma_wait3A_444] : memref<16384xf32, #tpu.memory_space<hbm>> -> memref<16384xf32, #tpu.memory_space<hbm>>
    tpu.wait_indirect_dma semaphore(%arg17 : memref<!tpu.dma_semaphore, #tpu.memory_space<semaphore_mem>>) src(%dma_wait3A_445 : memref<16384xf32, #tpu.memory_space<hbm>>) dst(%arg12 : memref<128xf32, #tpu.memory_space<vmem>>)
    %get3A_446 = arith.constant 256 : index
    %get3A_447 = tpu.vector_load %arg13[%get3A_446] {strides = array<i32>} : memref<512xf32, #tpu.memory_space<vmem>>, vector<16xf32>,
    %get3A_448 = vector.shape_cast %get3A_447 : vector<16xf32> to vector<16xf32>
    %get3A_449 = arith.constant 0 : index
    %get3A_450 = tpu.vector_load %arg12[%get3A_449] {strides = array<i32>} : memref<128xf32, #tpu.memory_space<vmem>>, vector<16xf32>,
    %get3A_451 = vector.shape_cast %get3A_450 : vector<16xf32> to vector<16xf32>
    %get3A_452 = arith.constant 256 : index
    %get3A_453 = tpu.vector_load %arg15[%get3A_452] {strides = array<i32>} : memref<512xf32, #tpu.memory_space<vmem>>, vector<16xf32>,
    %get3A_454 = vector.shape_cast %get3A_453 : vector<16xf32> to vector<16xf32>
    %get3A_455 = arith.constant 256 : index
    %get3A_456 = tpu.vector_load %arg14[%get3A_455] {strides = array<i32>} : memref<512xf32, #tpu.memory_space<vmem>>, vector<16xf32>,
    %get3A_457 = vector.shape_cast %get3A_456 : vector<16xf32> to vector<16xf32>
    %sub3A_458 = arith.subf %get3A_448, %get3A_451 : vector<16xf32>
    %mul3A_459 = arith.mulf %get3A_454, %sub3A_458 : vector<16xf32>
    %mul3A_460 = arith.mulf %mul3A_459, %sub3A_458 : vector<16xf32>
    %sub3A_461 = arith.constant 9.000000e+00 : f32
    %sub3A_462 = vector.broadcast %sub3A_461 : f32 to vector<16xf32>
    %sub3A_463 = arith.subf %mul3A_460, %sub3A_462 : vector<16xf32>
    %exp3A_464 = math.exp %sub3A_463 : vector<16xf32>
    %add3A_465 = arith.constant 1.000000e+00 : f32
    %add3A_466 = vector.broadcast %add3A_465 : f32 to vector<16xf32>
    %add3A_467 = arith.addf %add3A_466, %exp3A_464 : vector<16xf32>
    %div3A_468 = arith.divf %get3A_457, %add3A_467 : vector<16xf32>
    %swap3A_469 = arith.constant 256 : index
    %swap3A_470 = tpu.vector_load %arg16[%swap3A_469] {strides = array<i32>} : memref<512xf32, #tpu.memory_space<vmem>>, vector<16xf32>,
    %swap3A_471 = vector.shape_cast %swap3A_470 : vector<16xf32> to vector<16xf32>
    %swap3A_472 = vector.shape_cast %div3A_468 : vector<16xf32> to vector<16xf32>
    tpu.vector_store %arg16[%swap3A_469], %swap3A_472 {strides = array<i32>} : memref<512xf32, #tpu.memory_space<vmem>>, vector<16xf32>,
    %get3A_473 = arith.constant 272 : index
    %get3A_474 = tpu.vector_load %arg13[%get3A_473] {strides = array<i32>} : memref<512xf32, #tpu.memory_space<vmem>>, vector<16xf32>,
    %get3A_475 = vector.shape_cast %get3A_474 : vector<16xf32> to vector<16xf32>
    %get3A_476 = arith.constant 16 : index
    %get3A_477 = tpu.vector_load %arg12[%get3A_476] {strides = array<i32>} : memref<128xf32, #tpu.memory_space<vmem>>, vector<16xf32>,
    %get3A_478 = vector.shape_cast %get3A_477 : vector<16xf32> to vector<16xf32>
    %get3A_479 = arith.constant 272 : index
    %get3A_480 = tpu.vector_load %arg15[%get3A_479] {strides = array<i32>} : memref<512xf32, #tpu.memory_space<vmem>>, vector<16xf32>,
    %get3A_481 = vector.shape_cast %get3A_480 : vector<16xf32> to vector<16xf32>
    %get3A_482 = arith.constant 272 : index
    %get3A_483 = tpu.vector_load %arg14[%get3A_482] {strides = array<i32>} : memref<512xf32, #tpu.memory_space<vmem>>, vector<16xf32>,
    %get3A_484 = vector.shape_cast %get3A_483 : vector<16xf32> to vector<16xf32>
    %sub3A_485 = arith.subf %get3A_475, %get3A_478 : vector<16xf32>
    %mul3A_486 = arith.mulf %get3A_481, %sub3A_485 : vector<16xf32>
    %mul3A_487 = arith.mulf %mul3A_486, %sub3A_485 : vector<16xf32>
    %sub3A_488 = arith.constant 9.000000e+00 : f32
    %sub3A_489 = vector.broadcast %sub3A_488 : f32 to vector<16xf32>
    %sub3A_490 = arith.subf %mul3A_487, %sub3A_489 : vector<16xf32>
    %exp3A_491 = math.exp %sub3A_490 : vector<16xf32>
    %add3A_492 = arith.constant 1.000000e+00 : f32
    %add3A_493 = vector.broadcast %add3A_492 : f32 to vector<16xf32>
    %add3A_494 = arith.addf %add3A_493, %exp3A_491 : vector<16xf32>
    %div3A_495 = arith.divf %get3A_484, %add3A_494 : vector<16xf32>
    %swap3A_496 = arith.constant 272 : index
    %swap3A_497 = tpu.vector_load %arg16[%swap3A_496] {strides = array<i32>} : memref<512xf32, #tpu.memory_space<vmem>>, vector<16xf32>,
    %swap3A_498 = vector.shape_cast %swap3A_497 : vector<16xf32> to vector<16xf32>
    %swap3A_499 = vector.shape_cast %div3A_495 : vector<16xf32> to vector<16xf32>
    tpu.vector_store %arg16[%swap3A_496], %swap3A_499 {strides = array<i32>} : memref<512xf32, #tpu.memory_space<vmem>>, vector<16xf32>,
    %get3A_500 = arith.constant 288 : index
    %get3A_501 = tpu.vector_load %arg13[%get3A_500] {strides = array<i32>} : memref<512xf32, #tpu.memory_space<vmem>>, vector<16xf32>,
    %get3A_502 = vector.shape_cast %get3A_501 : vector<16xf32> to vector<16xf32>
    %get3A_503 = arith.constant 32 : index
    %get3A_504 = tpu.vector_load %arg12[%get3A_503] {strides = array<i32>} : memref<128xf32, #tpu.memory_space<vmem>>, vector<16xf32>,
    %get3A_505 = vector.shape_cast %get3A_504 : vector<16xf32> to vector<16xf32>
    %get3A_506 = arith.constant 288 : index
    %get3A_507 = tpu.vector_load %arg15[%get3A_506] {strides = array<i32>} : memref<512xf32, #tpu.memory_space<vmem>>, vector<16xf32>,
    %get3A_508 = vector.shape_cast %get3A_507 : vector<16xf32> to vector<16xf32>
    %get3A_509 = arith.constant 288 : index
    %get3A_510 = tpu.vector_load %arg14[%get3A_509] {strides = array<i32>} : memref<512xf32, #tpu.memory_space<vmem>>, vector<16xf32>,
    %get3A_511 = vector.shape_cast %get3A_510 : vector<16xf32> to vector<16xf32>
    %sub3A_512 = arith.subf %get3A_502, %get3A_505 : vector<16xf32>
    %mul3A_513 = arith.mulf %get3A_508, %sub3A_512 : vector<16xf32>
    %mul3A_514 = arith.mulf %mul3A_513, %sub3A_512 : vector<16xf32>
    %sub3A_515 = arith.constant 9.000000e+00 : f32
    %sub3A_516 = vector.broadcast %sub3A_515 : f32 to vector<16xf32>
    %sub3A_517 = arith.subf %mul3A_514, %sub3A_516 : vector<16xf32>
    %exp3A_518 = math.exp %sub3A_517 : vector<16xf32>
    %add3A_519 = arith.constant 1.000000e+00 : f32
    %add3A_520 = vector.broadcast %add3A_519 : f32 to vector<16xf32>
    %add3A_521 = arith.addf %add3A_520, %exp3A_518 : vector<16xf32>
    %div3A_522 = arith.divf %get3A_511, %add3A_521 : vector<16xf32>
    %swap3A_523 = arith.constant 288 : index
    %swap3A_524 = tpu.vector_load %arg16[%swap3A_523] {strides = array<i32>} : memref<512xf32, #tpu.memory_space<vmem>>, vector<16xf32>,
    %swap3A_525 = vector.shape_cast %swap3A_524 : vector<16xf32> to vector<16xf32>
    %swap3A_526 = vector.shape_cast %div3A_522 : vector<16xf32> to vector<16xf32>
    tpu.vector_store %arg16[%swap3A_523], %swap3A_526 {strides = array<i32>} : memref<512xf32, #tpu.memory_space<vmem>>, vector<16xf32>,
    %get3A_527 = arith.constant 304 : index
    %get3A_528 = tpu.vector_load %arg13[%get3A_527] {strides = array<i32>} : memref<512xf32, #tpu.memory_space<vmem>>, vector<16xf32>,
    %get3A_529 = vector.shape_cast %get3A_528 : vector<16xf32> to vector<16xf32>
    %get3A_530 = arith.constant 48 : index
    %get3A_531 = tpu.vector_load %arg12[%get3A_530] {strides = array<i32>} : memref<128xf32, #tpu.memory_space<vmem>>, vector<16xf32>,
    %get3A_532 = vector.shape_cast %get3A_531 : vector<16xf32> to vector<16xf32>
    %get3A_533 = arith.constant 304 : index
    %get3A_534 = tpu.vector_load %arg15[%get3A_533] {strides = array<i32>} : memref<512xf32, #tpu.memory_space<vmem>>, vector<16xf32>,
    %get3A_535 = vector.shape_cast %get3A_534 : vector<16xf32> to vector<16xf32>
    %get3A_536 = arith.constant 304 : index
    %get3A_537 = tpu.vector_load %arg14[%get3A_536] {strides = array<i32>} : memref<512xf32, #tpu.memory_space<vmem>>, vector<16xf32>,
    %get3A_538 = vector.shape_cast %get3A_537 : vector<16xf32> to vector<16xf32>
    %sub3A_539 = arith.subf %get3A_529, %get3A_532 : vector<16xf32>
    %mul3A_540 = arith.mulf %get3A_535, %sub3A_539 : vector<16xf32>
    %mul3A_541 = arith.mulf %mul3A_540, %sub3A_539 : vector<16xf32>
    %sub3A_542 = arith.constant 9.000000e+00 : f32
    %sub3A_543 = vector.broadcast %sub3A_542 : f32 to vector<16xf32>
    %sub3A_544 = arith.subf %mul3A_541, %sub3A_543 : vector<16xf32>
    %exp3A_545 = math.exp %sub3A_544 : vector<16xf32>
    %add3A_546 = arith.constant 1.000000e+00 : f32
    %add3A_547 = vector.broadcast %add3A_546 : f32 to vector<16xf32>
    %add3A_548 = arith.addf %add3A_547, %exp3A_545 : vector<16xf32>
    %div3A_549 = arith.divf %get3A_538, %add3A_548 : vector<16xf32>
    %swap3A_550 = arith.constant 304 : index
    %swap3A_551 = tpu.vector_load %arg16[%swap3A_550] {strides = array<i32>} : memref<512xf32, #tpu.memory_space<vmem>>, vector<16xf32>,
    %swap3A_552 = vector.shape_cast %swap3A_551 : vector<16xf32> to vector<16xf32>
    %swap3A_553 = vector.shape_cast %div3A_549 : vector<16xf32> to vector<16xf32>
    tpu.vector_store %arg16[%swap3A_550], %swap3A_553 {strides = array<i32>} : memref<512xf32, #tpu.memory_space<vmem>>, vector<16xf32>,
    %get3A_554 = arith.constant 320 : index
    %get3A_555 = tpu.vector_load %arg13[%get3A_554] {strides = array<i32>} : memref<512xf32, #tpu.memory_space<vmem>>, vector<16xf32>,
    %get3A_556 = vector.shape_cast %get3A_555 : vector<16xf32> to vector<16xf32>
    %get3A_557 = arith.constant 64 : index
    %get3A_558 = tpu.vector_load %arg12[%get3A_557] {strides = array<i32>} : memref<128xf32, #tpu.memory_space<vmem>>, vector<16xf32>,
    %get3A_559 = vector.shape_cast %get3A_558 : vector<16xf32> to vector<16xf32>
    %get3A_560 = arith.constant 320 : index
    %get3A_561 = tpu.vector_load %arg15[%get3A_560] {strides = array<i32>} : memref<512xf32, #tpu.memory_space<vmem>>, vector<16xf32>,
    %get3A_562 = vector.shape_cast %get3A_561 : vector<16xf32> to vector<16xf32>
    %get3A_563 = arith.constant 320 : index
    %get3A_564 = tpu.vector_load %arg14[%get3A_563] {strides = array<i32>} : memref<512xf32, #tpu.memory_space<vmem>>, vector<16xf32>,
    %get3A_565 = vector.shape_cast %get3A_564 : vector<16xf32> to vector<16xf32>
    %sub3A_566 = arith.subf %get3A_556, %get3A_559 : vector<16xf32>
    %mul3A_567 = arith.mulf %get3A_562, %sub3A_566 : vector<16xf32>
    %mul3A_568 = arith.mulf %mul3A_567, %sub3A_566 : vector<16xf32>
    %sub3A_569 = arith.constant 9.000000e+00 : f32
    %sub3A_570 = vector.broadcast %sub3A_569 : f32 to vector<16xf32>
    %sub3A_571 = arith.subf %mul3A_568, %sub3A_570 : vector<16xf32>
    %exp3A_572 = math.exp %sub3A_571 : vector<16xf32>
    %add3A_573 = arith.constant 1.000000e+00 : f32
    %add3A_574 = vector.broadcast %add3A_573 : f32 to vector<16xf32>
    %add3A_575 = arith.addf %add3A_574, %exp3A_572 : vector<16xf32>
    %div3A_576 = arith.divf %get3A_565, %add3A_575 : vector<16xf32>
    %swap3A_577 = arith.constant 320 : index
    %swap3A_578 = tpu.vector_load %arg16[%swap3A_577] {strides = array<i32>} : memref<512xf32, #tpu.memory_space<vmem>>, vector<16xf32>,
    %swap3A_579 = vector.shape_cast %swap3A_578 : vector<16xf32> to vector<16xf32>
    %swap3A_580 = vector.shape_cast %div3A_576 : vector<16xf32> to vector<16xf32>
    tpu.vector_store %arg16[%swap3A_577], %swap3A_580 {strides = array<i32>} : memref<512xf32, #tpu.memory_space<vmem>>, vector<16xf32>,
    %get3A_581 = arith.constant 336 : index
    %get3A_582 = tpu.vector_load %arg13[%get3A_581] {strides = array<i32>} : memref<512xf32, #tpu.memory_space<vmem>>, vector<16xf32>,
    %get3A_583 = vector.shape_cast %get3A_582 : vector<16xf32> to vector<16xf32>
    %get3A_584 = arith.constant 80 : index
    %get3A_585 = tpu.vector_load %arg12[%get3A_584] {strides = array<i32>} : memref<128xf32, #tpu.memory_space<vmem>>, vector<16xf32>,
    %get3A_586 = vector.shape_cast %get3A_585 : vector<16xf32> to vector<16xf32>
    %get3A_587 = arith.constant 336 : index
    %get3A_588 = tpu.vector_load %arg15[%get3A_587] {strides = array<i32>} : memref<512xf32, #tpu.memory_space<vmem>>, vector<16xf32>,
    %get3A_589 = vector.shape_cast %get3A_588 : vector<16xf32> to vector<16xf32>
    %get3A_590 = arith.constant 336 : index
    %get3A_591 = tpu.vector_load %arg14[%get3A_590] {strides = array<i32>} : memref<512xf32, #tpu.memory_space<vmem>>, vector<16xf32>,
    %get3A_592 = vector.shape_cast %get3A_591 : vector<16xf32> to vector<16xf32>
    %sub3A_593 = arith.subf %get3A_583, %get3A_586 : vector<16xf32>
    %mul3A_594 = arith.mulf %get3A_589, %sub3A_593 : vector<16xf32>
    %mul3A_595 = arith.mulf %mul3A_594, %sub3A_593 : vector<16xf32>
    %sub3A_596 = arith.constant 9.000000e+00 : f32
    %sub3A_597 = vector.broadcast %sub3A_596 : f32 to vector<16xf32>
    %sub3A_598 = arith.subf %mul3A_595, %sub3A_597 : vector<16xf32>
    %exp3A_599 = math.exp %sub3A_598 : vector<16xf32>
    %add3A_600 = arith.constant 1.000000e+00 : f32
    %add3A_601 = vector.broadcast %add3A_600 : f32 to vector<16xf32>
    %add3A_602 = arith.addf %add3A_601, %exp3A_599 : vector<16xf32>
    %div3A_603 = arith.divf %get3A_592, %add3A_602 : vector<16xf32>
    %swap3A_604 = arith.constant 336 : index
    %swap3A_605 = tpu.vector_load %arg16[%swap3A_604] {strides = array<i32>} : memref<512xf32, #tpu.memory_space<vmem>>, vector<16xf32>,
    %swap3A_606 = vector.shape_cast %swap3A_605 : vector<16xf32> to vector<16xf32>
    %swap3A_607 = vector.shape_cast %div3A_603 : vector<16xf32> to vector<16xf32>
    tpu.vector_store %arg16[%swap3A_604], %swap3A_607 {strides = array<i32>} : memref<512xf32, #tpu.memory_space<vmem>>, vector<16xf32>,
    %get3A_608 = arith.constant 352 : index
    %get3A_609 = tpu.vector_load %arg13[%get3A_608] {strides = array<i32>} : memref<512xf32, #tpu.memory_space<vmem>>, vector<16xf32>,
    %get3A_610 = vector.shape_cast %get3A_609 : vector<16xf32> to vector<16xf32>
    %get3A_611 = arith.constant 96 : index
    %get3A_612 = tpu.vector_load %arg12[%get3A_611] {strides = array<i32>} : memref<128xf32, #tpu.memory_space<vmem>>, vector<16xf32>,
    %get3A_613 = vector.shape_cast %get3A_612 : vector<16xf32> to vector<16xf32>
    %get3A_614 = arith.constant 352 : index
    %get3A_615 = tpu.vector_load %arg15[%get3A_614] {strides = array<i32>} : memref<512xf32, #tpu.memory_space<vmem>>, vector<16xf32>,
    %get3A_616 = vector.shape_cast %get3A_615 : vector<16xf32> to vector<16xf32>
    %get3A_617 = arith.constant 352 : index
    %get3A_618 = tpu.vector_load %arg14[%get3A_617] {strides = array<i32>} : memref<512xf32, #tpu.memory_space<vmem>>, vector<16xf32>,
    %get3A_619 = vector.shape_cast %get3A_618 : vector<16xf32> to vector<16xf32>
    %sub3A_620 = arith.subf %get3A_610, %get3A_613 : vector<16xf32>
    %mul3A_621 = arith.mulf %get3A_616, %sub3A_620 : vector<16xf32>
    %mul3A_622 = arith.mulf %mul3A_621, %sub3A_620 : vector<16xf32>
    %sub3A_623 = arith.constant 9.000000e+00 : f32
    %sub3A_624 = vector.broadcast %sub3A_623 : f32 to vector<16xf32>
    %sub3A_625 = arith.subf %mul3A_622, %sub3A_624 : vector<16xf32>
    %exp3A_626 = math.exp %sub3A_625 : vector<16xf32>
    %add3A_627 = arith.constant 1.000000e+00 : f32
    %add3A_628 = vector.broadcast %add3A_627 : f32 to vector<16xf32>
    %add3A_629 = arith.addf %add3A_628, %exp3A_626 : vector<16xf32>
    %div3A_630 = arith.divf %get3A_619, %add3A_629 : vector<16xf32>
    %swap3A_631 = arith.constant 352 : index
    %swap3A_632 = tpu.vector_load %arg16[%swap3A_631] {strides = array<i32>} : memref<512xf32, #tpu.memory_space<vmem>>, vector<16xf32>,
    %swap3A_633 = vector.shape_cast %swap3A_632 : vector<16xf32> to vector<16xf32>
    %swap3A_634 = vector.shape_cast %div3A_630 : vector<16xf32> to vector<16xf32>
    tpu.vector_store %arg16[%swap3A_631], %swap3A_634 {strides = array<i32>} : memref<512xf32, #tpu.memory_space<vmem>>, vector<16xf32>,
    %get3A_635 = arith.constant 368 : index
    %get3A_636 = tpu.vector_load %arg13[%get3A_635] {strides = array<i32>} : memref<512xf32, #tpu.memory_space<vmem>>, vector<16xf32>,
    %get3A_637 = vector.shape_cast %get3A_636 : vector<16xf32> to vector<16xf32>
    %get3A_638 = arith.constant 112 : index
    %get3A_639 = tpu.vector_load %arg12[%get3A_638] {strides = array<i32>} : memref<128xf32, #tpu.memory_space<vmem>>, vector<16xf32>,
    %get3A_640 = vector.shape_cast %get3A_639 : vector<16xf32> to vector<16xf32>
    %get3A_641 = arith.constant 368 : index
    %get3A_642 = tpu.vector_load %arg15[%get3A_641] {strides = array<i32>} : memref<512xf32, #tpu.memory_space<vmem>>, vector<16xf32>,
    %get3A_643 = vector.shape_cast %get3A_642 : vector<16xf32> to vector<16xf32>
    %get3A_644 = arith.constant 368 : index
    %get3A_645 = tpu.vector_load %arg14[%get3A_644] {strides = array<i32>} : memref<512xf32, #tpu.memory_space<vmem>>, vector<16xf32>,
    %get3A_646 = vector.shape_cast %get3A_645 : vector<16xf32> to vector<16xf32>
    %sub3A_647 = arith.subf %get3A_637, %get3A_640 : vector<16xf32>
    %mul3A_648 = arith.mulf %get3A_643, %sub3A_647 : vector<16xf32>
    %mul3A_649 = arith.mulf %mul3A_648, %sub3A_647 : vector<16xf32>
    %sub3A_650 = arith.constant 9.000000e+00 : f32
    %sub3A_651 = vector.broadcast %sub3A_650 : f32 to vector<16xf32>
    %sub3A_652 = arith.subf %mul3A_649, %sub3A_651 : vector<16xf32>
    %exp3A_653 = math.exp %sub3A_652 : vector<16xf32>
    %add3A_654 = arith.constant 1.000000e+00 : f32
    %add3A_655 = vector.broadcast %add3A_654 : f32 to vector<16xf32>
    %add3A_656 = arith.addf %add3A_655, %exp3A_653 : vector<16xf32>
    %div3A_657 = arith.divf %get3A_646, %add3A_656 : vector<16xf32>
    %swap3A_658 = arith.constant 368 : index
    %swap3A_659 = tpu.vector_load %arg16[%swap3A_658] {strides = array<i32>} : memref<512xf32, #tpu.memory_space<vmem>>, vector<16xf32>,
    %swap3A_660 = vector.shape_cast %swap3A_659 : vector<16xf32> to vector<16xf32>
    %swap3A_661 = vector.shape_cast %div3A_657 : vector<16xf32> to vector<16xf32>
    tpu.vector_store %arg16[%swap3A_658], %swap3A_661 {strides = array<i32>} : memref<512xf32, #tpu.memory_space<vmem>>, vector<16xf32>,
    %add3A_662 = arith.constant 384 : i32
    %add3A_663 = arith.addi %mul3A_2, %add3A_662 : i32
    "tpu.region"() ({
      %run_scoped3A = tpu.sem_alloc : memref<!tpu.dma_semaphore, #tpu.memory_space<semaphore_mem>>
      %dma_start3A_1772 = tpu.memref_slice %arg4[%add3A_663] : memref<16384xi32, #tpu.memory_space<hbm>> -> memref<128xi32, #tpu.memory_space<hbm>>
      %dma_start3A_1773 = tpu.memref_slice %arg4[%add3A_663] : memref<16384xi32, #tpu.memory_space<hbm>> -> memref<128xi32, #tpu.memory_space<hbm>>
      tpu.enqueue_dma source(%dma_start3A_1773 : memref<128xi32, #tpu.memory_space<hbm>>) target(%arg11 : memref<128xi32, #tpu.memory_space<vmem>>) target_semaphore(%run_scoped3A : memref<!tpu.dma_semaphore, #tpu.memory_space<semaphore_mem>>)
      %dma_wait3A_1774 = tpu.memref_slice %arg4[%add3A_663] : memref<16384xi32, #tpu.memory_space<hbm>> -> memref<128xi32, #tpu.memory_space<hbm>>
      %dma_wait3A_1775 = tpu.memref_slice %arg4[%add3A_663] : memref<16384xi32, #tpu.memory_space<hbm>> -> memref<128xi32, #tpu.memory_space<hbm>>
      tpu.wait_dma2 semaphore(%run_scoped3A : memref<!tpu.dma_semaphore, #tpu.memory_space<semaphore_mem>>) src(%dma_wait3A_1775 : memref<128xi32, #tpu.memory_space<hbm>>) dst(%arg11 : memref<128xi32, #tpu.memory_space<vmem>>)
      tpu.yield
    }) : () -> ()
    %dma_start3A_664 = arith.constant 0 : i32
    %dma_start3A_665 = tpu.memref_slice %arg3[%dma_start3A_664] : memref<16384xf32, #tpu.memory_space<hbm>> -> memref<16384xf32, #tpu.memory_space<hbm>>
    tpu.enqueue_indirect_dma source(%dma_start3A_665 : memref<16384xf32, #tpu.memory_space<hbm>>) target(%arg12 : memref<128xf32, #tpu.memory_space<vmem>>) offsets(%arg11 : memref<128xi32, #tpu.memory_space<vmem>>) semaphore(%arg17 : memref<!tpu.dma_semaphore, #tpu.memory_space<semaphore_mem>>)
    %dma_wait3A_666 = arith.constant 0 : i32
    %dma_wait3A_667 = tpu.memref_slice %arg3[%dma_wait3A_666] : memref<16384xf32, #tpu.memory_space<hbm>> -> memref<16384xf32, #tpu.memory_space<hbm>>
    tpu.wait_indirect_dma semaphore(%arg17 : memref<!tpu.dma_semaphore, #tpu.memory_space<semaphore_mem>>) src(%dma_wait3A_667 : memref<16384xf32, #tpu.memory_space<hbm>>) dst(%arg12 : memref<128xf32, #tpu.memory_space<vmem>>)
    %get3A_668 = arith.constant 384 : index
    %get3A_669 = tpu.vector_load %arg13[%get3A_668] {strides = array<i32>} : memref<512xf32, #tpu.memory_space<vmem>>, vector<16xf32>,
    %get3A_670 = vector.shape_cast %get3A_669 : vector<16xf32> to vector<16xf32>
    %get3A_671 = arith.constant 0 : index
    %get3A_672 = tpu.vector_load %arg12[%get3A_671] {strides = array<i32>} : memref<128xf32, #tpu.memory_space<vmem>>, vector<16xf32>,
    %get3A_673 = vector.shape_cast %get3A_672 : vector<16xf32> to vector<16xf32>
    %get3A_674 = arith.constant 384 : index
    %get3A_675 = tpu.vector_load %arg15[%get3A_674] {strides = array<i32>} : memref<512xf32, #tpu.memory_space<vmem>>, vector<16xf32>,
    %get3A_676 = vector.shape_cast %get3A_675 : vector<16xf32> to vector<16xf32>
    %get3A_677 = arith.constant 384 : index
    %get3A_678 = tpu.vector_load %arg14[%get3A_677] {strides = array<i32>} : memref<512xf32, #tpu.memory_space<vmem>>, vector<16xf32>,
    %get3A_679 = vector.shape_cast %get3A_678 : vector<16xf32> to vector<16xf32>
    %sub3A_680 = arith.subf %get3A_670, %get3A_673 : vector<16xf32>
    %mul3A_681 = arith.mulf %get3A_676, %sub3A_680 : vector<16xf32>
    %mul3A_682 = arith.mulf %mul3A_681, %sub3A_680 : vector<16xf32>
    %sub3A_683 = arith.constant 9.000000e+00 : f32
    %sub3A_684 = vector.broadcast %sub3A_683 : f32 to vector<16xf32>
    %sub3A_685 = arith.subf %mul3A_682, %sub3A_684 : vector<16xf32>
    %exp3A_686 = math.exp %sub3A_685 : vector<16xf32>
    %add3A_687 = arith.constant 1.000000e+00 : f32
    %add3A_688 = vector.broadcast %add3A_687 : f32 to vector<16xf32>
    %add3A_689 = arith.addf %add3A_688, %exp3A_686 : vector<16xf32>
    %div3A_690 = arith.divf %get3A_679, %add3A_689 : vector<16xf32>
    %swap3A_691 = arith.constant 384 : index
    %swap3A_692 = tpu.vector_load %arg16[%swap3A_691] {strides = array<i32>} : memref<512xf32, #tpu.memory_space<vmem>>, vector<16xf32>,
    %swap3A_693 = vector.shape_cast %swap3A_692 : vector<16xf32> to vector<16xf32>
    %swap3A_694 = vector.shape_cast %div3A_690 : vector<16xf32> to vector<16xf32>
    tpu.vector_store %arg16[%swap3A_691], %swap3A_694 {strides = array<i32>} : memref<512xf32, #tpu.memory_space<vmem>>, vector<16xf32>,
    %get3A_695 = arith.constant 400 : index
    %get3A_696 = tpu.vector_load %arg13[%get3A_695] {strides = array<i32>} : memref<512xf32, #tpu.memory_space<vmem>>, vector<16xf32>,
    %get3A_697 = vector.shape_cast %get3A_696 : vector<16xf32> to vector<16xf32>
    %get3A_698 = arith.constant 16 : index
    %get3A_699 = tpu.vector_load %arg12[%get3A_698] {strides = array<i32>} : memref<128xf32, #tpu.memory_space<vmem>>, vector<16xf32>,
    %get3A_700 = vector.shape_cast %get3A_699 : vector<16xf32> to vector<16xf32>
    %get3A_701 = arith.constant 400 : index
    %get3A_702 = tpu.vector_load %arg15[%get3A_701] {strides = array<i32>} : memref<512xf32, #tpu.memory_space<vmem>>, vector<16xf32>,
    %get3A_703 = vector.shape_cast %get3A_702 : vector<16xf32> to vector<16xf32>
    %get3A_704 = arith.constant 400 : index
    %get3A_705 = tpu.vector_load %arg14[%get3A_704] {strides = array<i32>} : memref<512xf32, #tpu.memory_space<vmem>>, vector<16xf32>,
    %get3A_706 = vector.shape_cast %get3A_705 : vector<16xf32> to vector<16xf32>
    %sub3A_707 = arith.subf %get3A_697, %get3A_700 : vector<16xf32>
    %mul3A_708 = arith.mulf %get3A_703, %sub3A_707 : vector<16xf32>
    %mul3A_709 = arith.mulf %mul3A_708, %sub3A_707 : vector<16xf32>
    %sub3A_710 = arith.constant 9.000000e+00 : f32
    %sub3A_711 = vector.broadcast %sub3A_710 : f32 to vector<16xf32>
    %sub3A_712 = arith.subf %mul3A_709, %sub3A_711 : vector<16xf32>
    %exp3A_713 = math.exp %sub3A_712 : vector<16xf32>
    %add3A_714 = arith.constant 1.000000e+00 : f32
    %add3A_715 = vector.broadcast %add3A_714 : f32 to vector<16xf32>
    %add3A_716 = arith.addf %add3A_715, %exp3A_713 : vector<16xf32>
    %div3A_717 = arith.divf %get3A_706, %add3A_716 : vector<16xf32>
    %swap3A_718 = arith.constant 400 : index
    %swap3A_719 = tpu.vector_load %arg16[%swap3A_718] {strides = array<i32>} : memref<512xf32, #tpu.memory_space<vmem>>, vector<16xf32>,
    %swap3A_720 = vector.shape_cast %swap3A_719 : vector<16xf32> to vector<16xf32>
    %swap3A_721 = vector.shape_cast %div3A_717 : vector<16xf32> to vector<16xf32>
    tpu.vector_store %arg16[%swap3A_718], %swap3A_721 {strides = array<i32>} : memref<512xf32, #tpu.memory_space<vmem>>, vector<16xf32>,
    %get3A_722 = arith.constant 416 : index
    %get3A_723 = tpu.vector_load %arg13[%get3A_722] {strides = array<i32>} : memref<512xf32, #tpu.memory_space<vmem>>, vector<16xf32>,
    %get3A_724 = vector.shape_cast %get3A_723 : vector<16xf32> to vector<16xf32>
    %get3A_725 = arith.constant 32 : index
    %get3A_726 = tpu.vector_load %arg12[%get3A_725] {strides = array<i32>} : memref<128xf32, #tpu.memory_space<vmem>>, vector<16xf32>,
    %get3A_727 = vector.shape_cast %get3A_726 : vector<16xf32> to vector<16xf32>
    %get3A_728 = arith.constant 416 : index
    %get3A_729 = tpu.vector_load %arg15[%get3A_728] {strides = array<i32>} : memref<512xf32, #tpu.memory_space<vmem>>, vector<16xf32>,
    %get3A_730 = vector.shape_cast %get3A_729 : vector<16xf32> to vector<16xf32>
    %get3A_731 = arith.constant 416 : index
    %get3A_732 = tpu.vector_load %arg14[%get3A_731] {strides = array<i32>} : memref<512xf32, #tpu.memory_space<vmem>>, vector<16xf32>,
    %get3A_733 = vector.shape_cast %get3A_732 : vector<16xf32> to vector<16xf32>
    %sub3A_734 = arith.subf %get3A_724, %get3A_727 : vector<16xf32>
    %mul3A_735 = arith.mulf %get3A_730, %sub3A_734 : vector<16xf32>
    %mul3A_736 = arith.mulf %mul3A_735, %sub3A_734 : vector<16xf32>
    %sub3A_737 = arith.constant 9.000000e+00 : f32
    %sub3A_738 = vector.broadcast %sub3A_737 : f32 to vector<16xf32>
    %sub3A_739 = arith.subf %mul3A_736, %sub3A_738 : vector<16xf32>
    %exp3A_740 = math.exp %sub3A_739 : vector<16xf32>
    %add3A_741 = arith.constant 1.000000e+00 : f32
    %add3A_742 = vector.broadcast %add3A_741 : f32 to vector<16xf32>
    %add3A_743 = arith.addf %add3A_742, %exp3A_740 : vector<16xf32>
    %div3A_744 = arith.divf %get3A_733, %add3A_743 : vector<16xf32>
    %swap3A_745 = arith.constant 416 : index
    %swap3A_746 = tpu.vector_load %arg16[%swap3A_745] {strides = array<i32>} : memref<512xf32, #tpu.memory_space<vmem>>, vector<16xf32>,
    %swap3A_747 = vector.shape_cast %swap3A_746 : vector<16xf32> to vector<16xf32>
    %swap3A_748 = vector.shape_cast %div3A_744 : vector<16xf32> to vector<16xf32>
    tpu.vector_store %arg16[%swap3A_745], %swap3A_748 {strides = array<i32>} : memref<512xf32, #tpu.memory_space<vmem>>, vector<16xf32>,
    %get3A_749 = arith.constant 432 : index
    %get3A_750 = tpu.vector_load %arg13[%get3A_749] {strides = array<i32>} : memref<512xf32, #tpu.memory_space<vmem>>, vector<16xf32>,
    %get3A_751 = vector.shape_cast %get3A_750 : vector<16xf32> to vector<16xf32>
    %get3A_752 = arith.constant 48 : index
    %get3A_753 = tpu.vector_load %arg12[%get3A_752] {strides = array<i32>} : memref<128xf32, #tpu.memory_space<vmem>>, vector<16xf32>,
    %get3A_754 = vector.shape_cast %get3A_753 : vector<16xf32> to vector<16xf32>
    %get3A_755 = arith.constant 432 : index
    %get3A_756 = tpu.vector_load %arg15[%get3A_755] {strides = array<i32>} : memref<512xf32, #tpu.memory_space<vmem>>, vector<16xf32>,
    %get3A_757 = vector.shape_cast %get3A_756 : vector<16xf32> to vector<16xf32>
    %get3A_758 = arith.constant 432 : index
    %get3A_759 = tpu.vector_load %arg14[%get3A_758] {strides = array<i32>} : memref<512xf32, #tpu.memory_space<vmem>>, vector<16xf32>,
    %get3A_760 = vector.shape_cast %get3A_759 : vector<16xf32> to vector<16xf32>
    %sub3A_761 = arith.subf %get3A_751, %get3A_754 : vector<16xf32>
    %mul3A_762 = arith.mulf %get3A_757, %sub3A_761 : vector<16xf32>
    %mul3A_763 = arith.mulf %mul3A_762, %sub3A_761 : vector<16xf32>
    %sub3A_764 = arith.constant 9.000000e+00 : f32
    %sub3A_765 = vector.broadcast %sub3A_764 : f32 to vector<16xf32>
    %sub3A_766 = arith.subf %mul3A_763, %sub3A_765 : vector<16xf32>
    %exp3A_767 = math.exp %sub3A_766 : vector<16xf32>
    %add3A_768 = arith.constant 1.000000e+00 : f32
    %add3A_769 = vector.broadcast %add3A_768 : f32 to vector<16xf32>
    %add3A_770 = arith.addf %add3A_769, %exp3A_767 : vector<16xf32>
    %div3A_771 = arith.divf %get3A_760, %add3A_770 : vector<16xf32>
    %swap3A_772 = arith.constant 432 : index
    %swap3A_773 = tpu.vector_load %arg16[%swap3A_772] {strides = array<i32>} : memref<512xf32, #tpu.memory_space<vmem>>, vector<16xf32>,
    %swap3A_774 = vector.shape_cast %swap3A_773 : vector<16xf32> to vector<16xf32>
    %swap3A_775 = vector.shape_cast %div3A_771 : vector<16xf32> to vector<16xf32>
    tpu.vector_store %arg16[%swap3A_772], %swap3A_775 {strides = array<i32>} : memref<512xf32, #tpu.memory_space<vmem>>, vector<16xf32>,
    %get3A_776 = arith.constant 448 : index
    %get3A_777 = tpu.vector_load %arg13[%get3A_776] {strides = array<i32>} : memref<512xf32, #tpu.memory_space<vmem>>, vector<16xf32>,
    %get3A_778 = vector.shape_cast %get3A_777 : vector<16xf32> to vector<16xf32>
    %get3A_779 = arith.constant 64 : index
    %get3A_780 = tpu.vector_load %arg12[%get3A_779] {strides = array<i32>} : memref<128xf32, #tpu.memory_space<vmem>>, vector<16xf32>,
    %get3A_781 = vector.shape_cast %get3A_780 : vector<16xf32> to vector<16xf32>
    %get3A_782 = arith.constant 448 : index
    %get3A_783 = tpu.vector_load %arg15[%get3A_782] {strides = array<i32>} : memref<512xf32, #tpu.memory_space<vmem>>, vector<16xf32>,
    %get3A_784 = vector.shape_cast %get3A_783 : vector<16xf32> to vector<16xf32>
    %get3A_785 = arith.constant 448 : index
    %get3A_786 = tpu.vector_load %arg14[%get3A_785] {strides = array<i32>} : memref<512xf32, #tpu.memory_space<vmem>>, vector<16xf32>,
    %get3A_787 = vector.shape_cast %get3A_786 : vector<16xf32> to vector<16xf32>
    %sub3A_788 = arith.subf %get3A_778, %get3A_781 : vector<16xf32>
    %mul3A_789 = arith.mulf %get3A_784, %sub3A_788 : vector<16xf32>
    %mul3A_790 = arith.mulf %mul3A_789, %sub3A_788 : vector<16xf32>
    %sub3A_791 = arith.constant 9.000000e+00 : f32
    %sub3A_792 = vector.broadcast %sub3A_791 : f32 to vector<16xf32>
    %sub3A_793 = arith.subf %mul3A_790, %sub3A_792 : vector<16xf32>
    %exp3A_794 = math.exp %sub3A_793 : vector<16xf32>
    %add3A_795 = arith.constant 1.000000e+00 : f32
    %add3A_796 = vector.broadcast %add3A_795 : f32 to vector<16xf32>
    %add3A_797 = arith.addf %add3A_796, %exp3A_794 : vector<16xf32>
    %div3A_798 = arith.divf %get3A_787, %add3A_797 : vector<16xf32>
    %swap3A_799 = arith.constant 448 : index
    %swap3A_800 = tpu.vector_load %arg16[%swap3A_799] {strides = array<i32>} : memref<512xf32, #tpu.memory_space<vmem>>, vector<16xf32>,
    %swap3A_801 = vector.shape_cast %swap3A_800 : vector<16xf32> to vector<16xf32>
    %swap3A_802 = vector.shape_cast %div3A_798 : vector<16xf32> to vector<16xf32>
    tpu.vector_store %arg16[%swap3A_799], %swap3A_802 {strides = array<i32>} : memref<512xf32, #tpu.memory_space<vmem>>, vector<16xf32>,
    %get3A_803 = arith.constant 464 : index
    %get3A_804 = tpu.vector_load %arg13[%get3A_803] {strides = array<i32>} : memref<512xf32, #tpu.memory_space<vmem>>, vector<16xf32>,
    %get3A_805 = vector.shape_cast %get3A_804 : vector<16xf32> to vector<16xf32>
    %get3A_806 = arith.constant 80 : index
    %get3A_807 = tpu.vector_load %arg12[%get3A_806] {strides = array<i32>} : memref<128xf32, #tpu.memory_space<vmem>>, vector<16xf32>,
    %get3A_808 = vector.shape_cast %get3A_807 : vector<16xf32> to vector<16xf32>
    %get3A_809 = arith.constant 464 : index
    %get3A_810 = tpu.vector_load %arg15[%get3A_809] {strides = array<i32>} : memref<512xf32, #tpu.memory_space<vmem>>, vector<16xf32>,
    %get3A_811 = vector.shape_cast %get3A_810 : vector<16xf32> to vector<16xf32>
    %get3A_812 = arith.constant 464 : index
    %get3A_813 = tpu.vector_load %arg14[%get3A_812] {strides = array<i32>} : memref<512xf32, #tpu.memory_space<vmem>>, vector<16xf32>,
    %get3A_814 = vector.shape_cast %get3A_813 : vector<16xf32> to vector<16xf32>
    %sub3A_815 = arith.subf %get3A_805, %get3A_808 : vector<16xf32>
    %mul3A_816 = arith.mulf %get3A_811, %sub3A_815 : vector<16xf32>
    %mul3A_817 = arith.mulf %mul3A_816, %sub3A_815 : vector<16xf32>
    %sub3A_818 = arith.constant 9.000000e+00 : f32
    %sub3A_819 = vector.broadcast %sub3A_818 : f32 to vector<16xf32>
    %sub3A_820 = arith.subf %mul3A_817, %sub3A_819 : vector<16xf32>
    %exp3A_821 = math.exp %sub3A_820 : vector<16xf32>
    %add3A_822 = arith.constant 1.000000e+00 : f32
    %add3A_823 = vector.broadcast %add3A_822 : f32 to vector<16xf32>
    %add3A_824 = arith.addf %add3A_823, %exp3A_821 : vector<16xf32>
    %div3A_825 = arith.divf %get3A_814, %add3A_824 : vector<16xf32>
    %swap3A_826 = arith.constant 464 : index
    %swap3A_827 = tpu.vector_load %arg16[%swap3A_826] {strides = array<i32>} : memref<512xf32, #tpu.memory_space<vmem>>, vector<16xf32>,
    %swap3A_828 = vector.shape_cast %swap3A_827 : vector<16xf32> to vector<16xf32>
    %swap3A_829 = vector.shape_cast %div3A_825 : vector<16xf32> to vector<16xf32>
    tpu.vector_store %arg16[%swap3A_826], %swap3A_829 {strides = array<i32>} : memref<512xf32, #tpu.memory_space<vmem>>, vector<16xf32>,
    %get3A_830 = arith.constant 480 : index
    %get3A_831 = tpu.vector_load %arg13[%get3A_830] {strides = array<i32>} : memref<512xf32, #tpu.memory_space<vmem>>, vector<16xf32>,
    %get3A_832 = vector.shape_cast %get3A_831 : vector<16xf32> to vector<16xf32>
    %get3A_833 = arith.constant 96 : index
    %get3A_834 = tpu.vector_load %arg12[%get3A_833] {strides = array<i32>} : memref<128xf32, #tpu.memory_space<vmem>>, vector<16xf32>,
    %get3A_835 = vector.shape_cast %get3A_834 : vector<16xf32> to vector<16xf32>
    %get3A_836 = arith.constant 480 : index
    %get3A_837 = tpu.vector_load %arg15[%get3A_836] {strides = array<i32>} : memref<512xf32, #tpu.memory_space<vmem>>, vector<16xf32>,
    %get3A_838 = vector.shape_cast %get3A_837 : vector<16xf32> to vector<16xf32>
    %get3A_839 = arith.constant 480 : index
    %get3A_840 = tpu.vector_load %arg14[%get3A_839] {strides = array<i32>} : memref<512xf32, #tpu.memory_space<vmem>>, vector<16xf32>,
    %get3A_841 = vector.shape_cast %get3A_840 : vector<16xf32> to vector<16xf32>
    %sub3A_842 = arith.subf %get3A_832, %get3A_835 : vector<16xf32>
    %mul3A_843 = arith.mulf %get3A_838, %sub3A_842 : vector<16xf32>
    %mul3A_844 = arith.mulf %mul3A_843, %sub3A_842 : vector<16xf32>
    %sub3A_845 = arith.constant 9.000000e+00 : f32
    %sub3A_846 = vector.broadcast %sub3A_845 : f32 to vector<16xf32>
    %sub3A_847 = arith.subf %mul3A_844, %sub3A_846 : vector<16xf32>
    %exp3A_848 = math.exp %sub3A_847 : vector<16xf32>
    %add3A_849 = arith.constant 1.000000e+00 : f32
    %add3A_850 = vector.broadcast %add3A_849 : f32 to vector<16xf32>
    %add3A_851 = arith.addf %add3A_850, %exp3A_848 : vector<16xf32>
    %div3A_852 = arith.divf %get3A_841, %add3A_851 : vector<16xf32>
    %swap3A_853 = arith.constant 480 : index
    %swap3A_854 = tpu.vector_load %arg16[%swap3A_853] {strides = array<i32>} : memref<512xf32, #tpu.memory_space<vmem>>, vector<16xf32>,
    %swap3A_855 = vector.shape_cast %swap3A_854 : vector<16xf32> to vector<16xf32>
    %swap3A_856 = vector.shape_cast %div3A_852 : vector<16xf32> to vector<16xf32>
    tpu.vector_store %arg16[%swap3A_853], %swap3A_856 {strides = array<i32>} : memref<512xf32, #tpu.memory_space<vmem>>, vector<16xf32>,
    %get3A_857 = arith.constant 496 : index
    %get3A_858 = tpu.vector_load %arg13[%get3A_857] {strides = array<i32>} : memref<512xf32, #tpu.memory_space<vmem>>, vector<16xf32>,
    %get3A_859 = vector.shape_cast %get3A_858 : vector<16xf32> to vector<16xf32>
    %get3A_860 = arith.constant 112 : index
    %get3A_861 = tpu.vector_load %arg12[%get3A_860] {strides = array<i32>} : memref<128xf32, #tpu.memory_space<vmem>>, vector<16xf32>,
    %get3A_862 = vector.shape_cast %get3A_861 : vector<16xf32> to vector<16xf32>
    %get3A_863 = arith.constant 496 : index
    %get3A_864 = tpu.vector_load %arg15[%get3A_863] {strides = array<i32>} : memref<512xf32, #tpu.memory_space<vmem>>, vector<16xf32>,
    %get3A_865 = vector.shape_cast %get3A_864 : vector<16xf32> to vector<16xf32>
    %get3A_866 = arith.constant 496 : index
    %get3A_867 = tpu.vector_load %arg14[%get3A_866] {strides = array<i32>} : memref<512xf32, #tpu.memory_space<vmem>>, vector<16xf32>,
    %get3A_868 = vector.shape_cast %get3A_867 : vector<16xf32> to vector<16xf32>
    %sub3A_869 = arith.subf %get3A_859, %get3A_862 : vector<16xf32>
    %mul3A_870 = arith.mulf %get3A_865, %sub3A_869 : vector<16xf32>
    %mul3A_871 = arith.mulf %mul3A_870, %sub3A_869 : vector<16xf32>
    %sub3A_872 = arith.constant 9.000000e+00 : f32
    %sub3A_873 = vector.broadcast %sub3A_872 : f32 to vector<16xf32>
    %sub3A_874 = arith.subf %mul3A_871, %sub3A_873 : vector<16xf32>
    %exp3A_875 = math.exp %sub3A_874 : vector<16xf32>
    %add3A_876 = arith.constant 1.000000e+00 : f32
    %add3A_877 = vector.broadcast %add3A_876 : f32 to vector<16xf32>
    %add3A_878 = arith.addf %add3A_877, %exp3A_875 : vector<16xf32>
    %div3A_879 = arith.divf %get3A_868, %add3A_878 : vector<16xf32>
    %swap3A_880 = arith.constant 496 : index
    %swap3A_881 = tpu.vector_load %arg16[%swap3A_880] {strides = array<i32>} : memref<512xf32, #tpu.memory_space<vmem>>, vector<16xf32>,
    %swap3A_882 = vector.shape_cast %swap3A_881 : vector<16xf32> to vector<16xf32>
    %swap3A_883 = vector.shape_cast %div3A_879 : vector<16xf32> to vector<16xf32>
    tpu.vector_store %arg16[%swap3A_880], %swap3A_883 {strides = array<i32>} : memref<512xf32, #tpu.memory_space<vmem>>, vector<16xf32>,
    "tpu.region"() ({
      %run_scoped3A = tpu.sem_alloc : memref<!tpu.dma_semaphore, #tpu.memory_space<semaphore_mem>>
      %dma_start3A_1772 = tpu.memref_slice %arg9[%mul3A_2] : memref<16384xf32, #tpu.memory_space<hbm>> -> memref<512xf32, #tpu.memory_space<hbm>>
      %dma_start3A_1773 = tpu.memref_slice %arg9[%mul3A_2] : memref<16384xf32, #tpu.memory_space<hbm>> -> memref<512xf32, #tpu.memory_space<hbm>>
      tpu.enqueue_dma source(%arg16 : memref<512xf32, #tpu.memory_space<vmem>>) target(%dma_start3A_1773 : memref<512xf32, #tpu.memory_space<hbm>>) target_semaphore(%run_scoped3A : memref<!tpu.dma_semaphore, #tpu.memory_space<semaphore_mem>>)
      %dma_wait3A_1774 = tpu.memref_slice %arg9[%mul3A_2] : memref<16384xf32, #tpu.memory_space<hbm>> -> memref<512xf32, #tpu.memory_space<hbm>>
      %dma_wait3A_1775 = tpu.memref_slice %arg9[%mul3A_2] : memref<16384xf32, #tpu.memory_space<hbm>> -> memref<512xf32, #tpu.memory_space<hbm>>
      tpu.wait_dma2 semaphore(%run_scoped3A : memref<!tpu.dma_semaphore, #tpu.memory_space<semaphore_mem>>) src(%arg16 : memref<512xf32, #tpu.memory_space<vmem>>) dst(%dma_wait3A_1775 : memref<512xf32, #tpu.memory_space<hbm>>)
      tpu.yield
    }) : () -> ()
    "tpu.region"() ({
      %run_scoped3A = tpu.sem_alloc : memref<!tpu.dma_semaphore, #tpu.memory_space<semaphore_mem>>
      %dma_start3A_1772 = tpu.memref_slice %arg3[%mul3A_2] : memref<16384xf32, #tpu.memory_space<hbm>> -> memref<512xf32, #tpu.memory_space<hbm>>
      %dma_start3A_1773 = tpu.memref_slice %arg3[%mul3A_2] : memref<16384xf32, #tpu.memory_space<hbm>> -> memref<512xf32, #tpu.memory_space<hbm>>
      tpu.enqueue_dma source(%dma_start3A_1773 : memref<512xf32, #tpu.memory_space<hbm>>) target(%arg13 : memref<512xf32, #tpu.memory_space<vmem>>) target_semaphore(%run_scoped3A : memref<!tpu.dma_semaphore, #tpu.memory_space<semaphore_mem>>)
      %dma_wait3A_1774 = tpu.memref_slice %arg3[%mul3A_2] : memref<16384xf32, #tpu.memory_space<hbm>> -> memref<512xf32, #tpu.memory_space<hbm>>
      %dma_wait3A_1775 = tpu.memref_slice %arg3[%mul3A_2] : memref<16384xf32, #tpu.memory_space<hbm>> -> memref<512xf32, #tpu.memory_space<hbm>>
      tpu.wait_dma2 semaphore(%run_scoped3A : memref<!tpu.dma_semaphore, #tpu.memory_space<semaphore_mem>>) src(%dma_wait3A_1775 : memref<512xf32, #tpu.memory_space<hbm>>) dst(%arg13 : memref<512xf32, #tpu.memory_space<vmem>>)
      tpu.yield
    }) : () -> ()
    "tpu.region"() ({
      %run_scoped3A = tpu.sem_alloc : memref<!tpu.dma_semaphore, #tpu.memory_space<semaphore_mem>>
      %dma_start3A_1772 = tpu.memref_slice %arg7[%mul3A_2] : memref<16384xf32, #tpu.memory_space<hbm>> -> memref<512xf32, #tpu.memory_space<hbm>>
      %dma_start3A_1773 = tpu.memref_slice %arg7[%mul3A_2] : memref<16384xf32, #tpu.memory_space<hbm>> -> memref<512xf32, #tpu.memory_space<hbm>>
      tpu.enqueue_dma source(%dma_start3A_1773 : memref<512xf32, #tpu.memory_space<hbm>>) target(%arg14 : memref<512xf32, #tpu.memory_space<vmem>>) target_semaphore(%run_scoped3A : memref<!tpu.dma_semaphore, #tpu.memory_space<semaphore_mem>>)
      %dma_wait3A_1774 = tpu.memref_slice %arg7[%mul3A_2] : memref<16384xf32, #tpu.memory_space<hbm>> -> memref<512xf32, #tpu.memory_space<hbm>>
      %dma_wait3A_1775 = tpu.memref_slice %arg7[%mul3A_2] : memref<16384xf32, #tpu.memory_space<hbm>> -> memref<512xf32, #tpu.memory_space<hbm>>
      tpu.wait_dma2 semaphore(%run_scoped3A : memref<!tpu.dma_semaphore, #tpu.memory_space<semaphore_mem>>) src(%dma_wait3A_1775 : memref<512xf32, #tpu.memory_space<hbm>>) dst(%arg14 : memref<512xf32, #tpu.memory_space<vmem>>)
      tpu.yield
    }) : () -> ()
    %add3A_884 = arith.constant 0 : i32
    %add3A_885 = arith.addi %mul3A_2, %add3A_884 : i32
    "tpu.region"() ({
      %run_scoped3A = tpu.sem_alloc : memref<!tpu.dma_semaphore, #tpu.memory_space<semaphore_mem>>
      %dma_start3A_1772 = tpu.memref_slice %arg5[%add3A_885] : memref<16384xi32, #tpu.memory_space<hbm>> -> memref<128xi32, #tpu.memory_space<hbm>>
      %dma_start3A_1773 = tpu.memref_slice %arg5[%add3A_885] : memref<16384xi32, #tpu.memory_space<hbm>> -> memref<128xi32, #tpu.memory_space<hbm>>
      tpu.enqueue_dma source(%dma_start3A_1773 : memref<128xi32, #tpu.memory_space<hbm>>) target(%arg11 : memref<128xi32, #tpu.memory_space<vmem>>) target_semaphore(%run_scoped3A : memref<!tpu.dma_semaphore, #tpu.memory_space<semaphore_mem>>)
      %dma_wait3A_1774 = tpu.memref_slice %arg5[%add3A_885] : memref<16384xi32, #tpu.memory_space<hbm>> -> memref<128xi32, #tpu.memory_space<hbm>>
      %dma_wait3A_1775 = tpu.memref_slice %arg5[%add3A_885] : memref<16384xi32, #tpu.memory_space<hbm>> -> memref<128xi32, #tpu.memory_space<hbm>>
      tpu.wait_dma2 semaphore(%run_scoped3A : memref<!tpu.dma_semaphore, #tpu.memory_space<semaphore_mem>>) src(%dma_wait3A_1775 : memref<128xi32, #tpu.memory_space<hbm>>) dst(%arg11 : memref<128xi32, #tpu.memory_space<vmem>>)
      tpu.yield
    }) : () -> ()
    %dma_start3A_886 = arith.constant 0 : i32
    %dma_start3A_887 = tpu.memref_slice %arg2[%dma_start3A_886] : memref<16384xf32, #tpu.memory_space<hbm>> -> memref<16384xf32, #tpu.memory_space<hbm>>
    tpu.enqueue_indirect_dma source(%dma_start3A_887 : memref<16384xf32, #tpu.memory_space<hbm>>) target(%arg12 : memref<128xf32, #tpu.memory_space<vmem>>) offsets(%arg11 : memref<128xi32, #tpu.memory_space<vmem>>) semaphore(%arg17 : memref<!tpu.dma_semaphore, #tpu.memory_space<semaphore_mem>>)
    %dma_wait3A_888 = arith.constant 0 : i32
    %dma_wait3A_889 = tpu.memref_slice %arg2[%dma_wait3A_888] : memref<16384xf32, #tpu.memory_space<hbm>> -> memref<16384xf32, #tpu.memory_space<hbm>>
    tpu.wait_indirect_dma semaphore(%arg17 : memref<!tpu.dma_semaphore, #tpu.memory_space<semaphore_mem>>) src(%dma_wait3A_889 : memref<16384xf32, #tpu.memory_space<hbm>>) dst(%arg12 : memref<128xf32, #tpu.memory_space<vmem>>)
    %get3A_890 = arith.constant 0 : index
    %get3A_891 = tpu.vector_load %arg13[%get3A_890] {strides = array<i32>} : memref<512xf32, #tpu.memory_space<vmem>>, vector<16xf32>,
    %get3A_892 = vector.shape_cast %get3A_891 : vector<16xf32> to vector<16xf32>
    %get3A_893 = arith.constant 0 : index
    %get3A_894 = tpu.vector_load %arg12[%get3A_893] {strides = array<i32>} : memref<128xf32, #tpu.memory_space<vmem>>, vector<16xf32>,
    %get3A_895 = vector.shape_cast %get3A_894 : vector<16xf32> to vector<16xf32>
    %get3A_896 = arith.constant 0 : index
    %get3A_897 = tpu.vector_load %arg15[%get3A_896] {strides = array<i32>} : memref<512xf32, #tpu.memory_space<vmem>>, vector<16xf32>,
    %get3A_898 = vector.shape_cast %get3A_897 : vector<16xf32> to vector<16xf32>
    %get3A_899 = arith.constant 0 : index
    %get3A_900 = tpu.vector_load %arg14[%get3A_899] {strides = array<i32>} : memref<512xf32, #tpu.memory_space<vmem>>, vector<16xf32>,
    %get3A_901 = vector.shape_cast %get3A_900 : vector<16xf32> to vector<16xf32>
    %sub3A_902 = arith.subf %get3A_892, %get3A_895 : vector<16xf32>
    %mul3A_903 = arith.mulf %get3A_898, %sub3A_902 : vector<16xf32>
    %mul3A_904 = arith.mulf %mul3A_903, %sub3A_902 : vector<16xf32>
    %sub3A_905 = arith.constant 9.000000e+00 : f32
    %sub3A_906 = vector.broadcast %sub3A_905 : f32 to vector<16xf32>
    %sub3A_907 = arith.subf %mul3A_904, %sub3A_906 : vector<16xf32>
    %exp3A_908 = math.exp %sub3A_907 : vector<16xf32>
    %add3A_909 = arith.constant 1.000000e+00 : f32
    %add3A_910 = vector.broadcast %add3A_909 : f32 to vector<16xf32>
    %add3A_911 = arith.addf %add3A_910, %exp3A_908 : vector<16xf32>
    %div3A_912 = arith.divf %get3A_901, %add3A_911 : vector<16xf32>
    %swap3A_913 = arith.constant 0 : index
    %swap3A_914 = tpu.vector_load %arg16[%swap3A_913] {strides = array<i32>} : memref<512xf32, #tpu.memory_space<vmem>>, vector<16xf32>,
    %swap3A_915 = vector.shape_cast %swap3A_914 : vector<16xf32> to vector<16xf32>
    %swap3A_916 = vector.shape_cast %div3A_912 : vector<16xf32> to vector<16xf32>
    tpu.vector_store %arg16[%swap3A_913], %swap3A_916 {strides = array<i32>} : memref<512xf32, #tpu.memory_space<vmem>>, vector<16xf32>,
    %get3A_917 = arith.constant 16 : index
    %get3A_918 = tpu.vector_load %arg13[%get3A_917] {strides = array<i32>} : memref<512xf32, #tpu.memory_space<vmem>>, vector<16xf32>,
    %get3A_919 = vector.shape_cast %get3A_918 : vector<16xf32> to vector<16xf32>
    %get3A_920 = arith.constant 16 : index
    %get3A_921 = tpu.vector_load %arg12[%get3A_920] {strides = array<i32>} : memref<128xf32, #tpu.memory_space<vmem>>, vector<16xf32>,
    %get3A_922 = vector.shape_cast %get3A_921 : vector<16xf32> to vector<16xf32>
    %get3A_923 = arith.constant 16 : index
    %get3A_924 = tpu.vector_load %arg15[%get3A_923] {strides = array<i32>} : memref<512xf32, #tpu.memory_space<vmem>>, vector<16xf32>,
    %get3A_925 = vector.shape_cast %get3A_924 : vector<16xf32> to vector<16xf32>
    %get3A_926 = arith.constant 16 : index
    %get3A_927 = tpu.vector_load %arg14[%get3A_926] {strides = array<i32>} : memref<512xf32, #tpu.memory_space<vmem>>, vector<16xf32>,
    %get3A_928 = vector.shape_cast %get3A_927 : vector<16xf32> to vector<16xf32>
    %sub3A_929 = arith.subf %get3A_919, %get3A_922 : vector<16xf32>
    %mul3A_930 = arith.mulf %get3A_925, %sub3A_929 : vector<16xf32>
    %mul3A_931 = arith.mulf %mul3A_930, %sub3A_929 : vector<16xf32>
    %sub3A_932 = arith.constant 9.000000e+00 : f32
    %sub3A_933 = vector.broadcast %sub3A_932 : f32 to vector<16xf32>
    %sub3A_934 = arith.subf %mul3A_931, %sub3A_933 : vector<16xf32>
    %exp3A_935 = math.exp %sub3A_934 : vector<16xf32>
    %add3A_936 = arith.constant 1.000000e+00 : f32
    %add3A_937 = vector.broadcast %add3A_936 : f32 to vector<16xf32>
    %add3A_938 = arith.addf %add3A_937, %exp3A_935 : vector<16xf32>
    %div3A_939 = arith.divf %get3A_928, %add3A_938 : vector<16xf32>
    %swap3A_940 = arith.constant 16 : index
    %swap3A_941 = tpu.vector_load %arg16[%swap3A_940] {strides = array<i32>} : memref<512xf32, #tpu.memory_space<vmem>>, vector<16xf32>,
    %swap3A_942 = vector.shape_cast %swap3A_941 : vector<16xf32> to vector<16xf32>
    %swap3A_943 = vector.shape_cast %div3A_939 : vector<16xf32> to vector<16xf32>
    tpu.vector_store %arg16[%swap3A_940], %swap3A_943 {strides = array<i32>} : memref<512xf32, #tpu.memory_space<vmem>>, vector<16xf32>,
    %get3A_944 = arith.constant 32 : index
    %get3A_945 = tpu.vector_load %arg13[%get3A_944] {strides = array<i32>} : memref<512xf32, #tpu.memory_space<vmem>>, vector<16xf32>,
    %get3A_946 = vector.shape_cast %get3A_945 : vector<16xf32> to vector<16xf32>
    %get3A_947 = arith.constant 32 : index
    %get3A_948 = tpu.vector_load %arg12[%get3A_947] {strides = array<i32>} : memref<128xf32, #tpu.memory_space<vmem>>, vector<16xf32>,
    %get3A_949 = vector.shape_cast %get3A_948 : vector<16xf32> to vector<16xf32>
    %get3A_950 = arith.constant 32 : index
    %get3A_951 = tpu.vector_load %arg15[%get3A_950] {strides = array<i32>} : memref<512xf32, #tpu.memory_space<vmem>>, vector<16xf32>,
    %get3A_952 = vector.shape_cast %get3A_951 : vector<16xf32> to vector<16xf32>
    %get3A_953 = arith.constant 32 : index
    %get3A_954 = tpu.vector_load %arg14[%get3A_953] {strides = array<i32>} : memref<512xf32, #tpu.memory_space<vmem>>, vector<16xf32>,
    %get3A_955 = vector.shape_cast %get3A_954 : vector<16xf32> to vector<16xf32>
    %sub3A_956 = arith.subf %get3A_946, %get3A_949 : vector<16xf32>
    %mul3A_957 = arith.mulf %get3A_952, %sub3A_956 : vector<16xf32>
    %mul3A_958 = arith.mulf %mul3A_957, %sub3A_956 : vector<16xf32>
    %sub3A_959 = arith.constant 9.000000e+00 : f32
    %sub3A_960 = vector.broadcast %sub3A_959 : f32 to vector<16xf32>
    %sub3A_961 = arith.subf %mul3A_958, %sub3A_960 : vector<16xf32>
    %exp3A_962 = math.exp %sub3A_961 : vector<16xf32>
    %add3A_963 = arith.constant 1.000000e+00 : f32
    %add3A_964 = vector.broadcast %add3A_963 : f32 to vector<16xf32>
    %add3A_965 = arith.addf %add3A_964, %exp3A_962 : vector<16xf32>
    %div3A_966 = arith.divf %get3A_955, %add3A_965 : vector<16xf32>
    %swap3A_967 = arith.constant 32 : index
    %swap3A_968 = tpu.vector_load %arg16[%swap3A_967] {strides = array<i32>} : memref<512xf32, #tpu.memory_space<vmem>>, vector<16xf32>,
    %swap3A_969 = vector.shape_cast %swap3A_968 : vector<16xf32> to vector<16xf32>
    %swap3A_970 = vector.shape_cast %div3A_966 : vector<16xf32> to vector<16xf32>
    tpu.vector_store %arg16[%swap3A_967], %swap3A_970 {strides = array<i32>} : memref<512xf32, #tpu.memory_space<vmem>>, vector<16xf32>,
    %get3A_971 = arith.constant 48 : index
    %get3A_972 = tpu.vector_load %arg13[%get3A_971] {strides = array<i32>} : memref<512xf32, #tpu.memory_space<vmem>>, vector<16xf32>,
    %get3A_973 = vector.shape_cast %get3A_972 : vector<16xf32> to vector<16xf32>
    %get3A_974 = arith.constant 48 : index
    %get3A_975 = tpu.vector_load %arg12[%get3A_974] {strides = array<i32>} : memref<128xf32, #tpu.memory_space<vmem>>, vector<16xf32>,
    %get3A_976 = vector.shape_cast %get3A_975 : vector<16xf32> to vector<16xf32>
    %get3A_977 = arith.constant 48 : index
    %get3A_978 = tpu.vector_load %arg15[%get3A_977] {strides = array<i32>} : memref<512xf32, #tpu.memory_space<vmem>>, vector<16xf32>,
    %get3A_979 = vector.shape_cast %get3A_978 : vector<16xf32> to vector<16xf32>
    %get3A_980 = arith.constant 48 : index
    %get3A_981 = tpu.vector_load %arg14[%get3A_980] {strides = array<i32>} : memref<512xf32, #tpu.memory_space<vmem>>, vector<16xf32>,
    %get3A_982 = vector.shape_cast %get3A_981 : vector<16xf32> to vector<16xf32>
    %sub3A_983 = arith.subf %get3A_973, %get3A_976 : vector<16xf32>
    %mul3A_984 = arith.mulf %get3A_979, %sub3A_983 : vector<16xf32>
    %mul3A_985 = arith.mulf %mul3A_984, %sub3A_983 : vector<16xf32>
    %sub3A_986 = arith.constant 9.000000e+00 : f32
    %sub3A_987 = vector.broadcast %sub3A_986 : f32 to vector<16xf32>
    %sub3A_988 = arith.subf %mul3A_985, %sub3A_987 : vector<16xf32>
    %exp3A_989 = math.exp %sub3A_988 : vector<16xf32>
    %add3A_990 = arith.constant 1.000000e+00 : f32
    %add3A_991 = vector.broadcast %add3A_990 : f32 to vector<16xf32>
    %add3A_992 = arith.addf %add3A_991, %exp3A_989 : vector<16xf32>
    %div3A_993 = arith.divf %get3A_982, %add3A_992 : vector<16xf32>
    %swap3A_994 = arith.constant 48 : index
    %swap3A_995 = tpu.vector_load %arg16[%swap3A_994] {strides = array<i32>} : memref<512xf32, #tpu.memory_space<vmem>>, vector<16xf32>,
    %swap3A_996 = vector.shape_cast %swap3A_995 : vector<16xf32> to vector<16xf32>
    %swap3A_997 = vector.shape_cast %div3A_993 : vector<16xf32> to vector<16xf32>
    tpu.vector_store %arg16[%swap3A_994], %swap3A_997 {strides = array<i32>} : memref<512xf32, #tpu.memory_space<vmem>>, vector<16xf32>,
    %get3A_998 = arith.constant 64 : index
    %get3A_999 = tpu.vector_load %arg13[%get3A_998] {strides = array<i32>} : memref<512xf32, #tpu.memory_space<vmem>>, vector<16xf32>,
    %get3A_1000 = vector.shape_cast %get3A_999 : vector<16xf32> to vector<16xf32>
    %get3A_1001 = arith.constant 64 : index
    %get3A_1002 = tpu.vector_load %arg12[%get3A_1001] {strides = array<i32>} : memref<128xf32, #tpu.memory_space<vmem>>, vector<16xf32>,
    %get3A_1003 = vector.shape_cast %get3A_1002 : vector<16xf32> to vector<16xf32>
    %get3A_1004 = arith.constant 64 : index
    %get3A_1005 = tpu.vector_load %arg15[%get3A_1004] {strides = array<i32>} : memref<512xf32, #tpu.memory_space<vmem>>, vector<16xf32>,
    %get3A_1006 = vector.shape_cast %get3A_1005 : vector<16xf32> to vector<16xf32>
    %get3A_1007 = arith.constant 64 : index
    %get3A_1008 = tpu.vector_load %arg14[%get3A_1007] {strides = array<i32>} : memref<512xf32, #tpu.memory_space<vmem>>, vector<16xf32>,
    %get3A_1009 = vector.shape_cast %get3A_1008 : vector<16xf32> to vector<16xf32>
    %sub3A_1010 = arith.subf %get3A_1000, %get3A_1003 : vector<16xf32>
    %mul3A_1011 = arith.mulf %get3A_1006, %sub3A_1010 : vector<16xf32>
    %mul3A_1012 = arith.mulf %mul3A_1011, %sub3A_1010 : vector<16xf32>
    %sub3A_1013 = arith.constant 9.000000e+00 : f32
    %sub3A_1014 = vector.broadcast %sub3A_1013 : f32 to vector<16xf32>
    %sub3A_1015 = arith.subf %mul3A_1012, %sub3A_1014 : vector<16xf32>
    %exp3A_1016 = math.exp %sub3A_1015 : vector<16xf32>
    %add3A_1017 = arith.constant 1.000000e+00 : f32
    %add3A_1018 = vector.broadcast %add3A_1017 : f32 to vector<16xf32>
    %add3A_1019 = arith.addf %add3A_1018, %exp3A_1016 : vector<16xf32>
    %div3A_1020 = arith.divf %get3A_1009, %add3A_1019 : vector<16xf32>
    %swap3A_1021 = arith.constant 64 : index
    %swap3A_1022 = tpu.vector_load %arg16[%swap3A_1021] {strides = array<i32>} : memref<512xf32, #tpu.memory_space<vmem>>, vector<16xf32>,
    %swap3A_1023 = vector.shape_cast %swap3A_1022 : vector<16xf32> to vector<16xf32>
    %swap3A_1024 = vector.shape_cast %div3A_1020 : vector<16xf32> to vector<16xf32>
    tpu.vector_store %arg16[%swap3A_1021], %swap3A_1024 {strides = array<i32>} : memref<512xf32, #tpu.memory_space<vmem>>, vector<16xf32>,
    %get3A_1025 = arith.constant 80 : index
    %get3A_1026 = tpu.vector_load %arg13[%get3A_1025] {strides = array<i32>} : memref<512xf32, #tpu.memory_space<vmem>>, vector<16xf32>,
    %get3A_1027 = vector.shape_cast %get3A_1026 : vector<16xf32> to vector<16xf32>
    %get3A_1028 = arith.constant 80 : index
    %get3A_1029 = tpu.vector_load %arg12[%get3A_1028] {strides = array<i32>} : memref<128xf32, #tpu.memory_space<vmem>>, vector<16xf32>,
    %get3A_1030 = vector.shape_cast %get3A_1029 : vector<16xf32> to vector<16xf32>
    %get3A_1031 = arith.constant 80 : index
    %get3A_1032 = tpu.vector_load %arg15[%get3A_1031] {strides = array<i32>} : memref<512xf32, #tpu.memory_space<vmem>>, vector<16xf32>,
    %get3A_1033 = vector.shape_cast %get3A_1032 : vector<16xf32> to vector<16xf32>
    %get3A_1034 = arith.constant 80 : index
    %get3A_1035 = tpu.vector_load %arg14[%get3A_1034] {strides = array<i32>} : memref<512xf32, #tpu.memory_space<vmem>>, vector<16xf32>,
    %get3A_1036 = vector.shape_cast %get3A_1035 : vector<16xf32> to vector<16xf32>
    %sub3A_1037 = arith.subf %get3A_1027, %get3A_1030 : vector<16xf32>
    %mul3A_1038 = arith.mulf %get3A_1033, %sub3A_1037 : vector<16xf32>
    %mul3A_1039 = arith.mulf %mul3A_1038, %sub3A_1037 : vector<16xf32>
    %sub3A_1040 = arith.constant 9.000000e+00 : f32
    %sub3A_1041 = vector.broadcast %sub3A_1040 : f32 to vector<16xf32>
    %sub3A_1042 = arith.subf %mul3A_1039, %sub3A_1041 : vector<16xf32>
    %exp3A_1043 = math.exp %sub3A_1042 : vector<16xf32>
    %add3A_1044 = arith.constant 1.000000e+00 : f32
    %add3A_1045 = vector.broadcast %add3A_1044 : f32 to vector<16xf32>
    %add3A_1046 = arith.addf %add3A_1045, %exp3A_1043 : vector<16xf32>
    %div3A_1047 = arith.divf %get3A_1036, %add3A_1046 : vector<16xf32>
    %swap3A_1048 = arith.constant 80 : index
    %swap3A_1049 = tpu.vector_load %arg16[%swap3A_1048] {strides = array<i32>} : memref<512xf32, #tpu.memory_space<vmem>>, vector<16xf32>,
    %swap3A_1050 = vector.shape_cast %swap3A_1049 : vector<16xf32> to vector<16xf32>
    %swap3A_1051 = vector.shape_cast %div3A_1047 : vector<16xf32> to vector<16xf32>
    tpu.vector_store %arg16[%swap3A_1048], %swap3A_1051 {strides = array<i32>} : memref<512xf32, #tpu.memory_space<vmem>>, vector<16xf32>,
    %get3A_1052 = arith.constant 96 : index
    %get3A_1053 = tpu.vector_load %arg13[%get3A_1052] {strides = array<i32>} : memref<512xf32, #tpu.memory_space<vmem>>, vector<16xf32>,
    %get3A_1054 = vector.shape_cast %get3A_1053 : vector<16xf32> to vector<16xf32>
    %get3A_1055 = arith.constant 96 : index
    %get3A_1056 = tpu.vector_load %arg12[%get3A_1055] {strides = array<i32>} : memref<128xf32, #tpu.memory_space<vmem>>, vector<16xf32>,
    %get3A_1057 = vector.shape_cast %get3A_1056 : vector<16xf32> to vector<16xf32>
    %get3A_1058 = arith.constant 96 : index
    %get3A_1059 = tpu.vector_load %arg15[%get3A_1058] {strides = array<i32>} : memref<512xf32, #tpu.memory_space<vmem>>, vector<16xf32>,
    %get3A_1060 = vector.shape_cast %get3A_1059 : vector<16xf32> to vector<16xf32>
    %get3A_1061 = arith.constant 96 : index
    %get3A_1062 = tpu.vector_load %arg14[%get3A_1061] {strides = array<i32>} : memref<512xf32, #tpu.memory_space<vmem>>, vector<16xf32>,
    %get3A_1063 = vector.shape_cast %get3A_1062 : vector<16xf32> to vector<16xf32>
    %sub3A_1064 = arith.subf %get3A_1054, %get3A_1057 : vector<16xf32>
    %mul3A_1065 = arith.mulf %get3A_1060, %sub3A_1064 : vector<16xf32>
    %mul3A_1066 = arith.mulf %mul3A_1065, %sub3A_1064 : vector<16xf32>
    %sub3A_1067 = arith.constant 9.000000e+00 : f32
    %sub3A_1068 = vector.broadcast %sub3A_1067 : f32 to vector<16xf32>
    %sub3A_1069 = arith.subf %mul3A_1066, %sub3A_1068 : vector<16xf32>
    %exp3A_1070 = math.exp %sub3A_1069 : vector<16xf32>
    %add3A_1071 = arith.constant 1.000000e+00 : f32
    %add3A_1072 = vector.broadcast %add3A_1071 : f32 to vector<16xf32>
    %add3A_1073 = arith.addf %add3A_1072, %exp3A_1070 : vector<16xf32>
    %div3A_1074 = arith.divf %get3A_1063, %add3A_1073 : vector<16xf32>
    %swap3A_1075 = arith.constant 96 : index
    %swap3A_1076 = tpu.vector_load %arg16[%swap3A_1075] {strides = array<i32>} : memref<512xf32, #tpu.memory_space<vmem>>, vector<16xf32>,
    %swap3A_1077 = vector.shape_cast %swap3A_1076 : vector<16xf32> to vector<16xf32>
    %swap3A_1078 = vector.shape_cast %div3A_1074 : vector<16xf32> to vector<16xf32>
    tpu.vector_store %arg16[%swap3A_1075], %swap3A_1078 {strides = array<i32>} : memref<512xf32, #tpu.memory_space<vmem>>, vector<16xf32>,
    %get3A_1079 = arith.constant 112 : index
    %get3A_1080 = tpu.vector_load %arg13[%get3A_1079] {strides = array<i32>} : memref<512xf32, #tpu.memory_space<vmem>>, vector<16xf32>,
    %get3A_1081 = vector.shape_cast %get3A_1080 : vector<16xf32> to vector<16xf32>
    %get3A_1082 = arith.constant 112 : index
    %get3A_1083 = tpu.vector_load %arg12[%get3A_1082] {strides = array<i32>} : memref<128xf32, #tpu.memory_space<vmem>>, vector<16xf32>,
    %get3A_1084 = vector.shape_cast %get3A_1083 : vector<16xf32> to vector<16xf32>
    %get3A_1085 = arith.constant 112 : index
    %get3A_1086 = tpu.vector_load %arg15[%get3A_1085] {strides = array<i32>} : memref<512xf32, #tpu.memory_space<vmem>>, vector<16xf32>,
    %get3A_1087 = vector.shape_cast %get3A_1086 : vector<16xf32> to vector<16xf32>
    %get3A_1088 = arith.constant 112 : index
    %get3A_1089 = tpu.vector_load %arg14[%get3A_1088] {strides = array<i32>} : memref<512xf32, #tpu.memory_space<vmem>>, vector<16xf32>,
    %get3A_1090 = vector.shape_cast %get3A_1089 : vector<16xf32> to vector<16xf32>
    %sub3A_1091 = arith.subf %get3A_1081, %get3A_1084 : vector<16xf32>
    %mul3A_1092 = arith.mulf %get3A_1087, %sub3A_1091 : vector<16xf32>
    %mul3A_1093 = arith.mulf %mul3A_1092, %sub3A_1091 : vector<16xf32>
    %sub3A_1094 = arith.constant 9.000000e+00 : f32
    %sub3A_1095 = vector.broadcast %sub3A_1094 : f32 to vector<16xf32>
    %sub3A_1096 = arith.subf %mul3A_1093, %sub3A_1095 : vector<16xf32>
    %exp3A_1097 = math.exp %sub3A_1096 : vector<16xf32>
    %add3A_1098 = arith.constant 1.000000e+00 : f32
    %add3A_1099 = vector.broadcast %add3A_1098 : f32 to vector<16xf32>
    %add3A_1100 = arith.addf %add3A_1099, %exp3A_1097 : vector<16xf32>
    %div3A_1101 = arith.divf %get3A_1090, %add3A_1100 : vector<16xf32>
    %swap3A_1102 = arith.constant 112 : index
    %swap3A_1103 = tpu.vector_load %arg16[%swap3A_1102] {strides = array<i32>} : memref<512xf32, #tpu.memory_space<vmem>>, vector<16xf32>,
    %swap3A_1104 = vector.shape_cast %swap3A_1103 : vector<16xf32> to vector<16xf32>
    %swap3A_1105 = vector.shape_cast %div3A_1101 : vector<16xf32> to vector<16xf32>
    tpu.vector_store %arg16[%swap3A_1102], %swap3A_1105 {strides = array<i32>} : memref<512xf32, #tpu.memory_space<vmem>>, vector<16xf32>,
    %add3A_1106 = arith.constant 128 : i32
    %add3A_1107 = arith.addi %mul3A_2, %add3A_1106 : i32
    "tpu.region"() ({
      %run_scoped3A = tpu.sem_alloc : memref<!tpu.dma_semaphore, #tpu.memory_space<semaphore_mem>>
      %dma_start3A_1772 = tpu.memref_slice %arg5[%add3A_1107] : memref<16384xi32, #tpu.memory_space<hbm>> -> memref<128xi32, #tpu.memory_space<hbm>>
      %dma_start3A_1773 = tpu.memref_slice %arg5[%add3A_1107] : memref<16384xi32, #tpu.memory_space<hbm>> -> memref<128xi32, #tpu.memory_space<hbm>>
      tpu.enqueue_dma source(%dma_start3A_1773 : memref<128xi32, #tpu.memory_space<hbm>>) target(%arg11 : memref<128xi32, #tpu.memory_space<vmem>>) target_semaphore(%run_scoped3A : memref<!tpu.dma_semaphore, #tpu.memory_space<semaphore_mem>>)
      %dma_wait3A_1774 = tpu.memref_slice %arg5[%add3A_1107] : memref<16384xi32, #tpu.memory_space<hbm>> -> memref<128xi32, #tpu.memory_space<hbm>>
      %dma_wait3A_1775 = tpu.memref_slice %arg5[%add3A_1107] : memref<16384xi32, #tpu.memory_space<hbm>> -> memref<128xi32, #tpu.memory_space<hbm>>
      tpu.wait_dma2 semaphore(%run_scoped3A : memref<!tpu.dma_semaphore, #tpu.memory_space<semaphore_mem>>) src(%dma_wait3A_1775 : memref<128xi32, #tpu.memory_space<hbm>>) dst(%arg11 : memref<128xi32, #tpu.memory_space<vmem>>)
      tpu.yield
    }) : () -> ()
    %dma_start3A_1108 = arith.constant 0 : i32
    %dma_start3A_1109 = tpu.memref_slice %arg2[%dma_start3A_1108] : memref<16384xf32, #tpu.memory_space<hbm>> -> memref<16384xf32, #tpu.memory_space<hbm>>
    tpu.enqueue_indirect_dma source(%dma_start3A_1109 : memref<16384xf32, #tpu.memory_space<hbm>>) target(%arg12 : memref<128xf32, #tpu.memory_space<vmem>>) offsets(%arg11 : memref<128xi32, #tpu.memory_space<vmem>>) semaphore(%arg17 : memref<!tpu.dma_semaphore, #tpu.memory_space<semaphore_mem>>)
    %dma_wait3A_1110 = arith.constant 0 : i32
    %dma_wait3A_1111 = tpu.memref_slice %arg2[%dma_wait3A_1110] : memref<16384xf32, #tpu.memory_space<hbm>> -> memref<16384xf32, #tpu.memory_space<hbm>>
    tpu.wait_indirect_dma semaphore(%arg17 : memref<!tpu.dma_semaphore, #tpu.memory_space<semaphore_mem>>) src(%dma_wait3A_1111 : memref<16384xf32, #tpu.memory_space<hbm>>) dst(%arg12 : memref<128xf32, #tpu.memory_space<vmem>>)
    %get3A_1112 = arith.constant 128 : index
    %get3A_1113 = tpu.vector_load %arg13[%get3A_1112] {strides = array<i32>} : memref<512xf32, #tpu.memory_space<vmem>>, vector<16xf32>,
    %get3A_1114 = vector.shape_cast %get3A_1113 : vector<16xf32> to vector<16xf32>
    %get3A_1115 = arith.constant 0 : index
    %get3A_1116 = tpu.vector_load %arg12[%get3A_1115] {strides = array<i32>} : memref<128xf32, #tpu.memory_space<vmem>>, vector<16xf32>,
    %get3A_1117 = vector.shape_cast %get3A_1116 : vector<16xf32> to vector<16xf32>
    %get3A_1118 = arith.constant 128 : index
    %get3A_1119 = tpu.vector_load %arg15[%get3A_1118] {strides = array<i32>} : memref<512xf32, #tpu.memory_space<vmem>>, vector<16xf32>,
    %get3A_1120 = vector.shape_cast %get3A_1119 : vector<16xf32> to vector<16xf32>
    %get3A_1121 = arith.constant 128 : index
    %get3A_1122 = tpu.vector_load %arg14[%get3A_1121] {strides = array<i32>} : memref<512xf32, #tpu.memory_space<vmem>>, vector<16xf32>,
    %get3A_1123 = vector.shape_cast %get3A_1122 : vector<16xf32> to vector<16xf32>
    %sub3A_1124 = arith.subf %get3A_1114, %get3A_1117 : vector<16xf32>
    %mul3A_1125 = arith.mulf %get3A_1120, %sub3A_1124 : vector<16xf32>
    %mul3A_1126 = arith.mulf %mul3A_1125, %sub3A_1124 : vector<16xf32>
    %sub3A_1127 = arith.constant 9.000000e+00 : f32
    %sub3A_1128 = vector.broadcast %sub3A_1127 : f32 to vector<16xf32>
    %sub3A_1129 = arith.subf %mul3A_1126, %sub3A_1128 : vector<16xf32>
    %exp3A_1130 = math.exp %sub3A_1129 : vector<16xf32>
    %add3A_1131 = arith.constant 1.000000e+00 : f32
    %add3A_1132 = vector.broadcast %add3A_1131 : f32 to vector<16xf32>
    %add3A_1133 = arith.addf %add3A_1132, %exp3A_1130 : vector<16xf32>
    %div3A_1134 = arith.divf %get3A_1123, %add3A_1133 : vector<16xf32>
    %swap3A_1135 = arith.constant 128 : index
    %swap3A_1136 = tpu.vector_load %arg16[%swap3A_1135] {strides = array<i32>} : memref<512xf32, #tpu.memory_space<vmem>>, vector<16xf32>,
    %swap3A_1137 = vector.shape_cast %swap3A_1136 : vector<16xf32> to vector<16xf32>
    %swap3A_1138 = vector.shape_cast %div3A_1134 : vector<16xf32> to vector<16xf32>
    tpu.vector_store %arg16[%swap3A_1135], %swap3A_1138 {strides = array<i32>} : memref<512xf32, #tpu.memory_space<vmem>>, vector<16xf32>,
    %get3A_1139 = arith.constant 144 : index
    %get3A_1140 = tpu.vector_load %arg13[%get3A_1139] {strides = array<i32>} : memref<512xf32, #tpu.memory_space<vmem>>, vector<16xf32>,
    %get3A_1141 = vector.shape_cast %get3A_1140 : vector<16xf32> to vector<16xf32>
    %get3A_1142 = arith.constant 16 : index
    %get3A_1143 = tpu.vector_load %arg12[%get3A_1142] {strides = array<i32>} : memref<128xf32, #tpu.memory_space<vmem>>, vector<16xf32>,
    %get3A_1144 = vector.shape_cast %get3A_1143 : vector<16xf32> to vector<16xf32>
    %get3A_1145 = arith.constant 144 : index
    %get3A_1146 = tpu.vector_load %arg15[%get3A_1145] {strides = array<i32>} : memref<512xf32, #tpu.memory_space<vmem>>, vector<16xf32>,
    %get3A_1147 = vector.shape_cast %get3A_1146 : vector<16xf32> to vector<16xf32>
    %get3A_1148 = arith.constant 144 : index
    %get3A_1149 = tpu.vector_load %arg14[%get3A_1148] {strides = array<i32>} : memref<512xf32, #tpu.memory_space<vmem>>, vector<16xf32>,
    %get3A_1150 = vector.shape_cast %get3A_1149 : vector<16xf32> to vector<16xf32>
    %sub3A_1151 = arith.subf %get3A_1141, %get3A_1144 : vector<16xf32>
    %mul3A_1152 = arith.mulf %get3A_1147, %sub3A_1151 : vector<16xf32>
    %mul3A_1153 = arith.mulf %mul3A_1152, %sub3A_1151 : vector<16xf32>
    %sub3A_1154 = arith.constant 9.000000e+00 : f32
    %sub3A_1155 = vector.broadcast %sub3A_1154 : f32 to vector<16xf32>
    %sub3A_1156 = arith.subf %mul3A_1153, %sub3A_1155 : vector<16xf32>
    %exp3A_1157 = math.exp %sub3A_1156 : vector<16xf32>
    %add3A_1158 = arith.constant 1.000000e+00 : f32
    %add3A_1159 = vector.broadcast %add3A_1158 : f32 to vector<16xf32>
    %add3A_1160 = arith.addf %add3A_1159, %exp3A_1157 : vector<16xf32>
    %div3A_1161 = arith.divf %get3A_1150, %add3A_1160 : vector<16xf32>
    %swap3A_1162 = arith.constant 144 : index
    %swap3A_1163 = tpu.vector_load %arg16[%swap3A_1162] {strides = array<i32>} : memref<512xf32, #tpu.memory_space<vmem>>, vector<16xf32>,
    %swap3A_1164 = vector.shape_cast %swap3A_1163 : vector<16xf32> to vector<16xf32>
    %swap3A_1165 = vector.shape_cast %div3A_1161 : vector<16xf32> to vector<16xf32>
    tpu.vector_store %arg16[%swap3A_1162], %swap3A_1165 {strides = array<i32>} : memref<512xf32, #tpu.memory_space<vmem>>, vector<16xf32>,
    %get3A_1166 = arith.constant 160 : index
    %get3A_1167 = tpu.vector_load %arg13[%get3A_1166] {strides = array<i32>} : memref<512xf32, #tpu.memory_space<vmem>>, vector<16xf32>,
    %get3A_1168 = vector.shape_cast %get3A_1167 : vector<16xf32> to vector<16xf32>
    %get3A_1169 = arith.constant 32 : index
    %get3A_1170 = tpu.vector_load %arg12[%get3A_1169] {strides = array<i32>} : memref<128xf32, #tpu.memory_space<vmem>>, vector<16xf32>,
    %get3A_1171 = vector.shape_cast %get3A_1170 : vector<16xf32> to vector<16xf32>
    %get3A_1172 = arith.constant 160 : index
    %get3A_1173 = tpu.vector_load %arg15[%get3A_1172] {strides = array<i32>} : memref<512xf32, #tpu.memory_space<vmem>>, vector<16xf32>,
    %get3A_1174 = vector.shape_cast %get3A_1173 : vector<16xf32> to vector<16xf32>
    %get3A_1175 = arith.constant 160 : index
    %get3A_1176 = tpu.vector_load %arg14[%get3A_1175] {strides = array<i32>} : memref<512xf32, #tpu.memory_space<vmem>>, vector<16xf32>,
    %get3A_1177 = vector.shape_cast %get3A_1176 : vector<16xf32> to vector<16xf32>
    %sub3A_1178 = arith.subf %get3A_1168, %get3A_1171 : vector<16xf32>
    %mul3A_1179 = arith.mulf %get3A_1174, %sub3A_1178 : vector<16xf32>
    %mul3A_1180 = arith.mulf %mul3A_1179, %sub3A_1178 : vector<16xf32>
    %sub3A_1181 = arith.constant 9.000000e+00 : f32
    %sub3A_1182 = vector.broadcast %sub3A_1181 : f32 to vector<16xf32>
    %sub3A_1183 = arith.subf %mul3A_1180, %sub3A_1182 : vector<16xf32>
    %exp3A_1184 = math.exp %sub3A_1183 : vector<16xf32>
    %add3A_1185 = arith.constant 1.000000e+00 : f32
    %add3A_1186 = vector.broadcast %add3A_1185 : f32 to vector<16xf32>
    %add3A_1187 = arith.addf %add3A_1186, %exp3A_1184 : vector<16xf32>
    %div3A_1188 = arith.divf %get3A_1177, %add3A_1187 : vector<16xf32>
    %swap3A_1189 = arith.constant 160 : index
    %swap3A_1190 = tpu.vector_load %arg16[%swap3A_1189] {strides = array<i32>} : memref<512xf32, #tpu.memory_space<vmem>>, vector<16xf32>,
    %swap3A_1191 = vector.shape_cast %swap3A_1190 : vector<16xf32> to vector<16xf32>
    %swap3A_1192 = vector.shape_cast %div3A_1188 : vector<16xf32> to vector<16xf32>
    tpu.vector_store %arg16[%swap3A_1189], %swap3A_1192 {strides = array<i32>} : memref<512xf32, #tpu.memory_space<vmem>>, vector<16xf32>,
    %get3A_1193 = arith.constant 176 : index
    %get3A_1194 = tpu.vector_load %arg13[%get3A_1193] {strides = array<i32>} : memref<512xf32, #tpu.memory_space<vmem>>, vector<16xf32>,
    %get3A_1195 = vector.shape_cast %get3A_1194 : vector<16xf32> to vector<16xf32>
    %get3A_1196 = arith.constant 48 : index
    %get3A_1197 = tpu.vector_load %arg12[%get3A_1196] {strides = array<i32>} : memref<128xf32, #tpu.memory_space<vmem>>, vector<16xf32>,
    %get3A_1198 = vector.shape_cast %get3A_1197 : vector<16xf32> to vector<16xf32>
    %get3A_1199 = arith.constant 176 : index
    %get3A_1200 = tpu.vector_load %arg15[%get3A_1199] {strides = array<i32>} : memref<512xf32, #tpu.memory_space<vmem>>, vector<16xf32>,
    %get3A_1201 = vector.shape_cast %get3A_1200 : vector<16xf32> to vector<16xf32>
    %get3A_1202 = arith.constant 176 : index
    %get3A_1203 = tpu.vector_load %arg14[%get3A_1202] {strides = array<i32>} : memref<512xf32, #tpu.memory_space<vmem>>, vector<16xf32>,
    %get3A_1204 = vector.shape_cast %get3A_1203 : vector<16xf32> to vector<16xf32>
    %sub3A_1205 = arith.subf %get3A_1195, %get3A_1198 : vector<16xf32>
    %mul3A_1206 = arith.mulf %get3A_1201, %sub3A_1205 : vector<16xf32>
    %mul3A_1207 = arith.mulf %mul3A_1206, %sub3A_1205 : vector<16xf32>
    %sub3A_1208 = arith.constant 9.000000e+00 : f32
    %sub3A_1209 = vector.broadcast %sub3A_1208 : f32 to vector<16xf32>
    %sub3A_1210 = arith.subf %mul3A_1207, %sub3A_1209 : vector<16xf32>
    %exp3A_1211 = math.exp %sub3A_1210 : vector<16xf32>
    %add3A_1212 = arith.constant 1.000000e+00 : f32
    %add3A_1213 = vector.broadcast %add3A_1212 : f32 to vector<16xf32>
    %add3A_1214 = arith.addf %add3A_1213, %exp3A_1211 : vector<16xf32>
    %div3A_1215 = arith.divf %get3A_1204, %add3A_1214 : vector<16xf32>
    %swap3A_1216 = arith.constant 176 : index
    %swap3A_1217 = tpu.vector_load %arg16[%swap3A_1216] {strides = array<i32>} : memref<512xf32, #tpu.memory_space<vmem>>, vector<16xf32>,
    %swap3A_1218 = vector.shape_cast %swap3A_1217 : vector<16xf32> to vector<16xf32>
    %swap3A_1219 = vector.shape_cast %div3A_1215 : vector<16xf32> to vector<16xf32>
    tpu.vector_store %arg16[%swap3A_1216], %swap3A_1219 {strides = array<i32>} : memref<512xf32, #tpu.memory_space<vmem>>, vector<16xf32>,
    %get3A_1220 = arith.constant 192 : index
    %get3A_1221 = tpu.vector_load %arg13[%get3A_1220] {strides = array<i32>} : memref<512xf32, #tpu.memory_space<vmem>>, vector<16xf32>,
    %get3A_1222 = vector.shape_cast %get3A_1221 : vector<16xf32> to vector<16xf32>
    %get3A_1223 = arith.constant 64 : index
    %get3A_1224 = tpu.vector_load %arg12[%get3A_1223] {strides = array<i32>} : memref<128xf32, #tpu.memory_space<vmem>>, vector<16xf32>,
    %get3A_1225 = vector.shape_cast %get3A_1224 : vector<16xf32> to vector<16xf32>
    %get3A_1226 = arith.constant 192 : index
    %get3A_1227 = tpu.vector_load %arg15[%get3A_1226] {strides = array<i32>} : memref<512xf32, #tpu.memory_space<vmem>>, vector<16xf32>,
    %get3A_1228 = vector.shape_cast %get3A_1227 : vector<16xf32> to vector<16xf32>
    %get3A_1229 = arith.constant 192 : index
    %get3A_1230 = tpu.vector_load %arg14[%get3A_1229] {strides = array<i32>} : memref<512xf32, #tpu.memory_space<vmem>>, vector<16xf32>,
    %get3A_1231 = vector.shape_cast %get3A_1230 : vector<16xf32> to vector<16xf32>
    %sub3A_1232 = arith.subf %get3A_1222, %get3A_1225 : vector<16xf32>
    %mul3A_1233 = arith.mulf %get3A_1228, %sub3A_1232 : vector<16xf32>
    %mul3A_1234 = arith.mulf %mul3A_1233, %sub3A_1232 : vector<16xf32>
    %sub3A_1235 = arith.constant 9.000000e+00 : f32
    %sub3A_1236 = vector.broadcast %sub3A_1235 : f32 to vector<16xf32>
    %sub3A_1237 = arith.subf %mul3A_1234, %sub3A_1236 : vector<16xf32>
    %exp3A_1238 = math.exp %sub3A_1237 : vector<16xf32>
    %add3A_1239 = arith.constant 1.000000e+00 : f32
    %add3A_1240 = vector.broadcast %add3A_1239 : f32 to vector<16xf32>
    %add3A_1241 = arith.addf %add3A_1240, %exp3A_1238 : vector<16xf32>
    %div3A_1242 = arith.divf %get3A_1231, %add3A_1241 : vector<16xf32>
    %swap3A_1243 = arith.constant 192 : index
    %swap3A_1244 = tpu.vector_load %arg16[%swap3A_1243] {strides = array<i32>} : memref<512xf32, #tpu.memory_space<vmem>>, vector<16xf32>,
    %swap3A_1245 = vector.shape_cast %swap3A_1244 : vector<16xf32> to vector<16xf32>
    %swap3A_1246 = vector.shape_cast %div3A_1242 : vector<16xf32> to vector<16xf32>
    tpu.vector_store %arg16[%swap3A_1243], %swap3A_1246 {strides = array<i32>} : memref<512xf32, #tpu.memory_space<vmem>>, vector<16xf32>,
    %get3A_1247 = arith.constant 208 : index
    %get3A_1248 = tpu.vector_load %arg13[%get3A_1247] {strides = array<i32>} : memref<512xf32, #tpu.memory_space<vmem>>, vector<16xf32>,
    %get3A_1249 = vector.shape_cast %get3A_1248 : vector<16xf32> to vector<16xf32>
    %get3A_1250 = arith.constant 80 : index
    %get3A_1251 = tpu.vector_load %arg12[%get3A_1250] {strides = array<i32>} : memref<128xf32, #tpu.memory_space<vmem>>, vector<16xf32>,
    %get3A_1252 = vector.shape_cast %get3A_1251 : vector<16xf32> to vector<16xf32>
    %get3A_1253 = arith.constant 208 : index
    %get3A_1254 = tpu.vector_load %arg15[%get3A_1253] {strides = array<i32>} : memref<512xf32, #tpu.memory_space<vmem>>, vector<16xf32>,
    %get3A_1255 = vector.shape_cast %get3A_1254 : vector<16xf32> to vector<16xf32>
    %get3A_1256 = arith.constant 208 : index
    %get3A_1257 = tpu.vector_load %arg14[%get3A_1256] {strides = array<i32>} : memref<512xf32, #tpu.memory_space<vmem>>, vector<16xf32>,
    %get3A_1258 = vector.shape_cast %get3A_1257 : vector<16xf32> to vector<16xf32>
    %sub3A_1259 = arith.subf %get3A_1249, %get3A_1252 : vector<16xf32>
    %mul3A_1260 = arith.mulf %get3A_1255, %sub3A_1259 : vector<16xf32>
    %mul3A_1261 = arith.mulf %mul3A_1260, %sub3A_1259 : vector<16xf32>
    %sub3A_1262 = arith.constant 9.000000e+00 : f32
    %sub3A_1263 = vector.broadcast %sub3A_1262 : f32 to vector<16xf32>
    %sub3A_1264 = arith.subf %mul3A_1261, %sub3A_1263 : vector<16xf32>
    %exp3A_1265 = math.exp %sub3A_1264 : vector<16xf32>
    %add3A_1266 = arith.constant 1.000000e+00 : f32
    %add3A_1267 = vector.broadcast %add3A_1266 : f32 to vector<16xf32>
    %add3A_1268 = arith.addf %add3A_1267, %exp3A_1265 : vector<16xf32>
    %div3A_1269 = arith.divf %get3A_1258, %add3A_1268 : vector<16xf32>
    %swap3A_1270 = arith.constant 208 : index
    %swap3A_1271 = tpu.vector_load %arg16[%swap3A_1270] {strides = array<i32>} : memref<512xf32, #tpu.memory_space<vmem>>, vector<16xf32>,
    %swap3A_1272 = vector.shape_cast %swap3A_1271 : vector<16xf32> to vector<16xf32>
    %swap3A_1273 = vector.shape_cast %div3A_1269 : vector<16xf32> to vector<16xf32>
    tpu.vector_store %arg16[%swap3A_1270], %swap3A_1273 {strides = array<i32>} : memref<512xf32, #tpu.memory_space<vmem>>, vector<16xf32>,
    %get3A_1274 = arith.constant 224 : index
    %get3A_1275 = tpu.vector_load %arg13[%get3A_1274] {strides = array<i32>} : memref<512xf32, #tpu.memory_space<vmem>>, vector<16xf32>,
    %get3A_1276 = vector.shape_cast %get3A_1275 : vector<16xf32> to vector<16xf32>
    %get3A_1277 = arith.constant 96 : index
    %get3A_1278 = tpu.vector_load %arg12[%get3A_1277] {strides = array<i32>} : memref<128xf32, #tpu.memory_space<vmem>>, vector<16xf32>,
    %get3A_1279 = vector.shape_cast %get3A_1278 : vector<16xf32> to vector<16xf32>
    %get3A_1280 = arith.constant 224 : index
    %get3A_1281 = tpu.vector_load %arg15[%get3A_1280] {strides = array<i32>} : memref<512xf32, #tpu.memory_space<vmem>>, vector<16xf32>,
    %get3A_1282 = vector.shape_cast %get3A_1281 : vector<16xf32> to vector<16xf32>
    %get3A_1283 = arith.constant 224 : index
    %get3A_1284 = tpu.vector_load %arg14[%get3A_1283] {strides = array<i32>} : memref<512xf32, #tpu.memory_space<vmem>>, vector<16xf32>,
    %get3A_1285 = vector.shape_cast %get3A_1284 : vector<16xf32> to vector<16xf32>
    %sub3A_1286 = arith.subf %get3A_1276, %get3A_1279 : vector<16xf32>
    %mul3A_1287 = arith.mulf %get3A_1282, %sub3A_1286 : vector<16xf32>
    %mul3A_1288 = arith.mulf %mul3A_1287, %sub3A_1286 : vector<16xf32>
    %sub3A_1289 = arith.constant 9.000000e+00 : f32
    %sub3A_1290 = vector.broadcast %sub3A_1289 : f32 to vector<16xf32>
    %sub3A_1291 = arith.subf %mul3A_1288, %sub3A_1290 : vector<16xf32>
    %exp3A_1292 = math.exp %sub3A_1291 : vector<16xf32>
    %add3A_1293 = arith.constant 1.000000e+00 : f32
    %add3A_1294 = vector.broadcast %add3A_1293 : f32 to vector<16xf32>
    %add3A_1295 = arith.addf %add3A_1294, %exp3A_1292 : vector<16xf32>
    %div3A_1296 = arith.divf %get3A_1285, %add3A_1295 : vector<16xf32>
    %swap3A_1297 = arith.constant 224 : index
    %swap3A_1298 = tpu.vector_load %arg16[%swap3A_1297] {strides = array<i32>} : memref<512xf32, #tpu.memory_space<vmem>>, vector<16xf32>,
    %swap3A_1299 = vector.shape_cast %swap3A_1298 : vector<16xf32> to vector<16xf32>
    %swap3A_1300 = vector.shape_cast %div3A_1296 : vector<16xf32> to vector<16xf32>
    tpu.vector_store %arg16[%swap3A_1297], %swap3A_1300 {strides = array<i32>} : memref<512xf32, #tpu.memory_space<vmem>>, vector<16xf32>,
    %get3A_1301 = arith.constant 240 : index
    %get3A_1302 = tpu.vector_load %arg13[%get3A_1301] {strides = array<i32>} : memref<512xf32, #tpu.memory_space<vmem>>, vector<16xf32>,
    %get3A_1303 = vector.shape_cast %get3A_1302 : vector<16xf32> to vector<16xf32>
    %get3A_1304 = arith.constant 112 : index
    %get3A_1305 = tpu.vector_load %arg12[%get3A_1304] {strides = array<i32>} : memref<128xf32, #tpu.memory_space<vmem>>, vector<16xf32>,
    %get3A_1306 = vector.shape_cast %get3A_1305 : vector<16xf32> to vector<16xf32>
    %get3A_1307 = arith.constant 240 : index
    %get3A_1308 = tpu.vector_load %arg15[%get3A_1307] {strides = array<i32>} : memref<512xf32, #tpu.memory_space<vmem>>, vector<16xf32>,
    %get3A_1309 = vector.shape_cast %get3A_1308 : vector<16xf32> to vector<16xf32>
    %get3A_1310 = arith.constant 240 : index
    %get3A_1311 = tpu.vector_load %arg14[%get3A_1310] {strides = array<i32>} : memref<512xf32, #tpu.memory_space<vmem>>, vector<16xf32>,
    %get3A_1312 = vector.shape_cast %get3A_1311 : vector<16xf32> to vector<16xf32>
    %sub3A_1313 = arith.subf %get3A_1303, %get3A_1306 : vector<16xf32>
    %mul3A_1314 = arith.mulf %get3A_1309, %sub3A_1313 : vector<16xf32>
    %mul3A_1315 = arith.mulf %mul3A_1314, %sub3A_1313 : vector<16xf32>
    %sub3A_1316 = arith.constant 9.000000e+00 : f32
    %sub3A_1317 = vector.broadcast %sub3A_1316 : f32 to vector<16xf32>
    %sub3A_1318 = arith.subf %mul3A_1315, %sub3A_1317 : vector<16xf32>
    %exp3A_1319 = math.exp %sub3A_1318 : vector<16xf32>
    %add3A_1320 = arith.constant 1.000000e+00 : f32
    %add3A_1321 = vector.broadcast %add3A_1320 : f32 to vector<16xf32>
    %add3A_1322 = arith.addf %add3A_1321, %exp3A_1319 : vector<16xf32>
    %div3A_1323 = arith.divf %get3A_1312, %add3A_1322 : vector<16xf32>
    %swap3A_1324 = arith.constant 240 : index
    %swap3A_1325 = tpu.vector_load %arg16[%swap3A_1324] {strides = array<i32>} : memref<512xf32, #tpu.memory_space<vmem>>, vector<16xf32>,
    %swap3A_1326 = vector.shape_cast %swap3A_1325 : vector<16xf32> to vector<16xf32>
    %swap3A_1327 = vector.shape_cast %div3A_1323 : vector<16xf32> to vector<16xf32>
    tpu.vector_store %arg16[%swap3A_1324], %swap3A_1327 {strides = array<i32>} : memref<512xf32, #tpu.memory_space<vmem>>, vector<16xf32>,
    %add3A_1328 = arith.constant 256 : i32
    %add3A_1329 = arith.addi %mul3A_2, %add3A_1328 : i32
    "tpu.region"() ({
      %run_scoped3A = tpu.sem_alloc : memref<!tpu.dma_semaphore, #tpu.memory_space<semaphore_mem>>
      %dma_start3A_1772 = tpu.memref_slice %arg5[%add3A_1329] : memref<16384xi32, #tpu.memory_space<hbm>> -> memref<128xi32, #tpu.memory_space<hbm>>
      %dma_start3A_1773 = tpu.memref_slice %arg5[%add3A_1329] : memref<16384xi32, #tpu.memory_space<hbm>> -> memref<128xi32, #tpu.memory_space<hbm>>
      tpu.enqueue_dma source(%dma_start3A_1773 : memref<128xi32, #tpu.memory_space<hbm>>) target(%arg11 : memref<128xi32, #tpu.memory_space<vmem>>) target_semaphore(%run_scoped3A : memref<!tpu.dma_semaphore, #tpu.memory_space<semaphore_mem>>)
      %dma_wait3A_1774 = tpu.memref_slice %arg5[%add3A_1329] : memref<16384xi32, #tpu.memory_space<hbm>> -> memref<128xi32, #tpu.memory_space<hbm>>
      %dma_wait3A_1775 = tpu.memref_slice %arg5[%add3A_1329] : memref<16384xi32, #tpu.memory_space<hbm>> -> memref<128xi32, #tpu.memory_space<hbm>>
      tpu.wait_dma2 semaphore(%run_scoped3A : memref<!tpu.dma_semaphore, #tpu.memory_space<semaphore_mem>>) src(%dma_wait3A_1775 : memref<128xi32, #tpu.memory_space<hbm>>) dst(%arg11 : memref<128xi32, #tpu.memory_space<vmem>>)
      tpu.yield
    }) : () -> ()
    %dma_start3A_1330 = arith.constant 0 : i32
    %dma_start3A_1331 = tpu.memref_slice %arg2[%dma_start3A_1330] : memref<16384xf32, #tpu.memory_space<hbm>> -> memref<16384xf32, #tpu.memory_space<hbm>>
    tpu.enqueue_indirect_dma source(%dma_start3A_1331 : memref<16384xf32, #tpu.memory_space<hbm>>) target(%arg12 : memref<128xf32, #tpu.memory_space<vmem>>) offsets(%arg11 : memref<128xi32, #tpu.memory_space<vmem>>) semaphore(%arg17 : memref<!tpu.dma_semaphore, #tpu.memory_space<semaphore_mem>>)
    %dma_wait3A_1332 = arith.constant 0 : i32
    %dma_wait3A_1333 = tpu.memref_slice %arg2[%dma_wait3A_1332] : memref<16384xf32, #tpu.memory_space<hbm>> -> memref<16384xf32, #tpu.memory_space<hbm>>
    tpu.wait_indirect_dma semaphore(%arg17 : memref<!tpu.dma_semaphore, #tpu.memory_space<semaphore_mem>>) src(%dma_wait3A_1333 : memref<16384xf32, #tpu.memory_space<hbm>>) dst(%arg12 : memref<128xf32, #tpu.memory_space<vmem>>)
    %get3A_1334 = arith.constant 256 : index
    %get3A_1335 = tpu.vector_load %arg13[%get3A_1334] {strides = array<i32>} : memref<512xf32, #tpu.memory_space<vmem>>, vector<16xf32>,
    %get3A_1336 = vector.shape_cast %get3A_1335 : vector<16xf32> to vector<16xf32>
    %get3A_1337 = arith.constant 0 : index
    %get3A_1338 = tpu.vector_load %arg12[%get3A_1337] {strides = array<i32>} : memref<128xf32, #tpu.memory_space<vmem>>, vector<16xf32>,
    %get3A_1339 = vector.shape_cast %get3A_1338 : vector<16xf32> to vector<16xf32>
    %get3A_1340 = arith.constant 256 : index
    %get3A_1341 = tpu.vector_load %arg15[%get3A_1340] {strides = array<i32>} : memref<512xf32, #tpu.memory_space<vmem>>, vector<16xf32>,
    %get3A_1342 = vector.shape_cast %get3A_1341 : vector<16xf32> to vector<16xf32>
    %get3A_1343 = arith.constant 256 : index
    %get3A_1344 = tpu.vector_load %arg14[%get3A_1343] {strides = array<i32>} : memref<512xf32, #tpu.memory_space<vmem>>, vector<16xf32>,
    %get3A_1345 = vector.shape_cast %get3A_1344 : vector<16xf32> to vector<16xf32>
    %sub3A_1346 = arith.subf %get3A_1336, %get3A_1339 : vector<16xf32>
    %mul3A_1347 = arith.mulf %get3A_1342, %sub3A_1346 : vector<16xf32>
    %mul3A_1348 = arith.mulf %mul3A_1347, %sub3A_1346 : vector<16xf32>
    %sub3A_1349 = arith.constant 9.000000e+00 : f32
    %sub3A_1350 = vector.broadcast %sub3A_1349 : f32 to vector<16xf32>
    %sub3A_1351 = arith.subf %mul3A_1348, %sub3A_1350 : vector<16xf32>
    %exp3A_1352 = math.exp %sub3A_1351 : vector<16xf32>
    %add3A_1353 = arith.constant 1.000000e+00 : f32
    %add3A_1354 = vector.broadcast %add3A_1353 : f32 to vector<16xf32>
    %add3A_1355 = arith.addf %add3A_1354, %exp3A_1352 : vector<16xf32>
    %div3A_1356 = arith.divf %get3A_1345, %add3A_1355 : vector<16xf32>
    %swap3A_1357 = arith.constant 256 : index
    %swap3A_1358 = tpu.vector_load %arg16[%swap3A_1357] {strides = array<i32>} : memref<512xf32, #tpu.memory_space<vmem>>, vector<16xf32>,
    %swap3A_1359 = vector.shape_cast %swap3A_1358 : vector<16xf32> to vector<16xf32>
    %swap3A_1360 = vector.shape_cast %div3A_1356 : vector<16xf32> to vector<16xf32>
    tpu.vector_store %arg16[%swap3A_1357], %swap3A_1360 {strides = array<i32>} : memref<512xf32, #tpu.memory_space<vmem>>, vector<16xf32>,
    %get3A_1361 = arith.constant 272 : index
    %get3A_1362 = tpu.vector_load %arg13[%get3A_1361] {strides = array<i32>} : memref<512xf32, #tpu.memory_space<vmem>>, vector<16xf32>,
    %get3A_1363 = vector.shape_cast %get3A_1362 : vector<16xf32> to vector<16xf32>
    %get3A_1364 = arith.constant 16 : index
    %get3A_1365 = tpu.vector_load %arg12[%get3A_1364] {strides = array<i32>} : memref<128xf32, #tpu.memory_space<vmem>>, vector<16xf32>,
    %get3A_1366 = vector.shape_cast %get3A_1365 : vector<16xf32> to vector<16xf32>
    %get3A_1367 = arith.constant 272 : index
    %get3A_1368 = tpu.vector_load %arg15[%get3A_1367] {strides = array<i32>} : memref<512xf32, #tpu.memory_space<vmem>>, vector<16xf32>,
    %get3A_1369 = vector.shape_cast %get3A_1368 : vector<16xf32> to vector<16xf32>
    %get3A_1370 = arith.constant 272 : index
    %get3A_1371 = tpu.vector_load %arg14[%get3A_1370] {strides = array<i32>} : memref<512xf32, #tpu.memory_space<vmem>>, vector<16xf32>,
    %get3A_1372 = vector.shape_cast %get3A_1371 : vector<16xf32> to vector<16xf32>
    %sub3A_1373 = arith.subf %get3A_1363, %get3A_1366 : vector<16xf32>
    %mul3A_1374 = arith.mulf %get3A_1369, %sub3A_1373 : vector<16xf32>
    %mul3A_1375 = arith.mulf %mul3A_1374, %sub3A_1373 : vector<16xf32>
    %sub3A_1376 = arith.constant 9.000000e+00 : f32
    %sub3A_1377 = vector.broadcast %sub3A_1376 : f32 to vector<16xf32>
    %sub3A_1378 = arith.subf %mul3A_1375, %sub3A_1377 : vector<16xf32>
    %exp3A_1379 = math.exp %sub3A_1378 : vector<16xf32>
    %add3A_1380 = arith.constant 1.000000e+00 : f32
    %add3A_1381 = vector.broadcast %add3A_1380 : f32 to vector<16xf32>
    %add3A_1382 = arith.addf %add3A_1381, %exp3A_1379 : vector<16xf32>
    %div3A_1383 = arith.divf %get3A_1372, %add3A_1382 : vector<16xf32>
    %swap3A_1384 = arith.constant 272 : index
    %swap3A_1385 = tpu.vector_load %arg16[%swap3A_1384] {strides = array<i32>} : memref<512xf32, #tpu.memory_space<vmem>>, vector<16xf32>,
    %swap3A_1386 = vector.shape_cast %swap3A_1385 : vector<16xf32> to vector<16xf32>
    %swap3A_1387 = vector.shape_cast %div3A_1383 : vector<16xf32> to vector<16xf32>
    tpu.vector_store %arg16[%swap3A_1384], %swap3A_1387 {strides = array<i32>} : memref<512xf32, #tpu.memory_space<vmem>>, vector<16xf32>,
    %get3A_1388 = arith.constant 288 : index
    %get3A_1389 = tpu.vector_load %arg13[%get3A_1388] {strides = array<i32>} : memref<512xf32, #tpu.memory_space<vmem>>, vector<16xf32>,
    %get3A_1390 = vector.shape_cast %get3A_1389 : vector<16xf32> to vector<16xf32>
    %get3A_1391 = arith.constant 32 : index
    %get3A_1392 = tpu.vector_load %arg12[%get3A_1391] {strides = array<i32>} : memref<128xf32, #tpu.memory_space<vmem>>, vector<16xf32>,
    %get3A_1393 = vector.shape_cast %get3A_1392 : vector<16xf32> to vector<16xf32>
    %get3A_1394 = arith.constant 288 : index
    %get3A_1395 = tpu.vector_load %arg15[%get3A_1394] {strides = array<i32>} : memref<512xf32, #tpu.memory_space<vmem>>, vector<16xf32>,
    %get3A_1396 = vector.shape_cast %get3A_1395 : vector<16xf32> to vector<16xf32>
    %get3A_1397 = arith.constant 288 : index
    %get3A_1398 = tpu.vector_load %arg14[%get3A_1397] {strides = array<i32>} : memref<512xf32, #tpu.memory_space<vmem>>, vector<16xf32>,
    %get3A_1399 = vector.shape_cast %get3A_1398 : vector<16xf32> to vector<16xf32>
    %sub3A_1400 = arith.subf %get3A_1390, %get3A_1393 : vector<16xf32>
    %mul3A_1401 = arith.mulf %get3A_1396, %sub3A_1400 : vector<16xf32>
    %mul3A_1402 = arith.mulf %mul3A_1401, %sub3A_1400 : vector<16xf32>
    %sub3A_1403 = arith.constant 9.000000e+00 : f32
    %sub3A_1404 = vector.broadcast %sub3A_1403 : f32 to vector<16xf32>
    %sub3A_1405 = arith.subf %mul3A_1402, %sub3A_1404 : vector<16xf32>
    %exp3A_1406 = math.exp %sub3A_1405 : vector<16xf32>
    %add3A_1407 = arith.constant 1.000000e+00 : f32
    %add3A_1408 = vector.broadcast %add3A_1407 : f32 to vector<16xf32>
    %add3A_1409 = arith.addf %add3A_1408, %exp3A_1406 : vector<16xf32>
    %div3A_1410 = arith.divf %get3A_1399, %add3A_1409 : vector<16xf32>
    %swap3A_1411 = arith.constant 288 : index
    %swap3A_1412 = tpu.vector_load %arg16[%swap3A_1411] {strides = array<i32>} : memref<512xf32, #tpu.memory_space<vmem>>, vector<16xf32>,
    %swap3A_1413 = vector.shape_cast %swap3A_1412 : vector<16xf32> to vector<16xf32>
    %swap3A_1414 = vector.shape_cast %div3A_1410 : vector<16xf32> to vector<16xf32>
    tpu.vector_store %arg16[%swap3A_1411], %swap3A_1414 {strides = array<i32>} : memref<512xf32, #tpu.memory_space<vmem>>, vector<16xf32>,
    %get3A_1415 = arith.constant 304 : index
    %get3A_1416 = tpu.vector_load %arg13[%get3A_1415] {strides = array<i32>} : memref<512xf32, #tpu.memory_space<vmem>>, vector<16xf32>,
    %get3A_1417 = vector.shape_cast %get3A_1416 : vector<16xf32> to vector<16xf32>
    %get3A_1418 = arith.constant 48 : index
    %get3A_1419 = tpu.vector_load %arg12[%get3A_1418] {strides = array<i32>} : memref<128xf32, #tpu.memory_space<vmem>>, vector<16xf32>,
    %get3A_1420 = vector.shape_cast %get3A_1419 : vector<16xf32> to vector<16xf32>
    %get3A_1421 = arith.constant 304 : index
    %get3A_1422 = tpu.vector_load %arg15[%get3A_1421] {strides = array<i32>} : memref<512xf32, #tpu.memory_space<vmem>>, vector<16xf32>,
    %get3A_1423 = vector.shape_cast %get3A_1422 : vector<16xf32> to vector<16xf32>
    %get3A_1424 = arith.constant 304 : index
    %get3A_1425 = tpu.vector_load %arg14[%get3A_1424] {strides = array<i32>} : memref<512xf32, #tpu.memory_space<vmem>>, vector<16xf32>,
    %get3A_1426 = vector.shape_cast %get3A_1425 : vector<16xf32> to vector<16xf32>
    %sub3A_1427 = arith.subf %get3A_1417, %get3A_1420 : vector<16xf32>
    %mul3A_1428 = arith.mulf %get3A_1423, %sub3A_1427 : vector<16xf32>
    %mul3A_1429 = arith.mulf %mul3A_1428, %sub3A_1427 : vector<16xf32>
    %sub3A_1430 = arith.constant 9.000000e+00 : f32
    %sub3A_1431 = vector.broadcast %sub3A_1430 : f32 to vector<16xf32>
    %sub3A_1432 = arith.subf %mul3A_1429, %sub3A_1431 : vector<16xf32>
    %exp3A_1433 = math.exp %sub3A_1432 : vector<16xf32>
    %add3A_1434 = arith.constant 1.000000e+00 : f32
    %add3A_1435 = vector.broadcast %add3A_1434 : f32 to vector<16xf32>
    %add3A_1436 = arith.addf %add3A_1435, %exp3A_1433 : vector<16xf32>
    %div3A_1437 = arith.divf %get3A_1426, %add3A_1436 : vector<16xf32>
    %swap3A_1438 = arith.constant 304 : index
    %swap3A_1439 = tpu.vector_load %arg16[%swap3A_1438] {strides = array<i32>} : memref<512xf32, #tpu.memory_space<vmem>>, vector<16xf32>,
    %swap3A_1440 = vector.shape_cast %swap3A_1439 : vector<16xf32> to vector<16xf32>
    %swap3A_1441 = vector.shape_cast %div3A_1437 : vector<16xf32> to vector<16xf32>
    tpu.vector_store %arg16[%swap3A_1438], %swap3A_1441 {strides = array<i32>} : memref<512xf32, #tpu.memory_space<vmem>>, vector<16xf32>,
    %get3A_1442 = arith.constant 320 : index
    %get3A_1443 = tpu.vector_load %arg13[%get3A_1442] {strides = array<i32>} : memref<512xf32, #tpu.memory_space<vmem>>, vector<16xf32>,
    %get3A_1444 = vector.shape_cast %get3A_1443 : vector<16xf32> to vector<16xf32>
    %get3A_1445 = arith.constant 64 : index
    %get3A_1446 = tpu.vector_load %arg12[%get3A_1445] {strides = array<i32>} : memref<128xf32, #tpu.memory_space<vmem>>, vector<16xf32>,
    %get3A_1447 = vector.shape_cast %get3A_1446 : vector<16xf32> to vector<16xf32>
    %get3A_1448 = arith.constant 320 : index
    %get3A_1449 = tpu.vector_load %arg15[%get3A_1448] {strides = array<i32>} : memref<512xf32, #tpu.memory_space<vmem>>, vector<16xf32>,
    %get3A_1450 = vector.shape_cast %get3A_1449 : vector<16xf32> to vector<16xf32>
    %get3A_1451 = arith.constant 320 : index
    %get3A_1452 = tpu.vector_load %arg14[%get3A_1451] {strides = array<i32>} : memref<512xf32, #tpu.memory_space<vmem>>, vector<16xf32>,
    %get3A_1453 = vector.shape_cast %get3A_1452 : vector<16xf32> to vector<16xf32>
    %sub3A_1454 = arith.subf %get3A_1444, %get3A_1447 : vector<16xf32>
    %mul3A_1455 = arith.mulf %get3A_1450, %sub3A_1454 : vector<16xf32>
    %mul3A_1456 = arith.mulf %mul3A_1455, %sub3A_1454 : vector<16xf32>
    %sub3A_1457 = arith.constant 9.000000e+00 : f32
    %sub3A_1458 = vector.broadcast %sub3A_1457 : f32 to vector<16xf32>
    %sub3A_1459 = arith.subf %mul3A_1456, %sub3A_1458 : vector<16xf32>
    %exp3A_1460 = math.exp %sub3A_1459 : vector<16xf32>
    %add3A_1461 = arith.constant 1.000000e+00 : f32
    %add3A_1462 = vector.broadcast %add3A_1461 : f32 to vector<16xf32>
    %add3A_1463 = arith.addf %add3A_1462, %exp3A_1460 : vector<16xf32>
    %div3A_1464 = arith.divf %get3A_1453, %add3A_1463 : vector<16xf32>
    %swap3A_1465 = arith.constant 320 : index
    %swap3A_1466 = tpu.vector_load %arg16[%swap3A_1465] {strides = array<i32>} : memref<512xf32, #tpu.memory_space<vmem>>, vector<16xf32>,
    %swap3A_1467 = vector.shape_cast %swap3A_1466 : vector<16xf32> to vector<16xf32>
    %swap3A_1468 = vector.shape_cast %div3A_1464 : vector<16xf32> to vector<16xf32>
    tpu.vector_store %arg16[%swap3A_1465], %swap3A_1468 {strides = array<i32>} : memref<512xf32, #tpu.memory_space<vmem>>, vector<16xf32>,
    %get3A_1469 = arith.constant 336 : index
    %get3A_1470 = tpu.vector_load %arg13[%get3A_1469] {strides = array<i32>} : memref<512xf32, #tpu.memory_space<vmem>>, vector<16xf32>,
    %get3A_1471 = vector.shape_cast %get3A_1470 : vector<16xf32> to vector<16xf32>
    %get3A_1472 = arith.constant 80 : index
    %get3A_1473 = tpu.vector_load %arg12[%get3A_1472] {strides = array<i32>} : memref<128xf32, #tpu.memory_space<vmem>>, vector<16xf32>,
    %get3A_1474 = vector.shape_cast %get3A_1473 : vector<16xf32> to vector<16xf32>
    %get3A_1475 = arith.constant 336 : index
    %get3A_1476 = tpu.vector_load %arg15[%get3A_1475] {strides = array<i32>} : memref<512xf32, #tpu.memory_space<vmem>>, vector<16xf32>,
    %get3A_1477 = vector.shape_cast %get3A_1476 : vector<16xf32> to vector<16xf32>
    %get3A_1478 = arith.constant 336 : index
    %get3A_1479 = tpu.vector_load %arg14[%get3A_1478] {strides = array<i32>} : memref<512xf32, #tpu.memory_space<vmem>>, vector<16xf32>,
    %get3A_1480 = vector.shape_cast %get3A_1479 : vector<16xf32> to vector<16xf32>
    %sub3A_1481 = arith.subf %get3A_1471, %get3A_1474 : vector<16xf32>
    %mul3A_1482 = arith.mulf %get3A_1477, %sub3A_1481 : vector<16xf32>
    %mul3A_1483 = arith.mulf %mul3A_1482, %sub3A_1481 : vector<16xf32>
    %sub3A_1484 = arith.constant 9.000000e+00 : f32
    %sub3A_1485 = vector.broadcast %sub3A_1484 : f32 to vector<16xf32>
    %sub3A_1486 = arith.subf %mul3A_1483, %sub3A_1485 : vector<16xf32>
    %exp3A_1487 = math.exp %sub3A_1486 : vector<16xf32>
    %add3A_1488 = arith.constant 1.000000e+00 : f32
    %add3A_1489 = vector.broadcast %add3A_1488 : f32 to vector<16xf32>
    %add3A_1490 = arith.addf %add3A_1489, %exp3A_1487 : vector<16xf32>
    %div3A_1491 = arith.divf %get3A_1480, %add3A_1490 : vector<16xf32>
    %swap3A_1492 = arith.constant 336 : index
    %swap3A_1493 = tpu.vector_load %arg16[%swap3A_1492] {strides = array<i32>} : memref<512xf32, #tpu.memory_space<vmem>>, vector<16xf32>,
    %swap3A_1494 = vector.shape_cast %swap3A_1493 : vector<16xf32> to vector<16xf32>
    %swap3A_1495 = vector.shape_cast %div3A_1491 : vector<16xf32> to vector<16xf32>
    tpu.vector_store %arg16[%swap3A_1492], %swap3A_1495 {strides = array<i32>} : memref<512xf32, #tpu.memory_space<vmem>>, vector<16xf32>,
    %get3A_1496 = arith.constant 352 : index
    %get3A_1497 = tpu.vector_load %arg13[%get3A_1496] {strides = array<i32>} : memref<512xf32, #tpu.memory_space<vmem>>, vector<16xf32>,
    %get3A_1498 = vector.shape_cast %get3A_1497 : vector<16xf32> to vector<16xf32>
    %get3A_1499 = arith.constant 96 : index
    %get3A_1500 = tpu.vector_load %arg12[%get3A_1499] {strides = array<i32>} : memref<128xf32, #tpu.memory_space<vmem>>, vector<16xf32>,
    %get3A_1501 = vector.shape_cast %get3A_1500 : vector<16xf32> to vector<16xf32>
    %get3A_1502 = arith.constant 352 : index
    %get3A_1503 = tpu.vector_load %arg15[%get3A_1502] {strides = array<i32>} : memref<512xf32, #tpu.memory_space<vmem>>, vector<16xf32>,
    %get3A_1504 = vector.shape_cast %get3A_1503 : vector<16xf32> to vector<16xf32>
    %get3A_1505 = arith.constant 352 : index
    %get3A_1506 = tpu.vector_load %arg14[%get3A_1505] {strides = array<i32>} : memref<512xf32, #tpu.memory_space<vmem>>, vector<16xf32>,
    %get3A_1507 = vector.shape_cast %get3A_1506 : vector<16xf32> to vector<16xf32>
    %sub3A_1508 = arith.subf %get3A_1498, %get3A_1501 : vector<16xf32>
    %mul3A_1509 = arith.mulf %get3A_1504, %sub3A_1508 : vector<16xf32>
    %mul3A_1510 = arith.mulf %mul3A_1509, %sub3A_1508 : vector<16xf32>
    %sub3A_1511 = arith.constant 9.000000e+00 : f32
    %sub3A_1512 = vector.broadcast %sub3A_1511 : f32 to vector<16xf32>
    %sub3A_1513 = arith.subf %mul3A_1510, %sub3A_1512 : vector<16xf32>
    %exp3A_1514 = math.exp %sub3A_1513 : vector<16xf32>
    %add3A_1515 = arith.constant 1.000000e+00 : f32
    %add3A_1516 = vector.broadcast %add3A_1515 : f32 to vector<16xf32>
    %add3A_1517 = arith.addf %add3A_1516, %exp3A_1514 : vector<16xf32>
    %div3A_1518 = arith.divf %get3A_1507, %add3A_1517 : vector<16xf32>
    %swap3A_1519 = arith.constant 352 : index
    %swap3A_1520 = tpu.vector_load %arg16[%swap3A_1519] {strides = array<i32>} : memref<512xf32, #tpu.memory_space<vmem>>, vector<16xf32>,
    %swap3A_1521 = vector.shape_cast %swap3A_1520 : vector<16xf32> to vector<16xf32>
    %swap3A_1522 = vector.shape_cast %div3A_1518 : vector<16xf32> to vector<16xf32>
    tpu.vector_store %arg16[%swap3A_1519], %swap3A_1522 {strides = array<i32>} : memref<512xf32, #tpu.memory_space<vmem>>, vector<16xf32>,
    %get3A_1523 = arith.constant 368 : index
    %get3A_1524 = tpu.vector_load %arg13[%get3A_1523] {strides = array<i32>} : memref<512xf32, #tpu.memory_space<vmem>>, vector<16xf32>,
    %get3A_1525 = vector.shape_cast %get3A_1524 : vector<16xf32> to vector<16xf32>
    %get3A_1526 = arith.constant 112 : index
    %get3A_1527 = tpu.vector_load %arg12[%get3A_1526] {strides = array<i32>} : memref<128xf32, #tpu.memory_space<vmem>>, vector<16xf32>,
    %get3A_1528 = vector.shape_cast %get3A_1527 : vector<16xf32> to vector<16xf32>
    %get3A_1529 = arith.constant 368 : index
    %get3A_1530 = tpu.vector_load %arg15[%get3A_1529] {strides = array<i32>} : memref<512xf32, #tpu.memory_space<vmem>>, vector<16xf32>,
    %get3A_1531 = vector.shape_cast %get3A_1530 : vector<16xf32> to vector<16xf32>
    %get3A_1532 = arith.constant 368 : index
    %get3A_1533 = tpu.vector_load %arg14[%get3A_1532] {strides = array<i32>} : memref<512xf32, #tpu.memory_space<vmem>>, vector<16xf32>,
    %get3A_1534 = vector.shape_cast %get3A_1533 : vector<16xf32> to vector<16xf32>
    %sub3A_1535 = arith.subf %get3A_1525, %get3A_1528 : vector<16xf32>
    %mul3A_1536 = arith.mulf %get3A_1531, %sub3A_1535 : vector<16xf32>
    %mul3A_1537 = arith.mulf %mul3A_1536, %sub3A_1535 : vector<16xf32>
    %sub3A_1538 = arith.constant 9.000000e+00 : f32
    %sub3A_1539 = vector.broadcast %sub3A_1538 : f32 to vector<16xf32>
    %sub3A_1540 = arith.subf %mul3A_1537, %sub3A_1539 : vector<16xf32>
    %exp3A_1541 = math.exp %sub3A_1540 : vector<16xf32>
    %add3A_1542 = arith.constant 1.000000e+00 : f32
    %add3A_1543 = vector.broadcast %add3A_1542 : f32 to vector<16xf32>
    %add3A_1544 = arith.addf %add3A_1543, %exp3A_1541 : vector<16xf32>
    %div3A_1545 = arith.divf %get3A_1534, %add3A_1544 : vector<16xf32>
    %swap3A_1546 = arith.constant 368 : index
    %swap3A_1547 = tpu.vector_load %arg16[%swap3A_1546] {strides = array<i32>} : memref<512xf32, #tpu.memory_space<vmem>>, vector<16xf32>,
    %swap3A_1548 = vector.shape_cast %swap3A_1547 : vector<16xf32> to vector<16xf32>
    %swap3A_1549 = vector.shape_cast %div3A_1545 : vector<16xf32> to vector<16xf32>
    tpu.vector_store %arg16[%swap3A_1546], %swap3A_1549 {strides = array<i32>} : memref<512xf32, #tpu.memory_space<vmem>>, vector<16xf32>,
    %add3A_1550 = arith.constant 384 : i32
    %add3A_1551 = arith.addi %mul3A_2, %add3A_1550 : i32
    "tpu.region"() ({
      %run_scoped3A = tpu.sem_alloc : memref<!tpu.dma_semaphore, #tpu.memory_space<semaphore_mem>>
      %dma_start3A_1772 = tpu.memref_slice %arg5[%add3A_1551] : memref<16384xi32, #tpu.memory_space<hbm>> -> memref<128xi32, #tpu.memory_space<hbm>>
      %dma_start3A_1773 = tpu.memref_slice %arg5[%add3A_1551] : memref<16384xi32, #tpu.memory_space<hbm>> -> memref<128xi32, #tpu.memory_space<hbm>>
      tpu.enqueue_dma source(%dma_start3A_1773 : memref<128xi32, #tpu.memory_space<hbm>>) target(%arg11 : memref<128xi32, #tpu.memory_space<vmem>>) target_semaphore(%run_scoped3A : memref<!tpu.dma_semaphore, #tpu.memory_space<semaphore_mem>>)
      %dma_wait3A_1774 = tpu.memref_slice %arg5[%add3A_1551] : memref<16384xi32, #tpu.memory_space<hbm>> -> memref<128xi32, #tpu.memory_space<hbm>>
      %dma_wait3A_1775 = tpu.memref_slice %arg5[%add3A_1551] : memref<16384xi32, #tpu.memory_space<hbm>> -> memref<128xi32, #tpu.memory_space<hbm>>
      tpu.wait_dma2 semaphore(%run_scoped3A : memref<!tpu.dma_semaphore, #tpu.memory_space<semaphore_mem>>) src(%dma_wait3A_1775 : memref<128xi32, #tpu.memory_space<hbm>>) dst(%arg11 : memref<128xi32, #tpu.memory_space<vmem>>)
      tpu.yield
    }) : () -> ()
    %dma_start3A_1552 = arith.constant 0 : i32
    %dma_start3A_1553 = tpu.memref_slice %arg2[%dma_start3A_1552] : memref<16384xf32, #tpu.memory_space<hbm>> -> memref<16384xf32, #tpu.memory_space<hbm>>
    tpu.enqueue_indirect_dma source(%dma_start3A_1553 : memref<16384xf32, #tpu.memory_space<hbm>>) target(%arg12 : memref<128xf32, #tpu.memory_space<vmem>>) offsets(%arg11 : memref<128xi32, #tpu.memory_space<vmem>>) semaphore(%arg17 : memref<!tpu.dma_semaphore, #tpu.memory_space<semaphore_mem>>)
    %dma_wait3A_1554 = arith.constant 0 : i32
    %dma_wait3A_1555 = tpu.memref_slice %arg2[%dma_wait3A_1554] : memref<16384xf32, #tpu.memory_space<hbm>> -> memref<16384xf32, #tpu.memory_space<hbm>>
    tpu.wait_indirect_dma semaphore(%arg17 : memref<!tpu.dma_semaphore, #tpu.memory_space<semaphore_mem>>) src(%dma_wait3A_1555 : memref<16384xf32, #tpu.memory_space<hbm>>) dst(%arg12 : memref<128xf32, #tpu.memory_space<vmem>>)
    %get3A_1556 = arith.constant 384 : index
    %get3A_1557 = tpu.vector_load %arg13[%get3A_1556] {strides = array<i32>} : memref<512xf32, #tpu.memory_space<vmem>>, vector<16xf32>,
    %get3A_1558 = vector.shape_cast %get3A_1557 : vector<16xf32> to vector<16xf32>
    %get3A_1559 = arith.constant 0 : index
    %get3A_1560 = tpu.vector_load %arg12[%get3A_1559] {strides = array<i32>} : memref<128xf32, #tpu.memory_space<vmem>>, vector<16xf32>,
    %get3A_1561 = vector.shape_cast %get3A_1560 : vector<16xf32> to vector<16xf32>
    %get3A_1562 = arith.constant 384 : index
    %get3A_1563 = tpu.vector_load %arg15[%get3A_1562] {strides = array<i32>} : memref<512xf32, #tpu.memory_space<vmem>>, vector<16xf32>,
    %get3A_1564 = vector.shape_cast %get3A_1563 : vector<16xf32> to vector<16xf32>
    %get3A_1565 = arith.constant 384 : index
    %get3A_1566 = tpu.vector_load %arg14[%get3A_1565] {strides = array<i32>} : memref<512xf32, #tpu.memory_space<vmem>>, vector<16xf32>,
    %get3A_1567 = vector.shape_cast %get3A_1566 : vector<16xf32> to vector<16xf32>
    %sub3A_1568 = arith.subf %get3A_1558, %get3A_1561 : vector<16xf32>
    %mul3A_1569 = arith.mulf %get3A_1564, %sub3A_1568 : vector<16xf32>
    %mul3A_1570 = arith.mulf %mul3A_1569, %sub3A_1568 : vector<16xf32>
    %sub3A_1571 = arith.constant 9.000000e+00 : f32
    %sub3A_1572 = vector.broadcast %sub3A_1571 : f32 to vector<16xf32>
    %sub3A_1573 = arith.subf %mul3A_1570, %sub3A_1572 : vector<16xf32>
    %exp3A_1574 = math.exp %sub3A_1573 : vector<16xf32>
    %add3A_1575 = arith.constant 1.000000e+00 : f32
    %add3A_1576 = vector.broadcast %add3A_1575 : f32 to vector<16xf32>
    %add3A_1577 = arith.addf %add3A_1576, %exp3A_1574 : vector<16xf32>
    %div3A_1578 = arith.divf %get3A_1567, %add3A_1577 : vector<16xf32>
    %swap3A_1579 = arith.constant 384 : index
    %swap3A_1580 = tpu.vector_load %arg16[%swap3A_1579] {strides = array<i32>} : memref<512xf32, #tpu.memory_space<vmem>>, vector<16xf32>,
    %swap3A_1581 = vector.shape_cast %swap3A_1580 : vector<16xf32> to vector<16xf32>
    %swap3A_1582 = vector.shape_cast %div3A_1578 : vector<16xf32> to vector<16xf32>
    tpu.vector_store %arg16[%swap3A_1579], %swap3A_1582 {strides = array<i32>} : memref<512xf32, #tpu.memory_space<vmem>>, vector<16xf32>,
    %get3A_1583 = arith.constant 400 : index
    %get3A_1584 = tpu.vector_load %arg13[%get3A_1583] {strides = array<i32>} : memref<512xf32, #tpu.memory_space<vmem>>, vector<16xf32>,
    %get3A_1585 = vector.shape_cast %get3A_1584 : vector<16xf32> to vector<16xf32>
    %get3A_1586 = arith.constant 16 : index
    %get3A_1587 = tpu.vector_load %arg12[%get3A_1586] {strides = array<i32>} : memref<128xf32, #tpu.memory_space<vmem>>, vector<16xf32>,
    %get3A_1588 = vector.shape_cast %get3A_1587 : vector<16xf32> to vector<16xf32>
    %get3A_1589 = arith.constant 400 : index
    %get3A_1590 = tpu.vector_load %arg15[%get3A_1589] {strides = array<i32>} : memref<512xf32, #tpu.memory_space<vmem>>, vector<16xf32>,
    %get3A_1591 = vector.shape_cast %get3A_1590 : vector<16xf32> to vector<16xf32>
    %get3A_1592 = arith.constant 400 : index
    %get3A_1593 = tpu.vector_load %arg14[%get3A_1592] {strides = array<i32>} : memref<512xf32, #tpu.memory_space<vmem>>, vector<16xf32>,
    %get3A_1594 = vector.shape_cast %get3A_1593 : vector<16xf32> to vector<16xf32>
    %sub3A_1595 = arith.subf %get3A_1585, %get3A_1588 : vector<16xf32>
    %mul3A_1596 = arith.mulf %get3A_1591, %sub3A_1595 : vector<16xf32>
    %mul3A_1597 = arith.mulf %mul3A_1596, %sub3A_1595 : vector<16xf32>
    %sub3A_1598 = arith.constant 9.000000e+00 : f32
    %sub3A_1599 = vector.broadcast %sub3A_1598 : f32 to vector<16xf32>
    %sub3A_1600 = arith.subf %mul3A_1597, %sub3A_1599 : vector<16xf32>
    %exp3A_1601 = math.exp %sub3A_1600 : vector<16xf32>
    %add3A_1602 = arith.constant 1.000000e+00 : f32
    %add3A_1603 = vector.broadcast %add3A_1602 : f32 to vector<16xf32>
    %add3A_1604 = arith.addf %add3A_1603, %exp3A_1601 : vector<16xf32>
    %div3A_1605 = arith.divf %get3A_1594, %add3A_1604 : vector<16xf32>
    %swap3A_1606 = arith.constant 400 : index
    %swap3A_1607 = tpu.vector_load %arg16[%swap3A_1606] {strides = array<i32>} : memref<512xf32, #tpu.memory_space<vmem>>, vector<16xf32>,
    %swap3A_1608 = vector.shape_cast %swap3A_1607 : vector<16xf32> to vector<16xf32>
    %swap3A_1609 = vector.shape_cast %div3A_1605 : vector<16xf32> to vector<16xf32>
    tpu.vector_store %arg16[%swap3A_1606], %swap3A_1609 {strides = array<i32>} : memref<512xf32, #tpu.memory_space<vmem>>, vector<16xf32>,
    %get3A_1610 = arith.constant 416 : index
    %get3A_1611 = tpu.vector_load %arg13[%get3A_1610] {strides = array<i32>} : memref<512xf32, #tpu.memory_space<vmem>>, vector<16xf32>,
    %get3A_1612 = vector.shape_cast %get3A_1611 : vector<16xf32> to vector<16xf32>
    %get3A_1613 = arith.constant 32 : index
    %get3A_1614 = tpu.vector_load %arg12[%get3A_1613] {strides = array<i32>} : memref<128xf32, #tpu.memory_space<vmem>>, vector<16xf32>,
    %get3A_1615 = vector.shape_cast %get3A_1614 : vector<16xf32> to vector<16xf32>
    %get3A_1616 = arith.constant 416 : index
    %get3A_1617 = tpu.vector_load %arg15[%get3A_1616] {strides = array<i32>} : memref<512xf32, #tpu.memory_space<vmem>>, vector<16xf32>,
    %get3A_1618 = vector.shape_cast %get3A_1617 : vector<16xf32> to vector<16xf32>
    %get3A_1619 = arith.constant 416 : index
    %get3A_1620 = tpu.vector_load %arg14[%get3A_1619] {strides = array<i32>} : memref<512xf32, #tpu.memory_space<vmem>>, vector<16xf32>,
    %get3A_1621 = vector.shape_cast %get3A_1620 : vector<16xf32> to vector<16xf32>
    %sub3A_1622 = arith.subf %get3A_1612, %get3A_1615 : vector<16xf32>
    %mul3A_1623 = arith.mulf %get3A_1618, %sub3A_1622 : vector<16xf32>
    %mul3A_1624 = arith.mulf %mul3A_1623, %sub3A_1622 : vector<16xf32>
    %sub3A_1625 = arith.constant 9.000000e+00 : f32
    %sub3A_1626 = vector.broadcast %sub3A_1625 : f32 to vector<16xf32>
    %sub3A_1627 = arith.subf %mul3A_1624, %sub3A_1626 : vector<16xf32>
    %exp3A_1628 = math.exp %sub3A_1627 : vector<16xf32>
    %add3A_1629 = arith.constant 1.000000e+00 : f32
    %add3A_1630 = vector.broadcast %add3A_1629 : f32 to vector<16xf32>
    %add3A_1631 = arith.addf %add3A_1630, %exp3A_1628 : vector<16xf32>
    %div3A_1632 = arith.divf %get3A_1621, %add3A_1631 : vector<16xf32>
    %swap3A_1633 = arith.constant 416 : index
    %swap3A_1634 = tpu.vector_load %arg16[%swap3A_1633] {strides = array<i32>} : memref<512xf32, #tpu.memory_space<vmem>>, vector<16xf32>,
    %swap3A_1635 = vector.shape_cast %swap3A_1634 : vector<16xf32> to vector<16xf32>
    %swap3A_1636 = vector.shape_cast %div3A_1632 : vector<16xf32> to vector<16xf32>
    tpu.vector_store %arg16[%swap3A_1633], %swap3A_1636 {strides = array<i32>} : memref<512xf32, #tpu.memory_space<vmem>>, vector<16xf32>,
    %get3A_1637 = arith.constant 432 : index
    %get3A_1638 = tpu.vector_load %arg13[%get3A_1637] {strides = array<i32>} : memref<512xf32, #tpu.memory_space<vmem>>, vector<16xf32>,
    %get3A_1639 = vector.shape_cast %get3A_1638 : vector<16xf32> to vector<16xf32>
    %get3A_1640 = arith.constant 48 : index
    %get3A_1641 = tpu.vector_load %arg12[%get3A_1640] {strides = array<i32>} : memref<128xf32, #tpu.memory_space<vmem>>, vector<16xf32>,
    %get3A_1642 = vector.shape_cast %get3A_1641 : vector<16xf32> to vector<16xf32>
    %get3A_1643 = arith.constant 432 : index
    %get3A_1644 = tpu.vector_load %arg15[%get3A_1643] {strides = array<i32>} : memref<512xf32, #tpu.memory_space<vmem>>, vector<16xf32>,
    %get3A_1645 = vector.shape_cast %get3A_1644 : vector<16xf32> to vector<16xf32>
    %get3A_1646 = arith.constant 432 : index
    %get3A_1647 = tpu.vector_load %arg14[%get3A_1646] {strides = array<i32>} : memref<512xf32, #tpu.memory_space<vmem>>, vector<16xf32>,
    %get3A_1648 = vector.shape_cast %get3A_1647 : vector<16xf32> to vector<16xf32>
    %sub3A_1649 = arith.subf %get3A_1639, %get3A_1642 : vector<16xf32>
    %mul3A_1650 = arith.mulf %get3A_1645, %sub3A_1649 : vector<16xf32>
    %mul3A_1651 = arith.mulf %mul3A_1650, %sub3A_1649 : vector<16xf32>
    %sub3A_1652 = arith.constant 9.000000e+00 : f32
    %sub3A_1653 = vector.broadcast %sub3A_1652 : f32 to vector<16xf32>
    %sub3A_1654 = arith.subf %mul3A_1651, %sub3A_1653 : vector<16xf32>
    %exp3A_1655 = math.exp %sub3A_1654 : vector<16xf32>
    %add3A_1656 = arith.constant 1.000000e+00 : f32
    %add3A_1657 = vector.broadcast %add3A_1656 : f32 to vector<16xf32>
    %add3A_1658 = arith.addf %add3A_1657, %exp3A_1655 : vector<16xf32>
    %div3A_1659 = arith.divf %get3A_1648, %add3A_1658 : vector<16xf32>
    %swap3A_1660 = arith.constant 432 : index
    %swap3A_1661 = tpu.vector_load %arg16[%swap3A_1660] {strides = array<i32>} : memref<512xf32, #tpu.memory_space<vmem>>, vector<16xf32>,
    %swap3A_1662 = vector.shape_cast %swap3A_1661 : vector<16xf32> to vector<16xf32>
    %swap3A_1663 = vector.shape_cast %div3A_1659 : vector<16xf32> to vector<16xf32>
    tpu.vector_store %arg16[%swap3A_1660], %swap3A_1663 {strides = array<i32>} : memref<512xf32, #tpu.memory_space<vmem>>, vector<16xf32>,
    %get3A_1664 = arith.constant 448 : index
    %get3A_1665 = tpu.vector_load %arg13[%get3A_1664] {strides = array<i32>} : memref<512xf32, #tpu.memory_space<vmem>>, vector<16xf32>,
    %get3A_1666 = vector.shape_cast %get3A_1665 : vector<16xf32> to vector<16xf32>
    %get3A_1667 = arith.constant 64 : index
    %get3A_1668 = tpu.vector_load %arg12[%get3A_1667] {strides = array<i32>} : memref<128xf32, #tpu.memory_space<vmem>>, vector<16xf32>,
    %get3A_1669 = vector.shape_cast %get3A_1668 : vector<16xf32> to vector<16xf32>
    %get3A_1670 = arith.constant 448 : index
    %get3A_1671 = tpu.vector_load %arg15[%get3A_1670] {strides = array<i32>} : memref<512xf32, #tpu.memory_space<vmem>>, vector<16xf32>,
    %get3A_1672 = vector.shape_cast %get3A_1671 : vector<16xf32> to vector<16xf32>
    %get3A_1673 = arith.constant 448 : index
    %get3A_1674 = tpu.vector_load %arg14[%get3A_1673] {strides = array<i32>} : memref<512xf32, #tpu.memory_space<vmem>>, vector<16xf32>,
    %get3A_1675 = vector.shape_cast %get3A_1674 : vector<16xf32> to vector<16xf32>
    %sub3A_1676 = arith.subf %get3A_1666, %get3A_1669 : vector<16xf32>
    %mul3A_1677 = arith.mulf %get3A_1672, %sub3A_1676 : vector<16xf32>
    %mul3A_1678 = arith.mulf %mul3A_1677, %sub3A_1676 : vector<16xf32>
    %sub3A_1679 = arith.constant 9.000000e+00 : f32
    %sub3A_1680 = vector.broadcast %sub3A_1679 : f32 to vector<16xf32>
    %sub3A_1681 = arith.subf %mul3A_1678, %sub3A_1680 : vector<16xf32>
    %exp3A_1682 = math.exp %sub3A_1681 : vector<16xf32>
    %add3A_1683 = arith.constant 1.000000e+00 : f32
    %add3A_1684 = vector.broadcast %add3A_1683 : f32 to vector<16xf32>
    %add3A_1685 = arith.addf %add3A_1684, %exp3A_1682 : vector<16xf32>
    %div3A_1686 = arith.divf %get3A_1675, %add3A_1685 : vector<16xf32>
    %swap3A_1687 = arith.constant 448 : index
    %swap3A_1688 = tpu.vector_load %arg16[%swap3A_1687] {strides = array<i32>} : memref<512xf32, #tpu.memory_space<vmem>>, vector<16xf32>,
    %swap3A_1689 = vector.shape_cast %swap3A_1688 : vector<16xf32> to vector<16xf32>
    %swap3A_1690 = vector.shape_cast %div3A_1686 : vector<16xf32> to vector<16xf32>
    tpu.vector_store %arg16[%swap3A_1687], %swap3A_1690 {strides = array<i32>} : memref<512xf32, #tpu.memory_space<vmem>>, vector<16xf32>,
    %get3A_1691 = arith.constant 464 : index
    %get3A_1692 = tpu.vector_load %arg13[%get3A_1691] {strides = array<i32>} : memref<512xf32, #tpu.memory_space<vmem>>, vector<16xf32>,
    %get3A_1693 = vector.shape_cast %get3A_1692 : vector<16xf32> to vector<16xf32>
    %get3A_1694 = arith.constant 80 : index
    %get3A_1695 = tpu.vector_load %arg12[%get3A_1694] {strides = array<i32>} : memref<128xf32, #tpu.memory_space<vmem>>, vector<16xf32>,
    %get3A_1696 = vector.shape_cast %get3A_1695 : vector<16xf32> to vector<16xf32>
    %get3A_1697 = arith.constant 464 : index
    %get3A_1698 = tpu.vector_load %arg15[%get3A_1697] {strides = array<i32>} : memref<512xf32, #tpu.memory_space<vmem>>, vector<16xf32>,
    %get3A_1699 = vector.shape_cast %get3A_1698 : vector<16xf32> to vector<16xf32>
    %get3A_1700 = arith.constant 464 : index
    %get3A_1701 = tpu.vector_load %arg14[%get3A_1700] {strides = array<i32>} : memref<512xf32, #tpu.memory_space<vmem>>, vector<16xf32>,
    %get3A_1702 = vector.shape_cast %get3A_1701 : vector<16xf32> to vector<16xf32>
    %sub3A_1703 = arith.subf %get3A_1693, %get3A_1696 : vector<16xf32>
    %mul3A_1704 = arith.mulf %get3A_1699, %sub3A_1703 : vector<16xf32>
    %mul3A_1705 = arith.mulf %mul3A_1704, %sub3A_1703 : vector<16xf32>
    %sub3A_1706 = arith.constant 9.000000e+00 : f32
    %sub3A_1707 = vector.broadcast %sub3A_1706 : f32 to vector<16xf32>
    %sub3A_1708 = arith.subf %mul3A_1705, %sub3A_1707 : vector<16xf32>
    %exp3A_1709 = math.exp %sub3A_1708 : vector<16xf32>
    %add3A_1710 = arith.constant 1.000000e+00 : f32
    %add3A_1711 = vector.broadcast %add3A_1710 : f32 to vector<16xf32>
    %add3A_1712 = arith.addf %add3A_1711, %exp3A_1709 : vector<16xf32>
    %div3A_1713 = arith.divf %get3A_1702, %add3A_1712 : vector<16xf32>
    %swap3A_1714 = arith.constant 464 : index
    %swap3A_1715 = tpu.vector_load %arg16[%swap3A_1714] {strides = array<i32>} : memref<512xf32, #tpu.memory_space<vmem>>, vector<16xf32>,
    %swap3A_1716 = vector.shape_cast %swap3A_1715 : vector<16xf32> to vector<16xf32>
    %swap3A_1717 = vector.shape_cast %div3A_1713 : vector<16xf32> to vector<16xf32>
    tpu.vector_store %arg16[%swap3A_1714], %swap3A_1717 {strides = array<i32>} : memref<512xf32, #tpu.memory_space<vmem>>, vector<16xf32>,
    %get3A_1718 = arith.constant 480 : index
    %get3A_1719 = tpu.vector_load %arg13[%get3A_1718] {strides = array<i32>} : memref<512xf32, #tpu.memory_space<vmem>>, vector<16xf32>,
    %get3A_1720 = vector.shape_cast %get3A_1719 : vector<16xf32> to vector<16xf32>
    %get3A_1721 = arith.constant 96 : index
    %get3A_1722 = tpu.vector_load %arg12[%get3A_1721] {strides = array<i32>} : memref<128xf32, #tpu.memory_space<vmem>>, vector<16xf32>,
    %get3A_1723 = vector.shape_cast %get3A_1722 : vector<16xf32> to vector<16xf32>
    %get3A_1724 = arith.constant 480 : index
    %get3A_1725 = tpu.vector_load %arg15[%get3A_1724] {strides = array<i32>} : memref<512xf32, #tpu.memory_space<vmem>>, vector<16xf32>,
    %get3A_1726 = vector.shape_cast %get3A_1725 : vector<16xf32> to vector<16xf32>
    %get3A_1727 = arith.constant 480 : index
    %get3A_1728 = tpu.vector_load %arg14[%get3A_1727] {strides = array<i32>} : memref<512xf32, #tpu.memory_space<vmem>>, vector<16xf32>,
    %get3A_1729 = vector.shape_cast %get3A_1728 : vector<16xf32> to vector<16xf32>
    %sub3A_1730 = arith.subf %get3A_1720, %get3A_1723 : vector<16xf32>
    %mul3A_1731 = arith.mulf %get3A_1726, %sub3A_1730 : vector<16xf32>
    %mul3A_1732 = arith.mulf %mul3A_1731, %sub3A_1730 : vector<16xf32>
    %sub3A_1733 = arith.constant 9.000000e+00 : f32
    %sub3A_1734 = vector.broadcast %sub3A_1733 : f32 to vector<16xf32>
    %sub3A_1735 = arith.subf %mul3A_1732, %sub3A_1734 : vector<16xf32>
    %exp3A_1736 = math.exp %sub3A_1735 : vector<16xf32>
    %add3A_1737 = arith.constant 1.000000e+00 : f32
    %add3A_1738 = vector.broadcast %add3A_1737 : f32 to vector<16xf32>
    %add3A_1739 = arith.addf %add3A_1738, %exp3A_1736 : vector<16xf32>
    %div3A_1740 = arith.divf %get3A_1729, %add3A_1739 : vector<16xf32>
    %swap3A_1741 = arith.constant 480 : index
    %swap3A_1742 = tpu.vector_load %arg16[%swap3A_1741] {strides = array<i32>} : memref<512xf32, #tpu.memory_space<vmem>>, vector<16xf32>,
    %swap3A_1743 = vector.shape_cast %swap3A_1742 : vector<16xf32> to vector<16xf32>
    %swap3A_1744 = vector.shape_cast %div3A_1740 : vector<16xf32> to vector<16xf32>
    tpu.vector_store %arg16[%swap3A_1741], %swap3A_1744 {strides = array<i32>} : memref<512xf32, #tpu.memory_space<vmem>>, vector<16xf32>,
    %get3A_1745 = arith.constant 496 : index
    %get3A_1746 = tpu.vector_load %arg13[%get3A_1745] {strides = array<i32>} : memref<512xf32, #tpu.memory_space<vmem>>, vector<16xf32>,
    %get3A_1747 = vector.shape_cast %get3A_1746 : vector<16xf32> to vector<16xf32>
    %get3A_1748 = arith.constant 112 : index
    %get3A_1749 = tpu.vector_load %arg12[%get3A_1748] {strides = array<i32>} : memref<128xf32, #tpu.memory_space<vmem>>, vector<16xf32>,
    %get3A_1750 = vector.shape_cast %get3A_1749 : vector<16xf32> to vector<16xf32>
    %get3A_1751 = arith.constant 496 : index
    %get3A_1752 = tpu.vector_load %arg15[%get3A_1751] {strides = array<i32>} : memref<512xf32, #tpu.memory_space<vmem>>, vector<16xf32>,
    %get3A_1753 = vector.shape_cast %get3A_1752 : vector<16xf32> to vector<16xf32>
    %get3A_1754 = arith.constant 496 : index
    %get3A_1755 = tpu.vector_load %arg14[%get3A_1754] {strides = array<i32>} : memref<512xf32, #tpu.memory_space<vmem>>, vector<16xf32>,
    %get3A_1756 = vector.shape_cast %get3A_1755 : vector<16xf32> to vector<16xf32>
    %sub3A_1757 = arith.subf %get3A_1747, %get3A_1750 : vector<16xf32>
    %mul3A_1758 = arith.mulf %get3A_1753, %sub3A_1757 : vector<16xf32>
    %mul3A_1759 = arith.mulf %mul3A_1758, %sub3A_1757 : vector<16xf32>
    %sub3A_1760 = arith.constant 9.000000e+00 : f32
    %sub3A_1761 = vector.broadcast %sub3A_1760 : f32 to vector<16xf32>
    %sub3A_1762 = arith.subf %mul3A_1759, %sub3A_1761 : vector<16xf32>
    %exp3A_1763 = math.exp %sub3A_1762 : vector<16xf32>
    %add3A_1764 = arith.constant 1.000000e+00 : f32
    %add3A_1765 = vector.broadcast %add3A_1764 : f32 to vector<16xf32>
    %add3A_1766 = arith.addf %add3A_1765, %exp3A_1763 : vector<16xf32>
    %div3A_1767 = arith.divf %get3A_1756, %add3A_1766 : vector<16xf32>
    %swap3A_1768 = arith.constant 496 : index
    %swap3A_1769 = tpu.vector_load %arg16[%swap3A_1768] {strides = array<i32>} : memref<512xf32, #tpu.memory_space<vmem>>, vector<16xf32>,
    %swap3A_1770 = vector.shape_cast %swap3A_1769 : vector<16xf32> to vector<16xf32>
    %swap3A_1771 = vector.shape_cast %div3A_1767 : vector<16xf32> to vector<16xf32>
    tpu.vector_store %arg16[%swap3A_1768], %swap3A_1771 {strides = array<i32>} : memref<512xf32, #tpu.memory_space<vmem>>, vector<16xf32>,
    "tpu.region"() ({
      %run_scoped3A = tpu.sem_alloc : memref<!tpu.dma_semaphore, #tpu.memory_space<semaphore_mem>>
      %dma_start3A_1772 = tpu.memref_slice %arg10[%mul3A_2] : memref<16384xf32, #tpu.memory_space<hbm>> -> memref<512xf32, #tpu.memory_space<hbm>>
      %dma_start3A_1773 = tpu.memref_slice %arg10[%mul3A_2] : memref<16384xf32, #tpu.memory_space<hbm>> -> memref<512xf32, #tpu.memory_space<hbm>>
      tpu.enqueue_dma source(%arg16 : memref<512xf32, #tpu.memory_space<vmem>>) target(%dma_start3A_1773 : memref<512xf32, #tpu.memory_space<hbm>>) target_semaphore(%run_scoped3A : memref<!tpu.dma_semaphore, #tpu.memory_space<semaphore_mem>>)
      %dma_wait3A_1774 = tpu.memref_slice %arg10[%mul3A_2] : memref<16384xf32, #tpu.memory_space<hbm>> -> memref<512xf32, #tpu.memory_space<hbm>>
      %dma_wait3A_1775 = tpu.memref_slice %arg10[%mul3A_2] : memref<16384xf32, #tpu.memory_space<hbm>> -> memref<512xf32, #tpu.memory_space<hbm>>
      tpu.wait_dma2 semaphore(%run_scoped3A : memref<!tpu.dma_semaphore, #tpu.memory_space<semaphore_mem>>) src(%arg16 : memref<512xf32, #tpu.memory_space<vmem>>) dst(%dma_wait3A_1775 : memref<512xf32, #tpu.memory_space<hbm>>)
      tpu.yield
    }) : () -> ()
    return
  }
}

module attributes {stable_mosaic.version = 14 : i64} {
  func.func @_ght_tc_kernel(%arg0: i32, %arg1: memref<1x3x2048xf32, #tpu.memory_space<vmem>>, %arg2: memref<1x3x2048xf32, #tpu.memory_space<vmem>>, %arg3: memref<1x3x2048xf32, #tpu.memory_space<vmem>>, %arg4: memref<1x3x2048xf32, #tpu.memory_space<vmem>>, %arg5: memref<1x1x9xf32, #tpu.memory_space<smem>>, %arg6: memref<1x1x3xf32, #tpu.memory_space<smem>>, %arg7: memref<1x1x3xf32, #tpu.memory_space<smem>>, %arg8: memref<1x1x2048xf32, #tpu.memory_space<vmem>>, %arg9: memref<1x1x2048xi32, #tpu.memory_space<vmem>>, %arg10: memref<1x1x2048xi32, #tpu.memory_space<vmem>>, %arg11: memref<1x1x2048xf32, #tpu.memory_space<vmem>>, %arg12: memref<1x1x2048xf32, #tpu.memory_space<vmem>>, %arg13: memref<1x1x2048xf32, #tpu.memory_space<vmem>>, %arg14: memref<1x1x2048xf32, #tpu.memory_space<vmem>>) attributes {dimension_semantics = [#tpu.dimension_semantics<arbitrary>], iteration_bounds = array<i64: 8>, scalar_prefetch = 0 : i64, scratch_operands = 0 : i64, tpu.core_type = #tpu.core_type<tc>, window_params = [{transform_indices = @transform_0, window_bounds = array<i64: 1, 3, 2048>}, {transform_indices = @transform_1, window_bounds = array<i64: 1, 3, 2048>}, {transform_indices = @transform_2, window_bounds = array<i64: 1, 3, 2048>}, {transform_indices = @transform_3, window_bounds = array<i64: 1, 3, 2048>}, {transform_indices = @transform_4, window_bounds = array<i64: 1, 1, 9>}, {transform_indices = @transform_5, window_bounds = array<i64: 1, 1, 3>}, {transform_indices = @transform_6, window_bounds = array<i64: 1, 1, 3>}, {transform_indices = @transform_7, window_bounds = array<i64: 1, 1, 2048>}, {transform_indices = @transform_8, window_bounds = array<i64: 1, 1, 2048>}, {transform_indices = @transform_9, window_bounds = array<i64: 1, 1, 2048>}, {transform_indices = @transform_10, window_bounds = array<i64: 1, 1, 2048>}, {transform_indices = @transform_11, window_bounds = array<i64: 1, 1, 2048>}, {transform_indices = @transform_12, window_bounds = array<i64: 1, 1, 2048>}, {transform_indices = @transform_13, window_bounds = array<i64: 1, 1, 2048>}]} {
    %get3A = arith.constant 0 : index
    %get3A_0 = arith.constant 0 : index
    %get3A_1 = arith.constant 0 : index
    %get3A_2 = memref.load %arg5[%get3A, %get3A_0, %get3A_1] : memref<1x1x9xf32, #tpu.memory_space<smem>>
    %broadcast_in_dim3A = vector.broadcast %get3A_2 : f32 to vector<1x1xf32>
    %get3A_3 = arith.constant 0 : index
    %get3A_4 = arith.constant 0 : index
    %get3A_5 = arith.constant 1 : index
    %get3A_6 = memref.load %arg5[%get3A_3, %get3A_4, %get3A_5] : memref<1x1x9xf32, #tpu.memory_space<smem>>
    %broadcast_in_dim3A_7 = vector.broadcast %get3A_6 : f32 to vector<1x1xf32>
    %get3A_8 = arith.constant 0 : index
    %get3A_9 = arith.constant 0 : index
    %get3A_10 = arith.constant 2 : index
    %get3A_11 = memref.load %arg5[%get3A_8, %get3A_9, %get3A_10] : memref<1x1x9xf32, #tpu.memory_space<smem>>
    %broadcast_in_dim3A_12 = vector.broadcast %get3A_11 : f32 to vector<1x1xf32>
    %concatenate3A = tpu.concatenate %broadcast_in_dim3A, %broadcast_in_dim3A_7, %broadcast_in_dim3A_12 in 1 : vector<1x1xf32>, vector<1x1xf32>, vector<1x1xf32> -> vector<1x3xf32>
    %get3A_13 = arith.constant 0 : index
    %get3A_14 = arith.constant 0 : index
    %get3A_15 = arith.constant 3 : index
    %get3A_16 = memref.load %arg5[%get3A_13, %get3A_14, %get3A_15] : memref<1x1x9xf32, #tpu.memory_space<smem>>
    %broadcast_in_dim3A_17 = vector.broadcast %get3A_16 : f32 to vector<1x1xf32>
    %get3A_18 = arith.constant 0 : index
    %get3A_19 = arith.constant 0 : index
    %get3A_20 = arith.constant 4 : index
    %get3A_21 = memref.load %arg5[%get3A_18, %get3A_19, %get3A_20] : memref<1x1x9xf32, #tpu.memory_space<smem>>
    %broadcast_in_dim3A_22 = vector.broadcast %get3A_21 : f32 to vector<1x1xf32>
    %get3A_23 = arith.constant 0 : index
    %get3A_24 = arith.constant 0 : index
    %get3A_25 = arith.constant 5 : index
    %get3A_26 = memref.load %arg5[%get3A_23, %get3A_24, %get3A_25] : memref<1x1x9xf32, #tpu.memory_space<smem>>
    %broadcast_in_dim3A_27 = vector.broadcast %get3A_26 : f32 to vector<1x1xf32>
    %concatenate3A_28 = tpu.concatenate %broadcast_in_dim3A_17, %broadcast_in_dim3A_22, %broadcast_in_dim3A_27 in 1 : vector<1x1xf32>, vector<1x1xf32>, vector<1x1xf32> -> vector<1x3xf32>
    %get3A_29 = arith.constant 0 : index
    %get3A_30 = arith.constant 0 : index
    %get3A_31 = arith.constant 6 : index
    %get3A_32 = memref.load %arg5[%get3A_29, %get3A_30, %get3A_31] : memref<1x1x9xf32, #tpu.memory_space<smem>>
    %broadcast_in_dim3A_33 = vector.broadcast %get3A_32 : f32 to vector<1x1xf32>
    %get3A_34 = arith.constant 0 : index
    %get3A_35 = arith.constant 0 : index
    %get3A_36 = arith.constant 7 : index
    %get3A_37 = memref.load %arg5[%get3A_34, %get3A_35, %get3A_36] : memref<1x1x9xf32, #tpu.memory_space<smem>>
    %broadcast_in_dim3A_38 = vector.broadcast %get3A_37 : f32 to vector<1x1xf32>
    %get3A_39 = arith.constant 0 : index
    %get3A_40 = arith.constant 0 : index
    %get3A_41 = arith.constant 8 : index
    %get3A_42 = memref.load %arg5[%get3A_39, %get3A_40, %get3A_41] : memref<1x1x9xf32, #tpu.memory_space<smem>>
    %broadcast_in_dim3A_43 = vector.broadcast %get3A_42 : f32 to vector<1x1xf32>
    %concatenate3A_44 = tpu.concatenate %broadcast_in_dim3A_33, %broadcast_in_dim3A_38, %broadcast_in_dim3A_43 in 1 : vector<1x1xf32>, vector<1x1xf32>, vector<1x1xf32> -> vector<1x3xf32>
    %concatenate3A_45 = tpu.concatenate %concatenate3A, %concatenate3A_28, %concatenate3A_44 in 0 : vector<1x3xf32>, vector<1x3xf32>, vector<1x3xf32> -> vector<3x3xf32>
    %convert_element_type3A = arith.truncf %concatenate3A_45 : vector<3x3xf32> to vector<3x3xbf16>
    %get3A_46 = arith.constant 0 : index
    %get3A_47 = arith.constant 0 : index
    %get3A_48 = arith.constant 0 : index
    %get3A_49 = memref.load %arg6[%get3A_46, %get3A_47, %get3A_48] : memref<1x1x3xf32, #tpu.memory_space<smem>>
    %broadcast_in_dim3A_50 = vector.broadcast %get3A_49 : f32 to vector<1x1xf32>
    %get3A_51 = arith.constant 0 : index
    %get3A_52 = arith.constant 0 : index
    %get3A_53 = arith.constant 1 : index
    %get3A_54 = memref.load %arg6[%get3A_51, %get3A_52, %get3A_53] : memref<1x1x3xf32, #tpu.memory_space<smem>>
    %broadcast_in_dim3A_55 = vector.broadcast %get3A_54 : f32 to vector<1x1xf32>
    %get3A_56 = arith.constant 0 : index
    %get3A_57 = arith.constant 0 : index
    %get3A_58 = arith.constant 2 : index
    %get3A_59 = memref.load %arg6[%get3A_56, %get3A_57, %get3A_58] : memref<1x1x3xf32, #tpu.memory_space<smem>>
    %broadcast_in_dim3A_60 = vector.broadcast %get3A_59 : f32 to vector<1x1xf32>
    %concatenate3A_61 = tpu.concatenate %broadcast_in_dim3A_50, %broadcast_in_dim3A_55, %broadcast_in_dim3A_60 in 0 : vector<1x1xf32>, vector<1x1xf32>, vector<1x1xf32> -> vector<3x1xf32>
    %get3A_62 = arith.constant 0 : index
    %get3A_63 = arith.constant 0 : index
    %get3A_64 = arith.constant 0 : index
    %get3A_65 = memref.load %arg7[%get3A_62, %get3A_63, %get3A_64] : memref<1x1x3xf32, #tpu.memory_space<smem>>
    %get3A_66 = arith.constant 0 : index
    %get3A_67 = arith.constant 0 : index
    %get3A_68 = arith.constant 1 : index
    %get3A_69 = memref.load %arg7[%get3A_66, %get3A_67, %get3A_68] : memref<1x1x3xf32, #tpu.memory_space<smem>>
    %get3A_70 = arith.constant 0 : index
    %get3A_71 = arith.constant 0 : index
    %get3A_72 = arith.constant 2 : index
    %get3A_73 = memref.load %arg7[%get3A_70, %get3A_71, %get3A_72] : memref<1x1x3xf32, #tpu.memory_space<smem>>
    %get3A_74 = arith.constant 0 : index
    %get3A_75 = arith.constant 0 : index
    %get3A_76 = arith.constant 0 : index
    %get3A_77 = vector.load %arg1[%get3A_74, %get3A_75, %get3A_76] : memref<1x3x2048xf32, #tpu.memory_space<vmem>>, vector<1x3x2048xf32>
    %get3A_78 = vector.shape_cast %get3A_77 : vector<1x3x2048xf32> to vector<3x2048xf32>
    %get3A_79 = arith.constant 0 : index
    %get3A_80 = arith.constant 0 : index
    %get3A_81 = arith.constant 0 : index
    %get3A_82 = vector.load %arg2[%get3A_79, %get3A_80, %get3A_81] : memref<1x3x2048xf32, #tpu.memory_space<vmem>>, vector<1x3x2048xf32>
    %get3A_83 = vector.shape_cast %get3A_82 : vector<1x3x2048xf32> to vector<3x2048xf32>
    %convert_element_type3A_84 = arith.truncf %get3A_78 : vector<3x2048xf32> to vector<3x2048xbf16>
    %dot_general3A = arith.constant dense<0.000000e+00> : vector<3x2048xf32>
    %dot_general3A_85 = tpu.matmul %convert_element_type3A, %convert_element_type3A_84, %dot_general3A {dimension_numbers = #tpu.dot_dimension_numbers<[1], [0], [0], [1], [0, 0, 1, 1], [], []>, transpose_lhs_hint = false} : vector<3x3xbf16>, vector<3x2048xbf16>, vector<3x2048xf32> -> vector<3x2048xf32>
    %add3A = vector.broadcast %concatenate3A_61 : vector<3x1xf32> to vector<3x2048xf32>
    %add3A_86 = arith.addf %dot_general3A_85, %add3A : vector<3x2048xf32>
    %convert_element_type3A_87 = arith.truncf %add3A_86 : vector<3x2048xf32> to vector<3x2048xbf16>
    %convert_element_type3A_88 = arith.truncf %get3A_83 : vector<3x2048xf32> to vector<3x2048xbf16>
    %dot_general3A_89 = arith.constant dense<0.000000e+00> : vector<2048x2048xf32>
    %dot_general3A_90 = tpu.matmul %convert_element_type3A_87, %convert_element_type3A_88, %dot_general3A_89 {dimension_numbers = #tpu.dot_dimension_numbers<[0], [0], [1], [1], [0, 1, 1, 1], [], []>, transpose_lhs_hint = false} : vector<3x2048xbf16>, vector<3x2048xbf16>, vector<2048x2048xf32> -> vector<2048x2048xf32>
    %mul3A = arith.constant -2.000000e+00 : f32
    %mul3A_91 = vector.broadcast %mul3A : f32 to vector<2048x2048xf32>
    %mul3A_92 = arith.mulf %mul3A_91, %dot_general3A_90 : vector<2048x2048xf32>
    %slice3A = vector.extract_strided_slice %get3A_83 {offsets = [0, 0], sizes = [1, 2048], strides = [1, 1]} : vector<3x2048xf32> to vector<1x2048xf32>
    %slice3A_93 = vector.extract_strided_slice %get3A_83 {offsets = [1, 0], sizes = [1, 2048], strides = [1, 1]} : vector<3x2048xf32> to vector<1x2048xf32>
    %slice3A_94 = vector.extract_strided_slice %get3A_83 {offsets = [2, 0], sizes = [1, 2048], strides = [1, 1]} : vector<3x2048xf32> to vector<1x2048xf32>
    %get3A_95 = arith.constant 0 : index
    %get3A_96 = arith.constant 0 : index
    %get3A_97 = arith.constant 0 : index
    %get3A_98 = vector.load %arg8[%get3A_95, %get3A_96, %get3A_97] : memref<1x1x2048xf32, #tpu.memory_space<vmem>>, vector<1x1x2048xf32>
    %get3A_99 = vector.shape_cast %get3A_98 : vector<1x1x2048xf32> to vector<1x2048xf32>
    %mul3A_100 = arith.mulf %slice3A, %slice3A : vector<1x2048xf32>
    %mul3A_101 = arith.mulf %slice3A_93, %slice3A_93 : vector<1x2048xf32>
    %add3A_102 = arith.addf %mul3A_100, %mul3A_101 : vector<1x2048xf32>
    %mul3A_103 = arith.mulf %slice3A_94, %slice3A_94 : vector<1x2048xf32>
    %add3A_104 = arith.addf %add3A_102, %mul3A_103 : vector<1x2048xf32>
    %transpose3A = tpu.transpose %get3A_99, [1, 0] : vector<1x2048xf32> -> vector<2048x1xf32>
    %add3A_105 = vector.broadcast %transpose3A : vector<2048x1xf32> to vector<2048x2048xf32>
    %add3A_106 = arith.addf %add3A_105, %mul3A_92 : vector<2048x2048xf32>
    %add3A_107 = vector.broadcast %add3A_104 : vector<1x2048xf32> to vector<2048x2048xf32>
    %add3A_108 = arith.addf %add3A_106, %add3A_107 : vector<2048x2048xf32>
    %iota3A = tpu.iota {dimensions = array<i32: 0>} : vector<2048x2048xi32>
    %iota3A_109 = tpu.iota {dimensions = array<i32: 1>} : vector<2048x2048xi32>
    %reduce_min3A = arith.constant dense<0x7F800000> : vector<2048xf32>
    %reduce_min3A_110 = vector.multi_reduction <minimumf>, %add3A_108, %reduce_min3A [1] : vector<2048x2048xf32> to vector<2048xf32>
    %broadcast_in_dim3A_111 = vector.shape_cast %reduce_min3A_110 : vector<2048xf32> to vector<2048x1xf32>
    %eq3A = vector.broadcast %broadcast_in_dim3A_111 : vector<2048x1xf32> to vector<2048x2048xf32>
    %eq3A_112 = arith.cmpf oeq, %add3A_108, %eq3A : vector<2048x2048xf32>
    %jit3A = arith.constant 2048 : i32
    %broadcast_in_dim3A_113 = vector.broadcast %jit3A : i32 to vector<2048x2048xi32>
    %select_n3A = arith.select %eq3A_112, %iota3A_109, %broadcast_in_dim3A_113 : vector<2048x2048xi1>, vector<2048x2048xi32>
    %reduce_min3A_114 = arith.constant dense<2147483647> : vector<2048xi32>
    %reduce_min3A_115 = vector.multi_reduction <minsi>, %select_n3A, %reduce_min3A_114 [1] : vector<2048x2048xi32> to vector<2048xi32>
    %broadcast_in_dim3A_116 = vector.shape_cast %reduce_min3A_115 : vector<2048xi32> to vector<2048x1xi32>
    %reduce_min3A_117 = arith.constant dense<0x7F800000> : vector<2048xf32>
    %reduce_min3A_118 = vector.multi_reduction <minimumf>, %add3A_108, %reduce_min3A_117 [0] : vector<2048x2048xf32> to vector<2048xf32>
    %broadcast_in_dim3A_119 = vector.shape_cast %reduce_min3A_118 : vector<2048xf32> to vector<1x2048xf32>
    %eq3A_120 = vector.broadcast %broadcast_in_dim3A_119 : vector<1x2048xf32> to vector<2048x2048xf32>
    %eq3A_121 = arith.cmpf oeq, %add3A_108, %eq3A_120 : vector<2048x2048xf32>
    %jit3A_122 = arith.constant 2048 : i32
    %broadcast_in_dim3A_123 = vector.broadcast %jit3A_122 : i32 to vector<2048x2048xi32>
    %select_n3A_124 = arith.select %eq3A_121, %iota3A, %broadcast_in_dim3A_123 : vector<2048x2048xi1>, vector<2048x2048xi32>
    %reduce_min3A_125 = arith.constant dense<2147483647> : vector<2048xi32>
    %reduce_min3A_126 = vector.multi_reduction <minsi>, %select_n3A_124, %reduce_min3A_125 [0] : vector<2048x2048xi32> to vector<2048xi32>
    %broadcast_in_dim3A_127 = vector.shape_cast %reduce_min3A_126 : vector<2048xi32> to vector<1x2048xi32>
    %get3A_128 = arith.constant 0 : index
    %get3A_129 = arith.constant 0 : index
    %get3A_130 = arith.constant 0 : index
    %get3A_131 = vector.load %arg4[%get3A_128, %get3A_129, %get3A_130] : memref<1x3x2048xf32, #tpu.memory_space<vmem>>, vector<1x3x2048xf32>
    %get3A_132 = vector.shape_cast %get3A_131 : vector<1x3x2048xf32> to vector<3x2048xf32>
    %get3A_133 = arith.constant 0 : index
    %get3A_134 = arith.constant 0 : index
    %get3A_135 = arith.constant 0 : index
    %get3A_136 = vector.load %arg3[%get3A_133, %get3A_134, %get3A_135] : memref<1x3x2048xf32, #tpu.memory_space<vmem>>, vector<1x3x2048xf32>
    %get3A_137 = vector.shape_cast %get3A_136 : vector<1x3x2048xf32> to vector<3x2048xf32>
    %convert_element_type3A_138 = arith.truncf %get3A_137 : vector<3x2048xf32> to vector<3x2048xbf16>
    %dot_general3A_139 = arith.constant dense<0.000000e+00> : vector<3x2048xf32>
    %dot_general3A_140 = tpu.matmul %convert_element_type3A, %convert_element_type3A_138, %dot_general3A_139 {dimension_numbers = #tpu.dot_dimension_numbers<[1], [0], [0], [1], [0, 0, 1, 1], [], []>, transpose_lhs_hint = false} : vector<3x3xbf16>, vector<3x2048xbf16>, vector<3x2048xf32> -> vector<3x2048xf32>
    %slice3A_141 = vector.extract_strided_slice %dot_general3A_140 {offsets = [0, 0], sizes = [1, 2048], strides = [1, 1]} : vector<3x2048xf32> to vector<1x2048xf32>
    %mul3A_142 = vector.broadcast %get3A_65 : f32 to vector<1x2048xf32>
    %mul3A_143 = arith.mulf %slice3A_141, %mul3A_142 : vector<1x2048xf32>
    %slice3A_144 = vector.extract_strided_slice %dot_general3A_140 {offsets = [1, 0], sizes = [1, 2048], strides = [1, 1]} : vector<3x2048xf32> to vector<1x2048xf32>
    %mul3A_145 = vector.broadcast %get3A_69 : f32 to vector<1x2048xf32>
    %mul3A_146 = arith.mulf %slice3A_144, %mul3A_145 : vector<1x2048xf32>
    %add3A_147 = arith.addf %mul3A_143, %mul3A_146 : vector<1x2048xf32>
    %slice3A_148 = vector.extract_strided_slice %dot_general3A_140 {offsets = [2, 0], sizes = [1, 2048], strides = [1, 1]} : vector<3x2048xf32> to vector<1x2048xf32>
    %mul3A_149 = vector.broadcast %get3A_73 : f32 to vector<1x2048xf32>
    %mul3A_150 = arith.mulf %slice3A_148, %mul3A_149 : vector<1x2048xf32>
    %add3A_151 = arith.addf %add3A_147, %mul3A_150 : vector<1x2048xf32>
    %slice3A_152 = vector.extract_strided_slice %get3A_132 {offsets = [0, 0], sizes = [1, 2048], strides = [1, 1]} : vector<3x2048xf32> to vector<1x2048xf32>
    %mul3A_153 = vector.broadcast %get3A_65 : f32 to vector<1x2048xf32>
    %mul3A_154 = arith.mulf %slice3A_152, %mul3A_153 : vector<1x2048xf32>
    %slice3A_155 = vector.extract_strided_slice %get3A_132 {offsets = [1, 0], sizes = [1, 2048], strides = [1, 1]} : vector<3x2048xf32> to vector<1x2048xf32>
    %mul3A_156 = vector.broadcast %get3A_69 : f32 to vector<1x2048xf32>
    %mul3A_157 = arith.mulf %slice3A_155, %mul3A_156 : vector<1x2048xf32>
    %add3A_158 = arith.addf %mul3A_154, %mul3A_157 : vector<1x2048xf32>
    %slice3A_159 = vector.extract_strided_slice %get3A_132 {offsets = [2, 0], sizes = [1, 2048], strides = [1, 1]} : vector<3x2048xf32> to vector<1x2048xf32>
    %mul3A_160 = vector.broadcast %get3A_73 : f32 to vector<1x2048xf32>
    %mul3A_161 = arith.mulf %slice3A_159, %mul3A_160 : vector<1x2048xf32>
    %add3A_162 = arith.addf %add3A_158, %mul3A_161 : vector<1x2048xf32>
    %transpose3A_163 = tpu.transpose %broadcast_in_dim3A_111, [1, 0] : vector<2048x1xf32> -> vector<1x2048xf32>
    %max3A = arith.constant 0.000000e+00 : f32
    %max3A_164 = vector.broadcast %max3A : f32 to vector<1x2048xf32>
    %max3A_165 = arith.maximumf %transpose3A_163, %max3A_164 : vector<1x2048xf32>
    %add3A_166 = arith.constant 9.99999997E-7 : f32
    %add3A_167 = vector.broadcast %add3A_166 : f32 to vector<1x2048xf32>
    %add3A_168 = arith.addf %max3A_165, %add3A_167 : vector<1x2048xf32>
    %sqrt3A = math.sqrt %add3A_168 : vector<1x2048xf32>
    %max3A_169 = arith.constant 0.000000e+00 : f32
    %max3A_170 = vector.broadcast %max3A_169 : f32 to vector<1x2048xf32>
    %max3A_171 = arith.maximumf %broadcast_in_dim3A_119, %max3A_170 : vector<1x2048xf32>
    %add3A_172 = arith.constant 9.99999997E-7 : f32
    %add3A_173 = vector.broadcast %add3A_172 : f32 to vector<1x2048xf32>
    %add3A_174 = arith.addf %max3A_171, %add3A_173 : vector<1x2048xf32>
    %sqrt3A_175 = math.sqrt %add3A_174 : vector<1x2048xf32>
    %max3A_176 = arith.constant 0.000000e+00 : f32
    %max3A_177 = vector.broadcast %max3A_176 : f32 to vector<1x2048xf32>
    %max3A_178 = arith.maximumf %transpose3A_163, %max3A_177 : vector<1x2048xf32>
    %add3A_179 = arith.constant 9.99999997E-7 : f32
    %add3A_180 = vector.broadcast %add3A_179 : f32 to vector<1x2048xf32>
    %add3A_181 = arith.addf %max3A_178, %add3A_180 : vector<1x2048xf32>
    %max3A_182 = arith.constant 0.000000e+00 : f32
    %max3A_183 = vector.broadcast %max3A_182 : f32 to vector<1x2048xf32>
    %max3A_184 = arith.maximumf %broadcast_in_dim3A_119, %max3A_183 : vector<1x2048xf32>
    %add3A_185 = arith.constant 9.99999997E-7 : f32
    %add3A_186 = vector.broadcast %add3A_185 : f32 to vector<1x2048xf32>
    %add3A_187 = arith.addf %max3A_184, %add3A_186 : vector<1x2048xf32>
    %bitcast_convert_type3A = tpu.bitcast %add3A_181 : vector<1x2048xf32> -> vector<1x2048xi32>
    %reshape3A = vector.shape_cast %bitcast_convert_type3A : vector<1x2048xi32> to vector<16x128xi32>
    %or3A = arith.constant 0 : i32
    %or3A_188 = arith.constant 1073741824 : i32
    %or3A_189 = arith.ori %or3A, %or3A_188 : i32
    %ge3A = vector.broadcast %or3A_189 : i32 to vector<16x128xi32>
    %ge3A_190 = arith.cmpi sge, %reshape3A, %ge3A : vector<16x128xi32>
    %convert_element_type3A_191 = arith.extui %ge3A_190 : vector<16x128xi1> to vector<16x128xi32>
    %reduce_sum3A = vector.shape_cast %convert_element_type3A_191 : vector<16x128xi32> to vector<1x16x128xi32>
    %reduce_sum3A_192 = arith.constant dense<0> : vector<1xi32>
    %reduce_sum3A_193 = vector.multi_reduction <add>, %reduce_sum3A, %reduce_sum3A_192 [1, 2] : vector<1x16x128xi32> to vector<1xi32>
    %reduce_sum3A_194 = vector.shape_cast %reduce_sum3A_193 : vector<1xi32> to vector<1x1x1xi32>
    %reduce_sum3A_195 = vector.extract %reduce_sum3A_194[0, 0, 0] : i32 from vector<1x1x1xi32>
    %ge3A_196 = arith.constant 1025 : i32
    %ge3A_197 = arith.cmpi sge, %reduce_sum3A_195, %ge3A_196 : i32
    %jit3A_198 = arith.constant 0 : i32
    %select_n3A_199 = arith.select %ge3A_197, %or3A_189, %jit3A_198 : i32
    %or3A_200 = arith.constant 536870912 : i32
    %or3A_201 = arith.ori %select_n3A_199, %or3A_200 : i32
    %ge3A_202 = vector.broadcast %or3A_201 : i32 to vector<16x128xi32>
    %ge3A_203 = arith.cmpi sge, %reshape3A, %ge3A_202 : vector<16x128xi32>
    %convert_element_type3A_204 = arith.extui %ge3A_203 : vector<16x128xi1> to vector<16x128xi32>
    %reduce_sum3A_205 = vector.shape_cast %convert_element_type3A_204 : vector<16x128xi32> to vector<1x16x128xi32>
    %reduce_sum3A_206 = arith.constant dense<0> : vector<1xi32>
    %reduce_sum3A_207 = vector.multi_reduction <add>, %reduce_sum3A_205, %reduce_sum3A_206 [1, 2] : vector<1x16x128xi32> to vector<1xi32>
    %reduce_sum3A_208 = vector.shape_cast %reduce_sum3A_207 : vector<1xi32> to vector<1x1x1xi32>
    %reduce_sum3A_209 = vector.extract %reduce_sum3A_208[0, 0, 0] : i32 from vector<1x1x1xi32>
    %ge3A_210 = arith.constant 1025 : i32
    %ge3A_211 = arith.cmpi sge, %reduce_sum3A_209, %ge3A_210 : i32
    %select_n3A_212 = arith.select %ge3A_211, %or3A_201, %select_n3A_199 : i32
    %or3A_213 = arith.constant 268435456 : i32
    %or3A_214 = arith.ori %select_n3A_212, %or3A_213 : i32
    %ge3A_215 = vector.broadcast %or3A_214 : i32 to vector<16x128xi32>
    %ge3A_216 = arith.cmpi sge, %reshape3A, %ge3A_215 : vector<16x128xi32>
    %convert_element_type3A_217 = arith.extui %ge3A_216 : vector<16x128xi1> to vector<16x128xi32>
    %reduce_sum3A_218 = vector.shape_cast %convert_element_type3A_217 : vector<16x128xi32> to vector<1x16x128xi32>
    %reduce_sum3A_219 = arith.constant dense<0> : vector<1xi32>
    %reduce_sum3A_220 = vector.multi_reduction <add>, %reduce_sum3A_218, %reduce_sum3A_219 [1, 2] : vector<1x16x128xi32> to vector<1xi32>
    %reduce_sum3A_221 = vector.shape_cast %reduce_sum3A_220 : vector<1xi32> to vector<1x1x1xi32>
    %reduce_sum3A_222 = vector.extract %reduce_sum3A_221[0, 0, 0] : i32 from vector<1x1x1xi32>
    %ge3A_223 = arith.constant 1025 : i32
    %ge3A_224 = arith.cmpi sge, %reduce_sum3A_222, %ge3A_223 : i32
    %select_n3A_225 = arith.select %ge3A_224, %or3A_214, %select_n3A_212 : i32
    %or3A_226 = arith.constant 134217728 : i32
    %or3A_227 = arith.ori %select_n3A_225, %or3A_226 : i32
    %ge3A_228 = vector.broadcast %or3A_227 : i32 to vector<16x128xi32>
    %ge3A_229 = arith.cmpi sge, %reshape3A, %ge3A_228 : vector<16x128xi32>
    %convert_element_type3A_230 = arith.extui %ge3A_229 : vector<16x128xi1> to vector<16x128xi32>
    %reduce_sum3A_231 = vector.shape_cast %convert_element_type3A_230 : vector<16x128xi32> to vector<1x16x128xi32>
    %reduce_sum3A_232 = arith.constant dense<0> : vector<1xi32>
    %reduce_sum3A_233 = vector.multi_reduction <add>, %reduce_sum3A_231, %reduce_sum3A_232 [1, 2] : vector<1x16x128xi32> to vector<1xi32>
    %reduce_sum3A_234 = vector.shape_cast %reduce_sum3A_233 : vector<1xi32> to vector<1x1x1xi32>
    %reduce_sum3A_235 = vector.extract %reduce_sum3A_234[0, 0, 0] : i32 from vector<1x1x1xi32>
    %ge3A_236 = arith.constant 1025 : i32
    %ge3A_237 = arith.cmpi sge, %reduce_sum3A_235, %ge3A_236 : i32
    %select_n3A_238 = arith.select %ge3A_237, %or3A_227, %select_n3A_225 : i32
    %or3A_239 = arith.constant 67108864 : i32
    %or3A_240 = arith.ori %select_n3A_238, %or3A_239 : i32
    %ge3A_241 = vector.broadcast %or3A_240 : i32 to vector<16x128xi32>
    %ge3A_242 = arith.cmpi sge, %reshape3A, %ge3A_241 : vector<16x128xi32>
    %convert_element_type3A_243 = arith.extui %ge3A_242 : vector<16x128xi1> to vector<16x128xi32>
    %reduce_sum3A_244 = vector.shape_cast %convert_element_type3A_243 : vector<16x128xi32> to vector<1x16x128xi32>
    %reduce_sum3A_245 = arith.constant dense<0> : vector<1xi32>
    %reduce_sum3A_246 = vector.multi_reduction <add>, %reduce_sum3A_244, %reduce_sum3A_245 [1, 2] : vector<1x16x128xi32> to vector<1xi32>
    %reduce_sum3A_247 = vector.shape_cast %reduce_sum3A_246 : vector<1xi32> to vector<1x1x1xi32>
    %reduce_sum3A_248 = vector.extract %reduce_sum3A_247[0, 0, 0] : i32 from vector<1x1x1xi32>
    %ge3A_249 = arith.constant 1025 : i32
    %ge3A_250 = arith.cmpi sge, %reduce_sum3A_248, %ge3A_249 : i32
    %select_n3A_251 = arith.select %ge3A_250, %or3A_240, %select_n3A_238 : i32
    %or3A_252 = arith.constant 33554432 : i32
    %or3A_253 = arith.ori %select_n3A_251, %or3A_252 : i32
    %ge3A_254 = vector.broadcast %or3A_253 : i32 to vector<16x128xi32>
    %ge3A_255 = arith.cmpi sge, %reshape3A, %ge3A_254 : vector<16x128xi32>
    %convert_element_type3A_256 = arith.extui %ge3A_255 : vector<16x128xi1> to vector<16x128xi32>
    %reduce_sum3A_257 = vector.shape_cast %convert_element_type3A_256 : vector<16x128xi32> to vector<1x16x128xi32>
    %reduce_sum3A_258 = arith.constant dense<0> : vector<1xi32>
    %reduce_sum3A_259 = vector.multi_reduction <add>, %reduce_sum3A_257, %reduce_sum3A_258 [1, 2] : vector<1x16x128xi32> to vector<1xi32>
    %reduce_sum3A_260 = vector.shape_cast %reduce_sum3A_259 : vector<1xi32> to vector<1x1x1xi32>
    %reduce_sum3A_261 = vector.extract %reduce_sum3A_260[0, 0, 0] : i32 from vector<1x1x1xi32>
    %ge3A_262 = arith.constant 1025 : i32
    %ge3A_263 = arith.cmpi sge, %reduce_sum3A_261, %ge3A_262 : i32
    %select_n3A_264 = arith.select %ge3A_263, %or3A_253, %select_n3A_251 : i32
    %or3A_265 = arith.constant 16777216 : i32
    %or3A_266 = arith.ori %select_n3A_264, %or3A_265 : i32
    %ge3A_267 = vector.broadcast %or3A_266 : i32 to vector<16x128xi32>
    %ge3A_268 = arith.cmpi sge, %reshape3A, %ge3A_267 : vector<16x128xi32>
    %convert_element_type3A_269 = arith.extui %ge3A_268 : vector<16x128xi1> to vector<16x128xi32>
    %reduce_sum3A_270 = vector.shape_cast %convert_element_type3A_269 : vector<16x128xi32> to vector<1x16x128xi32>
    %reduce_sum3A_271 = arith.constant dense<0> : vector<1xi32>
    %reduce_sum3A_272 = vector.multi_reduction <add>, %reduce_sum3A_270, %reduce_sum3A_271 [1, 2] : vector<1x16x128xi32> to vector<1xi32>
    %reduce_sum3A_273 = vector.shape_cast %reduce_sum3A_272 : vector<1xi32> to vector<1x1x1xi32>
    %reduce_sum3A_274 = vector.extract %reduce_sum3A_273[0, 0, 0] : i32 from vector<1x1x1xi32>
    %ge3A_275 = arith.constant 1025 : i32
    %ge3A_276 = arith.cmpi sge, %reduce_sum3A_274, %ge3A_275 : i32
    %select_n3A_277 = arith.select %ge3A_276, %or3A_266, %select_n3A_264 : i32
    %or3A_278 = arith.constant 8388608 : i32
    %or3A_279 = arith.ori %select_n3A_277, %or3A_278 : i32
    %ge3A_280 = vector.broadcast %or3A_279 : i32 to vector<16x128xi32>
    %ge3A_281 = arith.cmpi sge, %reshape3A, %ge3A_280 : vector<16x128xi32>
    %convert_element_type3A_282 = arith.extui %ge3A_281 : vector<16x128xi1> to vector<16x128xi32>
    %reduce_sum3A_283 = vector.shape_cast %convert_element_type3A_282 : vector<16x128xi32> to vector<1x16x128xi32>
    %reduce_sum3A_284 = arith.constant dense<0> : vector<1xi32>
    %reduce_sum3A_285 = vector.multi_reduction <add>, %reduce_sum3A_283, %reduce_sum3A_284 [1, 2] : vector<1x16x128xi32> to vector<1xi32>
    %reduce_sum3A_286 = vector.shape_cast %reduce_sum3A_285 : vector<1xi32> to vector<1x1x1xi32>
    %reduce_sum3A_287 = vector.extract %reduce_sum3A_286[0, 0, 0] : i32 from vector<1x1x1xi32>
    %ge3A_288 = arith.constant 1025 : i32
    %ge3A_289 = arith.cmpi sge, %reduce_sum3A_287, %ge3A_288 : i32
    %select_n3A_290 = arith.select %ge3A_289, %or3A_279, %select_n3A_277 : i32
    %or3A_291 = arith.constant 4194304 : i32
    %or3A_292 = arith.ori %select_n3A_290, %or3A_291 : i32
    %ge3A_293 = vector.broadcast %or3A_292 : i32 to vector<16x128xi32>
    %ge3A_294 = arith.cmpi sge, %reshape3A, %ge3A_293 : vector<16x128xi32>
    %convert_element_type3A_295 = arith.extui %ge3A_294 : vector<16x128xi1> to vector<16x128xi32>
    %reduce_sum3A_296 = vector.shape_cast %convert_element_type3A_295 : vector<16x128xi32> to vector<1x16x128xi32>
    %reduce_sum3A_297 = arith.constant dense<0> : vector<1xi32>
    %reduce_sum3A_298 = vector.multi_reduction <add>, %reduce_sum3A_296, %reduce_sum3A_297 [1, 2] : vector<1x16x128xi32> to vector<1xi32>
    %reduce_sum3A_299 = vector.shape_cast %reduce_sum3A_298 : vector<1xi32> to vector<1x1x1xi32>
    %reduce_sum3A_300 = vector.extract %reduce_sum3A_299[0, 0, 0] : i32 from vector<1x1x1xi32>
    %ge3A_301 = arith.constant 1025 : i32
    %ge3A_302 = arith.cmpi sge, %reduce_sum3A_300, %ge3A_301 : i32
    %select_n3A_303 = arith.select %ge3A_302, %or3A_292, %select_n3A_290 : i32
    %or3A_304 = arith.constant 2097152 : i32
    %or3A_305 = arith.ori %select_n3A_303, %or3A_304 : i32
    %ge3A_306 = vector.broadcast %or3A_305 : i32 to vector<16x128xi32>
    %ge3A_307 = arith.cmpi sge, %reshape3A, %ge3A_306 : vector<16x128xi32>
    %convert_element_type3A_308 = arith.extui %ge3A_307 : vector<16x128xi1> to vector<16x128xi32>
    %reduce_sum3A_309 = vector.shape_cast %convert_element_type3A_308 : vector<16x128xi32> to vector<1x16x128xi32>
    %reduce_sum3A_310 = arith.constant dense<0> : vector<1xi32>
    %reduce_sum3A_311 = vector.multi_reduction <add>, %reduce_sum3A_309, %reduce_sum3A_310 [1, 2] : vector<1x16x128xi32> to vector<1xi32>
    %reduce_sum3A_312 = vector.shape_cast %reduce_sum3A_311 : vector<1xi32> to vector<1x1x1xi32>
    %reduce_sum3A_313 = vector.extract %reduce_sum3A_312[0, 0, 0] : i32 from vector<1x1x1xi32>
    %ge3A_314 = arith.constant 1025 : i32
    %ge3A_315 = arith.cmpi sge, %reduce_sum3A_313, %ge3A_314 : i32
    %select_n3A_316 = arith.select %ge3A_315, %or3A_305, %select_n3A_303 : i32
    %or3A_317 = arith.constant 1048576 : i32
    %or3A_318 = arith.ori %select_n3A_316, %or3A_317 : i32
    %ge3A_319 = vector.broadcast %or3A_318 : i32 to vector<16x128xi32>
    %ge3A_320 = arith.cmpi sge, %reshape3A, %ge3A_319 : vector<16x128xi32>
    %convert_element_type3A_321 = arith.extui %ge3A_320 : vector<16x128xi1> to vector<16x128xi32>
    %reduce_sum3A_322 = vector.shape_cast %convert_element_type3A_321 : vector<16x128xi32> to vector<1x16x128xi32>
    %reduce_sum3A_323 = arith.constant dense<0> : vector<1xi32>
    %reduce_sum3A_324 = vector.multi_reduction <add>, %reduce_sum3A_322, %reduce_sum3A_323 [1, 2] : vector<1x16x128xi32> to vector<1xi32>
    %reduce_sum3A_325 = vector.shape_cast %reduce_sum3A_324 : vector<1xi32> to vector<1x1x1xi32>
    %reduce_sum3A_326 = vector.extract %reduce_sum3A_325[0, 0, 0] : i32 from vector<1x1x1xi32>
    %ge3A_327 = arith.constant 1025 : i32
    %ge3A_328 = arith.cmpi sge, %reduce_sum3A_326, %ge3A_327 : i32
    %select_n3A_329 = arith.select %ge3A_328, %or3A_318, %select_n3A_316 : i32
    %or3A_330 = arith.constant 524288 : i32
    %or3A_331 = arith.ori %select_n3A_329, %or3A_330 : i32
    %ge3A_332 = vector.broadcast %or3A_331 : i32 to vector<16x128xi32>
    %ge3A_333 = arith.cmpi sge, %reshape3A, %ge3A_332 : vector<16x128xi32>
    %convert_element_type3A_334 = arith.extui %ge3A_333 : vector<16x128xi1> to vector<16x128xi32>
    %reduce_sum3A_335 = vector.shape_cast %convert_element_type3A_334 : vector<16x128xi32> to vector<1x16x128xi32>
    %reduce_sum3A_336 = arith.constant dense<0> : vector<1xi32>
    %reduce_sum3A_337 = vector.multi_reduction <add>, %reduce_sum3A_335, %reduce_sum3A_336 [1, 2] : vector<1x16x128xi32> to vector<1xi32>
    %reduce_sum3A_338 = vector.shape_cast %reduce_sum3A_337 : vector<1xi32> to vector<1x1x1xi32>
    %reduce_sum3A_339 = vector.extract %reduce_sum3A_338[0, 0, 0] : i32 from vector<1x1x1xi32>
    %ge3A_340 = arith.constant 1025 : i32
    %ge3A_341 = arith.cmpi sge, %reduce_sum3A_339, %ge3A_340 : i32
    %select_n3A_342 = arith.select %ge3A_341, %or3A_331, %select_n3A_329 : i32
    %or3A_343 = arith.constant 262144 : i32
    %or3A_344 = arith.ori %select_n3A_342, %or3A_343 : i32
    %ge3A_345 = vector.broadcast %or3A_344 : i32 to vector<16x128xi32>
    %ge3A_346 = arith.cmpi sge, %reshape3A, %ge3A_345 : vector<16x128xi32>
    %convert_element_type3A_347 = arith.extui %ge3A_346 : vector<16x128xi1> to vector<16x128xi32>
    %reduce_sum3A_348 = vector.shape_cast %convert_element_type3A_347 : vector<16x128xi32> to vector<1x16x128xi32>
    %reduce_sum3A_349 = arith.constant dense<0> : vector<1xi32>
    %reduce_sum3A_350 = vector.multi_reduction <add>, %reduce_sum3A_348, %reduce_sum3A_349 [1, 2] : vector<1x16x128xi32> to vector<1xi32>
    %reduce_sum3A_351 = vector.shape_cast %reduce_sum3A_350 : vector<1xi32> to vector<1x1x1xi32>
    %reduce_sum3A_352 = vector.extract %reduce_sum3A_351[0, 0, 0] : i32 from vector<1x1x1xi32>
    %ge3A_353 = arith.constant 1025 : i32
    %ge3A_354 = arith.cmpi sge, %reduce_sum3A_352, %ge3A_353 : i32
    %select_n3A_355 = arith.select %ge3A_354, %or3A_344, %select_n3A_342 : i32
    %or3A_356 = arith.constant 131072 : i32
    %or3A_357 = arith.ori %select_n3A_355, %or3A_356 : i32
    %ge3A_358 = vector.broadcast %or3A_357 : i32 to vector<16x128xi32>
    %ge3A_359 = arith.cmpi sge, %reshape3A, %ge3A_358 : vector<16x128xi32>
    %convert_element_type3A_360 = arith.extui %ge3A_359 : vector<16x128xi1> to vector<16x128xi32>
    %reduce_sum3A_361 = vector.shape_cast %convert_element_type3A_360 : vector<16x128xi32> to vector<1x16x128xi32>
    %reduce_sum3A_362 = arith.constant dense<0> : vector<1xi32>
    %reduce_sum3A_363 = vector.multi_reduction <add>, %reduce_sum3A_361, %reduce_sum3A_362 [1, 2] : vector<1x16x128xi32> to vector<1xi32>
    %reduce_sum3A_364 = vector.shape_cast %reduce_sum3A_363 : vector<1xi32> to vector<1x1x1xi32>
    %reduce_sum3A_365 = vector.extract %reduce_sum3A_364[0, 0, 0] : i32 from vector<1x1x1xi32>
    %ge3A_366 = arith.constant 1025 : i32
    %ge3A_367 = arith.cmpi sge, %reduce_sum3A_365, %ge3A_366 : i32
    %select_n3A_368 = arith.select %ge3A_367, %or3A_357, %select_n3A_355 : i32
    %or3A_369 = arith.constant 65536 : i32
    %or3A_370 = arith.ori %select_n3A_368, %or3A_369 : i32
    %ge3A_371 = vector.broadcast %or3A_370 : i32 to vector<16x128xi32>
    %ge3A_372 = arith.cmpi sge, %reshape3A, %ge3A_371 : vector<16x128xi32>
    %convert_element_type3A_373 = arith.extui %ge3A_372 : vector<16x128xi1> to vector<16x128xi32>
    %reduce_sum3A_374 = vector.shape_cast %convert_element_type3A_373 : vector<16x128xi32> to vector<1x16x128xi32>
    %reduce_sum3A_375 = arith.constant dense<0> : vector<1xi32>
    %reduce_sum3A_376 = vector.multi_reduction <add>, %reduce_sum3A_374, %reduce_sum3A_375 [1, 2] : vector<1x16x128xi32> to vector<1xi32>
    %reduce_sum3A_377 = vector.shape_cast %reduce_sum3A_376 : vector<1xi32> to vector<1x1x1xi32>
    %reduce_sum3A_378 = vector.extract %reduce_sum3A_377[0, 0, 0] : i32 from vector<1x1x1xi32>
    %ge3A_379 = arith.constant 1025 : i32
    %ge3A_380 = arith.cmpi sge, %reduce_sum3A_378, %ge3A_379 : i32
    %select_n3A_381 = arith.select %ge3A_380, %or3A_370, %select_n3A_368 : i32
    %or3A_382 = arith.constant 32768 : i32
    %or3A_383 = arith.ori %select_n3A_381, %or3A_382 : i32
    %ge3A_384 = vector.broadcast %or3A_383 : i32 to vector<16x128xi32>
    %ge3A_385 = arith.cmpi sge, %reshape3A, %ge3A_384 : vector<16x128xi32>
    %convert_element_type3A_386 = arith.extui %ge3A_385 : vector<16x128xi1> to vector<16x128xi32>
    %reduce_sum3A_387 = vector.shape_cast %convert_element_type3A_386 : vector<16x128xi32> to vector<1x16x128xi32>
    %reduce_sum3A_388 = arith.constant dense<0> : vector<1xi32>
    %reduce_sum3A_389 = vector.multi_reduction <add>, %reduce_sum3A_387, %reduce_sum3A_388 [1, 2] : vector<1x16x128xi32> to vector<1xi32>
    %reduce_sum3A_390 = vector.shape_cast %reduce_sum3A_389 : vector<1xi32> to vector<1x1x1xi32>
    %reduce_sum3A_391 = vector.extract %reduce_sum3A_390[0, 0, 0] : i32 from vector<1x1x1xi32>
    %ge3A_392 = arith.constant 1025 : i32
    %ge3A_393 = arith.cmpi sge, %reduce_sum3A_391, %ge3A_392 : i32
    %select_n3A_394 = arith.select %ge3A_393, %or3A_383, %select_n3A_381 : i32
    %or3A_395 = arith.constant 16384 : i32
    %or3A_396 = arith.ori %select_n3A_394, %or3A_395 : i32
    %ge3A_397 = vector.broadcast %or3A_396 : i32 to vector<16x128xi32>
    %ge3A_398 = arith.cmpi sge, %reshape3A, %ge3A_397 : vector<16x128xi32>
    %convert_element_type3A_399 = arith.extui %ge3A_398 : vector<16x128xi1> to vector<16x128xi32>
    %reduce_sum3A_400 = vector.shape_cast %convert_element_type3A_399 : vector<16x128xi32> to vector<1x16x128xi32>
    %reduce_sum3A_401 = arith.constant dense<0> : vector<1xi32>
    %reduce_sum3A_402 = vector.multi_reduction <add>, %reduce_sum3A_400, %reduce_sum3A_401 [1, 2] : vector<1x16x128xi32> to vector<1xi32>
    %reduce_sum3A_403 = vector.shape_cast %reduce_sum3A_402 : vector<1xi32> to vector<1x1x1xi32>
    %reduce_sum3A_404 = vector.extract %reduce_sum3A_403[0, 0, 0] : i32 from vector<1x1x1xi32>
    %ge3A_405 = arith.constant 1025 : i32
    %ge3A_406 = arith.cmpi sge, %reduce_sum3A_404, %ge3A_405 : i32
    %select_n3A_407 = arith.select %ge3A_406, %or3A_396, %select_n3A_394 : i32
    %or3A_408 = arith.constant 8192 : i32
    %or3A_409 = arith.ori %select_n3A_407, %or3A_408 : i32
    %ge3A_410 = vector.broadcast %or3A_409 : i32 to vector<16x128xi32>
    %ge3A_411 = arith.cmpi sge, %reshape3A, %ge3A_410 : vector<16x128xi32>
    %convert_element_type3A_412 = arith.extui %ge3A_411 : vector<16x128xi1> to vector<16x128xi32>
    %reduce_sum3A_413 = vector.shape_cast %convert_element_type3A_412 : vector<16x128xi32> to vector<1x16x128xi32>
    %reduce_sum3A_414 = arith.constant dense<0> : vector<1xi32>
    %reduce_sum3A_415 = vector.multi_reduction <add>, %reduce_sum3A_413, %reduce_sum3A_414 [1, 2] : vector<1x16x128xi32> to vector<1xi32>
    %reduce_sum3A_416 = vector.shape_cast %reduce_sum3A_415 : vector<1xi32> to vector<1x1x1xi32>
    %reduce_sum3A_417 = vector.extract %reduce_sum3A_416[0, 0, 0] : i32 from vector<1x1x1xi32>
    %ge3A_418 = arith.constant 1025 : i32
    %ge3A_419 = arith.cmpi sge, %reduce_sum3A_417, %ge3A_418 : i32
    %select_n3A_420 = arith.select %ge3A_419, %or3A_409, %select_n3A_407 : i32
    %or3A_421 = arith.constant 4096 : i32
    %or3A_422 = arith.ori %select_n3A_420, %or3A_421 : i32
    %ge3A_423 = vector.broadcast %or3A_422 : i32 to vector<16x128xi32>
    %ge3A_424 = arith.cmpi sge, %reshape3A, %ge3A_423 : vector<16x128xi32>
    %convert_element_type3A_425 = arith.extui %ge3A_424 : vector<16x128xi1> to vector<16x128xi32>
    %reduce_sum3A_426 = vector.shape_cast %convert_element_type3A_425 : vector<16x128xi32> to vector<1x16x128xi32>
    %reduce_sum3A_427 = arith.constant dense<0> : vector<1xi32>
    %reduce_sum3A_428 = vector.multi_reduction <add>, %reduce_sum3A_426, %reduce_sum3A_427 [1, 2] : vector<1x16x128xi32> to vector<1xi32>
    %reduce_sum3A_429 = vector.shape_cast %reduce_sum3A_428 : vector<1xi32> to vector<1x1x1xi32>
    %reduce_sum3A_430 = vector.extract %reduce_sum3A_429[0, 0, 0] : i32 from vector<1x1x1xi32>
    %ge3A_431 = arith.constant 1025 : i32
    %ge3A_432 = arith.cmpi sge, %reduce_sum3A_430, %ge3A_431 : i32
    %select_n3A_433 = arith.select %ge3A_432, %or3A_422, %select_n3A_420 : i32
    %or3A_434 = arith.constant 2048 : i32
    %or3A_435 = arith.ori %select_n3A_433, %or3A_434 : i32
    %ge3A_436 = vector.broadcast %or3A_435 : i32 to vector<16x128xi32>
    %ge3A_437 = arith.cmpi sge, %reshape3A, %ge3A_436 : vector<16x128xi32>
    %convert_element_type3A_438 = arith.extui %ge3A_437 : vector<16x128xi1> to vector<16x128xi32>
    %reduce_sum3A_439 = vector.shape_cast %convert_element_type3A_438 : vector<16x128xi32> to vector<1x16x128xi32>
    %reduce_sum3A_440 = arith.constant dense<0> : vector<1xi32>
    %reduce_sum3A_441 = vector.multi_reduction <add>, %reduce_sum3A_439, %reduce_sum3A_440 [1, 2] : vector<1x16x128xi32> to vector<1xi32>
    %reduce_sum3A_442 = vector.shape_cast %reduce_sum3A_441 : vector<1xi32> to vector<1x1x1xi32>
    %reduce_sum3A_443 = vector.extract %reduce_sum3A_442[0, 0, 0] : i32 from vector<1x1x1xi32>
    %ge3A_444 = arith.constant 1025 : i32
    %ge3A_445 = arith.cmpi sge, %reduce_sum3A_443, %ge3A_444 : i32
    %select_n3A_446 = arith.select %ge3A_445, %or3A_435, %select_n3A_433 : i32
    %or3A_447 = arith.constant 1024 : i32
    %or3A_448 = arith.ori %select_n3A_446, %or3A_447 : i32
    %ge3A_449 = vector.broadcast %or3A_448 : i32 to vector<16x128xi32>
    %ge3A_450 = arith.cmpi sge, %reshape3A, %ge3A_449 : vector<16x128xi32>
    %convert_element_type3A_451 = arith.extui %ge3A_450 : vector<16x128xi1> to vector<16x128xi32>
    %reduce_sum3A_452 = vector.shape_cast %convert_element_type3A_451 : vector<16x128xi32> to vector<1x16x128xi32>
    %reduce_sum3A_453 = arith.constant dense<0> : vector<1xi32>
    %reduce_sum3A_454 = vector.multi_reduction <add>, %reduce_sum3A_452, %reduce_sum3A_453 [1, 2] : vector<1x16x128xi32> to vector<1xi32>
    %reduce_sum3A_455 = vector.shape_cast %reduce_sum3A_454 : vector<1xi32> to vector<1x1x1xi32>
    %reduce_sum3A_456 = vector.extract %reduce_sum3A_455[0, 0, 0] : i32 from vector<1x1x1xi32>
    %ge3A_457 = arith.constant 1025 : i32
    %ge3A_458 = arith.cmpi sge, %reduce_sum3A_456, %ge3A_457 : i32
    %select_n3A_459 = arith.select %ge3A_458, %or3A_448, %select_n3A_446 : i32
    %or3A_460 = arith.constant 512 : i32
    %or3A_461 = arith.ori %select_n3A_459, %or3A_460 : i32
    %ge3A_462 = vector.broadcast %or3A_461 : i32 to vector<16x128xi32>
    %ge3A_463 = arith.cmpi sge, %reshape3A, %ge3A_462 : vector<16x128xi32>
    %convert_element_type3A_464 = arith.extui %ge3A_463 : vector<16x128xi1> to vector<16x128xi32>
    %reduce_sum3A_465 = vector.shape_cast %convert_element_type3A_464 : vector<16x128xi32> to vector<1x16x128xi32>
    %reduce_sum3A_466 = arith.constant dense<0> : vector<1xi32>
    %reduce_sum3A_467 = vector.multi_reduction <add>, %reduce_sum3A_465, %reduce_sum3A_466 [1, 2] : vector<1x16x128xi32> to vector<1xi32>
    %reduce_sum3A_468 = vector.shape_cast %reduce_sum3A_467 : vector<1xi32> to vector<1x1x1xi32>
    %reduce_sum3A_469 = vector.extract %reduce_sum3A_468[0, 0, 0] : i32 from vector<1x1x1xi32>
    %ge3A_470 = arith.constant 1025 : i32
    %ge3A_471 = arith.cmpi sge, %reduce_sum3A_469, %ge3A_470 : i32
    %select_n3A_472 = arith.select %ge3A_471, %or3A_461, %select_n3A_459 : i32
    %or3A_473 = arith.constant 256 : i32
    %or3A_474 = arith.ori %select_n3A_472, %or3A_473 : i32
    %ge3A_475 = vector.broadcast %or3A_474 : i32 to vector<16x128xi32>
    %ge3A_476 = arith.cmpi sge, %reshape3A, %ge3A_475 : vector<16x128xi32>
    %convert_element_type3A_477 = arith.extui %ge3A_476 : vector<16x128xi1> to vector<16x128xi32>
    %reduce_sum3A_478 = vector.shape_cast %convert_element_type3A_477 : vector<16x128xi32> to vector<1x16x128xi32>
    %reduce_sum3A_479 = arith.constant dense<0> : vector<1xi32>
    %reduce_sum3A_480 = vector.multi_reduction <add>, %reduce_sum3A_478, %reduce_sum3A_479 [1, 2] : vector<1x16x128xi32> to vector<1xi32>
    %reduce_sum3A_481 = vector.shape_cast %reduce_sum3A_480 : vector<1xi32> to vector<1x1x1xi32>
    %reduce_sum3A_482 = vector.extract %reduce_sum3A_481[0, 0, 0] : i32 from vector<1x1x1xi32>
    %ge3A_483 = arith.constant 1025 : i32
    %ge3A_484 = arith.cmpi sge, %reduce_sum3A_482, %ge3A_483 : i32
    %select_n3A_485 = arith.select %ge3A_484, %or3A_474, %select_n3A_472 : i32
    %or3A_486 = arith.constant 128 : i32
    %or3A_487 = arith.ori %select_n3A_485, %or3A_486 : i32
    %ge3A_488 = vector.broadcast %or3A_487 : i32 to vector<16x128xi32>
    %ge3A_489 = arith.cmpi sge, %reshape3A, %ge3A_488 : vector<16x128xi32>
    %convert_element_type3A_490 = arith.extui %ge3A_489 : vector<16x128xi1> to vector<16x128xi32>
    %reduce_sum3A_491 = vector.shape_cast %convert_element_type3A_490 : vector<16x128xi32> to vector<1x16x128xi32>
    %reduce_sum3A_492 = arith.constant dense<0> : vector<1xi32>
    %reduce_sum3A_493 = vector.multi_reduction <add>, %reduce_sum3A_491, %reduce_sum3A_492 [1, 2] : vector<1x16x128xi32> to vector<1xi32>
    %reduce_sum3A_494 = vector.shape_cast %reduce_sum3A_493 : vector<1xi32> to vector<1x1x1xi32>
    %reduce_sum3A_495 = vector.extract %reduce_sum3A_494[0, 0, 0] : i32 from vector<1x1x1xi32>
    %ge3A_496 = arith.constant 1025 : i32
    %ge3A_497 = arith.cmpi sge, %reduce_sum3A_495, %ge3A_496 : i32
    %select_n3A_498 = arith.select %ge3A_497, %or3A_487, %select_n3A_485 : i32
    %or3A_499 = arith.constant 64 : i32
    %or3A_500 = arith.ori %select_n3A_498, %or3A_499 : i32
    %ge3A_501 = vector.broadcast %or3A_500 : i32 to vector<16x128xi32>
    %ge3A_502 = arith.cmpi sge, %reshape3A, %ge3A_501 : vector<16x128xi32>
    %convert_element_type3A_503 = arith.extui %ge3A_502 : vector<16x128xi1> to vector<16x128xi32>
    %reduce_sum3A_504 = vector.shape_cast %convert_element_type3A_503 : vector<16x128xi32> to vector<1x16x128xi32>
    %reduce_sum3A_505 = arith.constant dense<0> : vector<1xi32>
    %reduce_sum3A_506 = vector.multi_reduction <add>, %reduce_sum3A_504, %reduce_sum3A_505 [1, 2] : vector<1x16x128xi32> to vector<1xi32>
    %reduce_sum3A_507 = vector.shape_cast %reduce_sum3A_506 : vector<1xi32> to vector<1x1x1xi32>
    %reduce_sum3A_508 = vector.extract %reduce_sum3A_507[0, 0, 0] : i32 from vector<1x1x1xi32>
    %ge3A_509 = arith.constant 1025 : i32
    %ge3A_510 = arith.cmpi sge, %reduce_sum3A_508, %ge3A_509 : i32
    %select_n3A_511 = arith.select %ge3A_510, %or3A_500, %select_n3A_498 : i32
    %or3A_512 = arith.constant 32 : i32
    %or3A_513 = arith.ori %select_n3A_511, %or3A_512 : i32
    %ge3A_514 = vector.broadcast %or3A_513 : i32 to vector<16x128xi32>
    %ge3A_515 = arith.cmpi sge, %reshape3A, %ge3A_514 : vector<16x128xi32>
    %convert_element_type3A_516 = arith.extui %ge3A_515 : vector<16x128xi1> to vector<16x128xi32>
    %reduce_sum3A_517 = vector.shape_cast %convert_element_type3A_516 : vector<16x128xi32> to vector<1x16x128xi32>
    %reduce_sum3A_518 = arith.constant dense<0> : vector<1xi32>
    %reduce_sum3A_519 = vector.multi_reduction <add>, %reduce_sum3A_517, %reduce_sum3A_518 [1, 2] : vector<1x16x128xi32> to vector<1xi32>
    %reduce_sum3A_520 = vector.shape_cast %reduce_sum3A_519 : vector<1xi32> to vector<1x1x1xi32>
    %reduce_sum3A_521 = vector.extract %reduce_sum3A_520[0, 0, 0] : i32 from vector<1x1x1xi32>
    %ge3A_522 = arith.constant 1025 : i32
    %ge3A_523 = arith.cmpi sge, %reduce_sum3A_521, %ge3A_522 : i32
    %select_n3A_524 = arith.select %ge3A_523, %or3A_513, %select_n3A_511 : i32
    %or3A_525 = arith.constant 16 : i32
    %or3A_526 = arith.ori %select_n3A_524, %or3A_525 : i32
    %ge3A_527 = vector.broadcast %or3A_526 : i32 to vector<16x128xi32>
    %ge3A_528 = arith.cmpi sge, %reshape3A, %ge3A_527 : vector<16x128xi32>
    %convert_element_type3A_529 = arith.extui %ge3A_528 : vector<16x128xi1> to vector<16x128xi32>
    %reduce_sum3A_530 = vector.shape_cast %convert_element_type3A_529 : vector<16x128xi32> to vector<1x16x128xi32>
    %reduce_sum3A_531 = arith.constant dense<0> : vector<1xi32>
    %reduce_sum3A_532 = vector.multi_reduction <add>, %reduce_sum3A_530, %reduce_sum3A_531 [1, 2] : vector<1x16x128xi32> to vector<1xi32>
    %reduce_sum3A_533 = vector.shape_cast %reduce_sum3A_532 : vector<1xi32> to vector<1x1x1xi32>
    %reduce_sum3A_534 = vector.extract %reduce_sum3A_533[0, 0, 0] : i32 from vector<1x1x1xi32>
    %ge3A_535 = arith.constant 1025 : i32
    %ge3A_536 = arith.cmpi sge, %reduce_sum3A_534, %ge3A_535 : i32
    %select_n3A_537 = arith.select %ge3A_536, %or3A_526, %select_n3A_524 : i32
    %or3A_538 = arith.constant 8 : i32
    %or3A_539 = arith.ori %select_n3A_537, %or3A_538 : i32
    %ge3A_540 = vector.broadcast %or3A_539 : i32 to vector<16x128xi32>
    %ge3A_541 = arith.cmpi sge, %reshape3A, %ge3A_540 : vector<16x128xi32>
    %convert_element_type3A_542 = arith.extui %ge3A_541 : vector<16x128xi1> to vector<16x128xi32>
    %reduce_sum3A_543 = vector.shape_cast %convert_element_type3A_542 : vector<16x128xi32> to vector<1x16x128xi32>
    %reduce_sum3A_544 = arith.constant dense<0> : vector<1xi32>
    %reduce_sum3A_545 = vector.multi_reduction <add>, %reduce_sum3A_543, %reduce_sum3A_544 [1, 2] : vector<1x16x128xi32> to vector<1xi32>
    %reduce_sum3A_546 = vector.shape_cast %reduce_sum3A_545 : vector<1xi32> to vector<1x1x1xi32>
    %reduce_sum3A_547 = vector.extract %reduce_sum3A_546[0, 0, 0] : i32 from vector<1x1x1xi32>
    %ge3A_548 = arith.constant 1025 : i32
    %ge3A_549 = arith.cmpi sge, %reduce_sum3A_547, %ge3A_548 : i32
    %select_n3A_550 = arith.select %ge3A_549, %or3A_539, %select_n3A_537 : i32
    %or3A_551 = arith.constant 4 : i32
    %or3A_552 = arith.ori %select_n3A_550, %or3A_551 : i32
    %ge3A_553 = vector.broadcast %or3A_552 : i32 to vector<16x128xi32>
    %ge3A_554 = arith.cmpi sge, %reshape3A, %ge3A_553 : vector<16x128xi32>
    %convert_element_type3A_555 = arith.extui %ge3A_554 : vector<16x128xi1> to vector<16x128xi32>
    %reduce_sum3A_556 = vector.shape_cast %convert_element_type3A_555 : vector<16x128xi32> to vector<1x16x128xi32>
    %reduce_sum3A_557 = arith.constant dense<0> : vector<1xi32>
    %reduce_sum3A_558 = vector.multi_reduction <add>, %reduce_sum3A_556, %reduce_sum3A_557 [1, 2] : vector<1x16x128xi32> to vector<1xi32>
    %reduce_sum3A_559 = vector.shape_cast %reduce_sum3A_558 : vector<1xi32> to vector<1x1x1xi32>
    %reduce_sum3A_560 = vector.extract %reduce_sum3A_559[0, 0, 0] : i32 from vector<1x1x1xi32>
    %ge3A_561 = arith.constant 1025 : i32
    %ge3A_562 = arith.cmpi sge, %reduce_sum3A_560, %ge3A_561 : i32
    %select_n3A_563 = arith.select %ge3A_562, %or3A_552, %select_n3A_550 : i32
    %or3A_564 = arith.constant 2 : i32
    %or3A_565 = arith.ori %select_n3A_563, %or3A_564 : i32
    %ge3A_566 = vector.broadcast %or3A_565 : i32 to vector<16x128xi32>
    %ge3A_567 = arith.cmpi sge, %reshape3A, %ge3A_566 : vector<16x128xi32>
    %convert_element_type3A_568 = arith.extui %ge3A_567 : vector<16x128xi1> to vector<16x128xi32>
    %reduce_sum3A_569 = vector.shape_cast %convert_element_type3A_568 : vector<16x128xi32> to vector<1x16x128xi32>
    %reduce_sum3A_570 = arith.constant dense<0> : vector<1xi32>
    %reduce_sum3A_571 = vector.multi_reduction <add>, %reduce_sum3A_569, %reduce_sum3A_570 [1, 2] : vector<1x16x128xi32> to vector<1xi32>
    %reduce_sum3A_572 = vector.shape_cast %reduce_sum3A_571 : vector<1xi32> to vector<1x1x1xi32>
    %reduce_sum3A_573 = vector.extract %reduce_sum3A_572[0, 0, 0] : i32 from vector<1x1x1xi32>
    %ge3A_574 = arith.constant 1025 : i32
    %ge3A_575 = arith.cmpi sge, %reduce_sum3A_573, %ge3A_574 : i32
    %select_n3A_576 = arith.select %ge3A_575, %or3A_565, %select_n3A_563 : i32
    %or3A_577 = arith.constant 1 : i32
    %or3A_578 = arith.ori %select_n3A_576, %or3A_577 : i32
    %ge3A_579 = vector.broadcast %or3A_578 : i32 to vector<16x128xi32>
    %ge3A_580 = arith.cmpi sge, %reshape3A, %ge3A_579 : vector<16x128xi32>
    %convert_element_type3A_581 = arith.extui %ge3A_580 : vector<16x128xi1> to vector<16x128xi32>
    %reduce_sum3A_582 = vector.shape_cast %convert_element_type3A_581 : vector<16x128xi32> to vector<1x16x128xi32>
    %reduce_sum3A_583 = arith.constant dense<0> : vector<1xi32>
    %reduce_sum3A_584 = vector.multi_reduction <add>, %reduce_sum3A_582, %reduce_sum3A_583 [1, 2] : vector<1x16x128xi32> to vector<1xi32>
    %reduce_sum3A_585 = vector.shape_cast %reduce_sum3A_584 : vector<1xi32> to vector<1x1x1xi32>
    %reduce_sum3A_586 = vector.extract %reduce_sum3A_585[0, 0, 0] : i32 from vector<1x1x1xi32>
    %ge3A_587 = arith.constant 1025 : i32
    %ge3A_588 = arith.cmpi sge, %reduce_sum3A_586, %ge3A_587 : i32
    %select_n3A_589 = arith.select %ge3A_588, %or3A_578, %select_n3A_576 : i32
    %bitcast_convert_type3A_590 = arith.bitcast %select_n3A_589 : i32 to f32
    %sqrt3A_591 = math.sqrt %bitcast_convert_type3A_590 : f32
    %bitcast_convert_type3A_592 = tpu.bitcast %add3A_187 : vector<1x2048xf32> -> vector<1x2048xi32>
    %reshape3A_593 = vector.shape_cast %bitcast_convert_type3A_592 : vector<1x2048xi32> to vector<16x128xi32>
    %or3A_594 = arith.constant 0 : i32
    %or3A_595 = arith.constant 1073741824 : i32
    %or3A_596 = arith.ori %or3A_594, %or3A_595 : i32
    %ge3A_597 = vector.broadcast %or3A_596 : i32 to vector<16x128xi32>
    %ge3A_598 = arith.cmpi sge, %reshape3A_593, %ge3A_597 : vector<16x128xi32>
    %convert_element_type3A_599 = arith.extui %ge3A_598 : vector<16x128xi1> to vector<16x128xi32>
    %reduce_sum3A_600 = vector.shape_cast %convert_element_type3A_599 : vector<16x128xi32> to vector<1x16x128xi32>
    %reduce_sum3A_601 = arith.constant dense<0> : vector<1xi32>
    %reduce_sum3A_602 = vector.multi_reduction <add>, %reduce_sum3A_600, %reduce_sum3A_601 [1, 2] : vector<1x16x128xi32> to vector<1xi32>
    %reduce_sum3A_603 = vector.shape_cast %reduce_sum3A_602 : vector<1xi32> to vector<1x1x1xi32>
    %reduce_sum3A_604 = vector.extract %reduce_sum3A_603[0, 0, 0] : i32 from vector<1x1x1xi32>
    %ge3A_605 = arith.constant 1025 : i32
    %ge3A_606 = arith.cmpi sge, %reduce_sum3A_604, %ge3A_605 : i32
    %jit3A_607 = arith.constant 0 : i32
    %select_n3A_608 = arith.select %ge3A_606, %or3A_596, %jit3A_607 : i32
    %or3A_609 = arith.constant 536870912 : i32
    %or3A_610 = arith.ori %select_n3A_608, %or3A_609 : i32
    %ge3A_611 = vector.broadcast %or3A_610 : i32 to vector<16x128xi32>
    %ge3A_612 = arith.cmpi sge, %reshape3A_593, %ge3A_611 : vector<16x128xi32>
    %convert_element_type3A_613 = arith.extui %ge3A_612 : vector<16x128xi1> to vector<16x128xi32>
    %reduce_sum3A_614 = vector.shape_cast %convert_element_type3A_613 : vector<16x128xi32> to vector<1x16x128xi32>
    %reduce_sum3A_615 = arith.constant dense<0> : vector<1xi32>
    %reduce_sum3A_616 = vector.multi_reduction <add>, %reduce_sum3A_614, %reduce_sum3A_615 [1, 2] : vector<1x16x128xi32> to vector<1xi32>
    %reduce_sum3A_617 = vector.shape_cast %reduce_sum3A_616 : vector<1xi32> to vector<1x1x1xi32>
    %reduce_sum3A_618 = vector.extract %reduce_sum3A_617[0, 0, 0] : i32 from vector<1x1x1xi32>
    %ge3A_619 = arith.constant 1025 : i32
    %ge3A_620 = arith.cmpi sge, %reduce_sum3A_618, %ge3A_619 : i32
    %select_n3A_621 = arith.select %ge3A_620, %or3A_610, %select_n3A_608 : i32
    %or3A_622 = arith.constant 268435456 : i32
    %or3A_623 = arith.ori %select_n3A_621, %or3A_622 : i32
    %ge3A_624 = vector.broadcast %or3A_623 : i32 to vector<16x128xi32>
    %ge3A_625 = arith.cmpi sge, %reshape3A_593, %ge3A_624 : vector<16x128xi32>
    %convert_element_type3A_626 = arith.extui %ge3A_625 : vector<16x128xi1> to vector<16x128xi32>
    %reduce_sum3A_627 = vector.shape_cast %convert_element_type3A_626 : vector<16x128xi32> to vector<1x16x128xi32>
    %reduce_sum3A_628 = arith.constant dense<0> : vector<1xi32>
    %reduce_sum3A_629 = vector.multi_reduction <add>, %reduce_sum3A_627, %reduce_sum3A_628 [1, 2] : vector<1x16x128xi32> to vector<1xi32>
    %reduce_sum3A_630 = vector.shape_cast %reduce_sum3A_629 : vector<1xi32> to vector<1x1x1xi32>
    %reduce_sum3A_631 = vector.extract %reduce_sum3A_630[0, 0, 0] : i32 from vector<1x1x1xi32>
    %ge3A_632 = arith.constant 1025 : i32
    %ge3A_633 = arith.cmpi sge, %reduce_sum3A_631, %ge3A_632 : i32
    %select_n3A_634 = arith.select %ge3A_633, %or3A_623, %select_n3A_621 : i32
    %or3A_635 = arith.constant 134217728 : i32
    %or3A_636 = arith.ori %select_n3A_634, %or3A_635 : i32
    %ge3A_637 = vector.broadcast %or3A_636 : i32 to vector<16x128xi32>
    %ge3A_638 = arith.cmpi sge, %reshape3A_593, %ge3A_637 : vector<16x128xi32>
    %convert_element_type3A_639 = arith.extui %ge3A_638 : vector<16x128xi1> to vector<16x128xi32>
    %reduce_sum3A_640 = vector.shape_cast %convert_element_type3A_639 : vector<16x128xi32> to vector<1x16x128xi32>
    %reduce_sum3A_641 = arith.constant dense<0> : vector<1xi32>
    %reduce_sum3A_642 = vector.multi_reduction <add>, %reduce_sum3A_640, %reduce_sum3A_641 [1, 2] : vector<1x16x128xi32> to vector<1xi32>
    %reduce_sum3A_643 = vector.shape_cast %reduce_sum3A_642 : vector<1xi32> to vector<1x1x1xi32>
    %reduce_sum3A_644 = vector.extract %reduce_sum3A_643[0, 0, 0] : i32 from vector<1x1x1xi32>
    %ge3A_645 = arith.constant 1025 : i32
    %ge3A_646 = arith.cmpi sge, %reduce_sum3A_644, %ge3A_645 : i32
    %select_n3A_647 = arith.select %ge3A_646, %or3A_636, %select_n3A_634 : i32
    %or3A_648 = arith.constant 67108864 : i32
    %or3A_649 = arith.ori %select_n3A_647, %or3A_648 : i32
    %ge3A_650 = vector.broadcast %or3A_649 : i32 to vector<16x128xi32>
    %ge3A_651 = arith.cmpi sge, %reshape3A_593, %ge3A_650 : vector<16x128xi32>
    %convert_element_type3A_652 = arith.extui %ge3A_651 : vector<16x128xi1> to vector<16x128xi32>
    %reduce_sum3A_653 = vector.shape_cast %convert_element_type3A_652 : vector<16x128xi32> to vector<1x16x128xi32>
    %reduce_sum3A_654 = arith.constant dense<0> : vector<1xi32>
    %reduce_sum3A_655 = vector.multi_reduction <add>, %reduce_sum3A_653, %reduce_sum3A_654 [1, 2] : vector<1x16x128xi32> to vector<1xi32>
    %reduce_sum3A_656 = vector.shape_cast %reduce_sum3A_655 : vector<1xi32> to vector<1x1x1xi32>
    %reduce_sum3A_657 = vector.extract %reduce_sum3A_656[0, 0, 0] : i32 from vector<1x1x1xi32>
    %ge3A_658 = arith.constant 1025 : i32
    %ge3A_659 = arith.cmpi sge, %reduce_sum3A_657, %ge3A_658 : i32
    %select_n3A_660 = arith.select %ge3A_659, %or3A_649, %select_n3A_647 : i32
    %or3A_661 = arith.constant 33554432 : i32
    %or3A_662 = arith.ori %select_n3A_660, %or3A_661 : i32
    %ge3A_663 = vector.broadcast %or3A_662 : i32 to vector<16x128xi32>
    %ge3A_664 = arith.cmpi sge, %reshape3A_593, %ge3A_663 : vector<16x128xi32>
    %convert_element_type3A_665 = arith.extui %ge3A_664 : vector<16x128xi1> to vector<16x128xi32>
    %reduce_sum3A_666 = vector.shape_cast %convert_element_type3A_665 : vector<16x128xi32> to vector<1x16x128xi32>
    %reduce_sum3A_667 = arith.constant dense<0> : vector<1xi32>
    %reduce_sum3A_668 = vector.multi_reduction <add>, %reduce_sum3A_666, %reduce_sum3A_667 [1, 2] : vector<1x16x128xi32> to vector<1xi32>
    %reduce_sum3A_669 = vector.shape_cast %reduce_sum3A_668 : vector<1xi32> to vector<1x1x1xi32>
    %reduce_sum3A_670 = vector.extract %reduce_sum3A_669[0, 0, 0] : i32 from vector<1x1x1xi32>
    %ge3A_671 = arith.constant 1025 : i32
    %ge3A_672 = arith.cmpi sge, %reduce_sum3A_670, %ge3A_671 : i32
    %select_n3A_673 = arith.select %ge3A_672, %or3A_662, %select_n3A_660 : i32
    %or3A_674 = arith.constant 16777216 : i32
    %or3A_675 = arith.ori %select_n3A_673, %or3A_674 : i32
    %ge3A_676 = vector.broadcast %or3A_675 : i32 to vector<16x128xi32>
    %ge3A_677 = arith.cmpi sge, %reshape3A_593, %ge3A_676 : vector<16x128xi32>
    %convert_element_type3A_678 = arith.extui %ge3A_677 : vector<16x128xi1> to vector<16x128xi32>
    %reduce_sum3A_679 = vector.shape_cast %convert_element_type3A_678 : vector<16x128xi32> to vector<1x16x128xi32>
    %reduce_sum3A_680 = arith.constant dense<0> : vector<1xi32>
    %reduce_sum3A_681 = vector.multi_reduction <add>, %reduce_sum3A_679, %reduce_sum3A_680 [1, 2] : vector<1x16x128xi32> to vector<1xi32>
    %reduce_sum3A_682 = vector.shape_cast %reduce_sum3A_681 : vector<1xi32> to vector<1x1x1xi32>
    %reduce_sum3A_683 = vector.extract %reduce_sum3A_682[0, 0, 0] : i32 from vector<1x1x1xi32>
    %ge3A_684 = arith.constant 1025 : i32
    %ge3A_685 = arith.cmpi sge, %reduce_sum3A_683, %ge3A_684 : i32
    %select_n3A_686 = arith.select %ge3A_685, %or3A_675, %select_n3A_673 : i32
    %or3A_687 = arith.constant 8388608 : i32
    %or3A_688 = arith.ori %select_n3A_686, %or3A_687 : i32
    %ge3A_689 = vector.broadcast %or3A_688 : i32 to vector<16x128xi32>
    %ge3A_690 = arith.cmpi sge, %reshape3A_593, %ge3A_689 : vector<16x128xi32>
    %convert_element_type3A_691 = arith.extui %ge3A_690 : vector<16x128xi1> to vector<16x128xi32>
    %reduce_sum3A_692 = vector.shape_cast %convert_element_type3A_691 : vector<16x128xi32> to vector<1x16x128xi32>
    %reduce_sum3A_693 = arith.constant dense<0> : vector<1xi32>
    %reduce_sum3A_694 = vector.multi_reduction <add>, %reduce_sum3A_692, %reduce_sum3A_693 [1, 2] : vector<1x16x128xi32> to vector<1xi32>
    %reduce_sum3A_695 = vector.shape_cast %reduce_sum3A_694 : vector<1xi32> to vector<1x1x1xi32>
    %reduce_sum3A_696 = vector.extract %reduce_sum3A_695[0, 0, 0] : i32 from vector<1x1x1xi32>
    %ge3A_697 = arith.constant 1025 : i32
    %ge3A_698 = arith.cmpi sge, %reduce_sum3A_696, %ge3A_697 : i32
    %select_n3A_699 = arith.select %ge3A_698, %or3A_688, %select_n3A_686 : i32
    %or3A_700 = arith.constant 4194304 : i32
    %or3A_701 = arith.ori %select_n3A_699, %or3A_700 : i32
    %ge3A_702 = vector.broadcast %or3A_701 : i32 to vector<16x128xi32>
    %ge3A_703 = arith.cmpi sge, %reshape3A_593, %ge3A_702 : vector<16x128xi32>
    %convert_element_type3A_704 = arith.extui %ge3A_703 : vector<16x128xi1> to vector<16x128xi32>
    %reduce_sum3A_705 = vector.shape_cast %convert_element_type3A_704 : vector<16x128xi32> to vector<1x16x128xi32>
    %reduce_sum3A_706 = arith.constant dense<0> : vector<1xi32>
    %reduce_sum3A_707 = vector.multi_reduction <add>, %reduce_sum3A_705, %reduce_sum3A_706 [1, 2] : vector<1x16x128xi32> to vector<1xi32>
    %reduce_sum3A_708 = vector.shape_cast %reduce_sum3A_707 : vector<1xi32> to vector<1x1x1xi32>
    %reduce_sum3A_709 = vector.extract %reduce_sum3A_708[0, 0, 0] : i32 from vector<1x1x1xi32>
    %ge3A_710 = arith.constant 1025 : i32
    %ge3A_711 = arith.cmpi sge, %reduce_sum3A_709, %ge3A_710 : i32
    %select_n3A_712 = arith.select %ge3A_711, %or3A_701, %select_n3A_699 : i32
    %or3A_713 = arith.constant 2097152 : i32
    %or3A_714 = arith.ori %select_n3A_712, %or3A_713 : i32
    %ge3A_715 = vector.broadcast %or3A_714 : i32 to vector<16x128xi32>
    %ge3A_716 = arith.cmpi sge, %reshape3A_593, %ge3A_715 : vector<16x128xi32>
    %convert_element_type3A_717 = arith.extui %ge3A_716 : vector<16x128xi1> to vector<16x128xi32>
    %reduce_sum3A_718 = vector.shape_cast %convert_element_type3A_717 : vector<16x128xi32> to vector<1x16x128xi32>
    %reduce_sum3A_719 = arith.constant dense<0> : vector<1xi32>
    %reduce_sum3A_720 = vector.multi_reduction <add>, %reduce_sum3A_718, %reduce_sum3A_719 [1, 2] : vector<1x16x128xi32> to vector<1xi32>
    %reduce_sum3A_721 = vector.shape_cast %reduce_sum3A_720 : vector<1xi32> to vector<1x1x1xi32>
    %reduce_sum3A_722 = vector.extract %reduce_sum3A_721[0, 0, 0] : i32 from vector<1x1x1xi32>
    %ge3A_723 = arith.constant 1025 : i32
    %ge3A_724 = arith.cmpi sge, %reduce_sum3A_722, %ge3A_723 : i32
    %select_n3A_725 = arith.select %ge3A_724, %or3A_714, %select_n3A_712 : i32
    %or3A_726 = arith.constant 1048576 : i32
    %or3A_727 = arith.ori %select_n3A_725, %or3A_726 : i32
    %ge3A_728 = vector.broadcast %or3A_727 : i32 to vector<16x128xi32>
    %ge3A_729 = arith.cmpi sge, %reshape3A_593, %ge3A_728 : vector<16x128xi32>
    %convert_element_type3A_730 = arith.extui %ge3A_729 : vector<16x128xi1> to vector<16x128xi32>
    %reduce_sum3A_731 = vector.shape_cast %convert_element_type3A_730 : vector<16x128xi32> to vector<1x16x128xi32>
    %reduce_sum3A_732 = arith.constant dense<0> : vector<1xi32>
    %reduce_sum3A_733 = vector.multi_reduction <add>, %reduce_sum3A_731, %reduce_sum3A_732 [1, 2] : vector<1x16x128xi32> to vector<1xi32>
    %reduce_sum3A_734 = vector.shape_cast %reduce_sum3A_733 : vector<1xi32> to vector<1x1x1xi32>
    %reduce_sum3A_735 = vector.extract %reduce_sum3A_734[0, 0, 0] : i32 from vector<1x1x1xi32>
    %ge3A_736 = arith.constant 1025 : i32
    %ge3A_737 = arith.cmpi sge, %reduce_sum3A_735, %ge3A_736 : i32
    %select_n3A_738 = arith.select %ge3A_737, %or3A_727, %select_n3A_725 : i32
    %or3A_739 = arith.constant 524288 : i32
    %or3A_740 = arith.ori %select_n3A_738, %or3A_739 : i32
    %ge3A_741 = vector.broadcast %or3A_740 : i32 to vector<16x128xi32>
    %ge3A_742 = arith.cmpi sge, %reshape3A_593, %ge3A_741 : vector<16x128xi32>
    %convert_element_type3A_743 = arith.extui %ge3A_742 : vector<16x128xi1> to vector<16x128xi32>
    %reduce_sum3A_744 = vector.shape_cast %convert_element_type3A_743 : vector<16x128xi32> to vector<1x16x128xi32>
    %reduce_sum3A_745 = arith.constant dense<0> : vector<1xi32>
    %reduce_sum3A_746 = vector.multi_reduction <add>, %reduce_sum3A_744, %reduce_sum3A_745 [1, 2] : vector<1x16x128xi32> to vector<1xi32>
    %reduce_sum3A_747 = vector.shape_cast %reduce_sum3A_746 : vector<1xi32> to vector<1x1x1xi32>
    %reduce_sum3A_748 = vector.extract %reduce_sum3A_747[0, 0, 0] : i32 from vector<1x1x1xi32>
    %ge3A_749 = arith.constant 1025 : i32
    %ge3A_750 = arith.cmpi sge, %reduce_sum3A_748, %ge3A_749 : i32
    %select_n3A_751 = arith.select %ge3A_750, %or3A_740, %select_n3A_738 : i32
    %or3A_752 = arith.constant 262144 : i32
    %or3A_753 = arith.ori %select_n3A_751, %or3A_752 : i32
    %ge3A_754 = vector.broadcast %or3A_753 : i32 to vector<16x128xi32>
    %ge3A_755 = arith.cmpi sge, %reshape3A_593, %ge3A_754 : vector<16x128xi32>
    %convert_element_type3A_756 = arith.extui %ge3A_755 : vector<16x128xi1> to vector<16x128xi32>
    %reduce_sum3A_757 = vector.shape_cast %convert_element_type3A_756 : vector<16x128xi32> to vector<1x16x128xi32>
    %reduce_sum3A_758 = arith.constant dense<0> : vector<1xi32>
    %reduce_sum3A_759 = vector.multi_reduction <add>, %reduce_sum3A_757, %reduce_sum3A_758 [1, 2] : vector<1x16x128xi32> to vector<1xi32>
    %reduce_sum3A_760 = vector.shape_cast %reduce_sum3A_759 : vector<1xi32> to vector<1x1x1xi32>
    %reduce_sum3A_761 = vector.extract %reduce_sum3A_760[0, 0, 0] : i32 from vector<1x1x1xi32>
    %ge3A_762 = arith.constant 1025 : i32
    %ge3A_763 = arith.cmpi sge, %reduce_sum3A_761, %ge3A_762 : i32
    %select_n3A_764 = arith.select %ge3A_763, %or3A_753, %select_n3A_751 : i32
    %or3A_765 = arith.constant 131072 : i32
    %or3A_766 = arith.ori %select_n3A_764, %or3A_765 : i32
    %ge3A_767 = vector.broadcast %or3A_766 : i32 to vector<16x128xi32>
    %ge3A_768 = arith.cmpi sge, %reshape3A_593, %ge3A_767 : vector<16x128xi32>
    %convert_element_type3A_769 = arith.extui %ge3A_768 : vector<16x128xi1> to vector<16x128xi32>
    %reduce_sum3A_770 = vector.shape_cast %convert_element_type3A_769 : vector<16x128xi32> to vector<1x16x128xi32>
    %reduce_sum3A_771 = arith.constant dense<0> : vector<1xi32>
    %reduce_sum3A_772 = vector.multi_reduction <add>, %reduce_sum3A_770, %reduce_sum3A_771 [1, 2] : vector<1x16x128xi32> to vector<1xi32>
    %reduce_sum3A_773 = vector.shape_cast %reduce_sum3A_772 : vector<1xi32> to vector<1x1x1xi32>
    %reduce_sum3A_774 = vector.extract %reduce_sum3A_773[0, 0, 0] : i32 from vector<1x1x1xi32>
    %ge3A_775 = arith.constant 1025 : i32
    %ge3A_776 = arith.cmpi sge, %reduce_sum3A_774, %ge3A_775 : i32
    %select_n3A_777 = arith.select %ge3A_776, %or3A_766, %select_n3A_764 : i32
    %or3A_778 = arith.constant 65536 : i32
    %or3A_779 = arith.ori %select_n3A_777, %or3A_778 : i32
    %ge3A_780 = vector.broadcast %or3A_779 : i32 to vector<16x128xi32>
    %ge3A_781 = arith.cmpi sge, %reshape3A_593, %ge3A_780 : vector<16x128xi32>
    %convert_element_type3A_782 = arith.extui %ge3A_781 : vector<16x128xi1> to vector<16x128xi32>
    %reduce_sum3A_783 = vector.shape_cast %convert_element_type3A_782 : vector<16x128xi32> to vector<1x16x128xi32>
    %reduce_sum3A_784 = arith.constant dense<0> : vector<1xi32>
    %reduce_sum3A_785 = vector.multi_reduction <add>, %reduce_sum3A_783, %reduce_sum3A_784 [1, 2] : vector<1x16x128xi32> to vector<1xi32>
    %reduce_sum3A_786 = vector.shape_cast %reduce_sum3A_785 : vector<1xi32> to vector<1x1x1xi32>
    %reduce_sum3A_787 = vector.extract %reduce_sum3A_786[0, 0, 0] : i32 from vector<1x1x1xi32>
    %ge3A_788 = arith.constant 1025 : i32
    %ge3A_789 = arith.cmpi sge, %reduce_sum3A_787, %ge3A_788 : i32
    %select_n3A_790 = arith.select %ge3A_789, %or3A_779, %select_n3A_777 : i32
    %or3A_791 = arith.constant 32768 : i32
    %or3A_792 = arith.ori %select_n3A_790, %or3A_791 : i32
    %ge3A_793 = vector.broadcast %or3A_792 : i32 to vector<16x128xi32>
    %ge3A_794 = arith.cmpi sge, %reshape3A_593, %ge3A_793 : vector<16x128xi32>
    %convert_element_type3A_795 = arith.extui %ge3A_794 : vector<16x128xi1> to vector<16x128xi32>
    %reduce_sum3A_796 = vector.shape_cast %convert_element_type3A_795 : vector<16x128xi32> to vector<1x16x128xi32>
    %reduce_sum3A_797 = arith.constant dense<0> : vector<1xi32>
    %reduce_sum3A_798 = vector.multi_reduction <add>, %reduce_sum3A_796, %reduce_sum3A_797 [1, 2] : vector<1x16x128xi32> to vector<1xi32>
    %reduce_sum3A_799 = vector.shape_cast %reduce_sum3A_798 : vector<1xi32> to vector<1x1x1xi32>
    %reduce_sum3A_800 = vector.extract %reduce_sum3A_799[0, 0, 0] : i32 from vector<1x1x1xi32>
    %ge3A_801 = arith.constant 1025 : i32
    %ge3A_802 = arith.cmpi sge, %reduce_sum3A_800, %ge3A_801 : i32
    %select_n3A_803 = arith.select %ge3A_802, %or3A_792, %select_n3A_790 : i32
    %or3A_804 = arith.constant 16384 : i32
    %or3A_805 = arith.ori %select_n3A_803, %or3A_804 : i32
    %ge3A_806 = vector.broadcast %or3A_805 : i32 to vector<16x128xi32>
    %ge3A_807 = arith.cmpi sge, %reshape3A_593, %ge3A_806 : vector<16x128xi32>
    %convert_element_type3A_808 = arith.extui %ge3A_807 : vector<16x128xi1> to vector<16x128xi32>
    %reduce_sum3A_809 = vector.shape_cast %convert_element_type3A_808 : vector<16x128xi32> to vector<1x16x128xi32>
    %reduce_sum3A_810 = arith.constant dense<0> : vector<1xi32>
    %reduce_sum3A_811 = vector.multi_reduction <add>, %reduce_sum3A_809, %reduce_sum3A_810 [1, 2] : vector<1x16x128xi32> to vector<1xi32>
    %reduce_sum3A_812 = vector.shape_cast %reduce_sum3A_811 : vector<1xi32> to vector<1x1x1xi32>
    %reduce_sum3A_813 = vector.extract %reduce_sum3A_812[0, 0, 0] : i32 from vector<1x1x1xi32>
    %ge3A_814 = arith.constant 1025 : i32
    %ge3A_815 = arith.cmpi sge, %reduce_sum3A_813, %ge3A_814 : i32
    %select_n3A_816 = arith.select %ge3A_815, %or3A_805, %select_n3A_803 : i32
    %or3A_817 = arith.constant 8192 : i32
    %or3A_818 = arith.ori %select_n3A_816, %or3A_817 : i32
    %ge3A_819 = vector.broadcast %or3A_818 : i32 to vector<16x128xi32>
    %ge3A_820 = arith.cmpi sge, %reshape3A_593, %ge3A_819 : vector<16x128xi32>
    %convert_element_type3A_821 = arith.extui %ge3A_820 : vector<16x128xi1> to vector<16x128xi32>
    %reduce_sum3A_822 = vector.shape_cast %convert_element_type3A_821 : vector<16x128xi32> to vector<1x16x128xi32>
    %reduce_sum3A_823 = arith.constant dense<0> : vector<1xi32>
    %reduce_sum3A_824 = vector.multi_reduction <add>, %reduce_sum3A_822, %reduce_sum3A_823 [1, 2] : vector<1x16x128xi32> to vector<1xi32>
    %reduce_sum3A_825 = vector.shape_cast %reduce_sum3A_824 : vector<1xi32> to vector<1x1x1xi32>
    %reduce_sum3A_826 = vector.extract %reduce_sum3A_825[0, 0, 0] : i32 from vector<1x1x1xi32>
    %ge3A_827 = arith.constant 1025 : i32
    %ge3A_828 = arith.cmpi sge, %reduce_sum3A_826, %ge3A_827 : i32
    %select_n3A_829 = arith.select %ge3A_828, %or3A_818, %select_n3A_816 : i32
    %or3A_830 = arith.constant 4096 : i32
    %or3A_831 = arith.ori %select_n3A_829, %or3A_830 : i32
    %ge3A_832 = vector.broadcast %or3A_831 : i32 to vector<16x128xi32>
    %ge3A_833 = arith.cmpi sge, %reshape3A_593, %ge3A_832 : vector<16x128xi32>
    %convert_element_type3A_834 = arith.extui %ge3A_833 : vector<16x128xi1> to vector<16x128xi32>
    %reduce_sum3A_835 = vector.shape_cast %convert_element_type3A_834 : vector<16x128xi32> to vector<1x16x128xi32>
    %reduce_sum3A_836 = arith.constant dense<0> : vector<1xi32>
    %reduce_sum3A_837 = vector.multi_reduction <add>, %reduce_sum3A_835, %reduce_sum3A_836 [1, 2] : vector<1x16x128xi32> to vector<1xi32>
    %reduce_sum3A_838 = vector.shape_cast %reduce_sum3A_837 : vector<1xi32> to vector<1x1x1xi32>
    %reduce_sum3A_839 = vector.extract %reduce_sum3A_838[0, 0, 0] : i32 from vector<1x1x1xi32>
    %ge3A_840 = arith.constant 1025 : i32
    %ge3A_841 = arith.cmpi sge, %reduce_sum3A_839, %ge3A_840 : i32
    %select_n3A_842 = arith.select %ge3A_841, %or3A_831, %select_n3A_829 : i32
    %or3A_843 = arith.constant 2048 : i32
    %or3A_844 = arith.ori %select_n3A_842, %or3A_843 : i32
    %ge3A_845 = vector.broadcast %or3A_844 : i32 to vector<16x128xi32>
    %ge3A_846 = arith.cmpi sge, %reshape3A_593, %ge3A_845 : vector<16x128xi32>
    %convert_element_type3A_847 = arith.extui %ge3A_846 : vector<16x128xi1> to vector<16x128xi32>
    %reduce_sum3A_848 = vector.shape_cast %convert_element_type3A_847 : vector<16x128xi32> to vector<1x16x128xi32>
    %reduce_sum3A_849 = arith.constant dense<0> : vector<1xi32>
    %reduce_sum3A_850 = vector.multi_reduction <add>, %reduce_sum3A_848, %reduce_sum3A_849 [1, 2] : vector<1x16x128xi32> to vector<1xi32>
    %reduce_sum3A_851 = vector.shape_cast %reduce_sum3A_850 : vector<1xi32> to vector<1x1x1xi32>
    %reduce_sum3A_852 = vector.extract %reduce_sum3A_851[0, 0, 0] : i32 from vector<1x1x1xi32>
    %ge3A_853 = arith.constant 1025 : i32
    %ge3A_854 = arith.cmpi sge, %reduce_sum3A_852, %ge3A_853 : i32
    %select_n3A_855 = arith.select %ge3A_854, %or3A_844, %select_n3A_842 : i32
    %or3A_856 = arith.constant 1024 : i32
    %or3A_857 = arith.ori %select_n3A_855, %or3A_856 : i32
    %ge3A_858 = vector.broadcast %or3A_857 : i32 to vector<16x128xi32>
    %ge3A_859 = arith.cmpi sge, %reshape3A_593, %ge3A_858 : vector<16x128xi32>
    %convert_element_type3A_860 = arith.extui %ge3A_859 : vector<16x128xi1> to vector<16x128xi32>
    %reduce_sum3A_861 = vector.shape_cast %convert_element_type3A_860 : vector<16x128xi32> to vector<1x16x128xi32>
    %reduce_sum3A_862 = arith.constant dense<0> : vector<1xi32>
    %reduce_sum3A_863 = vector.multi_reduction <add>, %reduce_sum3A_861, %reduce_sum3A_862 [1, 2] : vector<1x16x128xi32> to vector<1xi32>
    %reduce_sum3A_864 = vector.shape_cast %reduce_sum3A_863 : vector<1xi32> to vector<1x1x1xi32>
    %reduce_sum3A_865 = vector.extract %reduce_sum3A_864[0, 0, 0] : i32 from vector<1x1x1xi32>
    %ge3A_866 = arith.constant 1025 : i32
    %ge3A_867 = arith.cmpi sge, %reduce_sum3A_865, %ge3A_866 : i32
    %select_n3A_868 = arith.select %ge3A_867, %or3A_857, %select_n3A_855 : i32
    %or3A_869 = arith.constant 512 : i32
    %or3A_870 = arith.ori %select_n3A_868, %or3A_869 : i32
    %ge3A_871 = vector.broadcast %or3A_870 : i32 to vector<16x128xi32>
    %ge3A_872 = arith.cmpi sge, %reshape3A_593, %ge3A_871 : vector<16x128xi32>
    %convert_element_type3A_873 = arith.extui %ge3A_872 : vector<16x128xi1> to vector<16x128xi32>
    %reduce_sum3A_874 = vector.shape_cast %convert_element_type3A_873 : vector<16x128xi32> to vector<1x16x128xi32>
    %reduce_sum3A_875 = arith.constant dense<0> : vector<1xi32>
    %reduce_sum3A_876 = vector.multi_reduction <add>, %reduce_sum3A_874, %reduce_sum3A_875 [1, 2] : vector<1x16x128xi32> to vector<1xi32>
    %reduce_sum3A_877 = vector.shape_cast %reduce_sum3A_876 : vector<1xi32> to vector<1x1x1xi32>
    %reduce_sum3A_878 = vector.extract %reduce_sum3A_877[0, 0, 0] : i32 from vector<1x1x1xi32>
    %ge3A_879 = arith.constant 1025 : i32
    %ge3A_880 = arith.cmpi sge, %reduce_sum3A_878, %ge3A_879 : i32
    %select_n3A_881 = arith.select %ge3A_880, %or3A_870, %select_n3A_868 : i32
    %or3A_882 = arith.constant 256 : i32
    %or3A_883 = arith.ori %select_n3A_881, %or3A_882 : i32
    %ge3A_884 = vector.broadcast %or3A_883 : i32 to vector<16x128xi32>
    %ge3A_885 = arith.cmpi sge, %reshape3A_593, %ge3A_884 : vector<16x128xi32>
    %convert_element_type3A_886 = arith.extui %ge3A_885 : vector<16x128xi1> to vector<16x128xi32>
    %reduce_sum3A_887 = vector.shape_cast %convert_element_type3A_886 : vector<16x128xi32> to vector<1x16x128xi32>
    %reduce_sum3A_888 = arith.constant dense<0> : vector<1xi32>
    %reduce_sum3A_889 = vector.multi_reduction <add>, %reduce_sum3A_887, %reduce_sum3A_888 [1, 2] : vector<1x16x128xi32> to vector<1xi32>
    %reduce_sum3A_890 = vector.shape_cast %reduce_sum3A_889 : vector<1xi32> to vector<1x1x1xi32>
    %reduce_sum3A_891 = vector.extract %reduce_sum3A_890[0, 0, 0] : i32 from vector<1x1x1xi32>
    %ge3A_892 = arith.constant 1025 : i32
    %ge3A_893 = arith.cmpi sge, %reduce_sum3A_891, %ge3A_892 : i32
    %select_n3A_894 = arith.select %ge3A_893, %or3A_883, %select_n3A_881 : i32
    %or3A_895 = arith.constant 128 : i32
    %or3A_896 = arith.ori %select_n3A_894, %or3A_895 : i32
    %ge3A_897 = vector.broadcast %or3A_896 : i32 to vector<16x128xi32>
    %ge3A_898 = arith.cmpi sge, %reshape3A_593, %ge3A_897 : vector<16x128xi32>
    %convert_element_type3A_899 = arith.extui %ge3A_898 : vector<16x128xi1> to vector<16x128xi32>
    %reduce_sum3A_900 = vector.shape_cast %convert_element_type3A_899 : vector<16x128xi32> to vector<1x16x128xi32>
    %reduce_sum3A_901 = arith.constant dense<0> : vector<1xi32>
    %reduce_sum3A_902 = vector.multi_reduction <add>, %reduce_sum3A_900, %reduce_sum3A_901 [1, 2] : vector<1x16x128xi32> to vector<1xi32>
    %reduce_sum3A_903 = vector.shape_cast %reduce_sum3A_902 : vector<1xi32> to vector<1x1x1xi32>
    %reduce_sum3A_904 = vector.extract %reduce_sum3A_903[0, 0, 0] : i32 from vector<1x1x1xi32>
    %ge3A_905 = arith.constant 1025 : i32
    %ge3A_906 = arith.cmpi sge, %reduce_sum3A_904, %ge3A_905 : i32
    %select_n3A_907 = arith.select %ge3A_906, %or3A_896, %select_n3A_894 : i32
    %or3A_908 = arith.constant 64 : i32
    %or3A_909 = arith.ori %select_n3A_907, %or3A_908 : i32
    %ge3A_910 = vector.broadcast %or3A_909 : i32 to vector<16x128xi32>
    %ge3A_911 = arith.cmpi sge, %reshape3A_593, %ge3A_910 : vector<16x128xi32>
    %convert_element_type3A_912 = arith.extui %ge3A_911 : vector<16x128xi1> to vector<16x128xi32>
    %reduce_sum3A_913 = vector.shape_cast %convert_element_type3A_912 : vector<16x128xi32> to vector<1x16x128xi32>
    %reduce_sum3A_914 = arith.constant dense<0> : vector<1xi32>
    %reduce_sum3A_915 = vector.multi_reduction <add>, %reduce_sum3A_913, %reduce_sum3A_914 [1, 2] : vector<1x16x128xi32> to vector<1xi32>
    %reduce_sum3A_916 = vector.shape_cast %reduce_sum3A_915 : vector<1xi32> to vector<1x1x1xi32>
    %reduce_sum3A_917 = vector.extract %reduce_sum3A_916[0, 0, 0] : i32 from vector<1x1x1xi32>
    %ge3A_918 = arith.constant 1025 : i32
    %ge3A_919 = arith.cmpi sge, %reduce_sum3A_917, %ge3A_918 : i32
    %select_n3A_920 = arith.select %ge3A_919, %or3A_909, %select_n3A_907 : i32
    %or3A_921 = arith.constant 32 : i32
    %or3A_922 = arith.ori %select_n3A_920, %or3A_921 : i32
    %ge3A_923 = vector.broadcast %or3A_922 : i32 to vector<16x128xi32>
    %ge3A_924 = arith.cmpi sge, %reshape3A_593, %ge3A_923 : vector<16x128xi32>
    %convert_element_type3A_925 = arith.extui %ge3A_924 : vector<16x128xi1> to vector<16x128xi32>
    %reduce_sum3A_926 = vector.shape_cast %convert_element_type3A_925 : vector<16x128xi32> to vector<1x16x128xi32>
    %reduce_sum3A_927 = arith.constant dense<0> : vector<1xi32>
    %reduce_sum3A_928 = vector.multi_reduction <add>, %reduce_sum3A_926, %reduce_sum3A_927 [1, 2] : vector<1x16x128xi32> to vector<1xi32>
    %reduce_sum3A_929 = vector.shape_cast %reduce_sum3A_928 : vector<1xi32> to vector<1x1x1xi32>
    %reduce_sum3A_930 = vector.extract %reduce_sum3A_929[0, 0, 0] : i32 from vector<1x1x1xi32>
    %ge3A_931 = arith.constant 1025 : i32
    %ge3A_932 = arith.cmpi sge, %reduce_sum3A_930, %ge3A_931 : i32
    %select_n3A_933 = arith.select %ge3A_932, %or3A_922, %select_n3A_920 : i32
    %or3A_934 = arith.constant 16 : i32
    %or3A_935 = arith.ori %select_n3A_933, %or3A_934 : i32
    %ge3A_936 = vector.broadcast %or3A_935 : i32 to vector<16x128xi32>
    %ge3A_937 = arith.cmpi sge, %reshape3A_593, %ge3A_936 : vector<16x128xi32>
    %convert_element_type3A_938 = arith.extui %ge3A_937 : vector<16x128xi1> to vector<16x128xi32>
    %reduce_sum3A_939 = vector.shape_cast %convert_element_type3A_938 : vector<16x128xi32> to vector<1x16x128xi32>
    %reduce_sum3A_940 = arith.constant dense<0> : vector<1xi32>
    %reduce_sum3A_941 = vector.multi_reduction <add>, %reduce_sum3A_939, %reduce_sum3A_940 [1, 2] : vector<1x16x128xi32> to vector<1xi32>
    %reduce_sum3A_942 = vector.shape_cast %reduce_sum3A_941 : vector<1xi32> to vector<1x1x1xi32>
    %reduce_sum3A_943 = vector.extract %reduce_sum3A_942[0, 0, 0] : i32 from vector<1x1x1xi32>
    %ge3A_944 = arith.constant 1025 : i32
    %ge3A_945 = arith.cmpi sge, %reduce_sum3A_943, %ge3A_944 : i32
    %select_n3A_946 = arith.select %ge3A_945, %or3A_935, %select_n3A_933 : i32
    %or3A_947 = arith.constant 8 : i32
    %or3A_948 = arith.ori %select_n3A_946, %or3A_947 : i32
    %ge3A_949 = vector.broadcast %or3A_948 : i32 to vector<16x128xi32>
    %ge3A_950 = arith.cmpi sge, %reshape3A_593, %ge3A_949 : vector<16x128xi32>
    %convert_element_type3A_951 = arith.extui %ge3A_950 : vector<16x128xi1> to vector<16x128xi32>
    %reduce_sum3A_952 = vector.shape_cast %convert_element_type3A_951 : vector<16x128xi32> to vector<1x16x128xi32>
    %reduce_sum3A_953 = arith.constant dense<0> : vector<1xi32>
    %reduce_sum3A_954 = vector.multi_reduction <add>, %reduce_sum3A_952, %reduce_sum3A_953 [1, 2] : vector<1x16x128xi32> to vector<1xi32>
    %reduce_sum3A_955 = vector.shape_cast %reduce_sum3A_954 : vector<1xi32> to vector<1x1x1xi32>
    %reduce_sum3A_956 = vector.extract %reduce_sum3A_955[0, 0, 0] : i32 from vector<1x1x1xi32>
    %ge3A_957 = arith.constant 1025 : i32
    %ge3A_958 = arith.cmpi sge, %reduce_sum3A_956, %ge3A_957 : i32
    %select_n3A_959 = arith.select %ge3A_958, %or3A_948, %select_n3A_946 : i32
    %or3A_960 = arith.constant 4 : i32
    %or3A_961 = arith.ori %select_n3A_959, %or3A_960 : i32
    %ge3A_962 = vector.broadcast %or3A_961 : i32 to vector<16x128xi32>
    %ge3A_963 = arith.cmpi sge, %reshape3A_593, %ge3A_962 : vector<16x128xi32>
    %convert_element_type3A_964 = arith.extui %ge3A_963 : vector<16x128xi1> to vector<16x128xi32>
    %reduce_sum3A_965 = vector.shape_cast %convert_element_type3A_964 : vector<16x128xi32> to vector<1x16x128xi32>
    %reduce_sum3A_966 = arith.constant dense<0> : vector<1xi32>
    %reduce_sum3A_967 = vector.multi_reduction <add>, %reduce_sum3A_965, %reduce_sum3A_966 [1, 2] : vector<1x16x128xi32> to vector<1xi32>
    %reduce_sum3A_968 = vector.shape_cast %reduce_sum3A_967 : vector<1xi32> to vector<1x1x1xi32>
    %reduce_sum3A_969 = vector.extract %reduce_sum3A_968[0, 0, 0] : i32 from vector<1x1x1xi32>
    %ge3A_970 = arith.constant 1025 : i32
    %ge3A_971 = arith.cmpi sge, %reduce_sum3A_969, %ge3A_970 : i32
    %select_n3A_972 = arith.select %ge3A_971, %or3A_961, %select_n3A_959 : i32
    %or3A_973 = arith.constant 2 : i32
    %or3A_974 = arith.ori %select_n3A_972, %or3A_973 : i32
    %ge3A_975 = vector.broadcast %or3A_974 : i32 to vector<16x128xi32>
    %ge3A_976 = arith.cmpi sge, %reshape3A_593, %ge3A_975 : vector<16x128xi32>
    %convert_element_type3A_977 = arith.extui %ge3A_976 : vector<16x128xi1> to vector<16x128xi32>
    %reduce_sum3A_978 = vector.shape_cast %convert_element_type3A_977 : vector<16x128xi32> to vector<1x16x128xi32>
    %reduce_sum3A_979 = arith.constant dense<0> : vector<1xi32>
    %reduce_sum3A_980 = vector.multi_reduction <add>, %reduce_sum3A_978, %reduce_sum3A_979 [1, 2] : vector<1x16x128xi32> to vector<1xi32>
    %reduce_sum3A_981 = vector.shape_cast %reduce_sum3A_980 : vector<1xi32> to vector<1x1x1xi32>
    %reduce_sum3A_982 = vector.extract %reduce_sum3A_981[0, 0, 0] : i32 from vector<1x1x1xi32>
    %ge3A_983 = arith.constant 1025 : i32
    %ge3A_984 = arith.cmpi sge, %reduce_sum3A_982, %ge3A_983 : i32
    %select_n3A_985 = arith.select %ge3A_984, %or3A_974, %select_n3A_972 : i32
    %or3A_986 = arith.constant 1 : i32
    %or3A_987 = arith.ori %select_n3A_985, %or3A_986 : i32
    %ge3A_988 = vector.broadcast %or3A_987 : i32 to vector<16x128xi32>
    %ge3A_989 = arith.cmpi sge, %reshape3A_593, %ge3A_988 : vector<16x128xi32>
    %convert_element_type3A_990 = arith.extui %ge3A_989 : vector<16x128xi1> to vector<16x128xi32>
    %reduce_sum3A_991 = vector.shape_cast %convert_element_type3A_990 : vector<16x128xi32> to vector<1x16x128xi32>
    %reduce_sum3A_992 = arith.constant dense<0> : vector<1xi32>
    %reduce_sum3A_993 = vector.multi_reduction <add>, %reduce_sum3A_991, %reduce_sum3A_992 [1, 2] : vector<1x16x128xi32> to vector<1xi32>
    %reduce_sum3A_994 = vector.shape_cast %reduce_sum3A_993 : vector<1xi32> to vector<1x1x1xi32>
    %reduce_sum3A_995 = vector.extract %reduce_sum3A_994[0, 0, 0] : i32 from vector<1x1x1xi32>
    %ge3A_996 = arith.constant 1025 : i32
    %ge3A_997 = arith.cmpi sge, %reduce_sum3A_995, %ge3A_996 : i32
    %select_n3A_998 = arith.select %ge3A_997, %or3A_987, %select_n3A_985 : i32
    %bitcast_convert_type3A_999 = arith.bitcast %select_n3A_998 : i32 to f32
    %sqrt3A_1000 = math.sqrt %bitcast_convert_type3A_999 : f32
    %mul3A_1001 = arith.constant 3.000000e+00 : f32
    %mul3A_1002 = arith.mulf %mul3A_1001, %sqrt3A_591 : f32
    %le3A = vector.broadcast %mul3A_1002 : f32 to vector<1x2048xf32>
    %le3A_1003 = arith.cmpf ole, %sqrt3A, %le3A : vector<1x2048xf32>
    %convert_element_type3A_1004 = arith.extui %le3A_1003 : vector<1x2048xi1> to vector<1x2048xi32>
    %convert_element_type3A_1005 = arith.sitofp %convert_element_type3A_1004 : vector<1x2048xi32> to vector<1x2048xf32>
    %mul3A_1006 = arith.constant 3.000000e+00 : f32
    %mul3A_1007 = arith.mulf %mul3A_1006, %sqrt3A_1000 : f32
    %le3A_1008 = vector.broadcast %mul3A_1007 : f32 to vector<1x2048xf32>
    %le3A_1009 = arith.cmpf ole, %sqrt3A_175, %le3A_1008 : vector<1x2048xf32>
    %convert_element_type3A_1010 = arith.extui %le3A_1009 : vector<1x2048xi1> to vector<1x2048xi32>
    %convert_element_type3A_1011 = arith.sitofp %convert_element_type3A_1010 : vector<1x2048xi32> to vector<1x2048xf32>
    %mul3A_1012 = arith.constant 2048 : i32
    %mul3A_1013 = arith.muli %arg0, %mul3A_1012 : i32
    %transpose3A_1014 = tpu.transpose %broadcast_in_dim3A_116, [1, 0] : vector<2048x1xi32> -> vector<1x2048xi32>
    %add3A_1015 = vector.broadcast %mul3A_1013 : i32 to vector<1x2048xi32>
    %add3A_1016 = arith.addi %transpose3A_1014, %add3A_1015 : vector<1x2048xi32>
    %swap3A = arith.constant 0 : index
    %swap3A_1017 = arith.constant 0 : index
    %swap3A_1018 = arith.constant 0 : index
    %swap3A_1019 = vector.load %arg9[%swap3A, %swap3A_1017, %swap3A_1018] : memref<1x1x2048xi32, #tpu.memory_space<vmem>>, vector<1x1x2048xi32>
    %swap3A_1020 = vector.shape_cast %swap3A_1019 : vector<1x1x2048xi32> to vector<1x2048xi32>
    %swap3A_1021 = vector.shape_cast %add3A_1016 : vector<1x2048xi32> to vector<1x1x2048xi32>
    tpu.vector_store %arg9[%swap3A, %swap3A_1017, %swap3A_1018], %swap3A_1021 {strides = array<i32>} : memref<1x1x2048xi32, #tpu.memory_space<vmem>>, vector<1x1x2048xi32>,
    %add3A_1022 = vector.broadcast %mul3A_1013 : i32 to vector<1x2048xi32>
    %add3A_1023 = arith.addi %broadcast_in_dim3A_127, %add3A_1022 : vector<1x2048xi32>
    %swap3A_1024 = arith.constant 0 : index
    %swap3A_1025 = arith.constant 0 : index
    %swap3A_1026 = arith.constant 0 : index
    %swap3A_1027 = vector.load %arg10[%swap3A_1024, %swap3A_1025, %swap3A_1026] : memref<1x1x2048xi32, #tpu.memory_space<vmem>>, vector<1x1x2048xi32>
    %swap3A_1028 = vector.shape_cast %swap3A_1027 : vector<1x1x2048xi32> to vector<1x2048xi32>
    %swap3A_1029 = vector.shape_cast %add3A_1023 : vector<1x2048xi32> to vector<1x1x2048xi32>
    tpu.vector_store %arg10[%swap3A_1024, %swap3A_1025, %swap3A_1026], %swap3A_1029 {strides = array<i32>} : memref<1x1x2048xi32, #tpu.memory_space<vmem>>, vector<1x1x2048xi32>,
    %swap3A_1030 = arith.constant 0 : index
    %swap3A_1031 = arith.constant 0 : index
    %swap3A_1032 = arith.constant 0 : index
    %swap3A_1033 = vector.load %arg11[%swap3A_1030, %swap3A_1031, %swap3A_1032] : memref<1x1x2048xf32, #tpu.memory_space<vmem>>, vector<1x1x2048xf32>
    %swap3A_1034 = vector.shape_cast %swap3A_1033 : vector<1x1x2048xf32> to vector<1x2048xf32>
    %swap3A_1035 = vector.shape_cast %add3A_151 : vector<1x2048xf32> to vector<1x1x2048xf32>
    tpu.vector_store %arg11[%swap3A_1030, %swap3A_1031, %swap3A_1032], %swap3A_1035 {strides = array<i32>} : memref<1x1x2048xf32, #tpu.memory_space<vmem>>, vector<1x1x2048xf32>,
    %swap3A_1036 = arith.constant 0 : index
    %swap3A_1037 = arith.constant 0 : index
    %swap3A_1038 = arith.constant 0 : index
    %swap3A_1039 = vector.load %arg12[%swap3A_1036, %swap3A_1037, %swap3A_1038] : memref<1x1x2048xf32, #tpu.memory_space<vmem>>, vector<1x1x2048xf32>
    %swap3A_1040 = vector.shape_cast %swap3A_1039 : vector<1x1x2048xf32> to vector<1x2048xf32>
    %swap3A_1041 = vector.shape_cast %add3A_162 : vector<1x2048xf32> to vector<1x1x2048xf32>
    tpu.vector_store %arg12[%swap3A_1036, %swap3A_1037, %swap3A_1038], %swap3A_1041 {strides = array<i32>} : memref<1x1x2048xf32, #tpu.memory_space<vmem>>, vector<1x1x2048xf32>,
    %swap3A_1042 = arith.constant 0 : index
    %swap3A_1043 = arith.constant 0 : index
    %swap3A_1044 = arith.constant 0 : index
    %swap3A_1045 = vector.load %arg13[%swap3A_1042, %swap3A_1043, %swap3A_1044] : memref<1x1x2048xf32, #tpu.memory_space<vmem>>, vector<1x1x2048xf32>
    %swap3A_1046 = vector.shape_cast %swap3A_1045 : vector<1x1x2048xf32> to vector<1x2048xf32>
    %swap3A_1047 = vector.shape_cast %convert_element_type3A_1005 : vector<1x2048xf32> to vector<1x1x2048xf32>
    tpu.vector_store %arg13[%swap3A_1042, %swap3A_1043, %swap3A_1044], %swap3A_1047 {strides = array<i32>} : memref<1x1x2048xf32, #tpu.memory_space<vmem>>, vector<1x1x2048xf32>,
    %swap3A_1048 = arith.constant 0 : index
    %swap3A_1049 = arith.constant 0 : index
    %swap3A_1050 = arith.constant 0 : index
    %swap3A_1051 = vector.load %arg14[%swap3A_1048, %swap3A_1049, %swap3A_1050] : memref<1x1x2048xf32, #tpu.memory_space<vmem>>, vector<1x1x2048xf32>
    %swap3A_1052 = vector.shape_cast %swap3A_1051 : vector<1x1x2048xf32> to vector<1x2048xf32>
    %swap3A_1053 = vector.shape_cast %convert_element_type3A_1011 : vector<1x2048xf32> to vector<1x1x2048xf32>
    tpu.vector_store %arg14[%swap3A_1048, %swap3A_1049, %swap3A_1050], %swap3A_1053 {strides = array<i32>} : memref<1x1x2048xf32, #tpu.memory_space<vmem>>, vector<1x1x2048xf32>,
    return
  }
  func.func @transform_0(%arg0: i32) -> (i32, i32, i32) {
    %c0_i32 = arith.constant 0 : i32
    %c0_i32_0 = arith.constant 0 : i32
    %c0_i32_1 = arith.constant 0 : i32
    return %arg0, %c0_i32, %c0_i32_0 : i32, i32, i32
  }
  func.func @transform_1(%arg0: i32) -> (i32, i32, i32) {
    %c0_i32 = arith.constant 0 : i32
    %c0_i32_0 = arith.constant 0 : i32
    %c0_i32_1 = arith.constant 0 : i32
    return %arg0, %c0_i32, %c0_i32_0 : i32, i32, i32
  }
  func.func @transform_2(%arg0: i32) -> (i32, i32, i32) {
    %c0_i32 = arith.constant 0 : i32
    %c0_i32_0 = arith.constant 0 : i32
    %c0_i32_1 = arith.constant 0 : i32
    return %arg0, %c0_i32, %c0_i32_0 : i32, i32, i32
  }
  func.func @transform_3(%arg0: i32) -> (i32, i32, i32) {
    %c0_i32 = arith.constant 0 : i32
    %c0_i32_0 = arith.constant 0 : i32
    %c0_i32_1 = arith.constant 0 : i32
    return %arg0, %c0_i32, %c0_i32_0 : i32, i32, i32
  }
  func.func @transform_4(%arg0: i32) -> (i32, i32, i32) {
    %c0_i32 = arith.constant 0 : i32
    %c0_i32_0 = arith.constant 0 : i32
    %c0_i32_1 = arith.constant 0 : i32
    return %arg0, %c0_i32, %c0_i32_0 : i32, i32, i32
  }
  func.func @transform_5(%arg0: i32) -> (i32, i32, i32) {
    %c0_i32 = arith.constant 0 : i32
    %c0_i32_0 = arith.constant 0 : i32
    %c0_i32_1 = arith.constant 0 : i32
    return %arg0, %c0_i32, %c0_i32_0 : i32, i32, i32
  }
  func.func @transform_6(%arg0: i32) -> (i32, i32, i32) {
    %c0_i32 = arith.constant 0 : i32
    %c0_i32_0 = arith.constant 0 : i32
    %c0_i32_1 = arith.constant 0 : i32
    return %arg0, %c0_i32, %c0_i32_0 : i32, i32, i32
  }
  func.func @transform_7(%arg0: i32) -> (i32, i32, i32) {
    %c0_i32 = arith.constant 0 : i32
    %c0_i32_0 = arith.constant 0 : i32
    %c0_i32_1 = arith.constant 0 : i32
    return %arg0, %c0_i32, %c0_i32_0 : i32, i32, i32
  }
  func.func @transform_8(%arg0: i32) -> (i32, i32, i32) {
    %c0_i32 = arith.constant 0 : i32
    %c0_i32_0 = arith.constant 0 : i32
    %c0_i32_1 = arith.constant 0 : i32
    return %arg0, %c0_i32, %c0_i32_0 : i32, i32, i32
  }
  func.func @transform_9(%arg0: i32) -> (i32, i32, i32) {
    %c0_i32 = arith.constant 0 : i32
    %c0_i32_0 = arith.constant 0 : i32
    %c0_i32_1 = arith.constant 0 : i32
    return %arg0, %c0_i32, %c0_i32_0 : i32, i32, i32
  }
  func.func @transform_10(%arg0: i32) -> (i32, i32, i32) {
    %c0_i32 = arith.constant 0 : i32
    %c0_i32_0 = arith.constant 0 : i32
    %c0_i32_1 = arith.constant 0 : i32
    return %arg0, %c0_i32, %c0_i32_0 : i32, i32, i32
  }
  func.func @transform_11(%arg0: i32) -> (i32, i32, i32) {
    %c0_i32 = arith.constant 0 : i32
    %c0_i32_0 = arith.constant 0 : i32
    %c0_i32_1 = arith.constant 0 : i32
    return %arg0, %c0_i32, %c0_i32_0 : i32, i32, i32
  }
  func.func @transform_12(%arg0: i32) -> (i32, i32, i32) {
    %c0_i32 = arith.constant 0 : i32
    %c0_i32_0 = arith.constant 0 : i32
    %c0_i32_1 = arith.constant 0 : i32
    return %arg0, %c0_i32, %c0_i32_0 : i32, i32, i32
  }
  func.func @transform_13(%arg0: i32) -> (i32, i32, i32) {
    %c0_i32 = arith.constant 0 : i32
    %c0_i32_0 = arith.constant 0 : i32
    %c0_i32_1 = arith.constant 0 : i32
    return %arg0, %c0_i32, %c0_i32_0 : i32, i32, i32
  }
}

</mosaic_0001>

<sc_bundles>
// kernel: kernel.4.cloned.1.call-start
scs
__scs_entry_jumppad:
0x0: {  	(pc) =	sbr.rel $0x88, $3  }
0x1: {  	(tag) =	ssettag $0x0;
	lr =	simm.s32 $0x1  }
0x2: {  	[smem:$0x3F99] =	sst lr;
	_ =	strace $0xD0000000  }
0x3: {  	_ = 	snop  }
0x4: {  	_ = 	snop  }
0x5: {  	_ = 	snop  }
0x6: {  	_ = 	snop  }
0x7: {  	_ = 	snop  }
__scs_overlays_trampoline_lowered:
0x8: {  	[smem:$0x3FA8] =	sst s0  }
0x9: {  	[smem:$0x3FA9] =	sst s1  }
0xa: {  	[smem:$0x3FAA] =	sst s2  }
0xb: {  	[smem:$0x3FAB] =	sst s3  }
0xc: {  	[smem:$0x3FAC] =	sst s4  }
0xd: {  	[smem:$0x3FAD] =	sst s5  }
0xe: {  	[smem:$0x3FAE] =	sst s6  }
0xf: {  	[smem:$0x3FAF] =	sst s7  }
0x10: {  	[smem:$0x3FB0] =	sst s8  }
0x11: {  	[smem:$0x3FB1] =	sst s9;
	s0 =	simm.s32 @!p0 $0x0  }
0x12: {  	s1 =	sld [smem:$0x3F97];
	s0 =	simm.s32 @p0 $0x1  }
0x13: {  	[smem:$0x3FB2] =	sst s0;
	s0 =	simm.s32 @!p1 $0x0  }
0x14: {  	s2 =	sld [smem:$0x3F96];
	s0 =	simm.s32 @p1 $0x1  }
0x15: {  	[smem:$0x3FB3] =	sst s0;
	s0 =	simm.s32 @!p2 $0x0  }
0x16: {  	s3 =	sld [smem:$0x3FDB];
	s0 =	simm.s32 @p2 $0x1  }
0x17: {  	s4 =	simm.s32 $0x1BF5;
	[smem:$0x3FB5] =	sst s0  }
0x18: {  	s0 =	sld [smem:$0x3F98];
	_ =	swait.ge [sflag:s4], $0x0  }
0x19: {  	s7 =	sld [smem:$0x3F99]  }
0x1a: {  	s8 =	sadd.s32 $0xFFFFE003, lr  }
0x1b: {  	s9 =	sadd.s32 $0xFFFFFEF7, lr;
	s5 =	simm.s32 $0xFFFFFFFF;
	p2 =	slt.u32 s8, $0xFFFFF086  }
0x1c: {  	p1 =	slt.u32 s9, $0xF7A;
	s5 =	simm.s32 @!p2 $0x0  }
0x1d: {  	s5 =	simm.s32 @p1 $0x1;
	p0 =	seq.s32 s7, s2  }
0x1e: {  	s7 =	smul.u32 @!p0 $0xF7A, s2;
	p2 =	seq.s32 @!p0 s5, $0x0  }
0x1f: {  	s9 =	smul.u32 $0xF7A, s1;
	s8 =	simm.s32 @!p0 $0x1BF5;
	p2 =	por !p2, p0  }
0x20: {  	[sflag:s8] =	ssyncset.s32 @!p0 $0xFFFFF086;
	s6 =	sadd.s32 @!p0 s3, s7;
	s7 =	simm.s32 @!p0 $0x108  }
0x21: {  	s3 =	sadd.s32 s3, s9;
	s6 =	sadd.s32 @!p0 $0x88, s6;
	s7 =	simm.s32 @p2 $0x1082  }
0x22: {  	[simem:s7], [sflag:s8] =	dma.local @!p0 [hbm:s6], $0xF7A  }
0x23: {  	s9 =	sor.u32 $0xD0000000, s2;
	s6 =	simm.s32 $0x108;
	_ =	swait.ge @!p0 [sflag:s8], $0x0  }
0x24: {  	s3 =	sadd.s32 $0x88, s3;
	s6 =	simm.s32 @!p1 $0x1082;
	[sflag:s4] =	ssyncset.s32 $0xFFFFF086  }
0x25: {  	[simem:s6], [sflag:s4] =	dma.local [hbm:s3], $0xF7A  }
0x26: {  	[smem:$0x3F99] =	sst s1;
	(tag) =	ssettag s2;
	_ =	strace s9  }
0x27: {  	s1 =	sld [smem:$0x3FA9]  }
0x28: {  	s2 =	sld [smem:$0x3FAA]  }
0x29: {  	s4 =	sld [smem:$0x3FAC]  }
0x2a: {  	p0 =	seq.s32 s5, $0x0;
	s5 =	sld [smem:$0x3FAD]  }
0x2b: {  	s6 =	sld [smem:$0x3FAE]  }
0x2c: {  	s7 =	sld [smem:$0x3FAF]  }
0x2d: {  	s3 =	simm.s32 $0x108;
	s8 =	sld [smem:$0x3FB0]  }
0x2e: {  	s3 =	simm.s32 @!p0 $0x1082;
	s9 =	sld [smem:$0x3FB1]  }
0x2f: {  	lr =	sadd.s32 s0, s3;
	s0 =	sld [smem:$0x3FA8]  }
0x30: {  	s3 =	sld [smem:$0x3FAB]  }
0x31: {  	[smem:$0x3FB4] =	sst s10  }
0x32: {  	s10 =	sld [smem:$0x3FB2];
	_ =	sdelay $0x3  }
0x33: {  	p0 =	seq.s32 s10, $0x1;
	s10 =	sld [smem:$0x3FB4];
	_ =	sdelay $0x3  }
0x34: {  	[smem:$0x3FB4] =	sst s10  }
0x35: {  	s10 =	sld [smem:$0x3FB3];
	_ =	sdelay $0x3  }
0x36: {  	p1 =	seq.s32 s10, $0x1;
	s10 =	sld [smem:$0x3FB4];
	_ =	sdelay $0x3  }
0x37: {  	[smem:$0x3FB4] =	sst s10  }
0x38: {  	s10 =	sld [smem:$0x3FB5]  }
0x39: {  	_ = 	snop;
	(pc) =	sbr.ind lr, $3  }
0x3a: {  	_ = 	snop  }
0x3b: {  	_ = 	snop  }
0x3c: {  	p2 =	seq.s32 s10, $0x1;
	s10 =	sld [smem:$0x3FB4]  }
0x3d: {  	_ =	shalt  }
0x3e: {  	_ =	shalt  }
0x3f: {  	_ =	shalt  }
0x40: {  	_ =	shalt  }
0x41: {  	_ =	shalt  }
0x42: {  	_ =	shalt  }
0x43: {  	_ =	shalt  }
0x44: {  	_ =	shalt  }
0x45: {  	_ =	shalt  }
0x46: {  	_ =	shalt  }
0x47: {  	_ =	shalt  }
0x48: {  	_ =	shalt  }
0x49: {  	_ =	shalt  }
0x4a: {  	_ =	shalt  }
0x4b: {  	_ =	shalt  }
0x4c: {  	_ =	shalt  }
0x4d: {  	_ =	shalt  }
0x4e: {  	_ =	shalt  }
0x4f: {  	_ =	shalt  }
0x50: {  	_ =	shalt  }
0x51: {  	_ =	shalt  }
0x52: {  	_ =	shalt  }
0x53: {  	_ =	shalt  }
0x54: {  	_ =	shalt  }
0x55: {  	_ =	shalt  }
0x56: {  	_ =	shalt  }
0x57: {  	_ =	shalt  }
0x58: {  	_ =	shalt  }
0x59: {  	_ =	shalt  }
0x5a: {  	_ =	shalt  }
0x5b: {  	_ =	shalt  }
0x5c: {  	_ =	shalt  }
0x5d: {  	_ =	shalt  }
0x5e: {  	_ =	shalt  }
0x5f: {  	_ =	shalt  }
0x60: {  	_ =	shalt  }
0x61: {  	_ =	shalt  }
0x62: {  	_ =	shalt  }
0x63: {  	_ =	shalt  }
0x64: {  	_ =	shalt  }
0x65: {  	_ =	shalt  }
0x66: {  	_ =	shalt  }
0x67: {  	_ =	shalt  }
0x68: {  	_ =	shalt  }
0x69: {  	_ =	shalt  }
0x6a: {  	_ =	shalt  }
0x6b: {  	_ =	shalt  }
0x6c: {  	_ =	shalt  }
0x6d: {  	_ =	shalt  }
0x6e: {  	_ =	shalt  }
0x6f: {  	_ =	shalt  }
0x70: {  	_ =	shalt  }
0x71: {  	_ =	shalt  }
0x72: {  	_ =	shalt  }
0x73: {  	_ =	shalt  }
0x74: {  	_ =	shalt  }
0x75: {  	_ =	shalt  }
0x76: {  	_ =	shalt  }
0x77: {  	_ =	shalt  }
0x78: {  	_ =	shalt  }
0x79: {  	_ =	shalt  }
0x7a: {  	_ =	shalt  }
0x7b: {  	_ =	shalt  }
0x7c: {  	_ =	shalt  }
0x7d: {  	_ =	shalt  }
0x7e: {  	_ =	shalt  }
0x7f: {  	_ =	shalt  }
0x80: {  	_ =	shalt  }
0x81: {  	_ =	shalt  }
0x82: {  	_ =	shalt  }
0x83: {  	_ =	shalt  }
0x84: {  	_ =	shalt  }
0x85: {  	_ =	shalt  }
0x86: {  	_ =	shalt  }
0x87: {  	_ =	shalt  }
.Lfunc_end0:
.L_simem_size_0:
called_computation_lowered:
.L_overlay_start_0:
0x88: {  	s2 =	sld [smem:$0x3FD9]  }
0x89: {  	s3 =	sld [smem:$0x3FFE];
	_ =	sdelay $0x1  }
0x8a: {  	s1 =	srdreg.scid  }
0x8b: {  	s0 =	sand.u32 $0x1, s1  }
0x8c: {  	s14 =	sshll.u32 s0, $0xA;
	s2 =	sadd.s32 s3, s2  }
0x8d: {  	s2 =	sadd.s32 s2, s14  }
0x8e: {  	[smem:$0x3FC0] =	sst s2  }
0x8f: {  	_ = 	snop  }
0x90: {  	s2 =	sld [smem:$0x3FD0];
	_ =	sdelay $0x2  }
0x91: {  	s15 =	simm.s32 $0xA;
	s4 =	simm.s32 $0x10  }
0x92: {  	[smem:s4], [sflag:s15] =	dma.local [hbm:s2], $0x1  }
0x93: {  	_ =	swait.eq [sflag:s15], $0x1  }
0x94: {  	[sflag:s15] =	ssyncset.done $0x0  }
0x95: {  	s16 =	sld [smem:$0x10];
	[sflag:s15] =	ssyncadd.s32 $0xFFFFFFFF  }
0x96: {  	s17 =	sld [smem:$0x11];
	(tm) =	ssettm $0x1  }
0x97: {  	s18 =	sld [smem:$0x3FFB];
	_ =	sdelay $0x3  }
0x98: {  	_ =	strace s18  }
0x99: {  	s4 =	sld [smem:$0x3FFC];
	_ =	sdelay $0x3  }
0x9a: {  	_ =	strace s4  }
0x9b: {  	s4 =	sld [smem:$0x3FFD];
	_ =	sdelay $0x3  }
0x9c: {  	_ =	strace s4  }
0x9d: {  	_ =	strace $0x8FFFFFFF  }
0x9e: {  	s19 =	sld [smem:$0x3FDB];
	_ =	sdelay $0x1  }
0x9f: {  	s5 =	simm.s32 $_scs_section_size  }
0xa0: {  	s6 =	simm.s32 $_size__tile_overlayer_lowered;
	s7 =	simm.s32 $_tile_overlayer_lowered  }
0xa1: {  	s22 =	simm.s32 $0x1BFF;
	s21 =	sshll.u32 s7, $0x1;
	s4 =	sadd.s32 s5, s19  }
0xa2: {  	s8 =	simm.s32 $0x0;
	s20 =	sshll.u32 s6, $0x1;
	s6 =	sadd.s32 s21, s4  }
0xa3: {  	[timem:s8], [sflag:s22] =	dma.local [hbm:s6], s20  }
0xa4: {  	_ =	swait.ge [sflag:s22], s20  }
0xa5: {  	s5 =	ssub.s32 $0x0, s20;
	[sflag:s22] =	ssyncset.done $0x0  }
0xa6: {  	[sflag:s22] =	ssyncadd.s32 s5;
	_ =	sdelay $0x1  }
0xa7: {  	s23 =	simm.s32 $0x1B8B  }
0xa8: {  	_ =	swait.ge [sflag:s23], $0x1  }
0xa9: {  	[sflag:s23] =	ssyncset.done $0x0  }
0xaa: {  	s25 =	simm.s32 $0x1B8E;
	s24 =	sld [smem:$0x3FFE];
	[sflag:s23] =	ssyncadd.s32 $0xFFFFFFFF  }
0xab: {  	s26 =	simm.s32 $execute0_lowered;
	[smem:$0x3FD2] =	sst s25  }
0xac: {  	s6 =	sshll.u32 s26, $0x1;
	_ =	strace $0x80000046;
	[dreg:$0x1] =	wrdreg $0xFFFFFFFF  }
0xad: {  	s28 =	simm.s32 $_size_execute0_lowered;
	s4 =	sadd.s32 s4, s6;
	[dreg:$0x0] =	wrdreg $0x0  }
0xae: {  	s6 =	sshll.u32 s28, $0x1;
	[dreg:$0x2] =	wrdreg s4  }
0xaf: {  	[dreg:$0x3] =	wrdreg s6  }
0xb0: {  	[dreg:$0x4] =	wrdreg $0xC0  }
0xb1: {  	_ =	task [dreg:s8], $0x5FFFF  }
0xb2: {  	[dreg:$0x1] =	wrdreg $0xFFFFFFFF  }
0xb3: {  	[dreg:$0x0] =	wrdreg $0x60  }
0xb4: {  	[dreg:$0x2] =	wrdreg s24  }
0xb5: {  	[dreg:$0x3] =	wrdreg s16  }
0xb6: {  	[dreg:$0x4] =	wrdreg s17  }
0xb7: {  	[dreg:$0x5] =	wrdreg $0x9  }
0xb8: {  	_ =	task.clear_ibuf [dreg:s8], $0x6FFFF;
	_ =	strace $0x90000046  }
0xb9: {  	s29 =	simm.s32 $0x9;
	_ =	strace $0x80000048  }
0xba: {  	_ =	swait.ge [sflag:s29], $0x1  }
0xbb: {  	[sflag:s29] =	ssyncadd.s32 $0xFFFFFFFF  }
0xbc: {  	_ =	strace $0x90000048  }
0xbd: {  	_ =	sfence  }
0xbe: {  	s30 =	sld [smem:$0x0];
	_ =	sdelay $0x2  }
0xbf: {  	s31 =	sshll.u32 s1, $0xD;
	s1 =	sshrl.u32 s1, $0x2  }
0xc0: {  	s3 =	sand.u32 $0x4000, s31;
	s1 =	sadd.s32 s1, s30  }
0xc1: {  	s0 =	sor.u32 s3, s0;
	s1 =	sshll.u32 s1, $0x11  }
0xc2: {  	s0 =	sor.u32 s1, s0  }
0xc3: {  	s0 =	sadd.s32 $0x8F2B, s0  }
0xc4: {  	[sflag:s0] =	ssyncadd.remote.s32 $0x1  }
0xc5: {  	_ =	sfence.sel $0xFFFF  }
0xc6: {  	[dreg:$0x0] =	wrdreg $0xFFFFFFFF;
	(pc) =	sbr.abs _section_cstart, $3  }
0xc7: {  	[dreg:$0x1] =	wrdreg $0xFFFFFFFF  }
0xc8: {  	_ =	task.clear_ibuf [dreg:s8], $0x2FFFF;
	_ =	strace $0x9FFFFFFF  }
0xc9: {  	(tm) =	ssettm $0x7FFFFFFF  }
tec
execute0_lowered:
.L_overlay_start_1:
0x0: {  	(tag) =	ssettag $0x1  }
0x1: {  	s5 =	rddreg [dreg:$0x0]  }
0x2: {  	s12 =	rddreg [dreg:$0x1]  }
0x3: {  	s19 =	rddreg [dreg:$0x2]  }
0x4: {  	s0 =	rddreg [dreg:$0x3];
	s1 =	simm.s32 $0x0  }
0x5: {  	s4 =	srdreg.scid;
	s2 =	stileid.u32;
	s23 =	simm.s32 $0x100  }
0x6: {  	s24 =	simm.s32 $0x300;
	s25 =	simm.s32 $0x80;
	s26 =	simm.s32 $0x1  }
0x7: {  	s28 =	simm.s32 $0x700;
	[smem:$0x7FF] =	sst s1;
	s3 =	sadd.s32 $0x1600, s5  }
0x8: {  	s6 =	sand.u32 $0x1, s4;
	s4 =	sadd.s32 $0x2E00, s5;
	s7 =	sshll.u32 s2, $0x7  }
0x9: {  	s11 =	sadd.s32 $0x1E00, s5;
	s8 =	sshll.u32 s6, $0x6;
	s6 =	ssub.s32 $0x2, s6  }
0xa: {  	s18 =	sadd.s32 $0x2600, s5;
	s20 =	sor.u32 s8, s7;
	s31 =	sshrl.u32 s6, $0x1  }
0xb: {  	_ =	strace $0x80000047;
	s14 =	sadd.s32 s20, s5;
	s21 =	ssub.s32 s6, s31  }
0xc: {  	s6 =	sadd.s32 s3, s20;
	s8 =	sadd.s32 s11, s20;
	s16 =	sor.u32 $0x10, s20  }
0xd: {  	s17 =	sor.u32 $0x20, s20;
	s22 =	sor.u32 $0x30, s20;
	s12 =	sadd.s32 s12, s20  }
0xe: {  	s13 =	sadd.s32 s4, s20;
	s15 =	sadd.s32 s18, s20;
	s19 =	sadd.s32 s19, s20  }
0xf: {  	s5 =	sadd.s32 $0xE00, s14;
	s7 =	sadd.s32 $0x3600, s14;
	s9 =	sadd.s32 s11, s16  }
0x10: {  	s10 =	sadd.s32 s11, s17;
	s11 =	sadd.s32 s11, s22;
	s14 =	sadd.s32 $0x3E00, s14  }
0x11: {  	s16 =	sadd.s32 s18, s16;
	s17 =	sadd.s32 s18, s17;
	s18 =	sadd.s32 s18, s22  }
0x12: {  	s20 =	smax.u32 s21, $0x1;
	s21 =	simm.s32 $0x500;
	s22 =	simm.s32 $0x2  }
.LBB2_1:
0x13: {  	[tilespmem:s21], [sflag:$0x2] =	stream.linear.gather [hbm4b:s5+s1], $0x200, $0x38;
	[tilespmem:$0x900] =	vst v63  }
0x14: {  	_ =	swait.ge [sflag:s22], $0x200  }
0x15: {  	[sflag:s22] =	ssyncset.done $0x0  }
0x16: {  	[sflag:s22] =	ssyncadd.s32 $0xFFFFFE00  }
0x17: {  	[tilespmem:s23], [sflag:$0x2] =	stream.linear.gather [hbm4b:s6+s1], $0x200, $0x38;
	[tilespmem:$0x900] =	vst v63  }
0x18: {  	_ =	swait.ge [sflag:s22], $0x200  }
0x19: {  	[sflag:s22] =	ssyncset.done $0x0  }
0x1a: {  	[sflag:s22] =	ssyncadd.s32 $0xFFFFFE00  }
0x1b: {  	[tilespmem:s24], [sflag:$0x2] =	stream.linear.gather [hbm4b:s7+s1], $0x200, $0x38;
	[tilespmem:$0x900] =	vst v63  }
0x1c: {  	_ =	swait.ge [sflag:s22], $0x200  }
0x1d: {  	[sflag:s22] =	ssyncset.done $0x0  }
0x1e: {  	[sflag:s22] =	ssyncadd.s32 $0xFFFFFE00  }
0x1f: {  	[tilespmem:s1], [sflag:$0x2] =	stream.linear.gather [hbm4b:s8+s1], $0x80, $0x38;
	[tilespmem:$0x900] =	vst v63  }
0x20: {  	_ =	swait.ge [sflag:s22], $0x80  }
0x21: {  	[sflag:s22] =	ssyncset.done $0x0  }
0x22: {  	[sflag:s22] =	ssyncadd.s32 $0xFFFFFF80  }
0x23: {  	[tilespmem:s25], [sflag:$0x1] =	stream.indirect.gather [hbm4b:s4+s25], $0x1, s1, s25, $0xb8;
	[tilespmem:$0x900] =	vst v63  }
0x24: {  	_ =	swait.ge [sflag:s26], $0x80  }
0x25: {  	[sflag:s26] =	ssyncset.done $0x0  }
0x26: {  	[sflag:s26] =	ssyncadd.s32 $0xFFFFFF80  }
0x27: {  	v0 =	vld [tilespmem:$0x100]  }
0x28: {  	v1 =	vld [tilespmem:$0x80];
	_ =	sdelay $0x1  }
0x29: {  	v2 =	vld [tilespmem:$0x500];
	_ =	sdelay $0x2  }
0x2a: {  	v0 =	vsub.f32 v0, v1;
	_ =	sdelay $0x1  }
0x2b: {  	v1 =	vmul.f32 v0, v2;
	_ =	sdelay $0x1  }
0x2c: {  	v0 =	vmul.f32 v1, v0;
	_ =	sdelay $0x1  }
0x2d: {  	v0 =	vadd.f32 $-9.000000000e+00, v0  }
0x2e: {  	v22 =	vld [tilespmem:$0x110]  }
0x2f: {  	v23 =	vld [tilespmem:$0x90];
	v0 =	vmul.f32 $1.442695020e+00, v0;
	_ =	sdelay $0x1  }
0x30: {  	v24 =	vld [tilespmem:$0x510];
	(erf) = vpow2.f32 v0;
	_ =	sdelay $0x2  }
0x31: {  	v1 =	vsub.f32 v22, v23;
	_ =	sdelay $0x1  }
0x32: {  	v0 =	vmul.f32 v1, v24;
	_ =	sdelay $0x1  }
0x33: {  	v0 =	vmul.f32 v0, v1;
	_ =	sdelay $0x1  }
0x34: {  	v0 =	vadd.f32 $-9.000000000e+00, v0;
	v25 =	vpop (erf)  }
0x35: {  	v26 =	vld [tilespmem:$0x120];
	v1 =	vadd.f32 $1.000000000e+00, v25  }
0x36: {  	v3 =	vld [tilespmem:$0xA0];
	v0 =	vmul.f32 $1.442695020e+00, v0  }
0x37: {  	(erf) = vrcp.f32 v1  }
0x38: {  	v27 =	vld [tilespmem:$0x520];
	(erf) = vpow2.f32 v0;
	_ =	sdelay $0x2  }
0x39: {  	v28 =	vsub.f32 v26, v3;
	_ =	sdelay $0x1  }
0x3a: {  	v0 =	vmul.f32 v28, v27;
	_ =	sdelay $0x1  }
0x3b: {  	v0 =	vmul.f32 v0, v28  }
0x3c: {  	v29 =	vpop (erf)  }
0x3d: {  	v0 =	vadd.f32 $-9.000000000e+00, v0;
	v30 =	vpop (erf)  }
0x3e: {  	v31 =	vld [tilespmem:$0x130];
	v2 =	vadd.f32 $1.000000000e+00, v30  }
0x3f: {  	v4 =	vld [tilespmem:$0xB0];
	v0 =	vmul.f32 $1.442695020e+00, v0  }
0x40: {  	(erf) = vrcp.f32 v2  }
0x41: {  	v32 =	vld [tilespmem:$0x530];
	(erf) = vpow2.f32 v0;
	_ =	sdelay $0x2  }
0x42: {  	v33 =	vsub.f32 v31, v4;
	_ =	sdelay $0x1  }
0x43: {  	v0 =	vmul.f32 v33, v32;
	_ =	sdelay $0x1  }
0x44: {  	v0 =	vmul.f32 v0, v33  }
0x45: {  	v34 =	vpop (erf)  }
0x46: {  	v0 =	vadd.f32 $-9.000000000e+00, v0;
	v35 =	vpop (erf)  }
0x47: {  	v36 =	vld [tilespmem:$0x140];
	v3 =	vadd.f32 $1.000000000e+00, v35  }
0x48: {  	v5 =	vld [tilespmem:$0xC0];
	v0 =	vmul.f32 $1.442695020e+00, v0  }
0x49: {  	(erf) = vrcp.f32 v3  }
0x4a: {  	v37 =	vld [tilespmem:$0x540];
	(erf) = vpow2.f32 v0;
	_ =	sdelay $0x2  }
0x4b: {  	v38 =	vsub.f32 v36, v5;
	_ =	sdelay $0x1  }
0x4c: {  	v0 =	vmul.f32 v38, v37;
	_ =	sdelay $0x1  }
0x4d: {  	v0 =	vmul.f32 v0, v38  }
0x4e: {  	v39 =	vpop (erf)  }
0x4f: {  	v0 =	vadd.f32 $-9.000000000e+00, v0;
	v40 =	vpop (erf)  }
0x50: {  	v41 =	vld [tilespmem:$0x150];
	v4 =	vadd.f32 $1.000000000e+00, v40  }
0x51: {  	v6 =	vld [tilespmem:$0xD0];
	v0 =	vmul.f32 $1.442695020e+00, v0  }
0x52: {  	(erf) = vrcp.f32 v4  }
0x53: {  	v42 =	vld [tilespmem:$0x550];
	(erf) = vpow2.f32 v0;
	_ =	sdelay $0x2  }
0x54: {  	v43 =	vsub.f32 v41, v6;
	_ =	sdelay $0x1  }
0x55: {  	v0 =	vmul.f32 v43, v42;
	_ =	sdelay $0x1  }
0x56: {  	v0 =	vmul.f32 v0, v43  }
0x57: {  	v44 =	vpop (erf)  }
0x58: {  	v0 =	vadd.f32 $-9.000000000e+00, v0;
	v45 =	vpop (erf)  }
0x59: {  	v46 =	vld [tilespmem:$0x160];
	v5 =	vadd.f32 $1.000000000e+00, v45  }
0x5a: {  	v7 =	vld [tilespmem:$0xE0];
	v0 =	vmul.f32 $1.442695020e+00, v0  }
0x5b: {  	(erf) = vrcp.f32 v5  }
0x5c: {  	v47 =	vld [tilespmem:$0x560];
	(erf) = vpow2.f32 v0;
	_ =	sdelay $0x2  }
0x5d: {  	v48 =	vsub.f32 v46, v7;
	_ =	sdelay $0x1  }
0x5e: {  	v0 =	vmul.f32 v48, v47;
	_ =	sdelay $0x1  }
0x5f: {  	v0 =	vmul.f32 v0, v48  }
0x60: {  	v49 =	vpop (erf)  }
0x61: {  	v0 =	vadd.f32 $-9.000000000e+00, v0;
	v50 =	vpop (erf)  }
0x62: {  	v51 =	vld [tilespmem:$0x170];
	v6 =	vadd.f32 $1.000000000e+00, v50  }
0x63: {  	v8 =	vld [tilespmem:$0xF0];
	v0 =	vmul.f32 $1.442695020e+00, v0  }
0x64: {  	(erf) = vrcp.f32 v6  }
0x65: {  	v52 =	vld [tilespmem:$0x570];
	(erf) = vpow2.f32 v0;
	_ =	sdelay $0x2  }
0x66: {  	v53 =	vsub.f32 v51, v8;
	_ =	sdelay $0x1  }
0x67: {  	v0 =	vmul.f32 v53, v52;
	_ =	sdelay $0x1  }
0x68: {  	v0 =	vmul.f32 v0, v53  }
0x69: {  	v54 =	vpop (erf)  }
0x6a: {  	v0 =	vadd.f32 $-9.000000000e+00, v0;
	v55 =	vpop (erf)  }
0x6b: {  	v7 =	vadd.f32 $1.000000000e+00, v55  }
0x6c: {  	v0 =	vmul.f32 $1.442695020e+00, v0  }
0x6d: {  	(erf) = vrcp.f32 v7  }
0x6e: {  	(erf) = vpow2.f32 v0;
	_ =	sdelay $0x7  }
0x6f: {  	v56 =	vpop (erf)  }
0x70: {  	v57 =	vpop (erf)  }
0x71: {  	v58 =	vld [tilespmem:$0x300];
	v7 =	vadd.f32 $1.000000000e+00, v57  }
0x72: {  	v9 =	vld [tilespmem:$0x310]  }
0x73: {  	v10 =	vld [tilespmem:$0x320];
	(erf) = vrcp.f32 v7  }
0x74: {  	v59 =	vld [tilespmem:$0x330]  }
0x75: {  	v60 =	vld [tilespmem:$0x350]  }
0x76: {  	v61 =	vld [tilespmem:$0x360];
	v1 =	vmul.f32 v29, v58  }
0x77: {  	v11 =	vld [tilespmem:$0x340];
	v2 =	vmul.f32 v34, v9  }
0x78: {  	v63 =	vld [tilespmem:$0x370];
	[tilespmem:$0x700] =	vst v1;
	v62 =	vmul.f32 v39, v10  }
0x79: {  	[tilespmem:$0x710] =	vst v2;
	v4 =	vmul.f32 v44, v59  }
0x7a: {  	[tilespmem:$0x720] =	vst v62;
	v10 =	vmul.f32 v54, v60  }
0x7b: {  	[tilespmem:$0x730] =	vst v4;
	v0 =	vmul.f32 v56, v61  }
0x7c: {  	[tilespmem:$0x750] =	vst v10;
	v7 =	vmul.f32 v49, v11;
	v11 =	vpop (erf)  }
0x7d: {  	[tilespmem:$0x760] =	vst v0;
	v1 =	vmul.f32 v11, v63  }
0x7e: {  	[tilespmem:$0x740] =	vst v7  }
0x7f: {  	[tilespmem:$0x770] =	vst v1  }
0x80: {  	[tilespmem:s1], [sflag:$0x2] =	stream.linear.gather [hbm4b:s9+s1], $0x80, $0x38;
	[tilespmem:$0x900] =	vst v63  }
0x81: {  	_ =	swait.ge [sflag:s22], $0x80  }
0x82: {  	[sflag:s22] =	ssyncset.done $0x0  }
0x83: {  	[sflag:s22] =	ssyncadd.s32 $0xFFFFFF80  }
0x84: {  	[tilespmem:s25], [sflag:$0x1] =	stream.indirect.gather [hbm4b:s4+s25], $0x1, s1, s25, $0xb8;
	[tilespmem:$0x900] =	vst v63  }
0x85: {  	_ =	swait.ge [sflag:s26], $0x80  }
0x86: {  	[sflag:s26] =	ssyncset.done $0x0  }
0x87: {  	[sflag:s26] =	ssyncadd.s32 $0xFFFFFF80  }
0x88: {  	v12 =	vld [tilespmem:$0x180]  }
0x89: {  	v13 =	vld [tilespmem:$0x80];
	_ =	sdelay $0x1  }
0x8a: {  	v14 =	vld [tilespmem:$0x580];
	_ =	sdelay $0x2  }
0x8b: {  	v0 =	vsub.f32 v12, v13;
	_ =	sdelay $0x1  }
0x8c: {  	v1 =	vmul.f32 v0, v14;
	_ =	sdelay $0x1  }
0x8d: {  	v0 =	vmul.f32 v1, v0;
	_ =	sdelay $0x1  }
0x8e: {  	v0 =	vadd.f32 $-9.000000000e+00, v0  }
0x8f: {  	v15 =	vld [tilespmem:$0x190]  }
0x90: {  	v16 =	vld [tilespmem:$0x90];
	v0 =	vmul.f32 $1.442695020e+00, v0;
	_ =	sdelay $0x1  }
0x91: {  	v17 =	vld [tilespmem:$0x590];
	(erf) = vpow2.f32 v0;
	_ =	sdelay $0x2  }
0x92: {  	v1 =	vsub.f32 v15, v16;
	_ =	sdelay $0x1  }
0x93: {  	v0 =	vmul.f32 v1, v17;
	_ =	sdelay $0x1  }
0x94: {  	v0 =	vmul.f32 v0, v1;
	_ =	sdelay $0x1  }
0x95: {  	v0 =	vadd.f32 $-9.000000000e+00, v0;
	v18 =	vpop (erf)  }
0x96: {  	v19 =	vld [tilespmem:$0x1A0];
	v1 =	vadd.f32 $1.000000000e+00, v18  }
0x97: {  	v20 =	vld [tilespmem:$0xA0];
	v0 =	vmul.f32 $1.442695020e+00, v0  }
0x98: {  	(erf) = vrcp.f32 v1  }
0x99: {  	v21 =	vld [tilespmem:$0x5A0];
	(erf) = vpow2.f32 v0;
	_ =	sdelay $0x2  }
0x9a: {  	v22 =	vsub.f32 v19, v20;
	_ =	sdelay $0x1  }
0x9b: {  	v0 =	vmul.f32 v22, v21;
	_ =	sdelay $0x1  }
0x9c: {  	v0 =	vmul.f32 v0, v22  }
0x9d: {  	v23 =	vpop (erf)  }
0x9e: {  	v0 =	vadd.f32 $-9.000000000e+00, v0;
	v24 =	vpop (erf)  }
0x9f: {  	v25 =	vld [tilespmem:$0x1B0];
	v2 =	vadd.f32 $1.000000000e+00, v24  }
0xa0: {  	v26 =	vld [tilespmem:$0xB0];
	v0 =	vmul.f32 $1.442695020e+00, v0  }
0xa1: {  	(erf) = vrcp.f32 v2  }
0xa2: {  	v27 =	vld [tilespmem:$0x5B0];
	(erf) = vpow2.f32 v0;
	_ =	sdelay $0x2  }
0xa3: {  	v28 =	vsub.f32 v25, v26;
	_ =	sdelay $0x1  }
0xa4: {  	v0 =	vmul.f32 v28, v27;
	_ =	sdelay $0x1  }
0xa5: {  	v0 =	vmul.f32 v0, v28  }
0xa6: {  	v29 =	vpop (erf)  }
0xa7: {  	v0 =	vadd.f32 $-9.000000000e+00, v0;
	v30 =	vpop (erf)  }
0xa8: {  	v31 =	vld [tilespmem:$0x1C0];
	v3 =	vadd.f32 $1.000000000e+00, v30  }
0xa9: {  	v32 =	vld [tilespmem:$0xC0];
	v0 =	vmul.f32 $1.442695020e+00, v0  }
0xaa: {  	(erf) = vrcp.f32 v3  }
0xab: {  	v33 =	vld [tilespmem:$0x5C0];
	(erf) = vpow2.f32 v0;
	_ =	sdelay $0x2  }
0xac: {  	v34 =	vsub.f32 v31, v32;
	_ =	sdelay $0x1  }
0xad: {  	v0 =	vmul.f32 v34, v33;
	_ =	sdelay $0x1  }
0xae: {  	v0 =	vmul.f32 v0, v34  }
0xaf: {  	v35 =	vpop (erf)  }
0xb0: {  	v0 =	vadd.f32 $-9.000000000e+00, v0;
	v36 =	vpop (erf)  }
0xb1: {  	v37 =	vld [tilespmem:$0x1D0];
	v4 =	vadd.f32 $1.000000000e+00, v36  }
0xb2: {  	v38 =	vld [tilespmem:$0xD0];
	v0 =	vmul.f32 $1.442695020e+00, v0  }
0xb3: {  	(erf) = vrcp.f32 v4  }
0xb4: {  	v39 =	vld [tilespmem:$0x5D0];
	(erf) = vpow2.f32 v0;
	_ =	sdelay $0x2  }
0xb5: {  	v40 =	vsub.f32 v37, v38;
	_ =	sdelay $0x1  }
0xb6: {  	v0 =	vmul.f32 v40, v39;
	_ =	sdelay $0x1  }
0xb7: {  	v0 =	vmul.f32 v0, v40  }
0xb8: {  	v41 =	vpop (erf)  }
0xb9: {  	v0 =	vadd.f32 $-9.000000000e+00, v0;
	v42 =	vpop (erf)  }
0xba: {  	v5 =	vadd.f32 $1.000000000e+00, v42  }
0xbb: {  	v0 =	vmul.f32 $1.442695020e+00, v0  }
0xbc: {  	(erf) = vrcp.f32 v5  }
0xbd: {  	(erf) = vpow2.f32 v0;
	_ =	sdelay $0x7  }
0xbe: {  	v43 =	vpop (erf)  }
0xbf: {  	v44 =	vld [tilespmem:$0x380];
	v45 =	vpop (erf)  }
0xc0: {  	v46 =	vld [tilespmem:$0x390];
	v6 =	vadd.f32 $1.000000000e+00, v45  }
0xc1: {  	v47 =	vld [tilespmem:$0x3A0]  }
0xc2: {  	v48 =	vld [tilespmem:$0x3B0];
	(erf) = vrcp.f32 v6  }
0xc3: {  	v49 =	vld [tilespmem:$0x3C0]  }
0xc4: {  	v1 =	vmul.f32 v23, v44  }
0xc5: {  	v2 =	vmul.f32 v29, v46  }
0xc6: {  	[tilespmem:$0x780] =	vst v1;
	v50 =	vmul.f32 v35, v47  }
0xc7: {  	[tilespmem:$0x790] =	vst v2;
	v51 =	vmul.f32 v41, v48  }
0xc8: {  	[tilespmem:$0x7A0] =	vst v50;
	v0 =	vmul.f32 v43, v49  }
0xc9: {  	[tilespmem:$0x7B0] =	vst v51  }
0xca: {  	[tilespmem:$0x7C0] =	vst v0  }
0xcb: {  	v52 =	vld [tilespmem:$0x3D0];
	v1 =	vpop (erf)  }
0xcc: {  	v53 =	vld [tilespmem:$0x1E0]  }
0xcd: {  	v54 =	vld [tilespmem:$0xE0];
	_ =	sdelay $0x1  }
0xce: {  	v55 =	vld [tilespmem:$0x5E0];
	_ =	sdelay $0x2  }
0xcf: {  	v2 =	vsub.f32 v53, v54;
	_ =	sdelay $0x1  }
0xd0: {  	v3 =	vmul.f32 v2, v55;
	_ =	sdelay $0x1  }
0xd1: {  	v2 =	vmul.f32 v3, v2;
	_ =	sdelay $0x1  }
0xd2: {  	v2 =	vadd.f32 $-9.000000000e+00, v2  }
0xd3: {  	v56 =	vld [tilespmem:$0x1F0]  }
0xd4: {  	v57 =	vld [tilespmem:$0xF0];
	v2 =	vmul.f32 $1.442695020e+00, v2;
	_ =	sdelay $0x1  }
0xd5: {  	v58 =	vld [tilespmem:$0x5F0];
	(erf) = vpow2.f32 v2;
	_ =	sdelay $0x2  }
0xd6: {  	v3 =	vsub.f32 v56, v57;
	_ =	sdelay $0x1  }
0xd7: {  	v2 =	vmul.f32 v3, v58;
	_ =	sdelay $0x1  }
0xd8: {  	v2 =	vmul.f32 v2, v3;
	_ =	sdelay $0x1  }
0xd9: {  	v2 =	vadd.f32 $-9.000000000e+00, v2;
	v59 =	vpop (erf)  }
0xda: {  	v3 =	vadd.f32 $1.000000000e+00, v59  }
0xdb: {  	v2 =	vmul.f32 $1.442695020e+00, v2  }
0xdc: {  	(erf) = vrcp.f32 v3  }
0xdd: {  	(erf) = vpow2.f32 v2;
	_ =	sdelay $0x7  }
0xde: {  	v60 =	vpop (erf)  }
0xdf: {  	v61 =	vpop (erf)  }
0xe0: {  	v3 =	vadd.f32 $1.000000000e+00, v61;
	_ =	sdelay $0x1  }
0xe1: {  	(erf) = vrcp.f32 v3;
	_ =	sdelay $0x3  }
0xe2: {  	v62 =	vld [tilespmem:$0x3E0]  }
0xe3: {  	v63 =	vld [tilespmem:$0x3F0];
	_ =	sdelay $0x2  }
0xe4: {  	v0 =	vmul.f32 v1, v52  }
0xe5: {  	v7 =	vmul.f32 v60, v62;
	v8 =	vpop (erf)  }
0xe6: {  	[tilespmem:$0x7D0] =	vst v0;
	v9 =	vmul.f32 v8, v63  }
0xe7: {  	[tilespmem:$0x7E0] =	vst v7  }
0xe8: {  	[tilespmem:$0x7F0] =	vst v9  }
0xe9: {  	[tilespmem:s1], [sflag:$0x2] =	stream.linear.gather [hbm4b:s10+s1], $0x80, $0x38;
	[tilespmem:$0x900] =	vst v63  }
0xea: {  	_ =	swait.ge [sflag:s22], $0x80  }
0xeb: {  	[sflag:s22] =	ssyncset.done $0x0  }
0xec: {  	[sflag:s22] =	ssyncadd.s32 $0xFFFFFF80  }
0xed: {  	[tilespmem:s25], [sflag:$0x1] =	stream.indirect.gather [hbm4b:s4+s25], $0x1, s1, s25, $0xb8;
	[tilespmem:$0x900] =	vst v63  }
0xee: {  	_ =	swait.ge [sflag:s26], $0x80  }
0xef: {  	[sflag:s26] =	ssyncset.done $0x0  }
0xf0: {  	[sflag:s26] =	ssyncadd.s32 $0xFFFFFF80  }
0xf1: {  	v10 =	vld [tilespmem:$0x200]  }
0xf2: {  	v11 =	vld [tilespmem:$0x80];
	_ =	sdelay $0x1  }
0xf3: {  	v12 =	vld [tilespmem:$0x600];
	_ =	sdelay $0x2  }
0xf4: {  	v0 =	vsub.f32 v10, v11;
	_ =	sdelay $0x1  }
0xf5: {  	v1 =	vmul.f32 v0, v12;
	_ =	sdelay $0x1  }
0xf6: {  	v0 =	vmul.f32 v1, v0;
	_ =	sdelay $0x1  }
0xf7: {  	v0 =	vadd.f32 $-9.000000000e+00, v0  }
0xf8: {  	v13 =	vld [tilespmem:$0x210]  }
0xf9: {  	v14 =	vld [tilespmem:$0x90];
	v0 =	vmul.f32 $1.442695020e+00, v0;
	_ =	sdelay $0x1  }
0xfa: {  	v15 =	vld [tilespmem:$0x610];
	(erf) = vpow2.f32 v0;
	_ =	sdelay $0x2  }
0xfb: {  	v1 =	vsub.f32 v13, v14;
	_ =	sdelay $0x1  }
0xfc: {  	v0 =	vmul.f32 v1, v15;
	_ =	sdelay $0x1  }
0xfd: {  	v0 =	vmul.f32 v0, v1;
	_ =	sdelay $0x1  }
0xfe: {  	v0 =	vadd.f32 $-9.000000000e+00, v0;
	v16 =	vpop (erf)  }
0xff: {  	v17 =	vld [tilespmem:$0x220];
	v1 =	vadd.f32 $1.000000000e+00, v16  }
0x100: {  	v18 =	vld [tilespmem:$0xA0];
	v0 =	vmul.f32 $1.442695020e+00, v0  }
0x101: {  	(erf) = vrcp.f32 v1  }
0x102: {  	v19 =	vld [tilespmem:$0x620];
	(erf) = vpow2.f32 v0;
	_ =	sdelay $0x2  }
0x103: {  	v20 =	vsub.f32 v17, v18;
	_ =	sdelay $0x1  }
0x104: {  	v0 =	vmul.f32 v20, v19;
	_ =	sdelay $0x1  }
0x105: {  	v0 =	vmul.f32 v0, v20  }
0x106: {  	v21 =	vpop (erf)  }
0x107: {  	v0 =	vadd.f32 $-9.000000000e+00, v0;
	v22 =	vpop (erf)  }
0x108: {  	v23 =	vld [tilespmem:$0x230];
	v2 =	vadd.f32 $1.000000000e+00, v22  }
0x109: {  	v24 =	vld [tilespmem:$0xB0];
	v0 =	vmul.f32 $1.442695020e+00, v0  }
0x10a: {  	(erf) = vrcp.f32 v2  }
0x10b: {  	v25 =	vld [tilespmem:$0x630];
	(erf) = vpow2.f32 v0;
	_ =	sdelay $0x2  }
0x10c: {  	v26 =	vsub.f32 v23, v24;
	_ =	sdelay $0x1  }
0x10d: {  	v0 =	vmul.f32 v26, v25;
	_ =	sdelay $0x1  }
0x10e: {  	v0 =	vmul.f32 v0, v26  }
0x10f: {  	v27 =	vpop (erf)  }
0x110: {  	v0 =	vadd.f32 $-9.000000000e+00, v0;
	v28 =	vpop (erf)  }
0x111: {  	v29 =	vld [tilespmem:$0x240];
	v3 =	vadd.f32 $1.000000000e+00, v28  }
0x112: {  	v30 =	vld [tilespmem:$0xC0];
	v0 =	vmul.f32 $1.442695020e+00, v0  }
0x113: {  	(erf) = vrcp.f32 v3  }
0x114: {  	v31 =	vld [tilespmem:$0x640];
	(erf) = vpow2.f32 v0;
	_ =	sdelay $0x2  }
0x115: {  	v32 =	vsub.f32 v29, v30;
	_ =	sdelay $0x1  }
0x116: {  	v0 =	vmul.f32 v32, v31;
	_ =	sdelay $0x1  }
0x117: {  	v0 =	vmul.f32 v0, v32  }
0x118: {  	v33 =	vpop (erf)  }
0x119: {  	v0 =	vadd.f32 $-9.000000000e+00, v0;
	v34 =	vpop (erf)  }
0x11a: {  	v35 =	vld [tilespmem:$0x250];
	v4 =	vadd.f32 $1.000000000e+00, v34  }
0x11b: {  	v36 =	vld [tilespmem:$0xD0];
	v0 =	vmul.f32 $1.442695020e+00, v0  }
0x11c: {  	(erf) = vrcp.f32 v4  }
0x11d: {  	v37 =	vld [tilespmem:$0x650];
	(erf) = vpow2.f32 v0;
	_ =	sdelay $0x2  }
0x11e: {  	v38 =	vsub.f32 v35, v36;
	_ =	sdelay $0x1  }
0x11f: {  	v0 =	vmul.f32 v38, v37;
	_ =	sdelay $0x1  }
0x120: {  	v0 =	vmul.f32 v0, v38  }
0x121: {  	v39 =	vpop (erf)  }
0x122: {  	v0 =	vadd.f32 $-9.000000000e+00, v0;
	v40 =	vpop (erf)  }
0x123: {  	v41 =	vld [tilespmem:$0x260];
	v5 =	vadd.f32 $1.000000000e+00, v40  }
0x124: {  	v42 =	vld [tilespmem:$0xE0];
	v0 =	vmul.f32 $1.442695020e+00, v0  }
0x125: {  	(erf) = vrcp.f32 v5  }
0x126: {  	v43 =	vld [tilespmem:$0x660];
	(erf) = vpow2.f32 v0;
	_ =	sdelay $0x2  }
0x127: {  	v44 =	vsub.f32 v41, v42;
	_ =	sdelay $0x1  }
0x128: {  	v0 =	vmul.f32 v44, v43;
	_ =	sdelay $0x1  }
0x129: {  	v0 =	vmul.f32 v0, v44  }
0x12a: {  	v45 =	vpop (erf)  }
0x12b: {  	v0 =	vadd.f32 $-9.000000000e+00, v0;
	v46 =	vpop (erf)  }
0x12c: {  	v47 =	vld [tilespmem:$0x270];
	v6 =	vadd.f32 $1.000000000e+00, v46  }
0x12d: {  	v48 =	vld [tilespmem:$0xF0];
	v0 =	vmul.f32 $1.442695020e+00, v0  }
0x12e: {  	(erf) = vrcp.f32 v6  }
0x12f: {  	v49 =	vld [tilespmem:$0x670];
	(erf) = vpow2.f32 v0;
	_ =	sdelay $0x2  }
0x130: {  	v50 =	vsub.f32 v47, v48;
	_ =	sdelay $0x1  }
0x131: {  	v0 =	vmul.f32 v50, v49;
	_ =	sdelay $0x1  }
0x132: {  	v0 =	vmul.f32 v0, v50  }
0x133: {  	v51 =	vpop (erf)  }
0x134: {  	v0 =	vadd.f32 $-9.000000000e+00, v0;
	v52 =	vpop (erf)  }
0x135: {  	v7 =	vadd.f32 $1.000000000e+00, v52  }
0x136: {  	v0 =	vmul.f32 $1.442695020e+00, v0  }
0x137: {  	(erf) = vrcp.f32 v7  }
0x138: {  	(erf) = vpow2.f32 v0;
	_ =	sdelay $0x7  }
0x139: {  	v53 =	vpop (erf)  }
0x13a: {  	v54 =	vpop (erf)  }
0x13b: {  	v55 =	vld [tilespmem:$0x400];
	v7 =	vadd.f32 $1.000000000e+00, v54  }
0x13c: {  	v56 =	vld [tilespmem:$0x410]  }
0x13d: {  	v57 =	vld [tilespmem:$0x420];
	(erf) = vrcp.f32 v7  }
0x13e: {  	v58 =	vld [tilespmem:$0x430]  }
0x13f: {  	v60 =	vld [tilespmem:$0x450]  }
0x140: {  	v61 =	vld [tilespmem:$0x460];
	v1 =	vmul.f32 v21, v55  }
0x141: {  	v59 =	vld [tilespmem:$0x440];
	v2 =	vmul.f32 v27, v56  }
0x142: {  	v63 =	vld [tilespmem:$0x470];
	[tilespmem:$0x800] =	vst v1;
	v62 =	vmul.f32 v33, v57  }
0x143: {  	[tilespmem:$0x810] =	vst v2;
	v4 =	vmul.f32 v39, v58  }
0x144: {  	[tilespmem:$0x820] =	vst v62;
	v8 =	vmul.f32 v51, v60  }
0x145: {  	[tilespmem:$0x830] =	vst v4;
	v0 =	vmul.f32 v53, v61  }
0x146: {  	[tilespmem:$0x850] =	vst v8;
	v7 =	vmul.f32 v45, v59;
	v9 =	vpop (erf)  }
0x147: {  	[tilespmem:$0x860] =	vst v0;
	v1 =	vmul.f32 v9, v63  }
0x148: {  	[tilespmem:$0x840] =	vst v7  }
0x149: {  	[tilespmem:$0x870] =	vst v1  }
0x14a: {  	[tilespmem:s1], [sflag:$0x2] =	stream.linear.gather [hbm4b:s11+s1], $0x80, $0x38;
	[tilespmem:$0x900] =	vst v63  }
0x14b: {  	_ =	swait.ge [sflag:s22], $0x80  }
0x14c: {  	[sflag:s22] =	ssyncset.done $0x0  }
0x14d: {  	[sflag:s22] =	ssyncadd.s32 $0xFFFFFF80  }
0x14e: {  	[tilespmem:s25], [sflag:$0x1] =	stream.indirect.gather [hbm4b:s4+s25], $0x1, s1, s25, $0xb8;
	[tilespmem:$0x900] =	vst v63  }
0x14f: {  	_ =	swait.ge [sflag:s26], $0x80  }
0x150: {  	[sflag:s26] =	ssyncset.done $0x0  }
0x151: {  	[sflag:s26] =	ssyncadd.s32 $0xFFFFFF80  }
0x152: {  	v10 =	vld [tilespmem:$0x280]  }
0x153: {  	v11 =	vld [tilespmem:$0x80];
	_ =	sdelay $0x1  }
0x154: {  	v12 =	vld [tilespmem:$0x680];
	_ =	sdelay $0x2  }
0x155: {  	v0 =	vsub.f32 v10, v11;
	_ =	sdelay $0x1  }
0x156: {  	v1 =	vmul.f32 v0, v12;
	_ =	sdelay $0x1  }
0x157: {  	v0 =	vmul.f32 v1, v0;
	_ =	sdelay $0x1  }
0x158: {  	v0 =	vadd.f32 $-9.000000000e+00, v0  }
0x159: {  	v13 =	vld [tilespmem:$0x290]  }
0x15a: {  	v14 =	vld [tilespmem:$0x90];
	v0 =	vmul.f32 $1.442695020e+00, v0;
	_ =	sdelay $0x1  }
0x15b: {  	v15 =	vld [tilespmem:$0x690];
	(erf) = vpow2.f32 v0;
	_ =	sdelay $0x2  }
0x15c: {  	v1 =	vsub.f32 v13, v14;
	_ =	sdelay $0x1  }
0x15d: {  	v0 =	vmul.f32 v1, v15;
	_ =	sdelay $0x1  }
0x15e: {  	v0 =	vmul.f32 v0, v1;
	_ =	sdelay $0x1  }
0x15f: {  	v0 =	vadd.f32 $-9.000000000e+00, v0;
	v16 =	vpop (erf)  }
0x160: {  	v17 =	vld [tilespmem:$0x2A0];
	v1 =	vadd.f32 $1.000000000e+00, v16  }
0x161: {  	v18 =	vld [tilespmem:$0xA0];
	v0 =	vmul.f32 $1.442695020e+00, v0  }
0x162: {  	(erf) = vrcp.f32 v1  }
0x163: {  	v19 =	vld [tilespmem:$0x6A0];
	(erf) = vpow2.f32 v0;
	_ =	sdelay $0x2  }
0x164: {  	v20 =	vsub.f32 v17, v18;
	_ =	sdelay $0x1  }
0x165: {  	v0 =	vmul.f32 v20, v19;
	_ =	sdelay $0x1  }
0x166: {  	v0 =	vmul.f32 v0, v20  }
0x167: {  	v21 =	vpop (erf)  }
0x168: {  	v0 =	vadd.f32 $-9.000000000e+00, v0;
	v22 =	vpop (erf)  }
0x169: {  	v23 =	vld [tilespmem:$0x2B0];
	v2 =	vadd.f32 $1.000000000e+00, v22  }
0x16a: {  	v24 =	vld [tilespmem:$0xB0];
	v0 =	vmul.f32 $1.442695020e+00, v0  }
0x16b: {  	(erf) = vrcp.f32 v2  }
0x16c: {  	v25 =	vld [tilespmem:$0x6B0];
	(erf) = vpow2.f32 v0;
	_ =	sdelay $0x2  }
0x16d: {  	v26 =	vsub.f32 v23, v24;
	_ =	sdelay $0x1  }
0x16e: {  	v0 =	vmul.f32 v26, v25;
	_ =	sdelay $0x1  }
0x16f: {  	v0 =	vmul.f32 v0, v26  }
0x170: {  	v27 =	vpop (erf)  }
0x171: {  	v0 =	vadd.f32 $-9.000000000e+00, v0;
	v28 =	vpop (erf)  }
0x172: {  	v29 =	vld [tilespmem:$0x2C0];
	v3 =	vadd.f32 $1.000000000e+00, v28  }
0x173: {  	v30 =	vld [tilespmem:$0xC0];
	v0 =	vmul.f32 $1.442695020e+00, v0  }
0x174: {  	(erf) = vrcp.f32 v3  }
0x175: {  	v31 =	vld [tilespmem:$0x6C0];
	(erf) = vpow2.f32 v0;
	_ =	sdelay $0x2  }
0x176: {  	v32 =	vsub.f32 v29, v30;
	_ =	sdelay $0x1  }
0x177: {  	v0 =	vmul.f32 v32, v31;
	_ =	sdelay $0x1  }
0x178: {  	v0 =	vmul.f32 v0, v32  }
0x179: {  	v33 =	vpop (erf)  }
0x17a: {  	v0 =	vadd.f32 $-9.000000000e+00, v0;
	v34 =	vpop (erf)  }
0x17b: {  	v35 =	vld [tilespmem:$0x2D0];
	v4 =	vadd.f32 $1.000000000e+00, v34  }
0x17c: {  	v36 =	vld [tilespmem:$0xD0];
	v0 =	vmul.f32 $1.442695020e+00, v0  }
0x17d: {  	(erf) = vrcp.f32 v4  }
0x17e: {  	v37 =	vld [tilespmem:$0x6D0];
	(erf) = vpow2.f32 v0;
	_ =	sdelay $0x2  }
0x17f: {  	v38 =	vsub.f32 v35, v36;
	_ =	sdelay $0x1  }
0x180: {  	v0 =	vmul.f32 v38, v37;
	_ =	sdelay $0x1  }
0x181: {  	v0 =	vmul.f32 v0, v38  }
0x182: {  	v39 =	vpop (erf)  }
0x183: {  	v0 =	vadd.f32 $-9.000000000e+00, v0;
	v40 =	vpop (erf)  }
0x184: {  	v41 =	vld [tilespmem:$0x2E0];
	v5 =	vadd.f32 $1.000000000e+00, v40  }
0x185: {  	v42 =	vld [tilespmem:$0xE0];
	v0 =	vmul.f32 $1.442695020e+00, v0  }
0x186: {  	(erf) = vrcp.f32 v5  }
0x187: {  	v43 =	vld [tilespmem:$0x6E0];
	(erf) = vpow2.f32 v0;
	_ =	sdelay $0x2  }
0x188: {  	v44 =	vsub.f32 v41, v42;
	_ =	sdelay $0x1  }
0x189: {  	v0 =	vmul.f32 v44, v43;
	_ =	sdelay $0x1  }
0x18a: {  	v0 =	vmul.f32 v0, v44  }
0x18b: {  	v45 =	vpop (erf)  }
0x18c: {  	v0 =	vadd.f32 $-9.000000000e+00, v0;
	v46 =	vpop (erf)  }
0x18d: {  	v47 =	vld [tilespmem:$0x2F0];
	v6 =	vadd.f32 $1.000000000e+00, v46  }
0x18e: {  	v48 =	vld [tilespmem:$0xF0];
	v0 =	vmul.f32 $1.442695020e+00, v0  }
0x18f: {  	(erf) = vrcp.f32 v6  }
0x190: {  	v49 =	vld [tilespmem:$0x6F0];
	(erf) = vpow2.f32 v0;
	_ =	sdelay $0x2  }
0x191: {  	v50 =	vsub.f32 v47, v48;
	_ =	sdelay $0x1  }
0x192: {  	v0 =	vmul.f32 v50, v49;
	_ =	sdelay $0x1  }
0x193: {  	v0 =	vmul.f32 v0, v50  }
0x194: {  	v51 =	vpop (erf)  }
0x195: {  	v0 =	vadd.f32 $-9.000000000e+00, v0;
	v52 =	vpop (erf)  }
0x196: {  	v7 =	vadd.f32 $1.000000000e+00, v52  }
0x197: {  	v0 =	vmul.f32 $1.442695020e+00, v0  }
0x198: {  	(erf) = vrcp.f32 v7  }
0x199: {  	(erf) = vpow2.f32 v0;
	_ =	sdelay $0x7  }
0x19a: {  	v53 =	vpop (erf)  }
0x19b: {  	v54 =	vpop (erf)  }
0x19c: {  	v55 =	vld [tilespmem:$0x480];
	v7 =	vadd.f32 $1.000000000e+00, v54  }
0x19d: {  	v56 =	vld [tilespmem:$0x490]  }
0x19e: {  	v57 =	vld [tilespmem:$0x4A0];
	(erf) = vrcp.f32 v7  }
0x19f: {  	v58 =	vld [tilespmem:$0x4B0]  }
0x1a0: {  	v60 =	vld [tilespmem:$0x4D0]  }
0x1a1: {  	v61 =	vld [tilespmem:$0x4E0];
	v1 =	vmul.f32 v21, v55  }
0x1a2: {  	v59 =	vld [tilespmem:$0x4C0];
	v2 =	vmul.f32 v27, v56  }
0x1a3: {  	v63 =	vld [tilespmem:$0x4F0];
	[tilespmem:$0x880] =	vst v1;
	v62 =	vmul.f32 v33, v57  }
0x1a4: {  	[tilespmem:$0x890] =	vst v2;
	v4 =	vmul.f32 v39, v58  }
0x1a5: {  	[tilespmem:$0x8A0] =	vst v62;
	v8 =	vmul.f32 v51, v60  }
0x1a6: {  	[tilespmem:$0x8B0] =	vst v4;
	v0 =	vmul.f32 v53, v61  }
0x1a7: {  	[tilespmem:$0x8D0] =	vst v8;
	v7 =	vmul.f32 v45, v59;
	v9 =	vpop (erf)  }
0x1a8: {  	[tilespmem:$0x8E0] =	vst v0;
	v1 =	vmul.f32 v9, v63  }
0x1a9: {  	[tilespmem:$0x8C0] =	vst v7  }
0x1aa: {  	[tilespmem:$0x8F0] =	vst v1  }
0x1ab: {  	[hbm4b:s12+s1] =	stream.linear.scatter [tilespmem:s28], [sflag:$0x2], $0x200, $0x38;
	[tilespmem:$0x900] =	vst v63  }
0x1ac: {  	_ =	swait.ge [sflag:s22], $0x200  }
0x1ad: {  	[sflag:s22] =	ssyncset.done $0x0  }
0x1ae: {  	[sflag:s22] =	ssyncadd.s32 $0xFFFFFE00  }
0x1af: {  	[tilespmem:s23], [sflag:$0x2] =	stream.linear.gather [hbm4b:s13+s1], $0x200, $0x38;
	[tilespmem:$0x900] =	vst v63  }
0x1b0: {  	_ =	swait.ge [sflag:s22], $0x200  }
0x1b1: {  	[sflag:s22] =	ssyncset.done $0x0  }
0x1b2: {  	[sflag:s22] =	ssyncadd.s32 $0xFFFFFE00  }
0x1b3: {  	[tilespmem:s24], [sflag:$0x2] =	stream.linear.gather [hbm4b:s14+s1], $0x200, $0x38;
	[tilespmem:$0x900] =	vst v63  }
0x1b4: {  	_ =	swait.ge [sflag:s22], $0x200  }
0x1b5: {  	[sflag:s22] =	ssyncset.done $0x0  }
0x1b6: {  	[sflag:s22] =	ssyncadd.s32 $0xFFFFFE00  }
0x1b7: {  	[tilespmem:s1], [sflag:$0x2] =	stream.linear.gather [hbm4b:s15+s1], $0x80, $0x38;
	[tilespmem:$0x900] =	vst v63  }
0x1b8: {  	_ =	swait.ge [sflag:s22], $0x80  }
0x1b9: {  	[sflag:s22] =	ssyncset.done $0x0  }
0x1ba: {  	[sflag:s22] =	ssyncadd.s32 $0xFFFFFF80  }
0x1bb: {  	[tilespmem:s25], [sflag:$0x1] =	stream.indirect.gather [hbm4b:s3+s25], $0x1, s1, s25, $0xb8;
	[tilespmem:$0x900] =	vst v63  }
0x1bc: {  	_ =	swait.ge [sflag:s26], $0x80  }
0x1bd: {  	[sflag:s26] =	ssyncset.done $0x0  }
0x1be: {  	[sflag:s26] =	ssyncadd.s32 $0xFFFFFF80  }
0x1bf: {  	v10 =	vld [tilespmem:$0x100]  }
0x1c0: {  	v11 =	vld [tilespmem:$0x80];
	_ =	sdelay $0x1  }
0x1c1: {  	v12 =	vld [tilespmem:$0x500];
	_ =	sdelay $0x2  }
0x1c2: {  	v0 =	vsub.f32 v10, v11;
	_ =	sdelay $0x1  }
0x1c3: {  	v1 =	vmul.f32 v0, v12;
	_ =	sdelay $0x1  }
0x1c4: {  	v0 =	vmul.f32 v1, v0;
	_ =	sdelay $0x1  }
0x1c5: {  	v0 =	vadd.f32 $-9.000000000e+00, v0  }
0x1c6: {  	v13 =	vld [tilespmem:$0x110]  }
0x1c7: {  	v14 =	vld [tilespmem:$0x90];
	v0 =	vmul.f32 $1.442695020e+00, v0;
	_ =	sdelay $0x1  }
0x1c8: {  	v15 =	vld [tilespmem:$0x510];
	(erf) = vpow2.f32 v0;
	_ =	sdelay $0x2  }
0x1c9: {  	v1 =	vsub.f32 v13, v14;
	_ =	sdelay $0x1  }
0x1ca: {  	v0 =	vmul.f32 v1, v15;
	_ =	sdelay $0x1  }
0x1cb: {  	v0 =	vmul.f32 v0, v1;
	_ =	sdelay $0x1  }
0x1cc: {  	v0 =	vadd.f32 $-9.000000000e+00, v0;
	v16 =	vpop (erf)  }
0x1cd: {  	v17 =	vld [tilespmem:$0x120];
	v1 =	vadd.f32 $1.000000000e+00, v16  }
0x1ce: {  	v18 =	vld [tilespmem:$0xA0];
	v0 =	vmul.f32 $1.442695020e+00, v0  }
0x1cf: {  	(erf) = vrcp.f32 v1  }
0x1d0: {  	v19 =	vld [tilespmem:$0x520];
	(erf) = vpow2.f32 v0;
	_ =	sdelay $0x2  }
0x1d1: {  	v20 =	vsub.f32 v17, v18;
	_ =	sdelay $0x1  }
0x1d2: {  	v0 =	vmul.f32 v20, v19;
	_ =	sdelay $0x1  }
0x1d3: {  	v0 =	vmul.f32 v0, v20  }
0x1d4: {  	v21 =	vpop (erf)  }
0x1d5: {  	v0 =	vadd.f32 $-9.000000000e+00, v0;
	v22 =	vpop (erf)  }
0x1d6: {  	v23 =	vld [tilespmem:$0x130];
	v2 =	vadd.f32 $1.000000000e+00, v22  }
0x1d7: {  	v24 =	vld [tilespmem:$0xB0];
	v0 =	vmul.f32 $1.442695020e+00, v0  }
0x1d8: {  	(erf) = vrcp.f32 v2  }
0x1d9: {  	v25 =	vld [tilespmem:$0x530];
	(erf) = vpow2.f32 v0;
	_ =	sdelay $0x2  }
0x1da: {  	v26 =	vsub.f32 v23, v24;
	_ =	sdelay $0x1  }
0x1db: {  	v0 =	vmul.f32 v26, v25;
	_ =	sdelay $0x1  }
0x1dc: {  	v0 =	vmul.f32 v0, v26  }
0x1dd: {  	v27 =	vpop (erf)  }
0x1de: {  	v0 =	vadd.f32 $-9.000000000e+00, v0;
	v28 =	vpop (erf)  }
0x1df: {  	v29 =	vld [tilespmem:$0x140];
	v3 =	vadd.f32 $1.000000000e+00, v28  }
0x1e0: {  	v30 =	vld [tilespmem:$0xC0];
	v0 =	vmul.f32 $1.442695020e+00, v0  }
0x1e1: {  	(erf) = vrcp.f32 v3  }
0x1e2: {  	v31 =	vld [tilespmem:$0x540];
	(erf) = vpow2.f32 v0;
	_ =	sdelay $0x2  }
0x1e3: {  	v32 =	vsub.f32 v29, v30;
	_ =	sdelay $0x1  }
0x1e4: {  	v0 =	vmul.f32 v32, v31;
	_ =	sdelay $0x1  }
0x1e5: {  	v0 =	vmul.f32 v0, v32  }
0x1e6: {  	v33 =	vpop (erf)  }
0x1e7: {  	v0 =	vadd.f32 $-9.000000000e+00, v0;
	v34 =	vpop (erf)  }
0x1e8: {  	v35 =	vld [tilespmem:$0x150];
	v4 =	vadd.f32 $1.000000000e+00, v34  }
0x1e9: {  	v36 =	vld [tilespmem:$0xD0];
	v0 =	vmul.f32 $1.442695020e+00, v0  }
0x1ea: {  	(erf) = vrcp.f32 v4  }
0x1eb: {  	v37 =	vld [tilespmem:$0x550];
	(erf) = vpow2.f32 v0;
	_ =	sdelay $0x2  }
0x1ec: {  	v38 =	vsub.f32 v35, v36;
	_ =	sdelay $0x1  }
0x1ed: {  	v0 =	vmul.f32 v38, v37;
	_ =	sdelay $0x1  }
0x1ee: {  	v0 =	vmul.f32 v0, v38  }
0x1ef: {  	v39 =	vpop (erf)  }
0x1f0: {  	v0 =	vadd.f32 $-9.000000000e+00, v0;
	v40 =	vpop (erf)  }
0x1f1: {  	v41 =	vld [tilespmem:$0x160];
	v5 =	vadd.f32 $1.000000000e+00, v40  }
0x1f2: {  	v42 =	vld [tilespmem:$0xE0];
	v0 =	vmul.f32 $1.442695020e+00, v0  }
0x1f3: {  	(erf) = vrcp.f32 v5  }
0x1f4: {  	v43 =	vld [tilespmem:$0x560];
	(erf) = vpow2.f32 v0;
	_ =	sdelay $0x2  }
0x1f5: {  	v44 =	vsub.f32 v41, v42;
	_ =	sdelay $0x1  }
0x1f6: {  	v0 =	vmul.f32 v44, v43;
	_ =	sdelay $0x1  }
0x1f7: {  	v0 =	vmul.f32 v0, v44  }
0x1f8: {  	v45 =	vpop (erf)  }
0x1f9: {  	v0 =	vadd.f32 $-9.000000000e+00, v0;
	v46 =	vpop (erf)  }
0x1fa: {  	v47 =	vld [tilespmem:$0x170];
	v6 =	vadd.f32 $1.000000000e+00, v46  }
0x1fb: {  	v48 =	vld [tilespmem:$0xF0];
	v0 =	vmul.f32 $1.442695020e+00, v0  }
0x1fc: {  	(erf) = vrcp.f32 v6  }
0x1fd: {  	v49 =	vld [tilespmem:$0x570];
	(erf) = vpow2.f32 v0;
	_ =	sdelay $0x2  }
0x1fe: {  	v50 =	vsub.f32 v47, v48;
	_ =	sdelay $0x1  }
0x1ff: {  	v0 =	vmul.f32 v50, v49;
	_ =	sdelay $0x1  }
0x200: {  	v0 =	vmul.f32 v0, v50  }
0x201: {  	v51 =	vpop (erf)  }
0x202: {  	v0 =	vadd.f32 $-9.000000000e+00, v0;
	v52 =	vpop (erf)  }
0x203: {  	v7 =	vadd.f32 $1.000000000e+00, v52  }
0x204: {  	v0 =	vmul.f32 $1.442695020e+00, v0  }
0x205: {  	(erf) = vrcp.f32 v7  }
0x206: {  	(erf) = vpow2.f32 v0;
	_ =	sdelay $0x7  }
0x207: {  	v53 =	vpop (erf)  }
0x208: {  	v54 =	vpop (erf)  }
0x209: {  	v55 =	vld [tilespmem:$0x300];
	v7 =	vadd.f32 $1.000000000e+00, v54  }
0x20a: {  	v56 =	vld [tilespmem:$0x310]  }
0x20b: {  	v57 =	vld [tilespmem:$0x320];
	(erf) = vrcp.f32 v7  }
0x20c: {  	v58 =	vld [tilespmem:$0x330]  }
0x20d: {  	v60 =	vld [tilespmem:$0x350]  }
0x20e: {  	v61 =	vld [tilespmem:$0x360];
	v1 =	vmul.f32 v21, v55  }
0x20f: {  	v59 =	vld [tilespmem:$0x340];
	v2 =	vmul.f32 v27, v56  }
0x210: {  	v63 =	vld [tilespmem:$0x370];
	[tilespmem:$0x700] =	vst v1;
	v62 =	vmul.f32 v33, v57  }
0x211: {  	[tilespmem:$0x710] =	vst v2;
	v4 =	vmul.f32 v39, v58  }
0x212: {  	[tilespmem:$0x720] =	vst v62;
	v8 =	vmul.f32 v51, v60  }
0x213: {  	[tilespmem:$0x730] =	vst v4;
	v0 =	vmul.f32 v53, v61  }
0x214: {  	[tilespmem:$0x750] =	vst v8;
	v7 =	vmul.f32 v45, v59;
	v9 =	vpop (erf)  }
0x215: {  	[tilespmem:$0x760] =	vst v0;
	v1 =	vmul.f32 v9, v63  }
0x216: {  	[tilespmem:$0x740] =	vst v7  }
0x217: {  	[tilespmem:$0x770] =	vst v1  }
0x218: {  	[tilespmem:s1], [sflag:$0x2] =	stream.linear.gather [hbm4b:s16+s1], $0x80, $0x38;
	[tilespmem:$0x900] =	vst v63  }
0x219: {  	_ =	swait.ge [sflag:s22], $0x80  }
0x21a: {  	[sflag:s22] =	ssyncset.done $0x0  }
0x21b: {  	[sflag:s22] =	ssyncadd.s32 $0xFFFFFF80  }
0x21c: {  	[tilespmem:s25], [sflag:$0x1] =	stream.indirect.gather [hbm4b:s3+s25], $0x1, s1, s25, $0xb8;
	[tilespmem:$0x900] =	vst v63  }
0x21d: {  	_ =	swait.ge [sflag:s26], $0x80  }
0x21e: {  	[sflag:s26] =	ssyncset.done $0x0  }
0x21f: {  	[sflag:s26] =	ssyncadd.s32 $0xFFFFFF80  }
0x220: {  	v10 =	vld [tilespmem:$0x180]  }
0x221: {  	v11 =	vld [tilespmem:$0x80];
	_ =	sdelay $0x1  }
0x222: {  	v12 =	vld [tilespmem:$0x580];
	_ =	sdelay $0x2  }
0x223: {  	v0 =	vsub.f32 v10, v11;
	_ =	sdelay $0x1  }
0x224: {  	v1 =	vmul.f32 v0, v12;
	_ =	sdelay $0x1  }
0x225: {  	v0 =	vmul.f32 v1, v0;
	_ =	sdelay $0x1  }
0x226: {  	v0 =	vadd.f32 $-9.000000000e+00, v0  }
0x227: {  	v13 =	vld [tilespmem:$0x190]  }
0x228: {  	v14 =	vld [tilespmem:$0x90];
	v0 =	vmul.f32 $1.442695020e+00, v0;
	_ =	sdelay $0x1  }
0x229: {  	v15 =	vld [tilespmem:$0x590];
	(erf) = vpow2.f32 v0;
	_ =	sdelay $0x2  }
0x22a: {  	v1 =	vsub.f32 v13, v14;
	_ =	sdelay $0x1  }
0x22b: {  	v0 =	vmul.f32 v1, v15;
	_ =	sdelay $0x1  }
0x22c: {  	v0 =	vmul.f32 v0, v1;
	_ =	sdelay $0x1  }
0x22d: {  	v0 =	vadd.f32 $-9.000000000e+00, v0;
	v16 =	vpop (erf)  }
0x22e: {  	v17 =	vld [tilespmem:$0x1A0];
	v1 =	vadd.f32 $1.000000000e+00, v16  }
0x22f: {  	v18 =	vld [tilespmem:$0xA0];
	v0 =	vmul.f32 $1.442695020e+00, v0  }
0x230: {  	(erf) = vrcp.f32 v1  }
0x231: {  	v19 =	vld [tilespmem:$0x5A0];
	(erf) = vpow2.f32 v0;
	_ =	sdelay $0x2  }
0x232: {  	v20 =	vsub.f32 v17, v18;
	_ =	sdelay $0x1  }
0x233: {  	v0 =	vmul.f32 v20, v19;
	_ =	sdelay $0x1  }
0x234: {  	v0 =	vmul.f32 v0, v20  }
0x235: {  	v21 =	vpop (erf)  }
0x236: {  	v0 =	vadd.f32 $-9.000000000e+00, v0;
	v22 =	vpop (erf)  }
0x237: {  	v23 =	vld [tilespmem:$0x1B0];
	v2 =	vadd.f32 $1.000000000e+00, v22  }
0x238: {  	v24 =	vld [tilespmem:$0xB0];
	v0 =	vmul.f32 $1.442695020e+00, v0  }
0x239: {  	(erf) = vrcp.f32 v2  }
0x23a: {  	v25 =	vld [tilespmem:$0x5B0];
	(erf) = vpow2.f32 v0;
	_ =	sdelay $0x2  }
0x23b: {  	v26 =	vsub.f32 v23, v24;
	_ =	sdelay $0x1  }
0x23c: {  	v0 =	vmul.f32 v26, v25;
	_ =	sdelay $0x1  }
0x23d: {  	v0 =	vmul.f32 v0, v26  }
0x23e: {  	v27 =	vpop (erf)  }
0x23f: {  	v0 =	vadd.f32 $-9.000000000e+00, v0;
	v28 =	vpop (erf)  }
0x240: {  	v29 =	vld [tilespmem:$0x1C0];
	v3 =	vadd.f32 $1.000000000e+00, v28  }
0x241: {  	v30 =	vld [tilespmem:$0xC0];
	v0 =	vmul.f32 $1.442695020e+00, v0  }
0x242: {  	(erf) = vrcp.f32 v3  }
0x243: {  	v31 =	vld [tilespmem:$0x5C0];
	(erf) = vpow2.f32 v0;
	_ =	sdelay $0x2  }
0x244: {  	v32 =	vsub.f32 v29, v30;
	_ =	sdelay $0x1  }
0x245: {  	v0 =	vmul.f32 v32, v31;
	_ =	sdelay $0x1  }
0x246: {  	v0 =	vmul.f32 v0, v32  }
0x247: {  	v33 =	vpop (erf)  }
0x248: {  	v0 =	vadd.f32 $-9.000000000e+00, v0;
	v34 =	vpop (erf)  }
0x249: {  	v35 =	vld [tilespmem:$0x1D0];
	v4 =	vadd.f32 $1.000000000e+00, v34  }
0x24a: {  	v36 =	vld [tilespmem:$0xD0];
	v0 =	vmul.f32 $1.442695020e+00, v0  }
0x24b: {  	(erf) = vrcp.f32 v4  }
0x24c: {  	v37 =	vld [tilespmem:$0x5D0];
	(erf) = vpow2.f32 v0;
	_ =	sdelay $0x2  }
0x24d: {  	v38 =	vsub.f32 v35, v36;
	_ =	sdelay $0x1  }
0x24e: {  	v0 =	vmul.f32 v38, v37;
	_ =	sdelay $0x1  }
0x24f: {  	v0 =	vmul.f32 v0, v38  }
0x250: {  	v39 =	vpop (erf)  }
0x251: {  	v0 =	vadd.f32 $-9.000000000e+00, v0;
	v40 =	vpop (erf)  }
0x252: {  	v41 =	vld [tilespmem:$0x1E0];
	v5 =	vadd.f32 $1.000000000e+00, v40  }
0x253: {  	v42 =	vld [tilespmem:$0xE0];
	v0 =	vmul.f32 $1.442695020e+00, v0  }
0x254: {  	(erf) = vrcp.f32 v5  }
0x255: {  	v43 =	vld [tilespmem:$0x5E0];
	(erf) = vpow2.f32 v0;
	_ =	sdelay $0x2  }
0x256: {  	v44 =	vsub.f32 v41, v42;
	_ =	sdelay $0x1  }
0x257: {  	v0 =	vmul.f32 v44, v43;
	_ =	sdelay $0x1  }
0x258: {  	v0 =	vmul.f32 v0, v44  }
0x259: {  	v45 =	vpop (erf)  }
0x25a: {  	v0 =	vadd.f32 $-9.000000000e+00, v0;
	v46 =	vpop (erf)  }
0x25b: {  	v47 =	vld [tilespmem:$0x1F0];
	v6 =	vadd.f32 $1.000000000e+00, v46  }
0x25c: {  	v48 =	vld [tilespmem:$0xF0];
	v0 =	vmul.f32 $1.442695020e+00, v0  }
0x25d: {  	(erf) = vrcp.f32 v6  }
0x25e: {  	v49 =	vld [tilespmem:$0x5F0];
	(erf) = vpow2.f32 v0;
	_ =	sdelay $0x2  }
0x25f: {  	v50 =	vsub.f32 v47, v48;
	_ =	sdelay $0x1  }
0x260: {  	v0 =	vmul.f32 v50, v49;
	_ =	sdelay $0x1  }
0x261: {  	v0 =	vmul.f32 v0, v50  }
0x262: {  	v51 =	vpop (erf)  }
0x263: {  	v0 =	vadd.f32 $-9.000000000e+00, v0;
	v52 =	vpop (erf)  }
0x264: {  	v7 =	vadd.f32 $1.000000000e+00, v52  }
0x265: {  	v0 =	vmul.f32 $1.442695020e+00, v0  }
0x266: {  	(erf) = vrcp.f32 v7  }
0x267: {  	(erf) = vpow2.f32 v0;
	_ =	sdelay $0x7  }
0x268: {  	v53 =	vpop (erf)  }
0x269: {  	v54 =	vpop (erf)  }
0x26a: {  	v55 =	vld [tilespmem:$0x380];
	v7 =	vadd.f32 $1.000000000e+00, v54  }
0x26b: {  	v56 =	vld [tilespmem:$0x390]  }
0x26c: {  	v57 =	vld [tilespmem:$0x3A0];
	(erf) = vrcp.f32 v7  }
0x26d: {  	v58 =	vld [tilespmem:$0x3B0]  }
0x26e: {  	v59 =	vld [tilespmem:$0x3C0]  }
0x26f: {  	v60 =	vld [tilespmem:$0x3D0];
	v1 =	vmul.f32 v21, v55  }
0x270: {  	v61 =	vld [tilespmem:$0x3E0];
	v2 =	vmul.f32 v27, v56  }
0x271: {  	v63 =	vld [tilespmem:$0x3F0];
	[tilespmem:$0x780] =	vst v1;
	v62 =	vmul.f32 v33, v57  }
0x272: {  	[tilespmem:$0x790] =	vst v2;
	v4 =	vmul.f32 v39, v58  }
0x273: {  	[tilespmem:$0x7A0] =	vst v62;
	v5 =	vmul.f32 v45, v59  }
0x274: {  	[tilespmem:$0x7B0] =	vst v4;
	v6 =	vmul.f32 v51, v60  }
0x275: {  	[tilespmem:$0x7C0] =	vst v5;
	v0 =	vmul.f32 v53, v61;
	v7 =	vpop (erf)  }
0x276: {  	[tilespmem:$0x7D0] =	vst v6;
	v1 =	vmul.f32 v7, v63  }
0x277: {  	[tilespmem:$0x7E0] =	vst v0  }
0x278: {  	[tilespmem:$0x7F0] =	vst v1  }
0x279: {  	[tilespmem:s1], [sflag:$0x2] =	stream.linear.gather [hbm4b:s17+s1], $0x80, $0x38;
	[tilespmem:$0x900] =	vst v63  }
0x27a: {  	_ =	swait.ge [sflag:s22], $0x80  }
0x27b: {  	[sflag:s22] =	ssyncset.done $0x0  }
0x27c: {  	[sflag:s22] =	ssyncadd.s32 $0xFFFFFF80  }
0x27d: {  	[tilespmem:s25], [sflag:$0x1] =	stream.indirect.gather [hbm4b:s3+s25], $0x1, s1, s25, $0xb8;
	[tilespmem:$0x900] =	vst v63  }
0x27e: {  	_ =	swait.ge [sflag:s26], $0x80  }
0x27f: {  	[sflag:s26] =	ssyncset.done $0x0  }
0x280: {  	[sflag:s26] =	ssyncadd.s32 $0xFFFFFF80  }
0x281: {  	v8 =	vld [tilespmem:$0x200]  }
0x282: {  	v9 =	vld [tilespmem:$0x80];
	_ =	sdelay $0x1  }
0x283: {  	v10 =	vld [tilespmem:$0x600];
	_ =	sdelay $0x2  }
0x284: {  	v0 =	vsub.f32 v8, v9;
	_ =	sdelay $0x1  }
0x285: {  	v1 =	vmul.f32 v0, v10;
	_ =	sdelay $0x1  }
0x286: {  	v0 =	vmul.f32 v1, v0;
	_ =	sdelay $0x1  }
0x287: {  	v0 =	vadd.f32 $-9.000000000e+00, v0  }
0x288: {  	v11 =	vld [tilespmem:$0x210]  }
0x289: {  	v12 =	vld [tilespmem:$0x90];
	v0 =	vmul.f32 $1.442695020e+00, v0;
	_ =	sdelay $0x1  }
0x28a: {  	v13 =	vld [tilespmem:$0x610];
	(erf) = vpow2.f32 v0;
	_ =	sdelay $0x2  }
0x28b: {  	v1 =	vsub.f32 v11, v12;
	_ =	sdelay $0x1  }
0x28c: {  	v0 =	vmul.f32 v1, v13;
	_ =	sdelay $0x1  }
0x28d: {  	v0 =	vmul.f32 v0, v1;
	_ =	sdelay $0x1  }
0x28e: {  	v0 =	vadd.f32 $-9.000000000e+00, v0;
	v14 =	vpop (erf)  }
0x28f: {  	v15 =	vld [tilespmem:$0x220];
	v1 =	vadd.f32 $1.000000000e+00, v14  }
0x290: {  	v16 =	vld [tilespmem:$0xA0];
	v0 =	vmul.f32 $1.442695020e+00, v0  }
0x291: {  	(erf) = vrcp.f32 v1  }
0x292: {  	v17 =	vld [tilespmem:$0x620];
	(erf) = vpow2.f32 v0;
	_ =	sdelay $0x2  }
0x293: {  	v18 =	vsub.f32 v15, v16;
	_ =	sdelay $0x1  }
0x294: {  	v0 =	vmul.f32 v18, v17;
	_ =	sdelay $0x1  }
0x295: {  	v0 =	vmul.f32 v0, v18  }
0x296: {  	v19 =	vpop (erf)  }
0x297: {  	v0 =	vadd.f32 $-9.000000000e+00, v0;
	v20 =	vpop (erf)  }
0x298: {  	v21 =	vld [tilespmem:$0x230];
	v2 =	vadd.f32 $1.000000000e+00, v20  }
0x299: {  	v22 =	vld [tilespmem:$0xB0];
	v0 =	vmul.f32 $1.442695020e+00, v0  }
0x29a: {  	(erf) = vrcp.f32 v2  }
0x29b: {  	v23 =	vld [tilespmem:$0x630];
	(erf) = vpow2.f32 v0;
	_ =	sdelay $0x2  }
0x29c: {  	v24 =	vsub.f32 v21, v22;
	_ =	sdelay $0x1  }
0x29d: {  	v0 =	vmul.f32 v24, v23;
	_ =	sdelay $0x1  }
0x29e: {  	v0 =	vmul.f32 v0, v24  }
0x29f: {  	v25 =	vpop (erf)  }
0x2a0: {  	v0 =	vadd.f32 $-9.000000000e+00, v0;
	v26 =	vpop (erf)  }
0x2a1: {  	v27 =	vld [tilespmem:$0x240];
	v3 =	vadd.f32 $1.000000000e+00, v26  }
0x2a2: {  	v28 =	vld [tilespmem:$0xC0];
	v0 =	vmul.f32 $1.442695020e+00, v0  }
0x2a3: {  	(erf) = vrcp.f32 v3  }
0x2a4: {  	v29 =	vld [tilespmem:$0x640];
	(erf) = vpow2.f32 v0;
	_ =	sdelay $0x2  }
0x2a5: {  	v30 =	vsub.f32 v27, v28;
	_ =	sdelay $0x1  }
0x2a6: {  	v0 =	vmul.f32 v30, v29;
	_ =	sdelay $0x1  }
0x2a7: {  	v0 =	vmul.f32 v0, v30  }
0x2a8: {  	v31 =	vpop (erf)  }
0x2a9: {  	v0 =	vadd.f32 $-9.000000000e+00, v0;
	v32 =	vpop (erf)  }
0x2aa: {  	v33 =	vld [tilespmem:$0x250];
	v4 =	vadd.f32 $1.000000000e+00, v32  }
0x2ab: {  	v34 =	vld [tilespmem:$0xD0];
	v0 =	vmul.f32 $1.442695020e+00, v0  }
0x2ac: {  	(erf) = vrcp.f32 v4  }
0x2ad: {  	v35 =	vld [tilespmem:$0x650];
	(erf) = vpow2.f32 v0;
	_ =	sdelay $0x2  }
0x2ae: {  	v36 =	vsub.f32 v33, v34;
	_ =	sdelay $0x1  }
0x2af: {  	v0 =	vmul.f32 v36, v35;
	_ =	sdelay $0x1  }
0x2b0: {  	v0 =	vmul.f32 v0, v36  }
0x2b1: {  	v37 =	vpop (erf)  }
0x2b2: {  	v0 =	vadd.f32 $-9.000000000e+00, v0;
	v38 =	vpop (erf)  }
0x2b3: {  	v39 =	vld [tilespmem:$0x260];
	v5 =	vadd.f32 $1.000000000e+00, v38  }
0x2b4: {  	v40 =	vld [tilespmem:$0xE0];
	v0 =	vmul.f32 $1.442695020e+00, v0  }
0x2b5: {  	(erf) = vrcp.f32 v5  }
0x2b6: {  	v41 =	vld [tilespmem:$0x660];
	(erf) = vpow2.f32 v0;
	_ =	sdelay $0x2  }
0x2b7: {  	v42 =	vsub.f32 v39, v40;
	_ =	sdelay $0x1  }
0x2b8: {  	v0 =	vmul.f32 v42, v41;
	_ =	sdelay $0x1  }
0x2b9: {  	v0 =	vmul.f32 v0, v42  }
0x2ba: {  	v43 =	vpop (erf)  }
0x2bb: {  	v0 =	vadd.f32 $-9.000000000e+00, v0;
	v44 =	vpop (erf)  }
0x2bc: {  	v45 =	vld [tilespmem:$0x270];
	v6 =	vadd.f32 $1.000000000e+00, v44  }
0x2bd: {  	v46 =	vld [tilespmem:$0xF0];
	v0 =	vmul.f32 $1.442695020e+00, v0  }
0x2be: {  	(erf) = vrcp.f32 v6  }
0x2bf: {  	v47 =	vld [tilespmem:$0x670];
	(erf) = vpow2.f32 v0;
	_ =	sdelay $0x2  }
0x2c0: {  	v48 =	vsub.f32 v45, v46;
	_ =	sdelay $0x1  }
0x2c1: {  	v0 =	vmul.f32 v48, v47;
	_ =	sdelay $0x1  }
0x2c2: {  	v0 =	vmul.f32 v0, v48  }
0x2c3: {  	v49 =	vpop (erf)  }
0x2c4: {  	v0 =	vadd.f32 $-9.000000000e+00, v0;
	v50 =	vpop (erf)  }
0x2c5: {  	v7 =	vadd.f32 $1.000000000e+00, v50  }
0x2c6: {  	v0 =	vmul.f32 $1.442695020e+00, v0  }
0x2c7: {  	(erf) = vrcp.f32 v7  }
0x2c8: {  	(erf) = vpow2.f32 v0;
	_ =	sdelay $0x7  }
0x2c9: {  	v51 =	vpop (erf)  }
0x2ca: {  	v52 =	vpop (erf)  }
0x2cb: {  	v53 =	vld [tilespmem:$0x400];
	v7 =	vadd.f32 $1.000000000e+00, v52  }
0x2cc: {  	v54 =	vld [tilespmem:$0x410]  }
0x2cd: {  	v55 =	vld [tilespmem:$0x420];
	(erf) = vrcp.f32 v7  }
0x2ce: {  	v56 =	vld [tilespmem:$0x430]  }
0x2cf: {  	v57 =	vld [tilespmem:$0x440]  }
0x2d0: {  	v58 =	vld [tilespmem:$0x450];
	v1 =	vmul.f32 v19, v53  }
0x2d1: {  	v59 =	vld [tilespmem:$0x460];
	v2 =	vmul.f32 v25, v54  }
0x2d2: {  	v61 =	vld [tilespmem:$0x470];
	[tilespmem:$0x800] =	vst v1;
	v60 =	vmul.f32 v31, v55  }
0x2d3: {  	[tilespmem:$0x810] =	vst v2;
	v62 =	vmul.f32 v37, v56  }
0x2d4: {  	[tilespmem:$0x820] =	vst v60;
	v63 =	vmul.f32 v43, v57  }
0x2d5: {  	[tilespmem:$0x830] =	vst v62;
	v4 =	vmul.f32 v49, v58  }
0x2d6: {  	[tilespmem:$0x840] =	vst v63;
	v0 =	vmul.f32 v51, v59;
	v5 =	vpop (erf)  }
0x2d7: {  	[tilespmem:$0x850] =	vst v4;
	v1 =	vmul.f32 v5, v61  }
0x2d8: {  	[tilespmem:$0x860] =	vst v0  }
0x2d9: {  	[tilespmem:$0x870] =	vst v1  }
0x2da: {  	[tilespmem:s1], [sflag:$0x2] =	stream.linear.gather [hbm4b:s18+s1], $0x80, $0x38;
	[tilespmem:$0x900] =	vst v63  }
0x2db: {  	_ =	swait.ge [sflag:s22], $0x80  }
0x2dc: {  	[sflag:s22] =	ssyncset.done $0x0  }
0x2dd: {  	[sflag:s22] =	ssyncadd.s32 $0xFFFFFF80  }
0x2de: {  	[tilespmem:s25], [sflag:$0x1] =	stream.indirect.gather [hbm4b:s3+s25], $0x1, s1, s25, $0xb8;
	[tilespmem:$0x900] =	vst v63  }
0x2df: {  	_ =	swait.ge [sflag:s26], $0x80  }
0x2e0: {  	[sflag:s26] =	ssyncset.done $0x0  }
0x2e1: {  	[sflag:s26] =	ssyncadd.s32 $0xFFFFFF80  }
0x2e2: {  	v6 =	vld [tilespmem:$0x280]  }
0x2e3: {  	v7 =	vld [tilespmem:$0x80];
	_ =	sdelay $0x1  }
0x2e4: {  	v8 =	vld [tilespmem:$0x680];
	_ =	sdelay $0x2  }
0x2e5: {  	v0 =	vsub.f32 v6, v7;
	_ =	sdelay $0x1  }
0x2e6: {  	v1 =	vmul.f32 v0, v8;
	_ =	sdelay $0x1  }
0x2e7: {  	v0 =	vmul.f32 v1, v0;
	_ =	sdelay $0x1  }
0x2e8: {  	v0 =	vadd.f32 $-9.000000000e+00, v0  }
0x2e9: {  	v9 =	vld [tilespmem:$0x290]  }
0x2ea: {  	v10 =	vld [tilespmem:$0x90];
	v0 =	vmul.f32 $1.442695020e+00, v0;
	_ =	sdelay $0x1  }
0x2eb: {  	v11 =	vld [tilespmem:$0x690];
	(erf) = vpow2.f32 v0;
	_ =	sdelay $0x2  }
0x2ec: {  	v1 =	vsub.f32 v9, v10;
	_ =	sdelay $0x1  }
0x2ed: {  	v0 =	vmul.f32 v1, v11;
	_ =	sdelay $0x1  }
0x2ee: {  	v0 =	vmul.f32 v0, v1;
	_ =	sdelay $0x1  }
0x2ef: {  	v0 =	vadd.f32 $-9.000000000e+00, v0;
	v12 =	vpop (erf)  }
0x2f0: {  	v13 =	vld [tilespmem:$0x2A0];
	v1 =	vadd.f32 $1.000000000e+00, v12  }
0x2f1: {  	v14 =	vld [tilespmem:$0xA0];
	v0 =	vmul.f32 $1.442695020e+00, v0  }
0x2f2: {  	(erf) = vrcp.f32 v1  }
0x2f3: {  	v15 =	vld [tilespmem:$0x6A0];
	(erf) = vpow2.f32 v0;
	_ =	sdelay $0x2  }
0x2f4: {  	v16 =	vsub.f32 v13, v14;
	_ =	sdelay $0x1  }
0x2f5: {  	v0 =	vmul.f32 v16, v15;
	_ =	sdelay $0x1  }
0x2f6: {  	v0 =	vmul.f32 v0, v16  }
0x2f7: {  	v17 =	vpop (erf)  }
0x2f8: {  	v0 =	vadd.f32 $-9.000000000e+00, v0;
	v18 =	vpop (erf)  }
0x2f9: {  	v19 =	vld [tilespmem:$0x2B0];
	v2 =	vadd.f32 $1.000000000e+00, v18  }
0x2fa: {  	v20 =	vld [tilespmem:$0xB0];
	v0 =	vmul.f32 $1.442695020e+00, v0  }
0x2fb: {  	(erf) = vrcp.f32 v2  }
0x2fc: {  	v21 =	vld [tilespmem:$0x6B0];
	(erf) = vpow2.f32 v0;
	_ =	sdelay $0x2  }
0x2fd: {  	v22 =	vsub.f32 v19, v20;
	_ =	sdelay $0x1  }
0x2fe: {  	v0 =	vmul.f32 v22, v21;
	_ =	sdelay $0x1  }
0x2ff: {  	v0 =	vmul.f32 v0, v22  }
0x300: {  	v23 =	vpop (erf)  }
0x301: {  	v0 =	vadd.f32 $-9.000000000e+00, v0;
	v24 =	vpop (erf)  }
0x302: {  	v25 =	vld [tilespmem:$0x2C0];
	v3 =	vadd.f32 $1.000000000e+00, v24  }
0x303: {  	v26 =	vld [tilespmem:$0xC0];
	v0 =	vmul.f32 $1.442695020e+00, v0  }
0x304: {  	(erf) = vrcp.f32 v3  }
0x305: {  	v27 =	vld [tilespmem:$0x6C0];
	(erf) = vpow2.f32 v0;
	_ =	sdelay $0x2  }
0x306: {  	v28 =	vsub.f32 v25, v26;
	_ =	sdelay $0x1  }
0x307: {  	v0 =	vmul.f32 v28, v27;
	_ =	sdelay $0x1  }
0x308: {  	v0 =	vmul.f32 v0, v28  }
0x309: {  	v29 =	vpop (erf)  }
0x30a: {  	v0 =	vadd.f32 $-9.000000000e+00, v0;
	v30 =	vpop (erf)  }
0x30b: {  	v31 =	vld [tilespmem:$0x2D0];
	v4 =	vadd.f32 $1.000000000e+00, v30  }
0x30c: {  	v32 =	vld [tilespmem:$0xD0];
	v0 =	vmul.f32 $1.442695020e+00, v0  }
0x30d: {  	(erf) = vrcp.f32 v4  }
0x30e: {  	v33 =	vld [tilespmem:$0x6D0];
	(erf) = vpow2.f32 v0;
	_ =	sdelay $0x2  }
0x30f: {  	v34 =	vsub.f32 v31, v32;
	_ =	sdelay $0x1  }
0x310: {  	v0 =	vmul.f32 v34, v33;
	_ =	sdelay $0x1  }
0x311: {  	v0 =	vmul.f32 v0, v34  }
0x312: {  	v35 =	vpop (erf)  }
0x313: {  	v0 =	vadd.f32 $-9.000000000e+00, v0;
	v36 =	vpop (erf)  }
0x314: {  	v37 =	vld [tilespmem:$0x2E0];
	v5 =	vadd.f32 $1.000000000e+00, v36  }
0x315: {  	v38 =	vld [tilespmem:$0xE0];
	v0 =	vmul.f32 $1.442695020e+00, v0  }
0x316: {  	(erf) = vrcp.f32 v5  }
0x317: {  	v39 =	vld [tilespmem:$0x6E0];
	(erf) = vpow2.f32 v0;
	_ =	sdelay $0x2  }
0x318: {  	v40 =	vsub.f32 v37, v38;
	_ =	sdelay $0x1  }
0x319: {  	v0 =	vmul.f32 v40, v39;
	_ =	sdelay $0x1  }
0x31a: {  	v0 =	vmul.f32 v0, v40  }
0x31b: {  	v41 =	vpop (erf)  }
0x31c: {  	v0 =	vadd.f32 $-9.000000000e+00, v0;
	v42 =	vpop (erf)  }
0x31d: {  	v43 =	vld [tilespmem:$0x2F0];
	v6 =	vadd.f32 $1.000000000e+00, v42  }
0x31e: {  	v44 =	vld [tilespmem:$0xF0];
	v0 =	vmul.f32 $1.442695020e+00, v0  }
0x31f: {  	(erf) = vrcp.f32 v6  }
0x320: {  	v45 =	vld [tilespmem:$0x6F0];
	(erf) = vpow2.f32 v0;
	_ =	sdelay $0x2  }
0x321: {  	v46 =	vsub.f32 v43, v44;
	_ =	sdelay $0x1  }
0x322: {  	v0 =	vmul.f32 v46, v45;
	_ =	sdelay $0x1  }
0x323: {  	v0 =	vmul.f32 v0, v46  }
0x324: {  	v47 =	vpop (erf)  }
0x325: {  	v0 =	vadd.f32 $-9.000000000e+00, v0;
	v48 =	vpop (erf)  }
0x326: {  	v7 =	vadd.f32 $1.000000000e+00, v48  }
0x327: {  	v0 =	vmul.f32 $1.442695020e+00, v0  }
0x328: {  	(erf) = vrcp.f32 v7  }
0x329: {  	(erf) = vpow2.f32 v0;
	_ =	sdelay $0x7  }
0x32a: {  	v49 =	vpop (erf)  }
0x32b: {  	v50 =	vpop (erf)  }
0x32c: {  	v51 =	vld [tilespmem:$0x480];
	v7 =	vadd.f32 $1.000000000e+00, v50  }
0x32d: {  	v52 =	vld [tilespmem:$0x490]  }
0x32e: {  	v53 =	vld [tilespmem:$0x4A0];
	(erf) = vrcp.f32 v7  }
0x32f: {  	v54 =	vld [tilespmem:$0x4B0]  }
0x330: {  	v55 =	vld [tilespmem:$0x4C0]  }
0x331: {  	v56 =	vld [tilespmem:$0x4D0];
	v1 =	vmul.f32 v17, v51  }
0x332: {  	v57 =	vld [tilespmem:$0x4E0];
	v2 =	vmul.f32 v23, v52  }
0x333: {  	v59 =	vld [tilespmem:$0x4F0];
	[tilespmem:$0x880] =	vst v1;
	v58 =	vmul.f32 v29, v53  }
0x334: {  	[tilespmem:$0x890] =	vst v2;
	v60 =	vmul.f32 v35, v54  }
0x335: {  	[tilespmem:$0x8A0] =	vst v58;
	v61 =	vmul.f32 v41, v55  }
0x336: {  	[tilespmem:$0x8B0] =	vst v60;
	v62 =	vmul.f32 v47, v56  }
0x337: {  	[tilespmem:$0x8C0] =	vst v61;
	v0 =	vmul.f32 v49, v57;
	v63 =	vpop (erf)  }
0x338: {  	[tilespmem:$0x8D0] =	vst v62;
	v1 =	vmul.f32 v63, v59  }
0x339: {  	p0 =	sne.s32 s20, $0x1;
	[tilespmem:$0x8E0] =	vst v0  }
.Ltmp0:
0x33a: {  	[tilespmem:$0x8F0] =	vst v1;
	(pc) =	sbr.rel @p0 .LBB2_1-.Ltmp0, $4  }
0x33b: {  	[hbm4b:s19+s1] =	stream.linear.scatter [tilespmem:s28], [sflag:$0x2], $0x200, $0x38;
	[tilespmem:$0x900] =	vst v63  }
0x33c: {  	_ =	swait.ge [sflag:s22], $0x200  }
0x33d: {  	[sflag:s22] =	ssyncset.done $0x0  }
0x33e: {  	s20 =	sadd.s32 $0xFFFFFFFF, s20;
	[sflag:s22] =	ssyncadd.s32 $0xFFFFFE00  }
0x33f: {  	_ =	sfence.sel $0x180000  }
0x340: {  	[bflag:$0x0] =	sbarrier.arrive $0xFFFF  }
0x341: {  	p0 =	sne.s32 s2, $0x0;
	_ =	strace $0x90000047  }
0x342: {  	s0 =	sadd.s32 @!p0 $0x100000, s0;
	[bflag:$0x2] =	sbarrier.arrive $0xFFFF  }
0x343: {  	[sflag:s0] =	ssyncadd.tile.s32 @!p0 $0x1;
	_ =	shalt  }
.Lfunc_end2:
_tile_overlayer_lowered:
.L_overlay_start_2:
0x344: {  	(tag) =	ssettag $0x2  }
0x345: {  	s0 =	rddreg [dreg:$0x0];
	s2 =	stileid.u32  }
0x346: {  	s1 =	rddreg [dreg:$0x1];
	p0 =	sne.s32 s2, $0x0  }
0x347: {  	s3 =	rddreg [dreg:$0x2];
	[bflag:$0x3] =	sbarrier.arrive $0xFFFF;
	s2 =	simm.s32 @!p0 $0x1C02  }
0x348: {  	[timem:s3], [sflag:s2] =	dma.local @!p0 [hbm:s0], s1  }
0x349: {  	s0 =	simm.s32 @!p0 $0x2  }
0x34a: {  	_ =	swait.ge @!p0 [sflag:s0], s1  }
0x34b: {  	s1 =	ssub.s32 @!p0 $0x0, s1;
	[sflag:s0] =	ssyncset.done @!p0 $0x0  }
0x34c: {  	[sflag:s0] =	ssyncadd.s32 @!p0 s1  }
0x34d: {  	[bflag:$0x3] =	sbarrier.arrive $0xFFFF  }
0x34e: {  	_ =	shalt  }

</sc_bundles>
